<compile_context>
chip_gen: v7x
topology: tpu7x:2x2x1
jax: 0.10.2.dev20260603
libtpu: 0.0.44.dev20260713+nightly
codegen_flags: <defaults>
</compile_context>

<pallas_src>
import jax
import jax.numpy as jnp
from jax import lax
from jax.experimental import pallas as pl
from jax.experimental.pallas import tpu as pltpu
from jax.experimental.pallas import tpu_sc as plsc

NUM_CORES = 2
NUM_SUBCORES = 16
NUM_WORKERS = NUM_CORES * NUM_SUBCORES
BATCH = 16384
EMB = 64
B_PER_W = BATCH // NUM_WORKERS
HALF_B = B_PER_W // 2


def _bias_kernel(uids, aids, ubflat, abflat, ub_out, ab_out,
                 uid_v, aid_v, ub_v, ab_v, sem, semb):
    wid = lax.axis_index("s") * NUM_CORES + lax.axis_index("c")
    base = wid * B_PER_W
    pltpu.async_copy(uids.at[pl.ds(base, B_PER_W)], uid_v, sem).wait()
    pltpu.async_copy(aids.at[pl.ds(base, B_PER_W)], aid_v, sem).wait()
    cu = pltpu.async_copy(ubflat.at[uid_v], ub_v, semb)
    ca = pltpu.async_copy(abflat.at[aid_v], ab_v, semb)
    cu.wait()
    ca.wait()
    pltpu.async_copy(ub_v, ub_out.at[pl.ds(base, B_PER_W)], sem).wait()
    pltpu.async_copy(ab_v, ab_out.at[pl.ds(base, B_PER_W)], sem).wait()


def _main_kernel(upair, apair, uids2, aids2, ub2, ab2, out_hbm,
                 uid_v, aid_v, idxu_v, idxa_v, u128_v, a128_v,
                 res_v, ub_v, ab_v, sem, sem_u, sem_a):
    wid = lax.axis_index("s") * NUM_CORES + lax.axis_index("c")

    pltpu.async_copy(uids2.at[wid], uid_v, sem).wait()
    pltpu.async_copy(aids2.at[wid], aid_v, sem).wait()
    cb_u = pltpu.async_copy(ub2.at[wid], ub_v, sem)
    cb_a = pltpu.async_copy(ab2.at[wid], ab_v, sem)

    @pl.loop(0, B_PER_W, step=16)
    def _(k):
        sl = pl.ds(k, 16)
        idxu_v[sl] = lax.shift_right_logical(uid_v[sl], 1)
        idxa_v[sl] = lax.shift_right_logical(aid_v[sl], 1)

    lane = lax.iota(jnp.int32, 16)

    for h in range(2):
        hbase = h * HALF_B
        cu = pltpu.async_copy(
            upair.at[idxu_v.at[pl.ds(hbase, HALF_B)]], u128_v, sem_u)
        ca = pltpu.async_copy(
            apair.at[idxa_v.at[pl.ds(hbase, HALF_B)]], a128_v, sem_a)
        cu.wait()
        ca.wait()

        @pl.loop(0, HALF_B, step=16)
        def _(k):
            vu = uid_v[pl.ds(hbase + k, 16)]
            va = aid_v[pl.ds(hbase + k, 16)]
            out_reg = jnp.zeros((16,), jnp.float32)
            for i in range(16):
                uoff = (vu[i] & 1) * 64
                aoff = (va[i] & 1) * 64
                acc = (u128_v[k + i, pl.ds(uoff, 16)] *
                       a128_v[k + i, pl.ds(aoff, 16)])
                for t in range(1, 4):
                    acc = acc + (u128_v[k + i, pl.ds(uoff + t * 16, 16)] *
                                 a128_v[k + i, pl.ds(aoff + t * 16, 16)])
                s = lax.reduce_sum(acc, axes=(0,))
                out_reg = jnp.where(lane == i, s, out_reg)
            res_v[pl.ds(hbase + k, 16)] = out_reg

    cb_u.wait()
    cb_a.wait()

    @pl.loop(0, B_PER_W, step=16)
    def _(k):
        sl = pl.ds(k, 16)
        x = res_v[sl] + ub_v[sl] + ab_v[sl]
        res_v[sl] = 1.0 / (1.0 + jnp.exp(-x))

    pltpu.async_copy(res_v, out_hbm.at[wid], sem).wait()


def _repack_kernel(x_ref, o_ref):
    xt = x_ref[...].T
    x3 = xt.reshape(o_ref.shape[0], 2, EMB)
    o_ref[...] = jnp.concatenate([x3[:, 0, :], x3[:, 1, :]], axis=1)


def _repack(table):
    n = table.shape[1]
    blk = 1024
    return pl.pallas_call(
        _repack_kernel,
        out_shape=jax.ShapeDtypeStruct((n // 2, 2 * EMB), jnp.float32),
        grid=((n + blk - 1) // blk,),
        in_specs=[pl.BlockSpec((EMB, blk), lambda i: (0, i))],
        out_specs=pl.BlockSpec((blk // 2, 2 * EMB), lambda i: (i, 0)),
    )(table)


def kernel(user_ids, anime_ids, user_emb, anime_emb, user_bias, anime_bias):
    n_user = user_emb.shape[0]
    n_anime = anime_emb.shape[0]
    uids32 = user_ids.astype(jnp.int32)
    aids32 = anime_ids.astype(jnp.int32)
    upair = _repack(user_emb.T)
    apair = _repack(anime_emb.T)
    ubflat = user_bias.reshape(-1)
    abflat = anime_bias.reshape(-1)

    mesh = plsc.VectorSubcoreMesh(core_axis_name="c", subcore_axis_name="s")

    bias_gather = pl.kernel(
        _bias_kernel,
        out_type=(
            jax.ShapeDtypeStruct((BATCH,), jnp.float32),
            jax.ShapeDtypeStruct((BATCH,), jnp.float32),
        ),
        mesh=mesh,
        scratch_types=[
            pltpu.VMEM((B_PER_W,), jnp.int32),
            pltpu.VMEM((B_PER_W,), jnp.int32),
            pltpu.VMEM((B_PER_W,), jnp.float32),
            pltpu.VMEM((B_PER_W,), jnp.float32),
            pltpu.SemaphoreType.DMA,
            pltpu.SemaphoreType.DMA,
        ],
    )
    ubg, abg = bias_gather(uids32, aids32, ubflat, abflat)

    main = pl.kernel(
        _main_kernel,
        out_type=jax.ShapeDtypeStruct((NUM_WORKERS, B_PER_W), jnp.float32),
        mesh=mesh,
        compiler_params=pltpu.CompilerParams(
            use_tc_tiling_on_sc=True, needs_layout_passes=False),
        scratch_types=[
            pltpu.VMEM((B_PER_W,), jnp.int32),
            pltpu.VMEM((B_PER_W,), jnp.int32),
            pltpu.VMEM((B_PER_W,), jnp.int32),
            pltpu.VMEM((B_PER_W,), jnp.int32),
            pltpu.VMEM((HALF_B, 2 * EMB), jnp.float32),
            pltpu.VMEM((HALF_B, 2 * EMB), jnp.float32),
            pltpu.VMEM((B_PER_W,), jnp.float32),
            pltpu.VMEM((B_PER_W,), jnp.float32),
            pltpu.VMEM((B_PER_W,), jnp.float32),
            pltpu.SemaphoreType.DMA,
            pltpu.SemaphoreType.DMA,
            pltpu.SemaphoreType.DMA,
        ],
    )
    out = main(
        upair, apair,
        uids32.reshape(NUM_WORKERS, B_PER_W),
        aids32.reshape(NUM_WORKERS, B_PER_W),
        ubg.reshape(NUM_WORKERS, B_PER_W),
        abg.reshape(NUM_WORKERS, B_PER_W),
    )
    return out.reshape(BATCH, 1)

# --- scband reference (transcript-rebuilt; emitter-appended) ---
"""Pipeline reference for scband-recommender-net-68977174773876 (READ-ONLY COPY).

The authoritative reference and input builder live on the scoring server;
editing this copy changes nothing except your own understanding.
"""

import jax, jax.numpy as jnp
import numpy as np

NUM_USERS = 1000000
NUM_ANIME = 100000
EMB = 64
BATCH = 16384


def setup_inputs(seed: int = 0) -> dict:
    key = jax.random.key(seed)
    k1, k2, k3, k4, k5, k6 = jax.random.split(key, 6)
    user_ids = jax.random.randint(k1, (BATCH,), 0, NUM_USERS, dtype=jnp.int64 if jax.config.jax_enable_x64 else jnp.int32)
    anime_ids = jax.random.randint(k2, (BATCH,), 0, NUM_ANIME, dtype=jnp.int64 if jax.config.jax_enable_x64 else jnp.int32)
    # he_normal init: std = sqrt(2 / fan_in) with fan_in = embedding_size for Embedding
    user_emb = jax.random.normal(k3, (NUM_USERS, EMB), dtype=jnp.float32) * np.sqrt(2.0 / EMB)
    anime_emb = jax.random.normal(k4, (NUM_ANIME, EMB), dtype=jnp.float32) * np.sqrt(2.0 / EMB)
    user_bias = jax.random.normal(k5, (NUM_USERS, 1), dtype=jnp.float32) * 0.05
    anime_bias = jax.random.normal(k6, (NUM_ANIME, 1), dtype=jnp.float32) * 0.05
    return {
        "user_ids": user_ids,
        "anime_ids": anime_ids,
        "user_emb": user_emb,
        "anime_emb": anime_emb,
        "user_bias": user_bias,
        "anime_bias": anime_bias,
    }


def reference(user_ids, anime_ids, user_emb, anime_emb, user_bias, anime_bias):
    # Faithful translation of RecommenderNet.call (dropout is identity at inference)
    user_vector = jnp.take(user_emb, user_ids, axis=0)      # [B, EMB]
    anime_vector = jnp.take(anime_emb, anime_ids, axis=0)   # [B, EMB]
    u_bias = jnp.take(user_bias, user_ids, axis=0)          # [B, 1]
    a_bias = jnp.take(anime_bias, anime_ids, axis=0)        # [B, 1]
    dot_product = jnp.sum(user_vector * anime_vector, axis=1, keepdims=True)  # [B, 1]
    x = dot_product + u_bias + a_bias
    return jax.nn.sigmoid(x)

if __name__ == "__main__":
    import jax
    _d = setup_inputs()
    print(jax.jit(kernel)(*tuple(_d.values())))

</pallas_src>

<mosaic_0001>
#map = affine_map<(d0, d1) -> (0, 0)>
module attributes {stable_mosaic.version = 14 : i64} {
  func.func @_main_kernel(%arg0: i32, %arg1: i32, %arg2: memref<500000x128xf32, #tpu.memory_space<hbm>>, %arg3: memref<50000x128xf32, #tpu.memory_space<hbm>>, %arg4: memref<32x512xi32, #tpu.memory_space<hbm>>, %arg5: memref<32x512xi32, #tpu.memory_space<hbm>>, %arg6: memref<32x512xf32, #tpu.memory_space<hbm>>, %arg7: memref<32x512xf32, #tpu.memory_space<hbm>>, %arg8: memref<32x512xf32, #tpu.memory_space<hbm>>, %arg9: memref<512xi32, #tpu.memory_space<vmem>>, %arg10: memref<512xi32, #tpu.memory_space<vmem>>, %arg11: memref<512xi32, #tpu.memory_space<vmem>>, %arg12: memref<512xi32, #tpu.memory_space<vmem>>, %arg13: memref<256x128xf32, #tpu.memory_space<vmem>>, %arg14: memref<256x128xf32, #tpu.memory_space<vmem>>, %arg15: memref<512xf32, #tpu.memory_space<vmem>>, %arg16: memref<512xf32, #tpu.memory_space<vmem>>, %arg17: memref<512xf32, #tpu.memory_space<vmem>>, %arg18: memref<!tpu.dma_semaphore, #tpu.memory_space<semaphore_mem>>, %arg19: memref<!tpu.dma_semaphore, #tpu.memory_space<semaphore_mem>>, %arg20: memref<!tpu.dma_semaphore, #tpu.memory_space<semaphore_mem>>) attributes {dimension_semantics = [#tpu.dimension_semantics<core_parallel>, #tpu.dimension_semantics<subcore_parallel>], iteration_bounds = array<i64: 2, 16>, scalar_prefetch = 0 : i64, scratch_operands = 12 : i64, tpu.core_type = #tpu.core_type<sc_vector_subcore>, window_params = [{transform_indices = #map}, {transform_indices = #map}, {transform_indices = #map}, {transform_indices = #map}, {transform_indices = #map}, {transform_indices = #map}, {transform_indices = #map}]} {
    %mul3A = arith.constant 2 : i32
    %mul3A_0 = arith.muli %arg1, %mul3A : i32
    %add3A = arith.addi %mul3A_0, %arg0 : i32
    %dma_start3A = arith.constant 0 : i32
    %dma_start3A_1 = tpu.memref_slice %arg4[%add3A, %dma_start3A] : memref<32x512xi32, #tpu.memory_space<hbm>> -> memref<1x512xi32, #tpu.memory_space<hbm>>
    %dma_start3A_2 = tpu.memref_squeeze %dma_start3A_1 : memref<1x512xi32, #tpu.memory_space<hbm>> -> memref<512xi32, #tpu.memory_space<hbm>>
    %dma_start3A_3 = arith.constant 0 : i32
    %dma_start3A_4 = tpu.memref_slice %arg4[%add3A, %dma_start3A_3] : memref<32x512xi32, #tpu.memory_space<hbm>> -> memref<1x512xi32, #tpu.memory_space<hbm>>
    %dma_start3A_5 = tpu.memref_squeeze %dma_start3A_4 : memref<1x512xi32, #tpu.memory_space<hbm>> -> memref<512xi32, #tpu.memory_space<hbm>>
    tpu.enqueue_dma source(%dma_start3A_5 : memref<512xi32, #tpu.memory_space<hbm>>) target(%arg9 : memref<512xi32, #tpu.memory_space<vmem>>) target_semaphore(%arg18 : memref<!tpu.dma_semaphore, #tpu.memory_space<semaphore_mem>>)
    %dma_wait3A = arith.constant 0 : i32
    %dma_wait3A_6 = tpu.memref_slice %arg4[%add3A, %dma_wait3A] : memref<32x512xi32, #tpu.memory_space<hbm>> -> memref<1x512xi32, #tpu.memory_space<hbm>>
    %dma_wait3A_7 = tpu.memref_squeeze %dma_wait3A_6 : memref<1x512xi32, #tpu.memory_space<hbm>> -> memref<512xi32, #tpu.memory_space<hbm>>
    %dma_wait3A_8 = arith.constant 0 : i32
    %dma_wait3A_9 = tpu.memref_slice %arg4[%add3A, %dma_wait3A_8] : memref<32x512xi32, #tpu.memory_space<hbm>> -> memref<1x512xi32, #tpu.memory_space<hbm>>
    %dma_wait3A_10 = tpu.memref_squeeze %dma_wait3A_9 : memref<1x512xi32, #tpu.memory_space<hbm>> -> memref<512xi32, #tpu.memory_space<hbm>>
    tpu.wait_dma2 semaphore(%arg18 : memref<!tpu.dma_semaphore, #tpu.memory_space<semaphore_mem>>) src(%dma_wait3A_10 : memref<512xi32, #tpu.memory_space<hbm>>) dst(%arg9 : memref<512xi32, #tpu.memory_space<vmem>>)
    %dma_start3A_11 = arith.constant 0 : i32
    %dma_start3A_12 = tpu.memref_slice %arg5[%add3A, %dma_start3A_11] : memref<32x512xi32, #tpu.memory_space<hbm>> -> memref<1x512xi32, #tpu.memory_space<hbm>>
    %dma_start3A_13 = tpu.memref_squeeze %dma_start3A_12 : memref<1x512xi32, #tpu.memory_space<hbm>> -> memref<512xi32, #tpu.memory_space<hbm>>
    %dma_start3A_14 = arith.constant 0 : i32
    %dma_start3A_15 = tpu.memref_slice %arg5[%add3A, %dma_start3A_14] : memref<32x512xi32, #tpu.memory_space<hbm>> -> memref<1x512xi32, #tpu.memory_space<hbm>>
    %dma_start3A_16 = tpu.memref_squeeze %dma_start3A_15 : memref<1x512xi32, #tpu.memory_space<hbm>> -> memref<512xi32, #tpu.memory_space<hbm>>
    tpu.enqueue_dma source(%dma_start3A_16 : memref<512xi32, #tpu.memory_space<hbm>>) target(%arg10 : memref<512xi32, #tpu.memory_space<vmem>>) target_semaphore(%arg18 : memref<!tpu.dma_semaphore, #tpu.memory_space<semaphore_mem>>)
    %dma_wait3A_17 = arith.constant 0 : i32
    %dma_wait3A_18 = tpu.memref_slice %arg5[%add3A, %dma_wait3A_17] : memref<32x512xi32, #tpu.memory_space<hbm>> -> memref<1x512xi32, #tpu.memory_space<hbm>>
    %dma_wait3A_19 = tpu.memref_squeeze %dma_wait3A_18 : memref<1x512xi32, #tpu.memory_space<hbm>> -> memref<512xi32, #tpu.memory_space<hbm>>
    %dma_wait3A_20 = arith.constant 0 : i32
    %dma_wait3A_21 = tpu.memref_slice %arg5[%add3A, %dma_wait3A_20] : memref<32x512xi32, #tpu.memory_space<hbm>> -> memref<1x512xi32, #tpu.memory_space<hbm>>
    %dma_wait3A_22 = tpu.memref_squeeze %dma_wait3A_21 : memref<1x512xi32, #tpu.memory_space<hbm>> -> memref<512xi32, #tpu.memory_space<hbm>>
    tpu.wait_dma2 semaphore(%arg18 : memref<!tpu.dma_semaphore, #tpu.memory_space<semaphore_mem>>) src(%dma_wait3A_22 : memref<512xi32, #tpu.memory_space<hbm>>) dst(%arg10 : memref<512xi32, #tpu.memory_space<vmem>>)
    %dma_start3A_23 = arith.constant 0 : i32
    %dma_start3A_24 = tpu.memref_slice %arg6[%add3A, %dma_start3A_23] : memref<32x512xf32, #tpu.memory_space<hbm>> -> memref<1x512xf32, #tpu.memory_space<hbm>>
    %dma_start3A_25 = tpu.memref_squeeze %dma_start3A_24 : memref<1x512xf32, #tpu.memory_space<hbm>> -> memref<512xf32, #tpu.memory_space<hbm>>
    %dma_start3A_26 = arith.constant 0 : i32
    %dma_start3A_27 = tpu.memref_slice %arg6[%add3A, %dma_start3A_26] : memref<32x512xf32, #tpu.memory_space<hbm>> -> memref<1x512xf32, #tpu.memory_space<hbm>>
    %dma_start3A_28 = tpu.memref_squeeze %dma_start3A_27 : memref<1x512xf32, #tpu.memory_space<hbm>> -> memref<512xf32, #tpu.memory_space<hbm>>
    tpu.enqueue_dma source(%dma_start3A_28 : memref<512xf32, #tpu.memory_space<hbm>>) target(%arg16 : memref<512xf32, #tpu.memory_space<vmem>>) target_semaphore(%arg18 : memref<!tpu.dma_semaphore, #tpu.memory_space<semaphore_mem>>)
    %dma_start3A_29 = arith.constant 0 : i32
    %dma_start3A_30 = tpu.memref_slice %arg7[%add3A, %dma_start3A_29] : memref<32x512xf32, #tpu.memory_space<hbm>> -> memref<1x512xf32, #tpu.memory_space<hbm>>
    %dma_start3A_31 = tpu.memref_squeeze %dma_start3A_30 : memref<1x512xf32, #tpu.memory_space<hbm>> -> memref<512xf32, #tpu.memory_space<hbm>>
    %dma_start3A_32 = arith.constant 0 : i32
    %dma_start3A_33 = tpu.memref_slice %arg7[%add3A, %dma_start3A_32] : memref<32x512xf32, #tpu.memory_space<hbm>> -> memref<1x512xf32, #tpu.memory_space<hbm>>
    %dma_start3A_34 = tpu.memref_squeeze %dma_start3A_33 : memref<1x512xf32, #tpu.memory_space<hbm>> -> memref<512xf32, #tpu.memory_space<hbm>>
    tpu.enqueue_dma source(%dma_start3A_34 : memref<512xf32, #tpu.memory_space<hbm>>) target(%arg17 : memref<512xf32, #tpu.memory_space<vmem>>) target_semaphore(%arg18 : memref<!tpu.dma_semaphore, #tpu.memory_space<semaphore_mem>>)
    %scan3A = arith.constant 0 : i32
    %scan3A_35 = arith.constant 32 : i32
    %scan3A_36 = arith.addi %scan3A, %scan3A_35 : i32
    %scan3A_37 = arith.constant 1 : i32
    scf.for %scan3A_118 = %scan3A to %scan3A_36 step %scan3A_37  : i32 {
      %mul3A_119 = arith.constant 16 : i32
      %mul3A_120 = arith.muli %scan3A_118, %mul3A_119 : i32
      %add3A_121 = arith.constant 0 : i32
      %add3A_122 = arith.addi %add3A_121, %mul3A_120 : i32
      %get3A = arith.index_cast %add3A_122 : i32 to index
      %get3A_123 = tpu.vector_load %arg9[%get3A] {strides = array<i32>} : memref<512xi32, #tpu.memory_space<vmem>>, vector<16xi32>,
      %shift_right_logical3A = arith.constant 1 : i32
      %shift_right_logical3A_124 = vector.broadcast %shift_right_logical3A : i32 to vector<16xi32>
      %shift_right_logical3A_125 = arith.shrui %get3A_123, %shift_right_logical3A_124 : vector<16xi32>
      %swap3A = arith.index_cast %add3A_122 : i32 to index
      %swap3A_126 = tpu.vector_load %arg11[%swap3A] {strides = array<i32>} : memref<512xi32, #tpu.memory_space<vmem>>, vector<16xi32>,
      tpu.vector_store %arg11[%swap3A], %shift_right_logical3A_125 {strides = array<i32>} : memref<512xi32, #tpu.memory_space<vmem>>, vector<16xi32>,
      %get3A_127 = arith.index_cast %add3A_122 : i32 to index
      %get3A_128 = tpu.vector_load %arg10[%get3A_127] {strides = array<i32>} : memref<512xi32, #tpu.memory_space<vmem>>, vector<16xi32>,
      %shift_right_logical3A_129 = arith.constant 1 : i32
      %shift_right_logical3A_130 = vector.broadcast %shift_right_logical3A_129 : i32 to vector<16xi32>
      %shift_right_logical3A_131 = arith.shrui %get3A_128, %shift_right_logical3A_130 : vector<16xi32>
      %swap3A_132 = arith.index_cast %add3A_122 : i32 to index
      %swap3A_133 = tpu.vector_load %arg12[%swap3A_132] {strides = array<i32>} : memref<512xi32, #tpu.memory_space<vmem>>, vector<16xi32>,
      tpu.vector_store %arg12[%swap3A_132], %shift_right_logical3A_131 {strides = array<i32>} : memref<512xi32, #tpu.memory_space<vmem>>, vector<16xi32>,
    }
    %scan3A_38 = arith.constant 32 : i32
    %iota3A = tpu.iota {dimensions = array<i32: 0>} : vector<16xi32>
    %dma_start3A_39 = arith.constant 0 : i32
    %dma_start3A_40 = tpu.memref_slice %arg11[%dma_start3A_39] : memref<512xi32, #tpu.memory_space<vmem>> -> memref<256xi32, #tpu.memory_space<vmem>>
    %dma_start3A_41 = arith.constant 0 : i32
    %dma_start3A_42 = arith.constant 0 : i32
    %dma_start3A_43 = tpu.memref_slice %arg2[%dma_start3A_41, %dma_start3A_42] : memref<500000x128xf32, #tpu.memory_space<hbm>> -> memref<500000x128xf32, #tpu.memory_space<hbm>>
    tpu.enqueue_indirect_dma source(%dma_start3A_43 : memref<500000x128xf32, #tpu.memory_space<hbm>>) target(%arg13 : memref<256x128xf32, #tpu.memory_space<vmem>>) offsets(%dma_start3A_40 : memref<256xi32, #tpu.memory_space<vmem>>) semaphore(%arg19 : memref<!tpu.dma_semaphore, #tpu.memory_space<semaphore_mem>>)
    %dma_start3A_44 = arith.constant 0 : i32
    %dma_start3A_45 = tpu.memref_slice %arg12[%dma_start3A_44] : memref<512xi32, #tpu.memory_space<vmem>> -> memref<256xi32, #tpu.memory_space<vmem>>
    %dma_start3A_46 = arith.constant 0 : i32
    %dma_start3A_47 = arith.constant 0 : i32
    %dma_start3A_48 = tpu.memref_slice %arg3[%dma_start3A_46, %dma_start3A_47] : memref<50000x128xf32, #tpu.memory_space<hbm>> -> memref<50000x128xf32, #tpu.memory_space<hbm>>
    tpu.enqueue_indirect_dma source(%dma_start3A_48 : memref<50000x128xf32, #tpu.memory_space<hbm>>) target(%arg14 : memref<256x128xf32, #tpu.memory_space<vmem>>) offsets(%dma_start3A_45 : memref<256xi32, #tpu.memory_space<vmem>>) semaphore(%arg20 : memref<!tpu.dma_semaphore, #tpu.memory_space<semaphore_mem>>)
    %dma_wait3A_49 = arith.constant 0 : i32
    %dma_wait3A_50 = tpu.memref_slice %arg11[%dma_wait3A_49] : memref<512xi32, #tpu.memory_space<vmem>> -> memref<256xi32, #tpu.memory_space<vmem>>
    %dma_wait3A_51 = arith.constant 0 : i32
    %dma_wait3A_52 = arith.constant 0 : i32
    %dma_wait3A_53 = tpu.memref_slice %arg2[%dma_wait3A_51, %dma_wait3A_52] : memref<500000x128xf32, #tpu.memory_space<hbm>> -> memref<500000x128xf32, #tpu.memory_space<hbm>>
    tpu.wait_indirect_dma semaphore(%arg19 : memref<!tpu.dma_semaphore, #tpu.memory_space<semaphore_mem>>) src(%dma_wait3A_53 : memref<500000x128xf32, #tpu.memory_space<hbm>>) dst(%arg13 : memref<256x128xf32, #tpu.memory_space<vmem>>)
    %dma_wait3A_54 = arith.constant 0 : i32
    %dma_wait3A_55 = tpu.memref_slice %arg12[%dma_wait3A_54] : memref<512xi32, #tpu.memory_space<vmem>> -> memref<256xi32, #tpu.memory_space<vmem>>
    %dma_wait3A_56 = arith.constant 0 : i32
    %dma_wait3A_57 = arith.constant 0 : i32
    %dma_wait3A_58 = tpu.memref_slice %arg3[%dma_wait3A_56, %dma_wait3A_57] : memref<50000x128xf32, #tpu.memory_space<hbm>> -> memref<50000x128xf32, #tpu.memory_space<hbm>>
    tpu.wait_indirect_dma semaphore(%arg20 : memref<!tpu.dma_semaphore, #tpu.memory_space<semaphore_mem>>) src(%dma_wait3A_58 : memref<50000x128xf32, #tpu.memory_space<hbm>>) dst(%arg14 : memref<256x128xf32, #tpu.memory_space<vmem>>)
    %scan3A_59 = arith.constant 0 : i32
    %scan3A_60 = arith.constant 16 : i32
    %scan3A_61 = arith.addi %scan3A_59, %scan3A_60 : i32
    %scan3A_62 = arith.constant 1 : i32
    scf.for %scan3A_118 = %scan3A_59 to %scan3A_61 step %scan3A_62  : i32 {
      %mul3A_119 = arith.constant 16 : i32
      %mul3A_120 = arith.muli %scan3A_118, %mul3A_119 : i32
      %add3A_121 = arith.constant 0 : i32
      %add3A_122 = arith.addi %add3A_121, %mul3A_120 : i32
      %add3A_123 = arith.constant 0 : i32
      %add3A_124 = arith.addi %add3A_123, %add3A_122 : i32
      %get3A = arith.index_cast %add3A_124 : i32 to index
      %get3A_125 = tpu.vector_load %arg9[%get3A] {strides = array<i32>} : memref<512xi32, #tpu.memory_space<vmem>>, vector<16xi32>,
      %add3A_126 = arith.constant 0 : i32
      %add3A_127 = arith.addi %add3A_126, %add3A_122 : i32
      %get3A_128 = arith.index_cast %add3A_127 : i32 to index
      %get3A_129 = tpu.vector_load %arg10[%get3A_128] {strides = array<i32>} : memref<512xi32, #tpu.memory_space<vmem>>, vector<16xi32>,
      %broadcast_in_dim3A = arith.constant 0.000000e+00 : f32
      %broadcast_in_dim3A_130 = vector.broadcast %broadcast_in_dim3A : f32 to vector<16xf32>
      %slice3A = vector.extract_strided_slice %get3A_125 {offsets = [0], sizes = [1], strides = [1]} : vector<16xi32> to vector<1xi32>
      %squeeze3A = vector.extract %slice3A[0] : i32 from vector<1xi32>
      %and3A = arith.constant 1 : i32
      %and3A_131 = arith.andi %squeeze3A, %and3A : i32
      %mul3A_132 = arith.constant 64 : i32
      %mul3A_133 = arith.muli %and3A_131, %mul3A_132 : i32
      %slice3A_134 = vector.extract_strided_slice %get3A_129 {offsets = [0], sizes = [1], strides = [1]} : vector<16xi32> to vector<1xi32>
      %squeeze3A_135 = vector.extract %slice3A_134[0] : i32 from vector<1xi32>
      %and3A_136 = arith.constant 1 : i32
      %and3A_137 = arith.andi %squeeze3A_135, %and3A_136 : i32
      %mul3A_138 = arith.constant 64 : i32
      %mul3A_139 = arith.muli %and3A_137, %mul3A_138 : i32
      %add3A_140 = arith.constant 0 : i32
      %add3A_141 = arith.addi %add3A_122, %add3A_140 : i32
      %get3A_142 = arith.index_cast %add3A_141 : i32 to index
      %get3A_143 = arith.index_cast %mul3A_133 : i32 to index
      %get3A_144 = tpu.vector_load %arg13[%get3A_142, %get3A_143] {strides = array<i32>} : memref<256x128xf32, #tpu.memory_space<vmem>>, vector<16xf32>,
      %add3A_145 = arith.constant 0 : i32
      %add3A_146 = arith.addi %add3A_122, %add3A_145 : i32
      %get3A_147 = arith.index_cast %add3A_146 : i32 to index
      %get3A_148 = arith.index_cast %mul3A_139 : i32 to index
      %get3A_149 = tpu.vector_load %arg14[%get3A_147, %get3A_148] {strides = array<i32>} : memref<256x128xf32, #tpu.memory_space<vmem>>, vector<16xf32>,
      %mul3A_150 = arith.mulf %get3A_144, %get3A_149 : vector<16xf32>
      %add3A_151 = arith.constant 0 : i32
      %add3A_152 = arith.addi %add3A_122, %add3A_151 : i32
      %add3A_153 = arith.constant 16 : i32
      %add3A_154 = arith.addi %mul3A_133, %add3A_153 : i32
      %get3A_155 = arith.index_cast %add3A_152 : i32 to index
      %get3A_156 = arith.index_cast %add3A_154 : i32 to index
      %get3A_157 = tpu.vector_load %arg13[%get3A_155, %get3A_156] {strides = array<i32>} : memref<256x128xf32, #tpu.memory_space<vmem>>, vector<16xf32>,
      %add3A_158 = arith.constant 0 : i32
      %add3A_159 = arith.addi %add3A_122, %add3A_158 : i32
      %add3A_160 = arith.constant 16 : i32
      %add3A_161 = arith.addi %mul3A_139, %add3A_160 : i32
      %get3A_162 = arith.index_cast %add3A_159 : i32 to index
      %get3A_163 = arith.index_cast %add3A_161 : i32 to index
      %get3A_164 = tpu.vector_load %arg14[%get3A_162, %get3A_163] {strides = array<i32>} : memref<256x128xf32, #tpu.memory_space<vmem>>, vector<16xf32>,
      %mul3A_165 = arith.mulf %get3A_157, %get3A_164 : vector<16xf32>
      %add3A_166 = arith.addf %mul3A_150, %mul3A_165 : vector<16xf32>
      %add3A_167 = arith.constant 0 : i32
      %add3A_168 = arith.addi %add3A_122, %add3A_167 : i32
      %add3A_169 = arith.constant 32 : i32
      %add3A_170 = arith.addi %mul3A_133, %add3A_169 : i32
      %get3A_171 = arith.index_cast %add3A_168 : i32 to index
      %get3A_172 = arith.index_cast %add3A_170 : i32 to index
      %get3A_173 = tpu.vector_load %arg13[%get3A_171, %get3A_172] {strides = array<i32>} : memref<256x128xf32, #tpu.memory_space<vmem>>, vector<16xf32>,
      %add3A_174 = arith.constant 0 : i32
      %add3A_175 = arith.addi %add3A_122, %add3A_174 : i32
      %add3A_176 = arith.constant 32 : i32
      %add3A_177 = arith.addi %mul3A_139, %add3A_176 : i32
      %get3A_178 = arith.index_cast %add3A_175 : i32 to index
      %get3A_179 = arith.index_cast %add3A_177 : i32 to index
      %get3A_180 = tpu.vector_load %arg14[%get3A_178, %get3A_179] {strides = array<i32>} : memref<256x128xf32, #tpu.memory_space<vmem>>, vector<16xf32>,
      %mul3A_181 = arith.mulf %get3A_173, %get3A_180 : vector<16xf32>
      %add3A_182 = arith.addf %add3A_166, %mul3A_181 : vector<16xf32>
      %add3A_183 = arith.constant 0 : i32
      %add3A_184 = arith.addi %add3A_122, %add3A_183 : i32
      %add3A_185 = arith.constant 48 : i32
      %add3A_186 = arith.addi %mul3A_133, %add3A_185 : i32
      %get3A_187 = arith.index_cast %add3A_184 : i32 to index
      %get3A_188 = arith.index_cast %add3A_186 : i32 to index
      %get3A_189 = tpu.vector_load %arg13[%get3A_187, %get3A_188] {strides = array<i32>} : memref<256x128xf32, #tpu.memory_space<vmem>>, vector<16xf32>,
      %add3A_190 = arith.constant 0 : i32
      %add3A_191 = arith.addi %add3A_122, %add3A_190 : i32
      %add3A_192 = arith.constant 48 : i32
      %add3A_193 = arith.addi %mul3A_139, %add3A_192 : i32
      %get3A_194 = arith.index_cast %add3A_191 : i32 to index
      %get3A_195 = arith.index_cast %add3A_193 : i32 to index
      %get3A_196 = tpu.vector_load %arg14[%get3A_194, %get3A_195] {strides = array<i32>} : memref<256x128xf32, #tpu.memory_space<vmem>>, vector<16xf32>,
      %mul3A_197 = arith.mulf %get3A_189, %get3A_196 : vector<16xf32>
      %add3A_198 = arith.addf %add3A_182, %mul3A_197 : vector<16xf32>
      %reduce_sum3A = arith.constant true
      %reduce_sum3A_199 = vector.broadcast %reduce_sum3A : i1 to vector<16xi1>
      %reduce_sum3A_200 = tpu.scan <sum>, %add3A_198 masked %reduce_sum3A_199 : vector<16xf32>, vector<16xi1> -> vector<16xf32>
      %reduce_sum3A_201 = vector.extract %reduce_sum3A_200[15] : f32 from vector<16xf32>
      %eq3A = arith.constant 0 : i32
      %eq3A_202 = vector.broadcast %eq3A : i32 to vector<16xi32>
      %eq3A_203 = arith.cmpi eq, %iota3A, %eq3A_202 : vector<16xi32>
      %broadcast_in_dim3A_204 = vector.broadcast %reduce_sum3A_201 : f32 to vector<16xf32>
      %select_n3A = arith.select %eq3A_203, %broadcast_in_dim3A_204, %broadcast_in_dim3A_130 : vector<16xi1>, vector<16xf32>
      %slice3A_205 = vector.extract_strided_slice %get3A_125 {offsets = [1], sizes = [1], strides = [1]} : vector<16xi32> to vector<1xi32>
      %squeeze3A_206 = vector.extract %slice3A_205[0] : i32 from vector<1xi32>
      %and3A_207 = arith.constant 1 : i32
      %and3A_208 = arith.andi %squeeze3A_206, %and3A_207 : i32
      %mul3A_209 = arith.constant 64 : i32
      %mul3A_210 = arith.muli %and3A_208, %mul3A_209 : i32
      %slice3A_211 = vector.extract_strided_slice %get3A_129 {offsets = [1], sizes = [1], strides = [1]} : vector<16xi32> to vector<1xi32>
      %squeeze3A_212 = vector.extract %slice3A_211[0] : i32 from vector<1xi32>
      %and3A_213 = arith.constant 1 : i32
      %and3A_214 = arith.andi %squeeze3A_212, %and3A_213 : i32
      %mul3A_215 = arith.constant 64 : i32
      %mul3A_216 = arith.muli %and3A_214, %mul3A_215 : i32
      %add3A_217 = arith.constant 1 : i32
      %add3A_218 = arith.addi %add3A_122, %add3A_217 : i32
      %get3A_219 = arith.index_cast %add3A_218 : i32 to index
      %get3A_220 = arith.index_cast %mul3A_210 : i32 to index
      %get3A_221 = tpu.vector_load %arg13[%get3A_219, %get3A_220] {strides = array<i32>} : memref<256x128xf32, #tpu.memory_space<vmem>>, vector<16xf32>,
      %add3A_222 = arith.constant 1 : i32
      %add3A_223 = arith.addi %add3A_122, %add3A_222 : i32
      %get3A_224 = arith.index_cast %add3A_223 : i32 to index
      %get3A_225 = arith.index_cast %mul3A_216 : i32 to index
      %get3A_226 = tpu.vector_load %arg14[%get3A_224, %get3A_225] {strides = array<i32>} : memref<256x128xf32, #tpu.memory_space<vmem>>, vector<16xf32>,
      %mul3A_227 = arith.mulf %get3A_221, %get3A_226 : vector<16xf32>
      %add3A_228 = arith.constant 1 : i32
      %add3A_229 = arith.addi %add3A_122, %add3A_228 : i32
      %add3A_230 = arith.constant 16 : i32
      %add3A_231 = arith.addi %mul3A_210, %add3A_230 : i32
      %get3A_232 = arith.index_cast %add3A_229 : i32 to index
      %get3A_233 = arith.index_cast %add3A_231 : i32 to index
      %get3A_234 = tpu.vector_load %arg13[%get3A_232, %get3A_233] {strides = array<i32>} : memref<256x128xf32, #tpu.memory_space<vmem>>, vector<16xf32>,
      %add3A_235 = arith.constant 1 : i32
      %add3A_236 = arith.addi %add3A_122, %add3A_235 : i32
      %add3A_237 = arith.constant 16 : i32
      %add3A_238 = arith.addi %mul3A_216, %add3A_237 : i32
      %get3A_239 = arith.index_cast %add3A_236 : i32 to index
      %get3A_240 = arith.index_cast %add3A_238 : i32 to index
      %get3A_241 = tpu.vector_load %arg14[%get3A_239, %get3A_240] {strides = array<i32>} : memref<256x128xf32, #tpu.memory_space<vmem>>, vector<16xf32>,
      %mul3A_242 = arith.mulf %get3A_234, %get3A_241 : vector<16xf32>
      %add3A_243 = arith.addf %mul3A_227, %mul3A_242 : vector<16xf32>
      %add3A_244 = arith.constant 1 : i32
      %add3A_245 = arith.addi %add3A_122, %add3A_244 : i32
      %add3A_246 = arith.constant 32 : i32
      %add3A_247 = arith.addi %mul3A_210, %add3A_246 : i32
      %get3A_248 = arith.index_cast %add3A_245 : i32 to index
      %get3A_249 = arith.index_cast %add3A_247 : i32 to index
      %get3A_250 = tpu.vector_load %arg13[%get3A_248, %get3A_249] {strides = array<i32>} : memref<256x128xf32, #tpu.memory_space<vmem>>, vector<16xf32>,
      %add3A_251 = arith.constant 1 : i32
      %add3A_252 = arith.addi %add3A_122, %add3A_251 : i32
      %add3A_253 = arith.constant 32 : i32
      %add3A_254 = arith.addi %mul3A_216, %add3A_253 : i32
      %get3A_255 = arith.index_cast %add3A_252 : i32 to index
      %get3A_256 = arith.index_cast %add3A_254 : i32 to index
      %get3A_257 = tpu.vector_load %arg14[%get3A_255, %get3A_256] {strides = array<i32>} : memref<256x128xf32, #tpu.memory_space<vmem>>, vector<16xf32>,
      %mul3A_258 = arith.mulf %get3A_250, %get3A_257 : vector<16xf32>
      %add3A_259 = arith.addf %add3A_243, %mul3A_258 : vector<16xf32>
      %add3A_260 = arith.constant 1 : i32
      %add3A_261 = arith.addi %add3A_122, %add3A_260 : i32
      %add3A_262 = arith.constant 48 : i32
      %add3A_263 = arith.addi %mul3A_210, %add3A_262 : i32
      %get3A_264 = arith.index_cast %add3A_261 : i32 to index
      %get3A_265 = arith.index_cast %add3A_263 : i32 to index
      %get3A_266 = tpu.vector_load %arg13[%get3A_264, %get3A_265] {strides = array<i32>} : memref<256x128xf32, #tpu.memory_space<vmem>>, vector<16xf32>,
      %add3A_267 = arith.constant 1 : i32
      %add3A_268 = arith.addi %add3A_122, %add3A_267 : i32
      %add3A_269 = arith.constant 48 : i32
      %add3A_270 = arith.addi %mul3A_216, %add3A_269 : i32
      %get3A_271 = arith.index_cast %add3A_268 : i32 to index
      %get3A_272 = arith.index_cast %add3A_270 : i32 to index
      %get3A_273 = tpu.vector_load %arg14[%get3A_271, %get3A_272] {strides = array<i32>} : memref<256x128xf32, #tpu.memory_space<vmem>>, vector<16xf32>,
      %mul3A_274 = arith.mulf %get3A_266, %get3A_273 : vector<16xf32>
      %add3A_275 = arith.addf %add3A_259, %mul3A_274 : vector<16xf32>
      %reduce_sum3A_276 = arith.constant true
      %reduce_sum3A_277 = vector.broadcast %reduce_sum3A_276 : i1 to vector<16xi1>
      %reduce_sum3A_278 = tpu.scan <sum>, %add3A_275 masked %reduce_sum3A_277 : vector<16xf32>, vector<16xi1> -> vector<16xf32>
      %reduce_sum3A_279 = vector.extract %reduce_sum3A_278[15] : f32 from vector<16xf32>
      %eq3A_280 = arith.constant 1 : i32
      %eq3A_281 = vector.broadcast %eq3A_280 : i32 to vector<16xi32>
      %eq3A_282 = arith.cmpi eq, %iota3A, %eq3A_281 : vector<16xi32>
      %broadcast_in_dim3A_283 = vector.broadcast %reduce_sum3A_279 : f32 to vector<16xf32>
      %select_n3A_284 = arith.select %eq3A_282, %broadcast_in_dim3A_283, %select_n3A : vector<16xi1>, vector<16xf32>
      %slice3A_285 = vector.extract_strided_slice %get3A_125 {offsets = [2], sizes = [1], strides = [1]} : vector<16xi32> to vector<1xi32>
      %squeeze3A_286 = vector.extract %slice3A_285[0] : i32 from vector<1xi32>
      %and3A_287 = arith.constant 1 : i32
      %and3A_288 = arith.andi %squeeze3A_286, %and3A_287 : i32
      %mul3A_289 = arith.constant 64 : i32
      %mul3A_290 = arith.muli %and3A_288, %mul3A_289 : i32
      %slice3A_291 = vector.extract_strided_slice %get3A_129 {offsets = [2], sizes = [1], strides = [1]} : vector<16xi32> to vector<1xi32>
      %squeeze3A_292 = vector.extract %slice3A_291[0] : i32 from vector<1xi32>
      %and3A_293 = arith.constant 1 : i32
      %and3A_294 = arith.andi %squeeze3A_292, %and3A_293 : i32
      %mul3A_295 = arith.constant 64 : i32
      %mul3A_296 = arith.muli %and3A_294, %mul3A_295 : i32
      %add3A_297 = arith.constant 2 : i32
      %add3A_298 = arith.addi %add3A_122, %add3A_297 : i32
      %get3A_299 = arith.index_cast %add3A_298 : i32 to index
      %get3A_300 = arith.index_cast %mul3A_290 : i32 to index
      %get3A_301 = tpu.vector_load %arg13[%get3A_299, %get3A_300] {strides = array<i32>} : memref<256x128xf32, #tpu.memory_space<vmem>>, vector<16xf32>,
      %add3A_302 = arith.constant 2 : i32
      %add3A_303 = arith.addi %add3A_122, %add3A_302 : i32
      %get3A_304 = arith.index_cast %add3A_303 : i32 to index
      %get3A_305 = arith.index_cast %mul3A_296 : i32 to index
      %get3A_306 = tpu.vector_load %arg14[%get3A_304, %get3A_305] {strides = array<i32>} : memref<256x128xf32, #tpu.memory_space<vmem>>, vector<16xf32>,
      %mul3A_307 = arith.mulf %get3A_301, %get3A_306 : vector<16xf32>
      %add3A_308 = arith.constant 2 : i32
      %add3A_309 = arith.addi %add3A_122, %add3A_308 : i32
      %add3A_310 = arith.constant 16 : i32
      %add3A_311 = arith.addi %mul3A_290, %add3A_310 : i32
      %get3A_312 = arith.index_cast %add3A_309 : i32 to index
      %get3A_313 = arith.index_cast %add3A_311 : i32 to index
      %get3A_314 = tpu.vector_load %arg13[%get3A_312, %get3A_313] {strides = array<i32>} : memref<256x128xf32, #tpu.memory_space<vmem>>, vector<16xf32>,
      %add3A_315 = arith.constant 2 : i32
      %add3A_316 = arith.addi %add3A_122, %add3A_315 : i32
      %add3A_317 = arith.constant 16 : i32
      %add3A_318 = arith.addi %mul3A_296, %add3A_317 : i32
      %get3A_319 = arith.index_cast %add3A_316 : i32 to index
      %get3A_320 = arith.index_cast %add3A_318 : i32 to index
      %get3A_321 = tpu.vector_load %arg14[%get3A_319, %get3A_320] {strides = array<i32>} : memref<256x128xf32, #tpu.memory_space<vmem>>, vector<16xf32>,
      %mul3A_322 = arith.mulf %get3A_314, %get3A_321 : vector<16xf32>
      %add3A_323 = arith.addf %mul3A_307, %mul3A_322 : vector<16xf32>
      %add3A_324 = arith.constant 2 : i32
      %add3A_325 = arith.addi %add3A_122, %add3A_324 : i32
      %add3A_326 = arith.constant 32 : i32
      %add3A_327 = arith.addi %mul3A_290, %add3A_326 : i32
      %get3A_328 = arith.index_cast %add3A_325 : i32 to index
      %get3A_329 = arith.index_cast %add3A_327 : i32 to index
      %get3A_330 = tpu.vector_load %arg13[%get3A_328, %get3A_329] {strides = array<i32>} : memref<256x128xf32, #tpu.memory_space<vmem>>, vector<16xf32>,
      %add3A_331 = arith.constant 2 : i32
      %add3A_332 = arith.addi %add3A_122, %add3A_331 : i32
      %add3A_333 = arith.constant 32 : i32
      %add3A_334 = arith.addi %mul3A_296, %add3A_333 : i32
      %get3A_335 = arith.index_cast %add3A_332 : i32 to index
      %get3A_336 = arith.index_cast %add3A_334 : i32 to index
      %get3A_337 = tpu.vector_load %arg14[%get3A_335, %get3A_336] {strides = array<i32>} : memref<256x128xf32, #tpu.memory_space<vmem>>, vector<16xf32>,
      %mul3A_338 = arith.mulf %get3A_330, %get3A_337 : vector<16xf32>
      %add3A_339 = arith.addf %add3A_323, %mul3A_338 : vector<16xf32>
      %add3A_340 = arith.constant 2 : i32
      %add3A_341 = arith.addi %add3A_122, %add3A_340 : i32
      %add3A_342 = arith.constant 48 : i32
      %add3A_343 = arith.addi %mul3A_290, %add3A_342 : i32
      %get3A_344 = arith.index_cast %add3A_341 : i32 to index
      %get3A_345 = arith.index_cast %add3A_343 : i32 to index
      %get3A_346 = tpu.vector_load %arg13[%get3A_344, %get3A_345] {strides = array<i32>} : memref<256x128xf32, #tpu.memory_space<vmem>>, vector<16xf32>,
      %add3A_347 = arith.constant 2 : i32
      %add3A_348 = arith.addi %add3A_122, %add3A_347 : i32
      %add3A_349 = arith.constant 48 : i32
      %add3A_350 = arith.addi %mul3A_296, %add3A_349 : i32
      %get3A_351 = arith.index_cast %add3A_348 : i32 to index
      %get3A_352 = arith.index_cast %add3A_350 : i32 to index
      %get3A_353 = tpu.vector_load %arg14[%get3A_351, %get3A_352] {strides = array<i32>} : memref<256x128xf32, #tpu.memory_space<vmem>>, vector<16xf32>,
      %mul3A_354 = arith.mulf %get3A_346, %get3A_353 : vector<16xf32>
      %add3A_355 = arith.addf %add3A_339, %mul3A_354 : vector<16xf32>
      %reduce_sum3A_356 = arith.constant true
      %reduce_sum3A_357 = vector.broadcast %reduce_sum3A_356 : i1 to vector<16xi1>
      %reduce_sum3A_358 = tpu.scan <sum>, %add3A_355 masked %reduce_sum3A_357 : vector<16xf32>, vector<16xi1> -> vector<16xf32>
      %reduce_sum3A_359 = vector.extract %reduce_sum3A_358[15] : f32 from vector<16xf32>
      %eq3A_360 = arith.constant 2 : i32
      %eq3A_361 = vector.broadcast %eq3A_360 : i32 to vector<16xi32>
      %eq3A_362 = arith.cmpi eq, %iota3A, %eq3A_361 : vector<16xi32>
      %broadcast_in_dim3A_363 = vector.broadcast %reduce_sum3A_359 : f32 to vector<16xf32>
      %select_n3A_364 = arith.select %eq3A_362, %broadcast_in_dim3A_363, %select_n3A_284 : vector<16xi1>, vector<16xf32>
      %slice3A_365 = vector.extract_strided_slice %get3A_125 {offsets = [3], sizes = [1], strides = [1]} : vector<16xi32> to vector<1xi32>
      %squeeze3A_366 = vector.extract %slice3A_365[0] : i32 from vector<1xi32>
      %and3A_367 = arith.constant 1 : i32
      %and3A_368 = arith.andi %squeeze3A_366, %and3A_367 : i32
      %mul3A_369 = arith.constant 64 : i32
      %mul3A_370 = arith.muli %and3A_368, %mul3A_369 : i32
      %slice3A_371 = vector.extract_strided_slice %get3A_129 {offsets = [3], sizes = [1], strides = [1]} : vector<16xi32> to vector<1xi32>
      %squeeze3A_372 = vector.extract %slice3A_371[0] : i32 from vector<1xi32>
      %and3A_373 = arith.constant 1 : i32
      %and3A_374 = arith.andi %squeeze3A_372, %and3A_373 : i32
      %mul3A_375 = arith.constant 64 : i32
      %mul3A_376 = arith.muli %and3A_374, %mul3A_375 : i32
      %add3A_377 = arith.constant 3 : i32
      %add3A_378 = arith.addi %add3A_122, %add3A_377 : i32
      %get3A_379 = arith.index_cast %add3A_378 : i32 to index
      %get3A_380 = arith.index_cast %mul3A_370 : i32 to index
      %get3A_381 = tpu.vector_load %arg13[%get3A_379, %get3A_380] {strides = array<i32>} : memref<256x128xf32, #tpu.memory_space<vmem>>, vector<16xf32>,
      %add3A_382 = arith.constant 3 : i32
      %add3A_383 = arith.addi %add3A_122, %add3A_382 : i32
      %get3A_384 = arith.index_cast %add3A_383 : i32 to index
      %get3A_385 = arith.index_cast %mul3A_376 : i32 to index
      %get3A_386 = tpu.vector_load %arg14[%get3A_384, %get3A_385] {strides = array<i32>} : memref<256x128xf32, #tpu.memory_space<vmem>>, vector<16xf32>,
      %mul3A_387 = arith.mulf %get3A_381, %get3A_386 : vector<16xf32>
      %add3A_388 = arith.constant 3 : i32
      %add3A_389 = arith.addi %add3A_122, %add3A_388 : i32
      %add3A_390 = arith.constant 16 : i32
      %add3A_391 = arith.addi %mul3A_370, %add3A_390 : i32
      %get3A_392 = arith.index_cast %add3A_389 : i32 to index
      %get3A_393 = arith.index_cast %add3A_391 : i32 to index
      %get3A_394 = tpu.vector_load %arg13[%get3A_392, %get3A_393] {strides = array<i32>} : memref<256x128xf32, #tpu.memory_space<vmem>>, vector<16xf32>,
      %add3A_395 = arith.constant 3 : i32
      %add3A_396 = arith.addi %add3A_122, %add3A_395 : i32
      %add3A_397 = arith.constant 16 : i32
      %add3A_398 = arith.addi %mul3A_376, %add3A_397 : i32
      %get3A_399 = arith.index_cast %add3A_396 : i32 to index
      %get3A_400 = arith.index_cast %add3A_398 : i32 to index
      %get3A_401 = tpu.vector_load %arg14[%get3A_399, %get3A_400] {strides = array<i32>} : memref<256x128xf32, #tpu.memory_space<vmem>>, vector<16xf32>,
      %mul3A_402 = arith.mulf %get3A_394, %get3A_401 : vector<16xf32>
      %add3A_403 = arith.addf %mul3A_387, %mul3A_402 : vector<16xf32>
      %add3A_404 = arith.constant 3 : i32
      %add3A_405 = arith.addi %add3A_122, %add3A_404 : i32
      %add3A_406 = arith.constant 32 : i32
      %add3A_407 = arith.addi %mul3A_370, %add3A_406 : i32
      %get3A_408 = arith.index_cast %add3A_405 : i32 to index
      %get3A_409 = arith.index_cast %add3A_407 : i32 to index
      %get3A_410 = tpu.vector_load %arg13[%get3A_408, %get3A_409] {strides = array<i32>} : memref<256x128xf32, #tpu.memory_space<vmem>>, vector<16xf32>,
      %add3A_411 = arith.constant 3 : i32
      %add3A_412 = arith.addi %add3A_122, %add3A_411 : i32
      %add3A_413 = arith.constant 32 : i32
      %add3A_414 = arith.addi %mul3A_376, %add3A_413 : i32
      %get3A_415 = arith.index_cast %add3A_412 : i32 to index
      %get3A_416 = arith.index_cast %add3A_414 : i32 to index
      %get3A_417 = tpu.vector_load %arg14[%get3A_415, %get3A_416] {strides = array<i32>} : memref<256x128xf32, #tpu.memory_space<vmem>>, vector<16xf32>,
      %mul3A_418 = arith.mulf %get3A_410, %get3A_417 : vector<16xf32>
      %add3A_419 = arith.addf %add3A_403, %mul3A_418 : vector<16xf32>
      %add3A_420 = arith.constant 3 : i32
      %add3A_421 = arith.addi %add3A_122, %add3A_420 : i32
      %add3A_422 = arith.constant 48 : i32
      %add3A_423 = arith.addi %mul3A_370, %add3A_422 : i32
      %get3A_424 = arith.index_cast %add3A_421 : i32 to index
      %get3A_425 = arith.index_cast %add3A_423 : i32 to index
      %get3A_426 = tpu.vector_load %arg13[%get3A_424, %get3A_425] {strides = array<i32>} : memref<256x128xf32, #tpu.memory_space<vmem>>, vector<16xf32>,
      %add3A_427 = arith.constant 3 : i32
      %add3A_428 = arith.addi %add3A_122, %add3A_427 : i32
      %add3A_429 = arith.constant 48 : i32
      %add3A_430 = arith.addi %mul3A_376, %add3A_429 : i32
      %get3A_431 = arith.index_cast %add3A_428 : i32 to index
      %get3A_432 = arith.index_cast %add3A_430 : i32 to index
      %get3A_433 = tpu.vector_load %arg14[%get3A_431, %get3A_432] {strides = array<i32>} : memref<256x128xf32, #tpu.memory_space<vmem>>, vector<16xf32>,
      %mul3A_434 = arith.mulf %get3A_426, %get3A_433 : vector<16xf32>
      %add3A_435 = arith.addf %add3A_419, %mul3A_434 : vector<16xf32>
      %reduce_sum3A_436 = arith.constant true
      %reduce_sum3A_437 = vector.broadcast %reduce_sum3A_436 : i1 to vector<16xi1>
      %reduce_sum3A_438 = tpu.scan <sum>, %add3A_435 masked %reduce_sum3A_437 : vector<16xf32>, vector<16xi1> -> vector<16xf32>
      %reduce_sum3A_439 = vector.extract %reduce_sum3A_438[15] : f32 from vector<16xf32>
      %eq3A_440 = arith.constant 3 : i32
      %eq3A_441 = vector.broadcast %eq3A_440 : i32 to vector<16xi32>
      %eq3A_442 = arith.cmpi eq, %iota3A, %eq3A_441 : vector<16xi32>
      %broadcast_in_dim3A_443 = vector.broadcast %reduce_sum3A_439 : f32 to vector<16xf32>
      %select_n3A_444 = arith.select %eq3A_442, %broadcast_in_dim3A_443, %select_n3A_364 : vector<16xi1>, vector<16xf32>
      %slice3A_445 = vector.extract_strided_slice %get3A_125 {offsets = [4], sizes = [1], strides = [1]} : vector<16xi32> to vector<1xi32>
      %squeeze3A_446 = vector.extract %slice3A_445[0] : i32 from vector<1xi32>
      %and3A_447 = arith.constant 1 : i32
      %and3A_448 = arith.andi %squeeze3A_446, %and3A_447 : i32
      %mul3A_449 = arith.constant 64 : i32
      %mul3A_450 = arith.muli %and3A_448, %mul3A_449 : i32
      %slice3A_451 = vector.extract_strided_slice %get3A_129 {offsets = [4], sizes = [1], strides = [1]} : vector<16xi32> to vector<1xi32>
      %squeeze3A_452 = vector.extract %slice3A_451[0] : i32 from vector<1xi32>
      %and3A_453 = arith.constant 1 : i32
      %and3A_454 = arith.andi %squeeze3A_452, %and3A_453 : i32
      %mul3A_455 = arith.constant 64 : i32
      %mul3A_456 = arith.muli %and3A_454, %mul3A_455 : i32
      %add3A_457 = arith.constant 4 : i32
      %add3A_458 = arith.addi %add3A_122, %add3A_457 : i32
      %get3A_459 = arith.index_cast %add3A_458 : i32 to index
      %get3A_460 = arith.index_cast %mul3A_450 : i32 to index
      %get3A_461 = tpu.vector_load %arg13[%get3A_459, %get3A_460] {strides = array<i32>} : memref<256x128xf32, #tpu.memory_space<vmem>>, vector<16xf32>,
      %add3A_462 = arith.constant 4 : i32
      %add3A_463 = arith.addi %add3A_122, %add3A_462 : i32
      %get3A_464 = arith.index_cast %add3A_463 : i32 to index
      %get3A_465 = arith.index_cast %mul3A_456 : i32 to index
      %get3A_466 = tpu.vector_load %arg14[%get3A_464, %get3A_465] {strides = array<i32>} : memref<256x128xf32, #tpu.memory_space<vmem>>, vector<16xf32>,
      %mul3A_467 = arith.mulf %get3A_461, %get3A_466 : vector<16xf32>
      %add3A_468 = arith.constant 4 : i32
      %add3A_469 = arith.addi %add3A_122, %add3A_468 : i32
      %add3A_470 = arith.constant 16 : i32
      %add3A_471 = arith.addi %mul3A_450, %add3A_470 : i32
      %get3A_472 = arith.index_cast %add3A_469 : i32 to index
      %get3A_473 = arith.index_cast %add3A_471 : i32 to index
      %get3A_474 = tpu.vector_load %arg13[%get3A_472, %get3A_473] {strides = array<i32>} : memref<256x128xf32, #tpu.memory_space<vmem>>, vector<16xf32>,
      %add3A_475 = arith.constant 4 : i32
      %add3A_476 = arith.addi %add3A_122, %add3A_475 : i32
      %add3A_477 = arith.constant 16 : i32
      %add3A_478 = arith.addi %mul3A_456, %add3A_477 : i32
      %get3A_479 = arith.index_cast %add3A_476 : i32 to index
      %get3A_480 = arith.index_cast %add3A_478 : i32 to index
      %get3A_481 = tpu.vector_load %arg14[%get3A_479, %get3A_480] {strides = array<i32>} : memref<256x128xf32, #tpu.memory_space<vmem>>, vector<16xf32>,
      %mul3A_482 = arith.mulf %get3A_474, %get3A_481 : vector<16xf32>
      %add3A_483 = arith.addf %mul3A_467, %mul3A_482 : vector<16xf32>
      %add3A_484 = arith.constant 4 : i32
      %add3A_485 = arith.addi %add3A_122, %add3A_484 : i32
      %add3A_486 = arith.constant 32 : i32
      %add3A_487 = arith.addi %mul3A_450, %add3A_486 : i32
      %get3A_488 = arith.index_cast %add3A_485 : i32 to index
      %get3A_489 = arith.index_cast %add3A_487 : i32 to index
      %get3A_490 = tpu.vector_load %arg13[%get3A_488, %get3A_489] {strides = array<i32>} : memref<256x128xf32, #tpu.memory_space<vmem>>, vector<16xf32>,
      %add3A_491 = arith.constant 4 : i32
      %add3A_492 = arith.addi %add3A_122, %add3A_491 : i32
      %add3A_493 = arith.constant 32 : i32
      %add3A_494 = arith.addi %mul3A_456, %add3A_493 : i32
      %get3A_495 = arith.index_cast %add3A_492 : i32 to index
      %get3A_496 = arith.index_cast %add3A_494 : i32 to index
      %get3A_497 = tpu.vector_load %arg14[%get3A_495, %get3A_496] {strides = array<i32>} : memref<256x128xf32, #tpu.memory_space<vmem>>, vector<16xf32>,
      %mul3A_498 = arith.mulf %get3A_490, %get3A_497 : vector<16xf32>
      %add3A_499 = arith.addf %add3A_483, %mul3A_498 : vector<16xf32>
      %add3A_500 = arith.constant 4 : i32
      %add3A_501 = arith.addi %add3A_122, %add3A_500 : i32
      %add3A_502 = arith.constant 48 : i32
      %add3A_503 = arith.addi %mul3A_450, %add3A_502 : i32
      %get3A_504 = arith.index_cast %add3A_501 : i32 to index
      %get3A_505 = arith.index_cast %add3A_503 : i32 to index
      %get3A_506 = tpu.vector_load %arg13[%get3A_504, %get3A_505] {strides = array<i32>} : memref<256x128xf32, #tpu.memory_space<vmem>>, vector<16xf32>,
      %add3A_507 = arith.constant 4 : i32
      %add3A_508 = arith.addi %add3A_122, %add3A_507 : i32
      %add3A_509 = arith.constant 48 : i32
      %add3A_510 = arith.addi %mul3A_456, %add3A_509 : i32
      %get3A_511 = arith.index_cast %add3A_508 : i32 to index
      %get3A_512 = arith.index_cast %add3A_510 : i32 to index
      %get3A_513 = tpu.vector_load %arg14[%get3A_511, %get3A_512] {strides = array<i32>} : memref<256x128xf32, #tpu.memory_space<vmem>>, vector<16xf32>,
      %mul3A_514 = arith.mulf %get3A_506, %get3A_513 : vector<16xf32>
      %add3A_515 = arith.addf %add3A_499, %mul3A_514 : vector<16xf32>
      %reduce_sum3A_516 = arith.constant true
      %reduce_sum3A_517 = vector.broadcast %reduce_sum3A_516 : i1 to vector<16xi1>
      %reduce_sum3A_518 = tpu.scan <sum>, %add3A_515 masked %reduce_sum3A_517 : vector<16xf32>, vector<16xi1> -> vector<16xf32>
      %reduce_sum3A_519 = vector.extract %reduce_sum3A_518[15] : f32 from vector<16xf32>
      %eq3A_520 = arith.constant 4 : i32
      %eq3A_521 = vector.broadcast %eq3A_520 : i32 to vector<16xi32>
      %eq3A_522 = arith.cmpi eq, %iota3A, %eq3A_521 : vector<16xi32>
      %broadcast_in_dim3A_523 = vector.broadcast %reduce_sum3A_519 : f32 to vector<16xf32>
      %select_n3A_524 = arith.select %eq3A_522, %broadcast_in_dim3A_523, %select_n3A_444 : vector<16xi1>, vector<16xf32>
      %slice3A_525 = vector.extract_strided_slice %get3A_125 {offsets = [5], sizes = [1], strides = [1]} : vector<16xi32> to vector<1xi32>
      %squeeze3A_526 = vector.extract %slice3A_525[0] : i32 from vector<1xi32>
      %and3A_527 = arith.constant 1 : i32
      %and3A_528 = arith.andi %squeeze3A_526, %and3A_527 : i32
      %mul3A_529 = arith.constant 64 : i32
      %mul3A_530 = arith.muli %and3A_528, %mul3A_529 : i32
      %slice3A_531 = vector.extract_strided_slice %get3A_129 {offsets = [5], sizes = [1], strides = [1]} : vector<16xi32> to vector<1xi32>
      %squeeze3A_532 = vector.extract %slice3A_531[0] : i32 from vector<1xi32>
      %and3A_533 = arith.constant 1 : i32
      %and3A_534 = arith.andi %squeeze3A_532, %and3A_533 : i32
      %mul3A_535 = arith.constant 64 : i32
      %mul3A_536 = arith.muli %and3A_534, %mul3A_535 : i32
      %add3A_537 = arith.constant 5 : i32
      %add3A_538 = arith.addi %add3A_122, %add3A_537 : i32
      %get3A_539 = arith.index_cast %add3A_538 : i32 to index
      %get3A_540 = arith.index_cast %mul3A_530 : i32 to index
      %get3A_541 = tpu.vector_load %arg13[%get3A_539, %get3A_540] {strides = array<i32>} : memref<256x128xf32, #tpu.memory_space<vmem>>, vector<16xf32>,
      %add3A_542 = arith.constant 5 : i32
      %add3A_543 = arith.addi %add3A_122, %add3A_542 : i32
      %get3A_544 = arith.index_cast %add3A_543 : i32 to index
      %get3A_545 = arith.index_cast %mul3A_536 : i32 to index
      %get3A_546 = tpu.vector_load %arg14[%get3A_544, %get3A_545] {strides = array<i32>} : memref<256x128xf32, #tpu.memory_space<vmem>>, vector<16xf32>,
      %mul3A_547 = arith.mulf %get3A_541, %get3A_546 : vector<16xf32>
      %add3A_548 = arith.constant 5 : i32
      %add3A_549 = arith.addi %add3A_122, %add3A_548 : i32
      %add3A_550 = arith.constant 16 : i32
      %add3A_551 = arith.addi %mul3A_530, %add3A_550 : i32
      %get3A_552 = arith.index_cast %add3A_549 : i32 to index
      %get3A_553 = arith.index_cast %add3A_551 : i32 to index
      %get3A_554 = tpu.vector_load %arg13[%get3A_552, %get3A_553] {strides = array<i32>} : memref<256x128xf32, #tpu.memory_space<vmem>>, vector<16xf32>,
      %add3A_555 = arith.constant 5 : i32
      %add3A_556 = arith.addi %add3A_122, %add3A_555 : i32
      %add3A_557 = arith.constant 16 : i32
      %add3A_558 = arith.addi %mul3A_536, %add3A_557 : i32
      %get3A_559 = arith.index_cast %add3A_556 : i32 to index
      %get3A_560 = arith.index_cast %add3A_558 : i32 to index
      %get3A_561 = tpu.vector_load %arg14[%get3A_559, %get3A_560] {strides = array<i32>} : memref<256x128xf32, #tpu.memory_space<vmem>>, vector<16xf32>,
      %mul3A_562 = arith.mulf %get3A_554, %get3A_561 : vector<16xf32>
      %add3A_563 = arith.addf %mul3A_547, %mul3A_562 : vector<16xf32>
      %add3A_564 = arith.constant 5 : i32
      %add3A_565 = arith.addi %add3A_122, %add3A_564 : i32
      %add3A_566 = arith.constant 32 : i32
      %add3A_567 = arith.addi %mul3A_530, %add3A_566 : i32
      %get3A_568 = arith.index_cast %add3A_565 : i32 to index
      %get3A_569 = arith.index_cast %add3A_567 : i32 to index
      %get3A_570 = tpu.vector_load %arg13[%get3A_568, %get3A_569] {strides = array<i32>} : memref<256x128xf32, #tpu.memory_space<vmem>>, vector<16xf32>,
      %add3A_571 = arith.constant 5 : i32
      %add3A_572 = arith.addi %add3A_122, %add3A_571 : i32
      %add3A_573 = arith.constant 32 : i32
      %add3A_574 = arith.addi %mul3A_536, %add3A_573 : i32
      %get3A_575 = arith.index_cast %add3A_572 : i32 to index
      %get3A_576 = arith.index_cast %add3A_574 : i32 to index
      %get3A_577 = tpu.vector_load %arg14[%get3A_575, %get3A_576] {strides = array<i32>} : memref<256x128xf32, #tpu.memory_space<vmem>>, vector<16xf32>,
      %mul3A_578 = arith.mulf %get3A_570, %get3A_577 : vector<16xf32>
      %add3A_579 = arith.addf %add3A_563, %mul3A_578 : vector<16xf32>
      %add3A_580 = arith.constant 5 : i32
      %add3A_581 = arith.addi %add3A_122, %add3A_580 : i32
      %add3A_582 = arith.constant 48 : i32
      %add3A_583 = arith.addi %mul3A_530, %add3A_582 : i32
      %get3A_584 = arith.index_cast %add3A_581 : i32 to index
      %get3A_585 = arith.index_cast %add3A_583 : i32 to index
      %get3A_586 = tpu.vector_load %arg13[%get3A_584, %get3A_585] {strides = array<i32>} : memref<256x128xf32, #tpu.memory_space<vmem>>, vector<16xf32>,
      %add3A_587 = arith.constant 5 : i32
      %add3A_588 = arith.addi %add3A_122, %add3A_587 : i32
      %add3A_589 = arith.constant 48 : i32
      %add3A_590 = arith.addi %mul3A_536, %add3A_589 : i32
      %get3A_591 = arith.index_cast %add3A_588 : i32 to index
      %get3A_592 = arith.index_cast %add3A_590 : i32 to index
      %get3A_593 = tpu.vector_load %arg14[%get3A_591, %get3A_592] {strides = array<i32>} : memref<256x128xf32, #tpu.memory_space<vmem>>, vector<16xf32>,
      %mul3A_594 = arith.mulf %get3A_586, %get3A_593 : vector<16xf32>
      %add3A_595 = arith.addf %add3A_579, %mul3A_594 : vector<16xf32>
      %reduce_sum3A_596 = arith.constant true
      %reduce_sum3A_597 = vector.broadcast %reduce_sum3A_596 : i1 to vector<16xi1>
      %reduce_sum3A_598 = tpu.scan <sum>, %add3A_595 masked %reduce_sum3A_597 : vector<16xf32>, vector<16xi1> -> vector<16xf32>
      %reduce_sum3A_599 = vector.extract %reduce_sum3A_598[15] : f32 from vector<16xf32>
      %eq3A_600 = arith.constant 5 : i32
      %eq3A_601 = vector.broadcast %eq3A_600 : i32 to vector<16xi32>
      %eq3A_602 = arith.cmpi eq, %iota3A, %eq3A_601 : vector<16xi32>
      %broadcast_in_dim3A_603 = vector.broadcast %reduce_sum3A_599 : f32 to vector<16xf32>
      %select_n3A_604 = arith.select %eq3A_602, %broadcast_in_dim3A_603, %select_n3A_524 : vector<16xi1>, vector<16xf32>
      %slice3A_605 = vector.extract_strided_slice %get3A_125 {offsets = [6], sizes = [1], strides = [1]} : vector<16xi32> to vector<1xi32>
      %squeeze3A_606 = vector.extract %slice3A_605[0] : i32 from vector<1xi32>
      %and3A_607 = arith.constant 1 : i32
      %and3A_608 = arith.andi %squeeze3A_606, %and3A_607 : i32
      %mul3A_609 = arith.constant 64 : i32
      %mul3A_610 = arith.muli %and3A_608, %mul3A_609 : i32
      %slice3A_611 = vector.extract_strided_slice %get3A_129 {offsets = [6], sizes = [1], strides = [1]} : vector<16xi32> to vector<1xi32>
      %squeeze3A_612 = vector.extract %slice3A_611[0] : i32 from vector<1xi32>
      %and3A_613 = arith.constant 1 : i32
      %and3A_614 = arith.andi %squeeze3A_612, %and3A_613 : i32
      %mul3A_615 = arith.constant 64 : i32
      %mul3A_616 = arith.muli %and3A_614, %mul3A_615 : i32
      %add3A_617 = arith.constant 6 : i32
      %add3A_618 = arith.addi %add3A_122, %add3A_617 : i32
      %get3A_619 = arith.index_cast %add3A_618 : i32 to index
      %get3A_620 = arith.index_cast %mul3A_610 : i32 to index
      %get3A_621 = tpu.vector_load %arg13[%get3A_619, %get3A_620] {strides = array<i32>} : memref<256x128xf32, #tpu.memory_space<vmem>>, vector<16xf32>,
      %add3A_622 = arith.constant 6 : i32
      %add3A_623 = arith.addi %add3A_122, %add3A_622 : i32
      %get3A_624 = arith.index_cast %add3A_623 : i32 to index
      %get3A_625 = arith.index_cast %mul3A_616 : i32 to index
      %get3A_626 = tpu.vector_load %arg14[%get3A_624, %get3A_625] {strides = array<i32>} : memref<256x128xf32, #tpu.memory_space<vmem>>, vector<16xf32>,
      %mul3A_627 = arith.mulf %get3A_621, %get3A_626 : vector<16xf32>
      %add3A_628 = arith.constant 6 : i32
      %add3A_629 = arith.addi %add3A_122, %add3A_628 : i32
      %add3A_630 = arith.constant 16 : i32
      %add3A_631 = arith.addi %mul3A_610, %add3A_630 : i32
      %get3A_632 = arith.index_cast %add3A_629 : i32 to index
      %get3A_633 = arith.index_cast %add3A_631 : i32 to index
      %get3A_634 = tpu.vector_load %arg13[%get3A_632, %get3A_633] {strides = array<i32>} : memref<256x128xf32, #tpu.memory_space<vmem>>, vector<16xf32>,
      %add3A_635 = arith.constant 6 : i32
      %add3A_636 = arith.addi %add3A_122, %add3A_635 : i32
      %add3A_637 = arith.constant 16 : i32
      %add3A_638 = arith.addi %mul3A_616, %add3A_637 : i32
      %get3A_639 = arith.index_cast %add3A_636 : i32 to index
      %get3A_640 = arith.index_cast %add3A_638 : i32 to index
      %get3A_641 = tpu.vector_load %arg14[%get3A_639, %get3A_640] {strides = array<i32>} : memref<256x128xf32, #tpu.memory_space<vmem>>, vector<16xf32>,
      %mul3A_642 = arith.mulf %get3A_634, %get3A_641 : vector<16xf32>
      %add3A_643 = arith.addf %mul3A_627, %mul3A_642 : vector<16xf32>
      %add3A_644 = arith.constant 6 : i32
      %add3A_645 = arith.addi %add3A_122, %add3A_644 : i32
      %add3A_646 = arith.constant 32 : i32
      %add3A_647 = arith.addi %mul3A_610, %add3A_646 : i32
      %get3A_648 = arith.index_cast %add3A_645 : i32 to index
      %get3A_649 = arith.index_cast %add3A_647 : i32 to index
      %get3A_650 = tpu.vector_load %arg13[%get3A_648, %get3A_649] {strides = array<i32>} : memref<256x128xf32, #tpu.memory_space<vmem>>, vector<16xf32>,
      %add3A_651 = arith.constant 6 : i32
      %add3A_652 = arith.addi %add3A_122, %add3A_651 : i32
      %add3A_653 = arith.constant 32 : i32
      %add3A_654 = arith.addi %mul3A_616, %add3A_653 : i32
      %get3A_655 = arith.index_cast %add3A_652 : i32 to index
      %get3A_656 = arith.index_cast %add3A_654 : i32 to index
      %get3A_657 = tpu.vector_load %arg14[%get3A_655, %get3A_656] {strides = array<i32>} : memref<256x128xf32, #tpu.memory_space<vmem>>, vector<16xf32>,
      %mul3A_658 = arith.mulf %get3A_650, %get3A_657 : vector<16xf32>
      %add3A_659 = arith.addf %add3A_643, %mul3A_658 : vector<16xf32>
      %add3A_660 = arith.constant 6 : i32
      %add3A_661 = arith.addi %add3A_122, %add3A_660 : i32
      %add3A_662 = arith.constant 48 : i32
      %add3A_663 = arith.addi %mul3A_610, %add3A_662 : i32
      %get3A_664 = arith.index_cast %add3A_661 : i32 to index
      %get3A_665 = arith.index_cast %add3A_663 : i32 to index
      %get3A_666 = tpu.vector_load %arg13[%get3A_664, %get3A_665] {strides = array<i32>} : memref<256x128xf32, #tpu.memory_space<vmem>>, vector<16xf32>,
      %add3A_667 = arith.constant 6 : i32
      %add3A_668 = arith.addi %add3A_122, %add3A_667 : i32
      %add3A_669 = arith.constant 48 : i32
      %add3A_670 = arith.addi %mul3A_616, %add3A_669 : i32
      %get3A_671 = arith.index_cast %add3A_668 : i32 to index
      %get3A_672 = arith.index_cast %add3A_670 : i32 to index
      %get3A_673 = tpu.vector_load %arg14[%get3A_671, %get3A_672] {strides = array<i32>} : memref<256x128xf32, #tpu.memory_space<vmem>>, vector<16xf32>,
      %mul3A_674 = arith.mulf %get3A_666, %get3A_673 : vector<16xf32>
      %add3A_675 = arith.addf %add3A_659, %mul3A_674 : vector<16xf32>
      %reduce_sum3A_676 = arith.constant true
      %reduce_sum3A_677 = vector.broadcast %reduce_sum3A_676 : i1 to vector<16xi1>
      %reduce_sum3A_678 = tpu.scan <sum>, %add3A_675 masked %reduce_sum3A_677 : vector<16xf32>, vector<16xi1> -> vector<16xf32>
      %reduce_sum3A_679 = vector.extract %reduce_sum3A_678[15] : f32 from vector<16xf32>
      %eq3A_680 = arith.constant 6 : i32
      %eq3A_681 = vector.broadcast %eq3A_680 : i32 to vector<16xi32>
      %eq3A_682 = arith.cmpi eq, %iota3A, %eq3A_681 : vector<16xi32>
      %broadcast_in_dim3A_683 = vector.broadcast %reduce_sum3A_679 : f32 to vector<16xf32>
      %select_n3A_684 = arith.select %eq3A_682, %broadcast_in_dim3A_683, %select_n3A_604 : vector<16xi1>, vector<16xf32>
      %slice3A_685 = vector.extract_strided_slice %get3A_125 {offsets = [7], sizes = [1], strides = [1]} : vector<16xi32> to vector<1xi32>
      %squeeze3A_686 = vector.extract %slice3A_685[0] : i32 from vector<1xi32>
      %and3A_687 = arith.constant 1 : i32
      %and3A_688 = arith.andi %squeeze3A_686, %and3A_687 : i32
      %mul3A_689 = arith.constant 64 : i32
      %mul3A_690 = arith.muli %and3A_688, %mul3A_689 : i32
      %slice3A_691 = vector.extract_strided_slice %get3A_129 {offsets = [7], sizes = [1], strides = [1]} : vector<16xi32> to vector<1xi32>
      %squeeze3A_692 = vector.extract %slice3A_691[0] : i32 from vector<1xi32>
      %and3A_693 = arith.constant 1 : i32
      %and3A_694 = arith.andi %squeeze3A_692, %and3A_693 : i32
      %mul3A_695 = arith.constant 64 : i32
      %mul3A_696 = arith.muli %and3A_694, %mul3A_695 : i32
      %add3A_697 = arith.constant 7 : i32
      %add3A_698 = arith.addi %add3A_122, %add3A_697 : i32
      %get3A_699 = arith.index_cast %add3A_698 : i32 to index
      %get3A_700 = arith.index_cast %mul3A_690 : i32 to index
      %get3A_701 = tpu.vector_load %arg13[%get3A_699, %get3A_700] {strides = array<i32>} : memref<256x128xf32, #tpu.memory_space<vmem>>, vector<16xf32>,
      %add3A_702 = arith.constant 7 : i32
      %add3A_703 = arith.addi %add3A_122, %add3A_702 : i32
      %get3A_704 = arith.index_cast %add3A_703 : i32 to index
      %get3A_705 = arith.index_cast %mul3A_696 : i32 to index
      %get3A_706 = tpu.vector_load %arg14[%get3A_704, %get3A_705] {strides = array<i32>} : memref<256x128xf32, #tpu.memory_space<vmem>>, vector<16xf32>,
      %mul3A_707 = arith.mulf %get3A_701, %get3A_706 : vector<16xf32>
      %add3A_708 = arith.constant 7 : i32
      %add3A_709 = arith.addi %add3A_122, %add3A_708 : i32
      %add3A_710 = arith.constant 16 : i32
      %add3A_711 = arith.addi %mul3A_690, %add3A_710 : i32
      %get3A_712 = arith.index_cast %add3A_709 : i32 to index
      %get3A_713 = arith.index_cast %add3A_711 : i32 to index
      %get3A_714 = tpu.vector_load %arg13[%get3A_712, %get3A_713] {strides = array<i32>} : memref<256x128xf32, #tpu.memory_space<vmem>>, vector<16xf32>,
      %add3A_715 = arith.constant 7 : i32
      %add3A_716 = arith.addi %add3A_122, %add3A_715 : i32
      %add3A_717 = arith.constant 16 : i32
      %add3A_718 = arith.addi %mul3A_696, %add3A_717 : i32
      %get3A_719 = arith.index_cast %add3A_716 : i32 to index
      %get3A_720 = arith.index_cast %add3A_718 : i32 to index
      %get3A_721 = tpu.vector_load %arg14[%get3A_719, %get3A_720] {strides = array<i32>} : memref<256x128xf32, #tpu.memory_space<vmem>>, vector<16xf32>,
      %mul3A_722 = arith.mulf %get3A_714, %get3A_721 : vector<16xf32>
      %add3A_723 = arith.addf %mul3A_707, %mul3A_722 : vector<16xf32>
      %add3A_724 = arith.constant 7 : i32
      %add3A_725 = arith.addi %add3A_122, %add3A_724 : i32
      %add3A_726 = arith.constant 32 : i32
      %add3A_727 = arith.addi %mul3A_690, %add3A_726 : i32
      %get3A_728 = arith.index_cast %add3A_725 : i32 to index
      %get3A_729 = arith.index_cast %add3A_727 : i32 to index
      %get3A_730 = tpu.vector_load %arg13[%get3A_728, %get3A_729] {strides = array<i32>} : memref<256x128xf32, #tpu.memory_space<vmem>>, vector<16xf32>,
      %add3A_731 = arith.constant 7 : i32
      %add3A_732 = arith.addi %add3A_122, %add3A_731 : i32
      %add3A_733 = arith.constant 32 : i32
      %add3A_734 = arith.addi %mul3A_696, %add3A_733 : i32
      %get3A_735 = arith.index_cast %add3A_732 : i32 to index
      %get3A_736 = arith.index_cast %add3A_734 : i32 to index
      %get3A_737 = tpu.vector_load %arg14[%get3A_735, %get3A_736] {strides = array<i32>} : memref<256x128xf32, #tpu.memory_space<vmem>>, vector<16xf32>,
      %mul3A_738 = arith.mulf %get3A_730, %get3A_737 : vector<16xf32>
      %add3A_739 = arith.addf %add3A_723, %mul3A_738 : vector<16xf32>
      %add3A_740 = arith.constant 7 : i32
      %add3A_741 = arith.addi %add3A_122, %add3A_740 : i32
      %add3A_742 = arith.constant 48 : i32
      %add3A_743 = arith.addi %mul3A_690, %add3A_742 : i32
      %get3A_744 = arith.index_cast %add3A_741 : i32 to index
      %get3A_745 = arith.index_cast %add3A_743 : i32 to index
      %get3A_746 = tpu.vector_load %arg13[%get3A_744, %get3A_745] {strides = array<i32>} : memref<256x128xf32, #tpu.memory_space<vmem>>, vector<16xf32>,
      %add3A_747 = arith.constant 7 : i32
      %add3A_748 = arith.addi %add3A_122, %add3A_747 : i32
      %add3A_749 = arith.constant 48 : i32
      %add3A_750 = arith.addi %mul3A_696, %add3A_749 : i32
      %get3A_751 = arith.index_cast %add3A_748 : i32 to index
      %get3A_752 = arith.index_cast %add3A_750 : i32 to index
      %get3A_753 = tpu.vector_load %arg14[%get3A_751, %get3A_752] {strides = array<i32>} : memref<256x128xf32, #tpu.memory_space<vmem>>, vector<16xf32>,
      %mul3A_754 = arith.mulf %get3A_746, %get3A_753 : vector<16xf32>
      %add3A_755 = arith.addf %add3A_739, %mul3A_754 : vector<16xf32>
      %reduce_sum3A_756 = arith.constant true
      %reduce_sum3A_757 = vector.broadcast %reduce_sum3A_756 : i1 to vector<16xi1>
      %reduce_sum3A_758 = tpu.scan <sum>, %add3A_755 masked %reduce_sum3A_757 : vector<16xf32>, vector<16xi1> -> vector<16xf32>
      %reduce_sum3A_759 = vector.extract %reduce_sum3A_758[15] : f32 from vector<16xf32>
      %eq3A_760 = arith.constant 7 : i32
      %eq3A_761 = vector.broadcast %eq3A_760 : i32 to vector<16xi32>
      %eq3A_762 = arith.cmpi eq, %iota3A, %eq3A_761 : vector<16xi32>
      %broadcast_in_dim3A_763 = vector.broadcast %reduce_sum3A_759 : f32 to vector<16xf32>
      %select_n3A_764 = arith.select %eq3A_762, %broadcast_in_dim3A_763, %select_n3A_684 : vector<16xi1>, vector<16xf32>
      %slice3A_765 = vector.extract_strided_slice %get3A_125 {offsets = [8], sizes = [1], strides = [1]} : vector<16xi32> to vector<1xi32>
      %squeeze3A_766 = vector.extract %slice3A_765[0] : i32 from vector<1xi32>
      %and3A_767 = arith.constant 1 : i32
      %and3A_768 = arith.andi %squeeze3A_766, %and3A_767 : i32
      %mul3A_769 = arith.constant 64 : i32
      %mul3A_770 = arith.muli %and3A_768, %mul3A_769 : i32
      %slice3A_771 = vector.extract_strided_slice %get3A_129 {offsets = [8], sizes = [1], strides = [1]} : vector<16xi32> to vector<1xi32>
      %squeeze3A_772 = vector.extract %slice3A_771[0] : i32 from vector<1xi32>
      %and3A_773 = arith.constant 1 : i32
      %and3A_774 = arith.andi %squeeze3A_772, %and3A_773 : i32
      %mul3A_775 = arith.constant 64 : i32
      %mul3A_776 = arith.muli %and3A_774, %mul3A_775 : i32
      %add3A_777 = arith.constant 8 : i32
      %add3A_778 = arith.addi %add3A_122, %add3A_777 : i32
      %get3A_779 = arith.index_cast %add3A_778 : i32 to index
      %get3A_780 = arith.index_cast %mul3A_770 : i32 to index
      %get3A_781 = tpu.vector_load %arg13[%get3A_779, %get3A_780] {strides = array<i32>} : memref<256x128xf32, #tpu.memory_space<vmem>>, vector<16xf32>,
      %add3A_782 = arith.constant 8 : i32
      %add3A_783 = arith.addi %add3A_122, %add3A_782 : i32
      %get3A_784 = arith.index_cast %add3A_783 : i32 to index
      %get3A_785 = arith.index_cast %mul3A_776 : i32 to index
      %get3A_786 = tpu.vector_load %arg14[%get3A_784, %get3A_785] {strides = array<i32>} : memref<256x128xf32, #tpu.memory_space<vmem>>, vector<16xf32>,
      %mul3A_787 = arith.mulf %get3A_781, %get3A_786 : vector<16xf32>
      %add3A_788 = arith.constant 8 : i32
      %add3A_789 = arith.addi %add3A_122, %add3A_788 : i32
      %add3A_790 = arith.constant 16 : i32
      %add3A_791 = arith.addi %mul3A_770, %add3A_790 : i32
      %get3A_792 = arith.index_cast %add3A_789 : i32 to index
      %get3A_793 = arith.index_cast %add3A_791 : i32 to index
      %get3A_794 = tpu.vector_load %arg13[%get3A_792, %get3A_793] {strides = array<i32>} : memref<256x128xf32, #tpu.memory_space<vmem>>, vector<16xf32>,
      %add3A_795 = arith.constant 8 : i32
      %add3A_796 = arith.addi %add3A_122, %add3A_795 : i32
      %add3A_797 = arith.constant 16 : i32
      %add3A_798 = arith.addi %mul3A_776, %add3A_797 : i32
      %get3A_799 = arith.index_cast %add3A_796 : i32 to index
      %get3A_800 = arith.index_cast %add3A_798 : i32 to index
      %get3A_801 = tpu.vector_load %arg14[%get3A_799, %get3A_800] {strides = array<i32>} : memref<256x128xf32, #tpu.memory_space<vmem>>, vector<16xf32>,
      %mul3A_802 = arith.mulf %get3A_794, %get3A_801 : vector<16xf32>
      %add3A_803 = arith.addf %mul3A_787, %mul3A_802 : vector<16xf32>
      %add3A_804 = arith.constant 8 : i32
      %add3A_805 = arith.addi %add3A_122, %add3A_804 : i32
      %add3A_806 = arith.constant 32 : i32
      %add3A_807 = arith.addi %mul3A_770, %add3A_806 : i32
      %get3A_808 = arith.index_cast %add3A_805 : i32 to index
      %get3A_809 = arith.index_cast %add3A_807 : i32 to index
      %get3A_810 = tpu.vector_load %arg13[%get3A_808, %get3A_809] {strides = array<i32>} : memref<256x128xf32, #tpu.memory_space<vmem>>, vector<16xf32>,
      %add3A_811 = arith.constant 8 : i32
      %add3A_812 = arith.addi %add3A_122, %add3A_811 : i32
      %add3A_813 = arith.constant 32 : i32
      %add3A_814 = arith.addi %mul3A_776, %add3A_813 : i32
      %get3A_815 = arith.index_cast %add3A_812 : i32 to index
      %get3A_816 = arith.index_cast %add3A_814 : i32 to index
      %get3A_817 = tpu.vector_load %arg14[%get3A_815, %get3A_816] {strides = array<i32>} : memref<256x128xf32, #tpu.memory_space<vmem>>, vector<16xf32>,
      %mul3A_818 = arith.mulf %get3A_810, %get3A_817 : vector<16xf32>
      %add3A_819 = arith.addf %add3A_803, %mul3A_818 : vector<16xf32>
      %add3A_820 = arith.constant 8 : i32
      %add3A_821 = arith.addi %add3A_122, %add3A_820 : i32
      %add3A_822 = arith.constant 48 : i32
      %add3A_823 = arith.addi %mul3A_770, %add3A_822 : i32
      %get3A_824 = arith.index_cast %add3A_821 : i32 to index
      %get3A_825 = arith.index_cast %add3A_823 : i32 to index
      %get3A_826 = tpu.vector_load %arg13[%get3A_824, %get3A_825] {strides = array<i32>} : memref<256x128xf32, #tpu.memory_space<vmem>>, vector<16xf32>,
      %add3A_827 = arith.constant 8 : i32
      %add3A_828 = arith.addi %add3A_122, %add3A_827 : i32
      %add3A_829 = arith.constant 48 : i32
      %add3A_830 = arith.addi %mul3A_776, %add3A_829 : i32
      %get3A_831 = arith.index_cast %add3A_828 : i32 to index
      %get3A_832 = arith.index_cast %add3A_830 : i32 to index
      %get3A_833 = tpu.vector_load %arg14[%get3A_831, %get3A_832] {strides = array<i32>} : memref<256x128xf32, #tpu.memory_space<vmem>>, vector<16xf32>,
      %mul3A_834 = arith.mulf %get3A_826, %get3A_833 : vector<16xf32>
      %add3A_835 = arith.addf %add3A_819, %mul3A_834 : vector<16xf32>
      %reduce_sum3A_836 = arith.constant true
      %reduce_sum3A_837 = vector.broadcast %reduce_sum3A_836 : i1 to vector<16xi1>
      %reduce_sum3A_838 = tpu.scan <sum>, %add3A_835 masked %reduce_sum3A_837 : vector<16xf32>, vector<16xi1> -> vector<16xf32>
      %reduce_sum3A_839 = vector.extract %reduce_sum3A_838[15] : f32 from vector<16xf32>
      %eq3A_840 = arith.constant 8 : i32
      %eq3A_841 = vector.broadcast %eq3A_840 : i32 to vector<16xi32>
      %eq3A_842 = arith.cmpi eq, %iota3A, %eq3A_841 : vector<16xi32>
      %broadcast_in_dim3A_843 = vector.broadcast %reduce_sum3A_839 : f32 to vector<16xf32>
      %select_n3A_844 = arith.select %eq3A_842, %broadcast_in_dim3A_843, %select_n3A_764 : vector<16xi1>, vector<16xf32>
      %slice3A_845 = vector.extract_strided_slice %get3A_125 {offsets = [9], sizes = [1], strides = [1]} : vector<16xi32> to vector<1xi32>
      %squeeze3A_846 = vector.extract %slice3A_845[0] : i32 from vector<1xi32>
      %and3A_847 = arith.constant 1 : i32
      %and3A_848 = arith.andi %squeeze3A_846, %and3A_847 : i32
      %mul3A_849 = arith.constant 64 : i32
      %mul3A_850 = arith.muli %and3A_848, %mul3A_849 : i32
      %slice3A_851 = vector.extract_strided_slice %get3A_129 {offsets = [9], sizes = [1], strides = [1]} : vector<16xi32> to vector<1xi32>
      %squeeze3A_852 = vector.extract %slice3A_851[0] : i32 from vector<1xi32>
      %and3A_853 = arith.constant 1 : i32
      %and3A_854 = arith.andi %squeeze3A_852, %and3A_853 : i32
      %mul3A_855 = arith.constant 64 : i32
      %mul3A_856 = arith.muli %and3A_854, %mul3A_855 : i32
      %add3A_857 = arith.constant 9 : i32
      %add3A_858 = arith.addi %add3A_122, %add3A_857 : i32
      %get3A_859 = arith.index_cast %add3A_858 : i32 to index
      %get3A_860 = arith.index_cast %mul3A_850 : i32 to index
      %get3A_861 = tpu.vector_load %arg13[%get3A_859, %get3A_860] {strides = array<i32>} : memref<256x128xf32, #tpu.memory_space<vmem>>, vector<16xf32>,
      %add3A_862 = arith.constant 9 : i32
      %add3A_863 = arith.addi %add3A_122, %add3A_862 : i32
      %get3A_864 = arith.index_cast %add3A_863 : i32 to index
      %get3A_865 = arith.index_cast %mul3A_856 : i32 to index
      %get3A_866 = tpu.vector_load %arg14[%get3A_864, %get3A_865] {strides = array<i32>} : memref<256x128xf32, #tpu.memory_space<vmem>>, vector<16xf32>,
      %mul3A_867 = arith.mulf %get3A_861, %get3A_866 : vector<16xf32>
      %add3A_868 = arith.constant 9 : i32
      %add3A_869 = arith.addi %add3A_122, %add3A_868 : i32
      %add3A_870 = arith.constant 16 : i32
      %add3A_871 = arith.addi %mul3A_850, %add3A_870 : i32
      %get3A_872 = arith.index_cast %add3A_869 : i32 to index
      %get3A_873 = arith.index_cast %add3A_871 : i32 to index
      %get3A_874 = tpu.vector_load %arg13[%get3A_872, %get3A_873] {strides = array<i32>} : memref<256x128xf32, #tpu.memory_space<vmem>>, vector<16xf32>,
      %add3A_875 = arith.constant 9 : i32
      %add3A_876 = arith.addi %add3A_122, %add3A_875 : i32
      %add3A_877 = arith.constant 16 : i32
      %add3A_878 = arith.addi %mul3A_856, %add3A_877 : i32
      %get3A_879 = arith.index_cast %add3A_876 : i32 to index
      %get3A_880 = arith.index_cast %add3A_878 : i32 to index
      %get3A_881 = tpu.vector_load %arg14[%get3A_879, %get3A_880] {strides = array<i32>} : memref<256x128xf32, #tpu.memory_space<vmem>>, vector<16xf32>,
      %mul3A_882 = arith.mulf %get3A_874, %get3A_881 : vector<16xf32>
      %add3A_883 = arith.addf %mul3A_867, %mul3A_882 : vector<16xf32>
      %add3A_884 = arith.constant 9 : i32
      %add3A_885 = arith.addi %add3A_122, %add3A_884 : i32
      %add3A_886 = arith.constant 32 : i32
      %add3A_887 = arith.addi %mul3A_850, %add3A_886 : i32
      %get3A_888 = arith.index_cast %add3A_885 : i32 to index
      %get3A_889 = arith.index_cast %add3A_887 : i32 to index
      %get3A_890 = tpu.vector_load %arg13[%get3A_888, %get3A_889] {strides = array<i32>} : memref<256x128xf32, #tpu.memory_space<vmem>>, vector<16xf32>,
      %add3A_891 = arith.constant 9 : i32
      %add3A_892 = arith.addi %add3A_122, %add3A_891 : i32
      %add3A_893 = arith.constant 32 : i32
      %add3A_894 = arith.addi %mul3A_856, %add3A_893 : i32
      %get3A_895 = arith.index_cast %add3A_892 : i32 to index
      %get3A_896 = arith.index_cast %add3A_894 : i32 to index
      %get3A_897 = tpu.vector_load %arg14[%get3A_895, %get3A_896] {strides = array<i32>} : memref<256x128xf32, #tpu.memory_space<vmem>>, vector<16xf32>,
      %mul3A_898 = arith.mulf %get3A_890, %get3A_897 : vector<16xf32>
      %add3A_899 = arith.addf %add3A_883, %mul3A_898 : vector<16xf32>
      %add3A_900 = arith.constant 9 : i32
      %add3A_901 = arith.addi %add3A_122, %add3A_900 : i32
      %add3A_902 = arith.constant 48 : i32
      %add3A_903 = arith.addi %mul3A_850, %add3A_902 : i32
      %get3A_904 = arith.index_cast %add3A_901 : i32 to index
      %get3A_905 = arith.index_cast %add3A_903 : i32 to index
      %get3A_906 = tpu.vector_load %arg13[%get3A_904, %get3A_905] {strides = array<i32>} : memref<256x128xf32, #tpu.memory_space<vmem>>, vector<16xf32>,
      %add3A_907 = arith.constant 9 : i32
      %add3A_908 = arith.addi %add3A_122, %add3A_907 : i32
      %add3A_909 = arith.constant 48 : i32
      %add3A_910 = arith.addi %mul3A_856, %add3A_909 : i32
      %get3A_911 = arith.index_cast %add3A_908 : i32 to index
      %get3A_912 = arith.index_cast %add3A_910 : i32 to index
      %get3A_913 = tpu.vector_load %arg14[%get3A_911, %get3A_912] {strides = array<i32>} : memref<256x128xf32, #tpu.memory_space<vmem>>, vector<16xf32>,
      %mul3A_914 = arith.mulf %get3A_906, %get3A_913 : vector<16xf32>
      %add3A_915 = arith.addf %add3A_899, %mul3A_914 : vector<16xf32>
      %reduce_sum3A_916 = arith.constant true
      %reduce_sum3A_917 = vector.broadcast %reduce_sum3A_916 : i1 to vector<16xi1>
      %reduce_sum3A_918 = tpu.scan <sum>, %add3A_915 masked %reduce_sum3A_917 : vector<16xf32>, vector<16xi1> -> vector<16xf32>
      %reduce_sum3A_919 = vector.extract %reduce_sum3A_918[15] : f32 from vector<16xf32>
      %eq3A_920 = arith.constant 9 : i32
      %eq3A_921 = vector.broadcast %eq3A_920 : i32 to vector<16xi32>
      %eq3A_922 = arith.cmpi eq, %iota3A, %eq3A_921 : vector<16xi32>
      %broadcast_in_dim3A_923 = vector.broadcast %reduce_sum3A_919 : f32 to vector<16xf32>
      %select_n3A_924 = arith.select %eq3A_922, %broadcast_in_dim3A_923, %select_n3A_844 : vector<16xi1>, vector<16xf32>
      %slice3A_925 = vector.extract_strided_slice %get3A_125 {offsets = [10], sizes = [1], strides = [1]} : vector<16xi32> to vector<1xi32>
      %squeeze3A_926 = vector.extract %slice3A_925[0] : i32 from vector<1xi32>
      %and3A_927 = arith.constant 1 : i32
      %and3A_928 = arith.andi %squeeze3A_926, %and3A_927 : i32
      %mul3A_929 = arith.constant 64 : i32
      %mul3A_930 = arith.muli %and3A_928, %mul3A_929 : i32
      %slice3A_931 = vector.extract_strided_slice %get3A_129 {offsets = [10], sizes = [1], strides = [1]} : vector<16xi32> to vector<1xi32>
      %squeeze3A_932 = vector.extract %slice3A_931[0] : i32 from vector<1xi32>
      %and3A_933 = arith.constant 1 : i32
      %and3A_934 = arith.andi %squeeze3A_932, %and3A_933 : i32
      %mul3A_935 = arith.constant 64 : i32
      %mul3A_936 = arith.muli %and3A_934, %mul3A_935 : i32
      %add3A_937 = arith.constant 10 : i32
      %add3A_938 = arith.addi %add3A_122, %add3A_937 : i32
      %get3A_939 = arith.index_cast %add3A_938 : i32 to index
      %get3A_940 = arith.index_cast %mul3A_930 : i32 to index
      %get3A_941 = tpu.vector_load %arg13[%get3A_939, %get3A_940] {strides = array<i32>} : memref<256x128xf32, #tpu.memory_space<vmem>>, vector<16xf32>,
      %add3A_942 = arith.constant 10 : i32
      %add3A_943 = arith.addi %add3A_122, %add3A_942 : i32
      %get3A_944 = arith.index_cast %add3A_943 : i32 to index
      %get3A_945 = arith.index_cast %mul3A_936 : i32 to index
      %get3A_946 = tpu.vector_load %arg14[%get3A_944, %get3A_945] {strides = array<i32>} : memref<256x128xf32, #tpu.memory_space<vmem>>, vector<16xf32>,
      %mul3A_947 = arith.mulf %get3A_941, %get3A_946 : vector<16xf32>
      %add3A_948 = arith.constant 10 : i32
      %add3A_949 = arith.addi %add3A_122, %add3A_948 : i32
      %add3A_950 = arith.constant 16 : i32
      %add3A_951 = arith.addi %mul3A_930, %add3A_950 : i32
      %get3A_952 = arith.index_cast %add3A_949 : i32 to index
      %get3A_953 = arith.index_cast %add3A_951 : i32 to index
      %get3A_954 = tpu.vector_load %arg13[%get3A_952, %get3A_953] {strides = array<i32>} : memref<256x128xf32, #tpu.memory_space<vmem>>, vector<16xf32>,
      %add3A_955 = arith.constant 10 : i32
      %add3A_956 = arith.addi %add3A_122, %add3A_955 : i32
      %add3A_957 = arith.constant 16 : i32
      %add3A_958 = arith.addi %mul3A_936, %add3A_957 : i32
      %get3A_959 = arith.index_cast %add3A_956 : i32 to index
      %get3A_960 = arith.index_cast %add3A_958 : i32 to index
      %get3A_961 = tpu.vector_load %arg14[%get3A_959, %get3A_960] {strides = array<i32>} : memref<256x128xf32, #tpu.memory_space<vmem>>, vector<16xf32>,
      %mul3A_962 = arith.mulf %get3A_954, %get3A_961 : vector<16xf32>
      %add3A_963 = arith.addf %mul3A_947, %mul3A_962 : vector<16xf32>
      %add3A_964 = arith.constant 10 : i32
      %add3A_965 = arith.addi %add3A_122, %add3A_964 : i32
      %add3A_966 = arith.constant 32 : i32
      %add3A_967 = arith.addi %mul3A_930, %add3A_966 : i32
      %get3A_968 = arith.index_cast %add3A_965 : i32 to index
      %get3A_969 = arith.index_cast %add3A_967 : i32 to index
      %get3A_970 = tpu.vector_load %arg13[%get3A_968, %get3A_969] {strides = array<i32>} : memref<256x128xf32, #tpu.memory_space<vmem>>, vector<16xf32>,
      %add3A_971 = arith.constant 10 : i32
      %add3A_972 = arith.addi %add3A_122, %add3A_971 : i32
      %add3A_973 = arith.constant 32 : i32
      %add3A_974 = arith.addi %mul3A_936, %add3A_973 : i32
      %get3A_975 = arith.index_cast %add3A_972 : i32 to index
      %get3A_976 = arith.index_cast %add3A_974 : i32 to index
      %get3A_977 = tpu.vector_load %arg14[%get3A_975, %get3A_976] {strides = array<i32>} : memref<256x128xf32, #tpu.memory_space<vmem>>, vector<16xf32>,
      %mul3A_978 = arith.mulf %get3A_970, %get3A_977 : vector<16xf32>
      %add3A_979 = arith.addf %add3A_963, %mul3A_978 : vector<16xf32>
      %add3A_980 = arith.constant 10 : i32
      %add3A_981 = arith.addi %add3A_122, %add3A_980 : i32
      %add3A_982 = arith.constant 48 : i32
      %add3A_983 = arith.addi %mul3A_930, %add3A_982 : i32
      %get3A_984 = arith.index_cast %add3A_981 : i32 to index
      %get3A_985 = arith.index_cast %add3A_983 : i32 to index
      %get3A_986 = tpu.vector_load %arg13[%get3A_984, %get3A_985] {strides = array<i32>} : memref<256x128xf32, #tpu.memory_space<vmem>>, vector<16xf32>,
      %add3A_987 = arith.constant 10 : i32
      %add3A_988 = arith.addi %add3A_122, %add3A_987 : i32
      %add3A_989 = arith.constant 48 : i32
      %add3A_990 = arith.addi %mul3A_936, %add3A_989 : i32
      %get3A_991 = arith.index_cast %add3A_988 : i32 to index
      %get3A_992 = arith.index_cast %add3A_990 : i32 to index
      %get3A_993 = tpu.vector_load %arg14[%get3A_991, %get3A_992] {strides = array<i32>} : memref<256x128xf32, #tpu.memory_space<vmem>>, vector<16xf32>,
      %mul3A_994 = arith.mulf %get3A_986, %get3A_993 : vector<16xf32>
      %add3A_995 = arith.addf %add3A_979, %mul3A_994 : vector<16xf32>
      %reduce_sum3A_996 = arith.constant true
      %reduce_sum3A_997 = vector.broadcast %reduce_sum3A_996 : i1 to vector<16xi1>
      %reduce_sum3A_998 = tpu.scan <sum>, %add3A_995 masked %reduce_sum3A_997 : vector<16xf32>, vector<16xi1> -> vector<16xf32>
      %reduce_sum3A_999 = vector.extract %reduce_sum3A_998[15] : f32 from vector<16xf32>
      %eq3A_1000 = arith.constant 10 : i32
      %eq3A_1001 = vector.broadcast %eq3A_1000 : i32 to vector<16xi32>
      %eq3A_1002 = arith.cmpi eq, %iota3A, %eq3A_1001 : vector<16xi32>
      %broadcast_in_dim3A_1003 = vector.broadcast %reduce_sum3A_999 : f32 to vector<16xf32>
      %select_n3A_1004 = arith.select %eq3A_1002, %broadcast_in_dim3A_1003, %select_n3A_924 : vector<16xi1>, vector<16xf32>
      %slice3A_1005 = vector.extract_strided_slice %get3A_125 {offsets = [11], sizes = [1], strides = [1]} : vector<16xi32> to vector<1xi32>
      %squeeze3A_1006 = vector.extract %slice3A_1005[0] : i32 from vector<1xi32>
      %and3A_1007 = arith.constant 1 : i32
      %and3A_1008 = arith.andi %squeeze3A_1006, %and3A_1007 : i32
      %mul3A_1009 = arith.constant 64 : i32
      %mul3A_1010 = arith.muli %and3A_1008, %mul3A_1009 : i32
      %slice3A_1011 = vector.extract_strided_slice %get3A_129 {offsets = [11], sizes = [1], strides = [1]} : vector<16xi32> to vector<1xi32>
      %squeeze3A_1012 = vector.extract %slice3A_1011[0] : i32 from vector<1xi32>
      %and3A_1013 = arith.constant 1 : i32
      %and3A_1014 = arith.andi %squeeze3A_1012, %and3A_1013 : i32
      %mul3A_1015 = arith.constant 64 : i32
      %mul3A_1016 = arith.muli %and3A_1014, %mul3A_1015 : i32
      %add3A_1017 = arith.constant 11 : i32
      %add3A_1018 = arith.addi %add3A_122, %add3A_1017 : i32
      %get3A_1019 = arith.index_cast %add3A_1018 : i32 to index
      %get3A_1020 = arith.index_cast %mul3A_1010 : i32 to index
      %get3A_1021 = tpu.vector_load %arg13[%get3A_1019, %get3A_1020] {strides = array<i32>} : memref<256x128xf32, #tpu.memory_space<vmem>>, vector<16xf32>,
      %add3A_1022 = arith.constant 11 : i32
      %add3A_1023 = arith.addi %add3A_122, %add3A_1022 : i32
      %get3A_1024 = arith.index_cast %add3A_1023 : i32 to index
      %get3A_1025 = arith.index_cast %mul3A_1016 : i32 to index
      %get3A_1026 = tpu.vector_load %arg14[%get3A_1024, %get3A_1025] {strides = array<i32>} : memref<256x128xf32, #tpu.memory_space<vmem>>, vector<16xf32>,
      %mul3A_1027 = arith.mulf %get3A_1021, %get3A_1026 : vector<16xf32>
      %add3A_1028 = arith.constant 11 : i32
      %add3A_1029 = arith.addi %add3A_122, %add3A_1028 : i32
      %add3A_1030 = arith.constant 16 : i32
      %add3A_1031 = arith.addi %mul3A_1010, %add3A_1030 : i32
      %get3A_1032 = arith.index_cast %add3A_1029 : i32 to index
      %get3A_1033 = arith.index_cast %add3A_1031 : i32 to index
      %get3A_1034 = tpu.vector_load %arg13[%get3A_1032, %get3A_1033] {strides = array<i32>} : memref<256x128xf32, #tpu.memory_space<vmem>>, vector<16xf32>,
      %add3A_1035 = arith.constant 11 : i32
      %add3A_1036 = arith.addi %add3A_122, %add3A_1035 : i32
      %add3A_1037 = arith.constant 16 : i32
      %add3A_1038 = arith.addi %mul3A_1016, %add3A_1037 : i32
      %get3A_1039 = arith.index_cast %add3A_1036 : i32 to index
      %get3A_1040 = arith.index_cast %add3A_1038 : i32 to index
      %get3A_1041 = tpu.vector_load %arg14[%get3A_1039, %get3A_1040] {strides = array<i32>} : memref<256x128xf32, #tpu.memory_space<vmem>>, vector<16xf32>,
      %mul3A_1042 = arith.mulf %get3A_1034, %get3A_1041 : vector<16xf32>
      %add3A_1043 = arith.addf %mul3A_1027, %mul3A_1042 : vector<16xf32>
      %add3A_1044 = arith.constant 11 : i32
      %add3A_1045 = arith.addi %add3A_122, %add3A_1044 : i32
      %add3A_1046 = arith.constant 32 : i32
      %add3A_1047 = arith.addi %mul3A_1010, %add3A_1046 : i32
      %get3A_1048 = arith.index_cast %add3A_1045 : i32 to index
      %get3A_1049 = arith.index_cast %add3A_1047 : i32 to index
      %get3A_1050 = tpu.vector_load %arg13[%get3A_1048, %get3A_1049] {strides = array<i32>} : memref<256x128xf32, #tpu.memory_space<vmem>>, vector<16xf32>,
      %add3A_1051 = arith.constant 11 : i32
      %add3A_1052 = arith.addi %add3A_122, %add3A_1051 : i32
      %add3A_1053 = arith.constant 32 : i32
      %add3A_1054 = arith.addi %mul3A_1016, %add3A_1053 : i32
      %get3A_1055 = arith.index_cast %add3A_1052 : i32 to index
      %get3A_1056 = arith.index_cast %add3A_1054 : i32 to index
      %get3A_1057 = tpu.vector_load %arg14[%get3A_1055, %get3A_1056] {strides = array<i32>} : memref<256x128xf32, #tpu.memory_space<vmem>>, vector<16xf32>,
      %mul3A_1058 = arith.mulf %get3A_1050, %get3A_1057 : vector<16xf32>
      %add3A_1059 = arith.addf %add3A_1043, %mul3A_1058 : vector<16xf32>
      %add3A_1060 = arith.constant 11 : i32
      %add3A_1061 = arith.addi %add3A_122, %add3A_1060 : i32
      %add3A_1062 = arith.constant 48 : i32
      %add3A_1063 = arith.addi %mul3A_1010, %add3A_1062 : i32
      %get3A_1064 = arith.index_cast %add3A_1061 : i32 to index
      %get3A_1065 = arith.index_cast %add3A_1063 : i32 to index
      %get3A_1066 = tpu.vector_load %arg13[%get3A_1064, %get3A_1065] {strides = array<i32>} : memref<256x128xf32, #tpu.memory_space<vmem>>, vector<16xf32>,
      %add3A_1067 = arith.constant 11 : i32
      %add3A_1068 = arith.addi %add3A_122, %add3A_1067 : i32
      %add3A_1069 = arith.constant 48 : i32
      %add3A_1070 = arith.addi %mul3A_1016, %add3A_1069 : i32
      %get3A_1071 = arith.index_cast %add3A_1068 : i32 to index
      %get3A_1072 = arith.index_cast %add3A_1070 : i32 to index
      %get3A_1073 = tpu.vector_load %arg14[%get3A_1071, %get3A_1072] {strides = array<i32>} : memref<256x128xf32, #tpu.memory_space<vmem>>, vector<16xf32>,
      %mul3A_1074 = arith.mulf %get3A_1066, %get3A_1073 : vector<16xf32>
      %add3A_1075 = arith.addf %add3A_1059, %mul3A_1074 : vector<16xf32>
      %reduce_sum3A_1076 = arith.constant true
      %reduce_sum3A_1077 = vector.broadcast %reduce_sum3A_1076 : i1 to vector<16xi1>
      %reduce_sum3A_1078 = tpu.scan <sum>, %add3A_1075 masked %reduce_sum3A_1077 : vector<16xf32>, vector<16xi1> -> vector<16xf32>
      %reduce_sum3A_1079 = vector.extract %reduce_sum3A_1078[15] : f32 from vector<16xf32>
      %eq3A_1080 = arith.constant 11 : i32
      %eq3A_1081 = vector.broadcast %eq3A_1080 : i32 to vector<16xi32>
      %eq3A_1082 = arith.cmpi eq, %iota3A, %eq3A_1081 : vector<16xi32>
      %broadcast_in_dim3A_1083 = vector.broadcast %reduce_sum3A_1079 : f32 to vector<16xf32>
      %select_n3A_1084 = arith.select %eq3A_1082, %broadcast_in_dim3A_1083, %select_n3A_1004 : vector<16xi1>, vector<16xf32>
      %slice3A_1085 = vector.extract_strided_slice %get3A_125 {offsets = [12], sizes = [1], strides = [1]} : vector<16xi32> to vector<1xi32>
      %squeeze3A_1086 = vector.extract %slice3A_1085[0] : i32 from vector<1xi32>
      %and3A_1087 = arith.constant 1 : i32
      %and3A_1088 = arith.andi %squeeze3A_1086, %and3A_1087 : i32
      %mul3A_1089 = arith.constant 64 : i32
      %mul3A_1090 = arith.muli %and3A_1088, %mul3A_1089 : i32
      %slice3A_1091 = vector.extract_strided_slice %get3A_129 {offsets = [12], sizes = [1], strides = [1]} : vector<16xi32> to vector<1xi32>
      %squeeze3A_1092 = vector.extract %slice3A_1091[0] : i32 from vector<1xi32>
      %and3A_1093 = arith.constant 1 : i32
      %and3A_1094 = arith.andi %squeeze3A_1092, %and3A_1093 : i32
      %mul3A_1095 = arith.constant 64 : i32
      %mul3A_1096 = arith.muli %and3A_1094, %mul3A_1095 : i32
      %add3A_1097 = arith.constant 12 : i32
      %add3A_1098 = arith.addi %add3A_122, %add3A_1097 : i32
      %get3A_1099 = arith.index_cast %add3A_1098 : i32 to index
      %get3A_1100 = arith.index_cast %mul3A_1090 : i32 to index
      %get3A_1101 = tpu.vector_load %arg13[%get3A_1099, %get3A_1100] {strides = array<i32>} : memref<256x128xf32, #tpu.memory_space<vmem>>, vector<16xf32>,
      %add3A_1102 = arith.constant 12 : i32
      %add3A_1103 = arith.addi %add3A_122, %add3A_1102 : i32
      %get3A_1104 = arith.index_cast %add3A_1103 : i32 to index
      %get3A_1105 = arith.index_cast %mul3A_1096 : i32 to index
      %get3A_1106 = tpu.vector_load %arg14[%get3A_1104, %get3A_1105] {strides = array<i32>} : memref<256x128xf32, #tpu.memory_space<vmem>>, vector<16xf32>,
      %mul3A_1107 = arith.mulf %get3A_1101, %get3A_1106 : vector<16xf32>
      %add3A_1108 = arith.constant 12 : i32
      %add3A_1109 = arith.addi %add3A_122, %add3A_1108 : i32
      %add3A_1110 = arith.constant 16 : i32
      %add3A_1111 = arith.addi %mul3A_1090, %add3A_1110 : i32
      %get3A_1112 = arith.index_cast %add3A_1109 : i32 to index
      %get3A_1113 = arith.index_cast %add3A_1111 : i32 to index
      %get3A_1114 = tpu.vector_load %arg13[%get3A_1112, %get3A_1113] {strides = array<i32>} : memref<256x128xf32, #tpu.memory_space<vmem>>, vector<16xf32>,
      %add3A_1115 = arith.constant 12 : i32
      %add3A_1116 = arith.addi %add3A_122, %add3A_1115 : i32
      %add3A_1117 = arith.constant 16 : i32
      %add3A_1118 = arith.addi %mul3A_1096, %add3A_1117 : i32
      %get3A_1119 = arith.index_cast %add3A_1116 : i32 to index
      %get3A_1120 = arith.index_cast %add3A_1118 : i32 to index
      %get3A_1121 = tpu.vector_load %arg14[%get3A_1119, %get3A_1120] {strides = array<i32>} : memref<256x128xf32, #tpu.memory_space<vmem>>, vector<16xf32>,
      %mul3A_1122 = arith.mulf %get3A_1114, %get3A_1121 : vector<16xf32>
      %add3A_1123 = arith.addf %mul3A_1107, %mul3A_1122 : vector<16xf32>
      %add3A_1124 = arith.constant 12 : i32
      %add3A_1125 = arith.addi %add3A_122, %add3A_1124 : i32
      %add3A_1126 = arith.constant 32 : i32
      %add3A_1127 = arith.addi %mul3A_1090, %add3A_1126 : i32
      %get3A_1128 = arith.index_cast %add3A_1125 : i32 to index
      %get3A_1129 = arith.index_cast %add3A_1127 : i32 to index
      %get3A_1130 = tpu.vector_load %arg13[%get3A_1128, %get3A_1129] {strides = array<i32>} : memref<256x128xf32, #tpu.memory_space<vmem>>, vector<16xf32>,
      %add3A_1131 = arith.constant 12 : i32
      %add3A_1132 = arith.addi %add3A_122, %add3A_1131 : i32
      %add3A_1133 = arith.constant 32 : i32
      %add3A_1134 = arith.addi %mul3A_1096, %add3A_1133 : i32
      %get3A_1135 = arith.index_cast %add3A_1132 : i32 to index
      %get3A_1136 = arith.index_cast %add3A_1134 : i32 to index
      %get3A_1137 = tpu.vector_load %arg14[%get3A_1135, %get3A_1136] {strides = array<i32>} : memref<256x128xf32, #tpu.memory_space<vmem>>, vector<16xf32>,
      %mul3A_1138 = arith.mulf %get3A_1130, %get3A_1137 : vector<16xf32>
      %add3A_1139 = arith.addf %add3A_1123, %mul3A_1138 : vector<16xf32>
      %add3A_1140 = arith.constant 12 : i32
      %add3A_1141 = arith.addi %add3A_122, %add3A_1140 : i32
      %add3A_1142 = arith.constant 48 : i32
      %add3A_1143 = arith.addi %mul3A_1090, %add3A_1142 : i32
      %get3A_1144 = arith.index_cast %add3A_1141 : i32 to index
      %get3A_1145 = arith.index_cast %add3A_1143 : i32 to index
      %get3A_1146 = tpu.vector_load %arg13[%get3A_1144, %get3A_1145] {strides = array<i32>} : memref<256x128xf32, #tpu.memory_space<vmem>>, vector<16xf32>,
      %add3A_1147 = arith.constant 12 : i32
      %add3A_1148 = arith.addi %add3A_122, %add3A_1147 : i32
      %add3A_1149 = arith.constant 48 : i32
      %add3A_1150 = arith.addi %mul3A_1096, %add3A_1149 : i32
      %get3A_1151 = arith.index_cast %add3A_1148 : i32 to index
      %get3A_1152 = arith.index_cast %add3A_1150 : i32 to index
      %get3A_1153 = tpu.vector_load %arg14[%get3A_1151, %get3A_1152] {strides = array<i32>} : memref<256x128xf32, #tpu.memory_space<vmem>>, vector<16xf32>,
      %mul3A_1154 = arith.mulf %get3A_1146, %get3A_1153 : vector<16xf32>
      %add3A_1155 = arith.addf %add3A_1139, %mul3A_1154 : vector<16xf32>
      %reduce_sum3A_1156 = arith.constant true
      %reduce_sum3A_1157 = vector.broadcast %reduce_sum3A_1156 : i1 to vector<16xi1>
      %reduce_sum3A_1158 = tpu.scan <sum>, %add3A_1155 masked %reduce_sum3A_1157 : vector<16xf32>, vector<16xi1> -> vector<16xf32>
      %reduce_sum3A_1159 = vector.extract %reduce_sum3A_1158[15] : f32 from vector<16xf32>
      %eq3A_1160 = arith.constant 12 : i32
      %eq3A_1161 = vector.broadcast %eq3A_1160 : i32 to vector<16xi32>
      %eq3A_1162 = arith.cmpi eq, %iota3A, %eq3A_1161 : vector<16xi32>
      %broadcast_in_dim3A_1163 = vector.broadcast %reduce_sum3A_1159 : f32 to vector<16xf32>
      %select_n3A_1164 = arith.select %eq3A_1162, %broadcast_in_dim3A_1163, %select_n3A_1084 : vector<16xi1>, vector<16xf32>
      %slice3A_1165 = vector.extract_strided_slice %get3A_125 {offsets = [13], sizes = [1], strides = [1]} : vector<16xi32> to vector<1xi32>
      %squeeze3A_1166 = vector.extract %slice3A_1165[0] : i32 from vector<1xi32>
      %and3A_1167 = arith.constant 1 : i32
      %and3A_1168 = arith.andi %squeeze3A_1166, %and3A_1167 : i32
      %mul3A_1169 = arith.constant 64 : i32
      %mul3A_1170 = arith.muli %and3A_1168, %mul3A_1169 : i32
      %slice3A_1171 = vector.extract_strided_slice %get3A_129 {offsets = [13], sizes = [1], strides = [1]} : vector<16xi32> to vector<1xi32>
      %squeeze3A_1172 = vector.extract %slice3A_1171[0] : i32 from vector<1xi32>
      %and3A_1173 = arith.constant 1 : i32
      %and3A_1174 = arith.andi %squeeze3A_1172, %and3A_1173 : i32
      %mul3A_1175 = arith.constant 64 : i32
      %mul3A_1176 = arith.muli %and3A_1174, %mul3A_1175 : i32
      %add3A_1177 = arith.constant 13 : i32
      %add3A_1178 = arith.addi %add3A_122, %add3A_1177 : i32
      %get3A_1179 = arith.index_cast %add3A_1178 : i32 to index
      %get3A_1180 = arith.index_cast %mul3A_1170 : i32 to index
      %get3A_1181 = tpu.vector_load %arg13[%get3A_1179, %get3A_1180] {strides = array<i32>} : memref<256x128xf32, #tpu.memory_space<vmem>>, vector<16xf32>,
      %add3A_1182 = arith.constant 13 : i32
      %add3A_1183 = arith.addi %add3A_122, %add3A_1182 : i32
      %get3A_1184 = arith.index_cast %add3A_1183 : i32 to index
      %get3A_1185 = arith.index_cast %mul3A_1176 : i32 to index
      %get3A_1186 = tpu.vector_load %arg14[%get3A_1184, %get3A_1185] {strides = array<i32>} : memref<256x128xf32, #tpu.memory_space<vmem>>, vector<16xf32>,
      %mul3A_1187 = arith.mulf %get3A_1181, %get3A_1186 : vector<16xf32>
      %add3A_1188 = arith.constant 13 : i32
      %add3A_1189 = arith.addi %add3A_122, %add3A_1188 : i32
      %add3A_1190 = arith.constant 16 : i32
      %add3A_1191 = arith.addi %mul3A_1170, %add3A_1190 : i32
      %get3A_1192 = arith.index_cast %add3A_1189 : i32 to index
      %get3A_1193 = arith.index_cast %add3A_1191 : i32 to index
      %get3A_1194 = tpu.vector_load %arg13[%get3A_1192, %get3A_1193] {strides = array<i32>} : memref<256x128xf32, #tpu.memory_space<vmem>>, vector<16xf32>,
      %add3A_1195 = arith.constant 13 : i32
      %add3A_1196 = arith.addi %add3A_122, %add3A_1195 : i32
      %add3A_1197 = arith.constant 16 : i32
      %add3A_1198 = arith.addi %mul3A_1176, %add3A_1197 : i32
      %get3A_1199 = arith.index_cast %add3A_1196 : i32 to index
      %get3A_1200 = arith.index_cast %add3A_1198 : i32 to index
      %get3A_1201 = tpu.vector_load %arg14[%get3A_1199, %get3A_1200] {strides = array<i32>} : memref<256x128xf32, #tpu.memory_space<vmem>>, vector<16xf32>,
      %mul3A_1202 = arith.mulf %get3A_1194, %get3A_1201 : vector<16xf32>
      %add3A_1203 = arith.addf %mul3A_1187, %mul3A_1202 : vector<16xf32>
      %add3A_1204 = arith.constant 13 : i32
      %add3A_1205 = arith.addi %add3A_122, %add3A_1204 : i32
      %add3A_1206 = arith.constant 32 : i32
      %add3A_1207 = arith.addi %mul3A_1170, %add3A_1206 : i32
      %get3A_1208 = arith.index_cast %add3A_1205 : i32 to index
      %get3A_1209 = arith.index_cast %add3A_1207 : i32 to index
      %get3A_1210 = tpu.vector_load %arg13[%get3A_1208, %get3A_1209] {strides = array<i32>} : memref<256x128xf32, #tpu.memory_space<vmem>>, vector<16xf32>,
      %add3A_1211 = arith.constant 13 : i32
      %add3A_1212 = arith.addi %add3A_122, %add3A_1211 : i32
      %add3A_1213 = arith.constant 32 : i32
      %add3A_1214 = arith.addi %mul3A_1176, %add3A_1213 : i32
      %get3A_1215 = arith.index_cast %add3A_1212 : i32 to index
      %get3A_1216 = arith.index_cast %add3A_1214 : i32 to index
      %get3A_1217 = tpu.vector_load %arg14[%get3A_1215, %get3A_1216] {strides = array<i32>} : memref<256x128xf32, #tpu.memory_space<vmem>>, vector<16xf32>,
      %mul3A_1218 = arith.mulf %get3A_1210, %get3A_1217 : vector<16xf32>
      %add3A_1219 = arith.addf %add3A_1203, %mul3A_1218 : vector<16xf32>
      %add3A_1220 = arith.constant 13 : i32
      %add3A_1221 = arith.addi %add3A_122, %add3A_1220 : i32
      %add3A_1222 = arith.constant 48 : i32
      %add3A_1223 = arith.addi %mul3A_1170, %add3A_1222 : i32
      %get3A_1224 = arith.index_cast %add3A_1221 : i32 to index
      %get3A_1225 = arith.index_cast %add3A_1223 : i32 to index
      %get3A_1226 = tpu.vector_load %arg13[%get3A_1224, %get3A_1225] {strides = array<i32>} : memref<256x128xf32, #tpu.memory_space<vmem>>, vector<16xf32>,
      %add3A_1227 = arith.constant 13 : i32
      %add3A_1228 = arith.addi %add3A_122, %add3A_1227 : i32
      %add3A_1229 = arith.constant 48 : i32
      %add3A_1230 = arith.addi %mul3A_1176, %add3A_1229 : i32
      %get3A_1231 = arith.index_cast %add3A_1228 : i32 to index
      %get3A_1232 = arith.index_cast %add3A_1230 : i32 to index
      %get3A_1233 = tpu.vector_load %arg14[%get3A_1231, %get3A_1232] {strides = array<i32>} : memref<256x128xf32, #tpu.memory_space<vmem>>, vector<16xf32>,
      %mul3A_1234 = arith.mulf %get3A_1226, %get3A_1233 : vector<16xf32>
      %add3A_1235 = arith.addf %add3A_1219, %mul3A_1234 : vector<16xf32>
      %reduce_sum3A_1236 = arith.constant true
      %reduce_sum3A_1237 = vector.broadcast %reduce_sum3A_1236 : i1 to vector<16xi1>
      %reduce_sum3A_1238 = tpu.scan <sum>, %add3A_1235 masked %reduce_sum3A_1237 : vector<16xf32>, vector<16xi1> -> vector<16xf32>
      %reduce_sum3A_1239 = vector.extract %reduce_sum3A_1238[15] : f32 from vector<16xf32>
      %eq3A_1240 = arith.constant 13 : i32
      %eq3A_1241 = vector.broadcast %eq3A_1240 : i32 to vector<16xi32>
      %eq3A_1242 = arith.cmpi eq, %iota3A, %eq3A_1241 : vector<16xi32>
      %broadcast_in_dim3A_1243 = vector.broadcast %reduce_sum3A_1239 : f32 to vector<16xf32>
      %select_n3A_1244 = arith.select %eq3A_1242, %broadcast_in_dim3A_1243, %select_n3A_1164 : vector<16xi1>, vector<16xf32>
      %slice3A_1245 = vector.extract_strided_slice %get3A_125 {offsets = [14], sizes = [1], strides = [1]} : vector<16xi32> to vector<1xi32>
      %squeeze3A_1246 = vector.extract %slice3A_1245[0] : i32 from vector<1xi32>
      %and3A_1247 = arith.constant 1 : i32
      %and3A_1248 = arith.andi %squeeze3A_1246, %and3A_1247 : i32
      %mul3A_1249 = arith.constant 64 : i32
      %mul3A_1250 = arith.muli %and3A_1248, %mul3A_1249 : i32
      %slice3A_1251 = vector.extract_strided_slice %get3A_129 {offsets = [14], sizes = [1], strides = [1]} : vector<16xi32> to vector<1xi32>
      %squeeze3A_1252 = vector.extract %slice3A_1251[0] : i32 from vector<1xi32>
      %and3A_1253 = arith.constant 1 : i32
      %and3A_1254 = arith.andi %squeeze3A_1252, %and3A_1253 : i32
      %mul3A_1255 = arith.constant 64 : i32
      %mul3A_1256 = arith.muli %and3A_1254, %mul3A_1255 : i32
      %add3A_1257 = arith.constant 14 : i32
      %add3A_1258 = arith.addi %add3A_122, %add3A_1257 : i32
      %get3A_1259 = arith.index_cast %add3A_1258 : i32 to index
      %get3A_1260 = arith.index_cast %mul3A_1250 : i32 to index
      %get3A_1261 = tpu.vector_load %arg13[%get3A_1259, %get3A_1260] {strides = array<i32>} : memref<256x128xf32, #tpu.memory_space<vmem>>, vector<16xf32>,
      %add3A_1262 = arith.constant 14 : i32
      %add3A_1263 = arith.addi %add3A_122, %add3A_1262 : i32
      %get3A_1264 = arith.index_cast %add3A_1263 : i32 to index
      %get3A_1265 = arith.index_cast %mul3A_1256 : i32 to index
      %get3A_1266 = tpu.vector_load %arg14[%get3A_1264, %get3A_1265] {strides = array<i32>} : memref<256x128xf32, #tpu.memory_space<vmem>>, vector<16xf32>,
      %mul3A_1267 = arith.mulf %get3A_1261, %get3A_1266 : vector<16xf32>
      %add3A_1268 = arith.constant 14 : i32
      %add3A_1269 = arith.addi %add3A_122, %add3A_1268 : i32
      %add3A_1270 = arith.constant 16 : i32
      %add3A_1271 = arith.addi %mul3A_1250, %add3A_1270 : i32
      %get3A_1272 = arith.index_cast %add3A_1269 : i32 to index
      %get3A_1273 = arith.index_cast %add3A_1271 : i32 to index
      %get3A_1274 = tpu.vector_load %arg13[%get3A_1272, %get3A_1273] {strides = array<i32>} : memref<256x128xf32, #tpu.memory_space<vmem>>, vector<16xf32>,
      %add3A_1275 = arith.constant 14 : i32
      %add3A_1276 = arith.addi %add3A_122, %add3A_1275 : i32
      %add3A_1277 = arith.constant 16 : i32
      %add3A_1278 = arith.addi %mul3A_1256, %add3A_1277 : i32
      %get3A_1279 = arith.index_cast %add3A_1276 : i32 to index
      %get3A_1280 = arith.index_cast %add3A_1278 : i32 to index
      %get3A_1281 = tpu.vector_load %arg14[%get3A_1279, %get3A_1280] {strides = array<i32>} : memref<256x128xf32, #tpu.memory_space<vmem>>, vector<16xf32>,
      %mul3A_1282 = arith.mulf %get3A_1274, %get3A_1281 : vector<16xf32>
      %add3A_1283 = arith.addf %mul3A_1267, %mul3A_1282 : vector<16xf32>
      %add3A_1284 = arith.constant 14 : i32
      %add3A_1285 = arith.addi %add3A_122, %add3A_1284 : i32
      %add3A_1286 = arith.constant 32 : i32
      %add3A_1287 = arith.addi %mul3A_1250, %add3A_1286 : i32
      %get3A_1288 = arith.index_cast %add3A_1285 : i32 to index
      %get3A_1289 = arith.index_cast %add3A_1287 : i32 to index
      %get3A_1290 = tpu.vector_load %arg13[%get3A_1288, %get3A_1289] {strides = array<i32>} : memref<256x128xf32, #tpu.memory_space<vmem>>, vector<16xf32>,
      %add3A_1291 = arith.constant 14 : i32
      %add3A_1292 = arith.addi %add3A_122, %add3A_1291 : i32
      %add3A_1293 = arith.constant 32 : i32
      %add3A_1294 = arith.addi %mul3A_1256, %add3A_1293 : i32
      %get3A_1295 = arith.index_cast %add3A_1292 : i32 to index
      %get3A_1296 = arith.index_cast %add3A_1294 : i32 to index
      %get3A_1297 = tpu.vector_load %arg14[%get3A_1295, %get3A_1296] {strides = array<i32>} : memref<256x128xf32, #tpu.memory_space<vmem>>, vector<16xf32>,
      %mul3A_1298 = arith.mulf %get3A_1290, %get3A_1297 : vector<16xf32>
      %add3A_1299 = arith.addf %add3A_1283, %mul3A_1298 : vector<16xf32>
      %add3A_1300 = arith.constant 14 : i32
      %add3A_1301 = arith.addi %add3A_122, %add3A_1300 : i32
      %add3A_1302 = arith.constant 48 : i32
      %add3A_1303 = arith.addi %mul3A_1250, %add3A_1302 : i32
      %get3A_1304 = arith.index_cast %add3A_1301 : i32 to index
      %get3A_1305 = arith.index_cast %add3A_1303 : i32 to index
      %get3A_1306 = tpu.vector_load %arg13[%get3A_1304, %get3A_1305] {strides = array<i32>} : memref<256x128xf32, #tpu.memory_space<vmem>>, vector<16xf32>,
      %add3A_1307 = arith.constant 14 : i32
      %add3A_1308 = arith.addi %add3A_122, %add3A_1307 : i32
      %add3A_1309 = arith.constant 48 : i32
      %add3A_1310 = arith.addi %mul3A_1256, %add3A_1309 : i32
      %get3A_1311 = arith.index_cast %add3A_1308 : i32 to index
      %get3A_1312 = arith.index_cast %add3A_1310 : i32 to index
      %get3A_1313 = tpu.vector_load %arg14[%get3A_1311, %get3A_1312] {strides = array<i32>} : memref<256x128xf32, #tpu.memory_space<vmem>>, vector<16xf32>,
      %mul3A_1314 = arith.mulf %get3A_1306, %get3A_1313 : vector<16xf32>
      %add3A_1315 = arith.addf %add3A_1299, %mul3A_1314 : vector<16xf32>
      %reduce_sum3A_1316 = arith.constant true
      %reduce_sum3A_1317 = vector.broadcast %reduce_sum3A_1316 : i1 to vector<16xi1>
      %reduce_sum3A_1318 = tpu.scan <sum>, %add3A_1315 masked %reduce_sum3A_1317 : vector<16xf32>, vector<16xi1> -> vector<16xf32>
      %reduce_sum3A_1319 = vector.extract %reduce_sum3A_1318[15] : f32 from vector<16xf32>
      %eq3A_1320 = arith.constant 14 : i32
      %eq3A_1321 = vector.broadcast %eq3A_1320 : i32 to vector<16xi32>
      %eq3A_1322 = arith.cmpi eq, %iota3A, %eq3A_1321 : vector<16xi32>
      %broadcast_in_dim3A_1323 = vector.broadcast %reduce_sum3A_1319 : f32 to vector<16xf32>
      %select_n3A_1324 = arith.select %eq3A_1322, %broadcast_in_dim3A_1323, %select_n3A_1244 : vector<16xi1>, vector<16xf32>
      %slice3A_1325 = vector.extract_strided_slice %get3A_125 {offsets = [15], sizes = [1], strides = [1]} : vector<16xi32> to vector<1xi32>
      %squeeze3A_1326 = vector.extract %slice3A_1325[0] : i32 from vector<1xi32>
      %and3A_1327 = arith.constant 1 : i32
      %and3A_1328 = arith.andi %squeeze3A_1326, %and3A_1327 : i32
      %mul3A_1329 = arith.constant 64 : i32
      %mul3A_1330 = arith.muli %and3A_1328, %mul3A_1329 : i32
      %slice3A_1331 = vector.extract_strided_slice %get3A_129 {offsets = [15], sizes = [1], strides = [1]} : vector<16xi32> to vector<1xi32>
      %squeeze3A_1332 = vector.extract %slice3A_1331[0] : i32 from vector<1xi32>
      %and3A_1333 = arith.constant 1 : i32
      %and3A_1334 = arith.andi %squeeze3A_1332, %and3A_1333 : i32
      %mul3A_1335 = arith.constant 64 : i32
      %mul3A_1336 = arith.muli %and3A_1334, %mul3A_1335 : i32
      %add3A_1337 = arith.constant 15 : i32
      %add3A_1338 = arith.addi %add3A_122, %add3A_1337 : i32
      %get3A_1339 = arith.index_cast %add3A_1338 : i32 to index
      %get3A_1340 = arith.index_cast %mul3A_1330 : i32 to index
      %get3A_1341 = tpu.vector_load %arg13[%get3A_1339, %get3A_1340] {strides = array<i32>} : memref<256x128xf32, #tpu.memory_space<vmem>>, vector<16xf32>,
      %add3A_1342 = arith.constant 15 : i32
      %add3A_1343 = arith.addi %add3A_122, %add3A_1342 : i32
      %get3A_1344 = arith.index_cast %add3A_1343 : i32 to index
      %get3A_1345 = arith.index_cast %mul3A_1336 : i32 to index
      %get3A_1346 = tpu.vector_load %arg14[%get3A_1344, %get3A_1345] {strides = array<i32>} : memref<256x128xf32, #tpu.memory_space<vmem>>, vector<16xf32>,
      %mul3A_1347 = arith.mulf %get3A_1341, %get3A_1346 : vector<16xf32>
      %add3A_1348 = arith.constant 15 : i32
      %add3A_1349 = arith.addi %add3A_122, %add3A_1348 : i32
      %add3A_1350 = arith.constant 16 : i32
      %add3A_1351 = arith.addi %mul3A_1330, %add3A_1350 : i32
      %get3A_1352 = arith.index_cast %add3A_1349 : i32 to index
      %get3A_1353 = arith.index_cast %add3A_1351 : i32 to index
      %get3A_1354 = tpu.vector_load %arg13[%get3A_1352, %get3A_1353] {strides = array<i32>} : memref<256x128xf32, #tpu.memory_space<vmem>>, vector<16xf32>,
      %add3A_1355 = arith.constant 15 : i32
      %add3A_1356 = arith.addi %add3A_122, %add3A_1355 : i32
      %add3A_1357 = arith.constant 16 : i32
      %add3A_1358 = arith.addi %mul3A_1336, %add3A_1357 : i32
      %get3A_1359 = arith.index_cast %add3A_1356 : i32 to index
      %get3A_1360 = arith.index_cast %add3A_1358 : i32 to index
      %get3A_1361 = tpu.vector_load %arg14[%get3A_1359, %get3A_1360] {strides = array<i32>} : memref<256x128xf32, #tpu.memory_space<vmem>>, vector<16xf32>,
      %mul3A_1362 = arith.mulf %get3A_1354, %get3A_1361 : vector<16xf32>
      %add3A_1363 = arith.addf %mul3A_1347, %mul3A_1362 : vector<16xf32>
      %add3A_1364 = arith.constant 15 : i32
      %add3A_1365 = arith.addi %add3A_122, %add3A_1364 : i32
      %add3A_1366 = arith.constant 32 : i32
      %add3A_1367 = arith.addi %mul3A_1330, %add3A_1366 : i32
      %get3A_1368 = arith.index_cast %add3A_1365 : i32 to index
      %get3A_1369 = arith.index_cast %add3A_1367 : i32 to index
      %get3A_1370 = tpu.vector_load %arg13[%get3A_1368, %get3A_1369] {strides = array<i32>} : memref<256x128xf32, #tpu.memory_space<vmem>>, vector<16xf32>,
      %add3A_1371 = arith.constant 15 : i32
      %add3A_1372 = arith.addi %add3A_122, %add3A_1371 : i32
      %add3A_1373 = arith.constant 32 : i32
      %add3A_1374 = arith.addi %mul3A_1336, %add3A_1373 : i32
      %get3A_1375 = arith.index_cast %add3A_1372 : i32 to index
      %get3A_1376 = arith.index_cast %add3A_1374 : i32 to index
      %get3A_1377 = tpu.vector_load %arg14[%get3A_1375, %get3A_1376] {strides = array<i32>} : memref<256x128xf32, #tpu.memory_space<vmem>>, vector<16xf32>,
      %mul3A_1378 = arith.mulf %get3A_1370, %get3A_1377 : vector<16xf32>
      %add3A_1379 = arith.addf %add3A_1363, %mul3A_1378 : vector<16xf32>
      %add3A_1380 = arith.constant 15 : i32
      %add3A_1381 = arith.addi %add3A_122, %add3A_1380 : i32
      %add3A_1382 = arith.constant 48 : i32
      %add3A_1383 = arith.addi %mul3A_1330, %add3A_1382 : i32
      %get3A_1384 = arith.index_cast %add3A_1381 : i32 to index
      %get3A_1385 = arith.index_cast %add3A_1383 : i32 to index
      %get3A_1386 = tpu.vector_load %arg13[%get3A_1384, %get3A_1385] {strides = array<i32>} : memref<256x128xf32, #tpu.memory_space<vmem>>, vector<16xf32>,
      %add3A_1387 = arith.constant 15 : i32
      %add3A_1388 = arith.addi %add3A_122, %add3A_1387 : i32
      %add3A_1389 = arith.constant 48 : i32
      %add3A_1390 = arith.addi %mul3A_1336, %add3A_1389 : i32
      %get3A_1391 = arith.index_cast %add3A_1388 : i32 to index
      %get3A_1392 = arith.index_cast %add3A_1390 : i32 to index
      %get3A_1393 = tpu.vector_load %arg14[%get3A_1391, %get3A_1392] {strides = array<i32>} : memref<256x128xf32, #tpu.memory_space<vmem>>, vector<16xf32>,
      %mul3A_1394 = arith.mulf %get3A_1386, %get3A_1393 : vector<16xf32>
      %add3A_1395 = arith.addf %add3A_1379, %mul3A_1394 : vector<16xf32>
      %reduce_sum3A_1396 = arith.constant true
      %reduce_sum3A_1397 = vector.broadcast %reduce_sum3A_1396 : i1 to vector<16xi1>
      %reduce_sum3A_1398 = tpu.scan <sum>, %add3A_1395 masked %reduce_sum3A_1397 : vector<16xf32>, vector<16xi1> -> vector<16xf32>
      %reduce_sum3A_1399 = vector.extract %reduce_sum3A_1398[15] : f32 from vector<16xf32>
      %eq3A_1400 = arith.constant 15 : i32
      %eq3A_1401 = vector.broadcast %eq3A_1400 : i32 to vector<16xi32>
      %eq3A_1402 = arith.cmpi eq, %iota3A, %eq3A_1401 : vector<16xi32>
      %broadcast_in_dim3A_1403 = vector.broadcast %reduce_sum3A_1399 : f32 to vector<16xf32>
      %select_n3A_1404 = arith.select %eq3A_1402, %broadcast_in_dim3A_1403, %select_n3A_1324 : vector<16xi1>, vector<16xf32>
      %add3A_1405 = arith.constant 0 : i32
      %add3A_1406 = arith.addi %add3A_1405, %add3A_122 : i32
      %swap3A = arith.index_cast %add3A_1406 : i32 to index
      %swap3A_1407 = tpu.vector_load %arg15[%swap3A] {strides = array<i32>} : memref<512xf32, #tpu.memory_space<vmem>>, vector<16xf32>,
      tpu.vector_store %arg15[%swap3A], %select_n3A_1404 {strides = array<i32>} : memref<512xf32, #tpu.memory_space<vmem>>, vector<16xf32>,
    }
    %scan3A_63 = arith.constant 16 : i32
    %dma_start3A_64 = arith.constant 256 : i32
    %dma_start3A_65 = tpu.memref_slice %arg11[%dma_start3A_64] : memref<512xi32, #tpu.memory_space<vmem>> -> memref<256xi32, #tpu.memory_space<vmem>>
    %dma_start3A_66 = arith.constant 0 : i32
    %dma_start3A_67 = arith.constant 0 : i32
    %dma_start3A_68 = tpu.memref_slice %arg2[%dma_start3A_66, %dma_start3A_67] : memref<500000x128xf32, #tpu.memory_space<hbm>> -> memref<500000x128xf32, #tpu.memory_space<hbm>>
    tpu.enqueue_indirect_dma source(%dma_start3A_68 : memref<500000x128xf32, #tpu.memory_space<hbm>>) target(%arg13 : memref<256x128xf32, #tpu.memory_space<vmem>>) offsets(%dma_start3A_65 : memref<256xi32, #tpu.memory_space<vmem>>) semaphore(%arg19 : memref<!tpu.dma_semaphore, #tpu.memory_space<semaphore_mem>>)
    %dma_start3A_69 = arith.constant 256 : i32
    %dma_start3A_70 = tpu.memref_slice %arg12[%dma_start3A_69] : memref<512xi32, #tpu.memory_space<vmem>> -> memref<256xi32, #tpu.memory_space<vmem>>
    %dma_start3A_71 = arith.constant 0 : i32
    %dma_start3A_72 = arith.constant 0 : i32
    %dma_start3A_73 = tpu.memref_slice %arg3[%dma_start3A_71, %dma_start3A_72] : memref<50000x128xf32, #tpu.memory_space<hbm>> -> memref<50000x128xf32, #tpu.memory_space<hbm>>
    tpu.enqueue_indirect_dma source(%dma_start3A_73 : memref<50000x128xf32, #tpu.memory_space<hbm>>) target(%arg14 : memref<256x128xf32, #tpu.memory_space<vmem>>) offsets(%dma_start3A_70 : memref<256xi32, #tpu.memory_space<vmem>>) semaphore(%arg20 : memref<!tpu.dma_semaphore, #tpu.memory_space<semaphore_mem>>)
    %dma_wait3A_74 = arith.constant 256 : i32
    %dma_wait3A_75 = tpu.memref_slice %arg11[%dma_wait3A_74] : memref<512xi32, #tpu.memory_space<vmem>> -> memref<256xi32, #tpu.memory_space<vmem>>
    %dma_wait3A_76 = arith.constant 0 : i32
    %dma_wait3A_77 = arith.constant 0 : i32
    %dma_wait3A_78 = tpu.memref_slice %arg2[%dma_wait3A_76, %dma_wait3A_77] : memref<500000x128xf32, #tpu.memory_space<hbm>> -> memref<500000x128xf32, #tpu.memory_space<hbm>>
    tpu.wait_indirect_dma semaphore(%arg19 : memref<!tpu.dma_semaphore, #tpu.memory_space<semaphore_mem>>) src(%dma_wait3A_78 : memref<500000x128xf32, #tpu.memory_space<hbm>>) dst(%arg13 : memref<256x128xf32, #tpu.memory_space<vmem>>)
    %dma_wait3A_79 = arith.constant 256 : i32
    %dma_wait3A_80 = tpu.memref_slice %arg12[%dma_wait3A_79] : memref<512xi32, #tpu.memory_space<vmem>> -> memref<256xi32, #tpu.memory_space<vmem>>
    %dma_wait3A_81 = arith.constant 0 : i32
    %dma_wait3A_82 = arith.constant 0 : i32
    %dma_wait3A_83 = tpu.memref_slice %arg3[%dma_wait3A_81, %dma_wait3A_82] : memref<50000x128xf32, #tpu.memory_space<hbm>> -> memref<50000x128xf32, #tpu.memory_space<hbm>>
    tpu.wait_indirect_dma semaphore(%arg20 : memref<!tpu.dma_semaphore, #tpu.memory_space<semaphore_mem>>) src(%dma_wait3A_83 : memref<50000x128xf32, #tpu.memory_space<hbm>>) dst(%arg14 : memref<256x128xf32, #tpu.memory_space<vmem>>)
    %scan3A_84 = arith.constant 0 : i32
    %scan3A_85 = arith.constant 16 : i32
    %scan3A_86 = arith.addi %scan3A_84, %scan3A_85 : i32
    %scan3A_87 = arith.constant 1 : i32
    scf.for %scan3A_118 = %scan3A_84 to %scan3A_86 step %scan3A_87  : i32 {
      %mul3A_119 = arith.constant 16 : i32
      %mul3A_120 = arith.muli %scan3A_118, %mul3A_119 : i32
      %add3A_121 = arith.constant 0 : i32
      %add3A_122 = arith.addi %add3A_121, %mul3A_120 : i32
      %add3A_123 = arith.constant 256 : i32
      %add3A_124 = arith.addi %add3A_123, %add3A_122 : i32
      %get3A = arith.index_cast %add3A_124 : i32 to index
      %get3A_125 = tpu.vector_load %arg9[%get3A] {strides = array<i32>} : memref<512xi32, #tpu.memory_space<vmem>>, vector<16xi32>,
      %add3A_126 = arith.constant 256 : i32
      %add3A_127 = arith.addi %add3A_126, %add3A_122 : i32
      %get3A_128 = arith.index_cast %add3A_127 : i32 to index
      %get3A_129 = tpu.vector_load %arg10[%get3A_128] {strides = array<i32>} : memref<512xi32, #tpu.memory_space<vmem>>, vector<16xi32>,
      %broadcast_in_dim3A = arith.constant 0.000000e+00 : f32
      %broadcast_in_dim3A_130 = vector.broadcast %broadcast_in_dim3A : f32 to vector<16xf32>
      %slice3A = vector.extract_strided_slice %get3A_125 {offsets = [0], sizes = [1], strides = [1]} : vector<16xi32> to vector<1xi32>
      %squeeze3A = vector.extract %slice3A[0] : i32 from vector<1xi32>
      %and3A = arith.constant 1 : i32
      %and3A_131 = arith.andi %squeeze3A, %and3A : i32
      %mul3A_132 = arith.constant 64 : i32
      %mul3A_133 = arith.muli %and3A_131, %mul3A_132 : i32
      %slice3A_134 = vector.extract_strided_slice %get3A_129 {offsets = [0], sizes = [1], strides = [1]} : vector<16xi32> to vector<1xi32>
      %squeeze3A_135 = vector.extract %slice3A_134[0] : i32 from vector<1xi32>
      %and3A_136 = arith.constant 1 : i32
      %and3A_137 = arith.andi %squeeze3A_135, %and3A_136 : i32
      %mul3A_138 = arith.constant 64 : i32
      %mul3A_139 = arith.muli %and3A_137, %mul3A_138 : i32
      %add3A_140 = arith.constant 0 : i32
      %add3A_141 = arith.addi %add3A_122, %add3A_140 : i32
      %get3A_142 = arith.index_cast %add3A_141 : i32 to index
      %get3A_143 = arith.index_cast %mul3A_133 : i32 to index
      %get3A_144 = tpu.vector_load %arg13[%get3A_142, %get3A_143] {strides = array<i32>} : memref<256x128xf32, #tpu.memory_space<vmem>>, vector<16xf32>,
      %add3A_145 = arith.constant 0 : i32
      %add3A_146 = arith.addi %add3A_122, %add3A_145 : i32
      %get3A_147 = arith.index_cast %add3A_146 : i32 to index
      %get3A_148 = arith.index_cast %mul3A_139 : i32 to index
      %get3A_149 = tpu.vector_load %arg14[%get3A_147, %get3A_148] {strides = array<i32>} : memref<256x128xf32, #tpu.memory_space<vmem>>, vector<16xf32>,
      %mul3A_150 = arith.mulf %get3A_144, %get3A_149 : vector<16xf32>
      %add3A_151 = arith.constant 0 : i32
      %add3A_152 = arith.addi %add3A_122, %add3A_151 : i32
      %add3A_153 = arith.constant 16 : i32
      %add3A_154 = arith.addi %mul3A_133, %add3A_153 : i32
      %get3A_155 = arith.index_cast %add3A_152 : i32 to index
      %get3A_156 = arith.index_cast %add3A_154 : i32 to index
      %get3A_157 = tpu.vector_load %arg13[%get3A_155, %get3A_156] {strides = array<i32>} : memref<256x128xf32, #tpu.memory_space<vmem>>, vector<16xf32>,
      %add3A_158 = arith.constant 0 : i32
      %add3A_159 = arith.addi %add3A_122, %add3A_158 : i32
      %add3A_160 = arith.constant 16 : i32
      %add3A_161 = arith.addi %mul3A_139, %add3A_160 : i32
      %get3A_162 = arith.index_cast %add3A_159 : i32 to index
      %get3A_163 = arith.index_cast %add3A_161 : i32 to index
      %get3A_164 = tpu.vector_load %arg14[%get3A_162, %get3A_163] {strides = array<i32>} : memref<256x128xf32, #tpu.memory_space<vmem>>, vector<16xf32>,
      %mul3A_165 = arith.mulf %get3A_157, %get3A_164 : vector<16xf32>
      %add3A_166 = arith.addf %mul3A_150, %mul3A_165 : vector<16xf32>
      %add3A_167 = arith.constant 0 : i32
      %add3A_168 = arith.addi %add3A_122, %add3A_167 : i32
      %add3A_169 = arith.constant 32 : i32
      %add3A_170 = arith.addi %mul3A_133, %add3A_169 : i32
      %get3A_171 = arith.index_cast %add3A_168 : i32 to index
      %get3A_172 = arith.index_cast %add3A_170 : i32 to index
      %get3A_173 = tpu.vector_load %arg13[%get3A_171, %get3A_172] {strides = array<i32>} : memref<256x128xf32, #tpu.memory_space<vmem>>, vector<16xf32>,
      %add3A_174 = arith.constant 0 : i32
      %add3A_175 = arith.addi %add3A_122, %add3A_174 : i32
      %add3A_176 = arith.constant 32 : i32
      %add3A_177 = arith.addi %mul3A_139, %add3A_176 : i32
      %get3A_178 = arith.index_cast %add3A_175 : i32 to index
      %get3A_179 = arith.index_cast %add3A_177 : i32 to index
      %get3A_180 = tpu.vector_load %arg14[%get3A_178, %get3A_179] {strides = array<i32>} : memref<256x128xf32, #tpu.memory_space<vmem>>, vector<16xf32>,
      %mul3A_181 = arith.mulf %get3A_173, %get3A_180 : vector<16xf32>
      %add3A_182 = arith.addf %add3A_166, %mul3A_181 : vector<16xf32>
      %add3A_183 = arith.constant 0 : i32
      %add3A_184 = arith.addi %add3A_122, %add3A_183 : i32
      %add3A_185 = arith.constant 48 : i32
      %add3A_186 = arith.addi %mul3A_133, %add3A_185 : i32
      %get3A_187 = arith.index_cast %add3A_184 : i32 to index
      %get3A_188 = arith.index_cast %add3A_186 : i32 to index
      %get3A_189 = tpu.vector_load %arg13[%get3A_187, %get3A_188] {strides = array<i32>} : memref<256x128xf32, #tpu.memory_space<vmem>>, vector<16xf32>,
      %add3A_190 = arith.constant 0 : i32
      %add3A_191 = arith.addi %add3A_122, %add3A_190 : i32
      %add3A_192 = arith.constant 48 : i32
      %add3A_193 = arith.addi %mul3A_139, %add3A_192 : i32
      %get3A_194 = arith.index_cast %add3A_191 : i32 to index
      %get3A_195 = arith.index_cast %add3A_193 : i32 to index
      %get3A_196 = tpu.vector_load %arg14[%get3A_194, %get3A_195] {strides = array<i32>} : memref<256x128xf32, #tpu.memory_space<vmem>>, vector<16xf32>,
      %mul3A_197 = arith.mulf %get3A_189, %get3A_196 : vector<16xf32>
      %add3A_198 = arith.addf %add3A_182, %mul3A_197 : vector<16xf32>
      %reduce_sum3A = arith.constant true
      %reduce_sum3A_199 = vector.broadcast %reduce_sum3A : i1 to vector<16xi1>
      %reduce_sum3A_200 = tpu.scan <sum>, %add3A_198 masked %reduce_sum3A_199 : vector<16xf32>, vector<16xi1> -> vector<16xf32>
      %reduce_sum3A_201 = vector.extract %reduce_sum3A_200[15] : f32 from vector<16xf32>
      %eq3A = arith.constant 0 : i32
      %eq3A_202 = vector.broadcast %eq3A : i32 to vector<16xi32>
      %eq3A_203 = arith.cmpi eq, %iota3A, %eq3A_202 : vector<16xi32>
      %broadcast_in_dim3A_204 = vector.broadcast %reduce_sum3A_201 : f32 to vector<16xf32>
      %select_n3A = arith.select %eq3A_203, %broadcast_in_dim3A_204, %broadcast_in_dim3A_130 : vector<16xi1>, vector<16xf32>
      %slice3A_205 = vector.extract_strided_slice %get3A_125 {offsets = [1], sizes = [1], strides = [1]} : vector<16xi32> to vector<1xi32>
      %squeeze3A_206 = vector.extract %slice3A_205[0] : i32 from vector<1xi32>
      %and3A_207 = arith.constant 1 : i32
      %and3A_208 = arith.andi %squeeze3A_206, %and3A_207 : i32
      %mul3A_209 = arith.constant 64 : i32
      %mul3A_210 = arith.muli %and3A_208, %mul3A_209 : i32
      %slice3A_211 = vector.extract_strided_slice %get3A_129 {offsets = [1], sizes = [1], strides = [1]} : vector<16xi32> to vector<1xi32>
      %squeeze3A_212 = vector.extract %slice3A_211[0] : i32 from vector<1xi32>
      %and3A_213 = arith.constant 1 : i32
      %and3A_214 = arith.andi %squeeze3A_212, %and3A_213 : i32
      %mul3A_215 = arith.constant 64 : i32
      %mul3A_216 = arith.muli %and3A_214, %mul3A_215 : i32
      %add3A_217 = arith.constant 1 : i32
      %add3A_218 = arith.addi %add3A_122, %add3A_217 : i32
      %get3A_219 = arith.index_cast %add3A_218 : i32 to index
      %get3A_220 = arith.index_cast %mul3A_210 : i32 to index
      %get3A_221 = tpu.vector_load %arg13[%get3A_219, %get3A_220] {strides = array<i32>} : memref<256x128xf32, #tpu.memory_space<vmem>>, vector<16xf32>,
      %add3A_222 = arith.constant 1 : i32
      %add3A_223 = arith.addi %add3A_122, %add3A_222 : i32
      %get3A_224 = arith.index_cast %add3A_223 : i32 to index
      %get3A_225 = arith.index_cast %mul3A_216 : i32 to index
      %get3A_226 = tpu.vector_load %arg14[%get3A_224, %get3A_225] {strides = array<i32>} : memref<256x128xf32, #tpu.memory_space<vmem>>, vector<16xf32>,
      %mul3A_227 = arith.mulf %get3A_221, %get3A_226 : vector<16xf32>
      %add3A_228 = arith.constant 1 : i32
      %add3A_229 = arith.addi %add3A_122, %add3A_228 : i32
      %add3A_230 = arith.constant 16 : i32
      %add3A_231 = arith.addi %mul3A_210, %add3A_230 : i32
      %get3A_232 = arith.index_cast %add3A_229 : i32 to index
      %get3A_233 = arith.index_cast %add3A_231 : i32 to index
      %get3A_234 = tpu.vector_load %arg13[%get3A_232, %get3A_233] {strides = array<i32>} : memref<256x128xf32, #tpu.memory_space<vmem>>, vector<16xf32>,
      %add3A_235 = arith.constant 1 : i32
      %add3A_236 = arith.addi %add3A_122, %add3A_235 : i32
      %add3A_237 = arith.constant 16 : i32
      %add3A_238 = arith.addi %mul3A_216, %add3A_237 : i32
      %get3A_239 = arith.index_cast %add3A_236 : i32 to index
      %get3A_240 = arith.index_cast %add3A_238 : i32 to index
      %get3A_241 = tpu.vector_load %arg14[%get3A_239, %get3A_240] {strides = array<i32>} : memref<256x128xf32, #tpu.memory_space<vmem>>, vector<16xf32>,
      %mul3A_242 = arith.mulf %get3A_234, %get3A_241 : vector<16xf32>
      %add3A_243 = arith.addf %mul3A_227, %mul3A_242 : vector<16xf32>
      %add3A_244 = arith.constant 1 : i32
      %add3A_245 = arith.addi %add3A_122, %add3A_244 : i32
      %add3A_246 = arith.constant 32 : i32
      %add3A_247 = arith.addi %mul3A_210, %add3A_246 : i32
      %get3A_248 = arith.index_cast %add3A_245 : i32 to index
      %get3A_249 = arith.index_cast %add3A_247 : i32 to index
      %get3A_250 = tpu.vector_load %arg13[%get3A_248, %get3A_249] {strides = array<i32>} : memref<256x128xf32, #tpu.memory_space<vmem>>, vector<16xf32>,
      %add3A_251 = arith.constant 1 : i32
      %add3A_252 = arith.addi %add3A_122, %add3A_251 : i32
      %add3A_253 = arith.constant 32 : i32
      %add3A_254 = arith.addi %mul3A_216, %add3A_253 : i32
      %get3A_255 = arith.index_cast %add3A_252 : i32 to index
      %get3A_256 = arith.index_cast %add3A_254 : i32 to index
      %get3A_257 = tpu.vector_load %arg14[%get3A_255, %get3A_256] {strides = array<i32>} : memref<256x128xf32, #tpu.memory_space<vmem>>, vector<16xf32>,
      %mul3A_258 = arith.mulf %get3A_250, %get3A_257 : vector<16xf32>
      %add3A_259 = arith.addf %add3A_243, %mul3A_258 : vector<16xf32>
      %add3A_260 = arith.constant 1 : i32
      %add3A_261 = arith.addi %add3A_122, %add3A_260 : i32
      %add3A_262 = arith.constant 48 : i32
      %add3A_263 = arith.addi %mul3A_210, %add3A_262 : i32
      %get3A_264 = arith.index_cast %add3A_261 : i32 to index
      %get3A_265 = arith.index_cast %add3A_263 : i32 to index
      %get3A_266 = tpu.vector_load %arg13[%get3A_264, %get3A_265] {strides = array<i32>} : memref<256x128xf32, #tpu.memory_space<vmem>>, vector<16xf32>,
      %add3A_267 = arith.constant 1 : i32
      %add3A_268 = arith.addi %add3A_122, %add3A_267 : i32
      %add3A_269 = arith.constant 48 : i32
      %add3A_270 = arith.addi %mul3A_216, %add3A_269 : i32
      %get3A_271 = arith.index_cast %add3A_268 : i32 to index
      %get3A_272 = arith.index_cast %add3A_270 : i32 to index
      %get3A_273 = tpu.vector_load %arg14[%get3A_271, %get3A_272] {strides = array<i32>} : memref<256x128xf32, #tpu.memory_space<vmem>>, vector<16xf32>,
      %mul3A_274 = arith.mulf %get3A_266, %get3A_273 : vector<16xf32>
      %add3A_275 = arith.addf %add3A_259, %mul3A_274 : vector<16xf32>
      %reduce_sum3A_276 = arith.constant true
      %reduce_sum3A_277 = vector.broadcast %reduce_sum3A_276 : i1 to vector<16xi1>
      %reduce_sum3A_278 = tpu.scan <sum>, %add3A_275 masked %reduce_sum3A_277 : vector<16xf32>, vector<16xi1> -> vector<16xf32>
      %reduce_sum3A_279 = vector.extract %reduce_sum3A_278[15] : f32 from vector<16xf32>
      %eq3A_280 = arith.constant 1 : i32
      %eq3A_281 = vector.broadcast %eq3A_280 : i32 to vector<16xi32>
      %eq3A_282 = arith.cmpi eq, %iota3A, %eq3A_281 : vector<16xi32>
      %broadcast_in_dim3A_283 = vector.broadcast %reduce_sum3A_279 : f32 to vector<16xf32>
      %select_n3A_284 = arith.select %eq3A_282, %broadcast_in_dim3A_283, %select_n3A : vector<16xi1>, vector<16xf32>
      %slice3A_285 = vector.extract_strided_slice %get3A_125 {offsets = [2], sizes = [1], strides = [1]} : vector<16xi32> to vector<1xi32>
      %squeeze3A_286 = vector.extract %slice3A_285[0] : i32 from vector<1xi32>
      %and3A_287 = arith.constant 1 : i32
      %and3A_288 = arith.andi %squeeze3A_286, %and3A_287 : i32
      %mul3A_289 = arith.constant 64 : i32
      %mul3A_290 = arith.muli %and3A_288, %mul3A_289 : i32
      %slice3A_291 = vector.extract_strided_slice %get3A_129 {offsets = [2], sizes = [1], strides = [1]} : vector<16xi32> to vector<1xi32>
      %squeeze3A_292 = vector.extract %slice3A_291[0] : i32 from vector<1xi32>
      %and3A_293 = arith.constant 1 : i32
      %and3A_294 = arith.andi %squeeze3A_292, %and3A_293 : i32
      %mul3A_295 = arith.constant 64 : i32
      %mul3A_296 = arith.muli %and3A_294, %mul3A_295 : i32
      %add3A_297 = arith.constant 2 : i32
      %add3A_298 = arith.addi %add3A_122, %add3A_297 : i32
      %get3A_299 = arith.index_cast %add3A_298 : i32 to index
      %get3A_300 = arith.index_cast %mul3A_290 : i32 to index
      %get3A_301 = tpu.vector_load %arg13[%get3A_299, %get3A_300] {strides = array<i32>} : memref<256x128xf32, #tpu.memory_space<vmem>>, vector<16xf32>,
      %add3A_302 = arith.constant 2 : i32
      %add3A_303 = arith.addi %add3A_122, %add3A_302 : i32
      %get3A_304 = arith.index_cast %add3A_303 : i32 to index
      %get3A_305 = arith.index_cast %mul3A_296 : i32 to index
      %get3A_306 = tpu.vector_load %arg14[%get3A_304, %get3A_305] {strides = array<i32>} : memref<256x128xf32, #tpu.memory_space<vmem>>, vector<16xf32>,
      %mul3A_307 = arith.mulf %get3A_301, %get3A_306 : vector<16xf32>
      %add3A_308 = arith.constant 2 : i32
      %add3A_309 = arith.addi %add3A_122, %add3A_308 : i32
      %add3A_310 = arith.constant 16 : i32
      %add3A_311 = arith.addi %mul3A_290, %add3A_310 : i32
      %get3A_312 = arith.index_cast %add3A_309 : i32 to index
      %get3A_313 = arith.index_cast %add3A_311 : i32 to index
      %get3A_314 = tpu.vector_load %arg13[%get3A_312, %get3A_313] {strides = array<i32>} : memref<256x128xf32, #tpu.memory_space<vmem>>, vector<16xf32>,
      %add3A_315 = arith.constant 2 : i32
      %add3A_316 = arith.addi %add3A_122, %add3A_315 : i32
      %add3A_317 = arith.constant 16 : i32
      %add3A_318 = arith.addi %mul3A_296, %add3A_317 : i32
      %get3A_319 = arith.index_cast %add3A_316 : i32 to index
      %get3A_320 = arith.index_cast %add3A_318 : i32 to index
      %get3A_321 = tpu.vector_load %arg14[%get3A_319, %get3A_320] {strides = array<i32>} : memref<256x128xf32, #tpu.memory_space<vmem>>, vector<16xf32>,
      %mul3A_322 = arith.mulf %get3A_314, %get3A_321 : vector<16xf32>
      %add3A_323 = arith.addf %mul3A_307, %mul3A_322 : vector<16xf32>
      %add3A_324 = arith.constant 2 : i32
      %add3A_325 = arith.addi %add3A_122, %add3A_324 : i32
      %add3A_326 = arith.constant 32 : i32
      %add3A_327 = arith.addi %mul3A_290, %add3A_326 : i32
      %get3A_328 = arith.index_cast %add3A_325 : i32 to index
      %get3A_329 = arith.index_cast %add3A_327 : i32 to index
      %get3A_330 = tpu.vector_load %arg13[%get3A_328, %get3A_329] {strides = array<i32>} : memref<256x128xf32, #tpu.memory_space<vmem>>, vector<16xf32>,
      %add3A_331 = arith.constant 2 : i32
      %add3A_332 = arith.addi %add3A_122, %add3A_331 : i32
      %add3A_333 = arith.constant 32 : i32
      %add3A_334 = arith.addi %mul3A_296, %add3A_333 : i32
      %get3A_335 = arith.index_cast %add3A_332 : i32 to index
      %get3A_336 = arith.index_cast %add3A_334 : i32 to index
      %get3A_337 = tpu.vector_load %arg14[%get3A_335, %get3A_336] {strides = array<i32>} : memref<256x128xf32, #tpu.memory_space<vmem>>, vector<16xf32>,
      %mul3A_338 = arith.mulf %get3A_330, %get3A_337 : vector<16xf32>
      %add3A_339 = arith.addf %add3A_323, %mul3A_338 : vector<16xf32>
      %add3A_340 = arith.constant 2 : i32
      %add3A_341 = arith.addi %add3A_122, %add3A_340 : i32
      %add3A_342 = arith.constant 48 : i32
      %add3A_343 = arith.addi %mul3A_290, %add3A_342 : i32
      %get3A_344 = arith.index_cast %add3A_341 : i32 to index
      %get3A_345 = arith.index_cast %add3A_343 : i32 to index
      %get3A_346 = tpu.vector_load %arg13[%get3A_344, %get3A_345] {strides = array<i32>} : memref<256x128xf32, #tpu.memory_space<vmem>>, vector<16xf32>,
      %add3A_347 = arith.constant 2 : i32
      %add3A_348 = arith.addi %add3A_122, %add3A_347 : i32
      %add3A_349 = arith.constant 48 : i32
      %add3A_350 = arith.addi %mul3A_296, %add3A_349 : i32
      %get3A_351 = arith.index_cast %add3A_348 : i32 to index
      %get3A_352 = arith.index_cast %add3A_350 : i32 to index
      %get3A_353 = tpu.vector_load %arg14[%get3A_351, %get3A_352] {strides = array<i32>} : memref<256x128xf32, #tpu.memory_space<vmem>>, vector<16xf32>,
      %mul3A_354 = arith.mulf %get3A_346, %get3A_353 : vector<16xf32>
      %add3A_355 = arith.addf %add3A_339, %mul3A_354 : vector<16xf32>
      %reduce_sum3A_356 = arith.constant true
      %reduce_sum3A_357 = vector.broadcast %reduce_sum3A_356 : i1 to vector<16xi1>
      %reduce_sum3A_358 = tpu.scan <sum>, %add3A_355 masked %reduce_sum3A_357 : vector<16xf32>, vector<16xi1> -> vector<16xf32>
      %reduce_sum3A_359 = vector.extract %reduce_sum3A_358[15] : f32 from vector<16xf32>
      %eq3A_360 = arith.constant 2 : i32
      %eq3A_361 = vector.broadcast %eq3A_360 : i32 to vector<16xi32>
      %eq3A_362 = arith.cmpi eq, %iota3A, %eq3A_361 : vector<16xi32>
      %broadcast_in_dim3A_363 = vector.broadcast %reduce_sum3A_359 : f32 to vector<16xf32>
      %select_n3A_364 = arith.select %eq3A_362, %broadcast_in_dim3A_363, %select_n3A_284 : vector<16xi1>, vector<16xf32>
      %slice3A_365 = vector.extract_strided_slice %get3A_125 {offsets = [3], sizes = [1], strides = [1]} : vector<16xi32> to vector<1xi32>
      %squeeze3A_366 = vector.extract %slice3A_365[0] : i32 from vector<1xi32>
      %and3A_367 = arith.constant 1 : i32
      %and3A_368 = arith.andi %squeeze3A_366, %and3A_367 : i32
      %mul3A_369 = arith.constant 64 : i32
      %mul3A_370 = arith.muli %and3A_368, %mul3A_369 : i32
      %slice3A_371 = vector.extract_strided_slice %get3A_129 {offsets = [3], sizes = [1], strides = [1]} : vector<16xi32> to vector<1xi32>
      %squeeze3A_372 = vector.extract %slice3A_371[0] : i32 from vector<1xi32>
      %and3A_373 = arith.constant 1 : i32
      %and3A_374 = arith.andi %squeeze3A_372, %and3A_373 : i32
      %mul3A_375 = arith.constant 64 : i32
      %mul3A_376 = arith.muli %and3A_374, %mul3A_375 : i32
      %add3A_377 = arith.constant 3 : i32
      %add3A_378 = arith.addi %add3A_122, %add3A_377 : i32
      %get3A_379 = arith.index_cast %add3A_378 : i32 to index
      %get3A_380 = arith.index_cast %mul3A_370 : i32 to index
      %get3A_381 = tpu.vector_load %arg13[%get3A_379, %get3A_380] {strides = array<i32>} : memref<256x128xf32, #tpu.memory_space<vmem>>, vector<16xf32>,
      %add3A_382 = arith.constant 3 : i32
      %add3A_383 = arith.addi %add3A_122, %add3A_382 : i32
      %get3A_384 = arith.index_cast %add3A_383 : i32 to index
      %get3A_385 = arith.index_cast %mul3A_376 : i32 to index
      %get3A_386 = tpu.vector_load %arg14[%get3A_384, %get3A_385] {strides = array<i32>} : memref<256x128xf32, #tpu.memory_space<vmem>>, vector<16xf32>,
      %mul3A_387 = arith.mulf %get3A_381, %get3A_386 : vector<16xf32>
      %add3A_388 = arith.constant 3 : i32
      %add3A_389 = arith.addi %add3A_122, %add3A_388 : i32
      %add3A_390 = arith.constant 16 : i32
      %add3A_391 = arith.addi %mul3A_370, %add3A_390 : i32
      %get3A_392 = arith.index_cast %add3A_389 : i32 to index
      %get3A_393 = arith.index_cast %add3A_391 : i32 to index
      %get3A_394 = tpu.vector_load %arg13[%get3A_392, %get3A_393] {strides = array<i32>} : memref<256x128xf32, #tpu.memory_space<vmem>>, vector<16xf32>,
      %add3A_395 = arith.constant 3 : i32
      %add3A_396 = arith.addi %add3A_122, %add3A_395 : i32
      %add3A_397 = arith.constant 16 : i32
      %add3A_398 = arith.addi %mul3A_376, %add3A_397 : i32
      %get3A_399 = arith.index_cast %add3A_396 : i32 to index
      %get3A_400 = arith.index_cast %add3A_398 : i32 to index
      %get3A_401 = tpu.vector_load %arg14[%get3A_399, %get3A_400] {strides = array<i32>} : memref<256x128xf32, #tpu.memory_space<vmem>>, vector<16xf32>,
      %mul3A_402 = arith.mulf %get3A_394, %get3A_401 : vector<16xf32>
      %add3A_403 = arith.addf %mul3A_387, %mul3A_402 : vector<16xf32>
      %add3A_404 = arith.constant 3 : i32
      %add3A_405 = arith.addi %add3A_122, %add3A_404 : i32
      %add3A_406 = arith.constant 32 : i32
      %add3A_407 = arith.addi %mul3A_370, %add3A_406 : i32
      %get3A_408 = arith.index_cast %add3A_405 : i32 to index
      %get3A_409 = arith.index_cast %add3A_407 : i32 to index
      %get3A_410 = tpu.vector_load %arg13[%get3A_408, %get3A_409] {strides = array<i32>} : memref<256x128xf32, #tpu.memory_space<vmem>>, vector<16xf32>,
      %add3A_411 = arith.constant 3 : i32
      %add3A_412 = arith.addi %add3A_122, %add3A_411 : i32
      %add3A_413 = arith.constant 32 : i32
      %add3A_414 = arith.addi %mul3A_376, %add3A_413 : i32
      %get3A_415 = arith.index_cast %add3A_412 : i32 to index
      %get3A_416 = arith.index_cast %add3A_414 : i32 to index
      %get3A_417 = tpu.vector_load %arg14[%get3A_415, %get3A_416] {strides = array<i32>} : memref<256x128xf32, #tpu.memory_space<vmem>>, vector<16xf32>,
      %mul3A_418 = arith.mulf %get3A_410, %get3A_417 : vector<16xf32>
      %add3A_419 = arith.addf %add3A_403, %mul3A_418 : vector<16xf32>
      %add3A_420 = arith.constant 3 : i32
      %add3A_421 = arith.addi %add3A_122, %add3A_420 : i32
      %add3A_422 = arith.constant 48 : i32
      %add3A_423 = arith.addi %mul3A_370, %add3A_422 : i32
      %get3A_424 = arith.index_cast %add3A_421 : i32 to index
      %get3A_425 = arith.index_cast %add3A_423 : i32 to index
      %get3A_426 = tpu.vector_load %arg13[%get3A_424, %get3A_425] {strides = array<i32>} : memref<256x128xf32, #tpu.memory_space<vmem>>, vector<16xf32>,
      %add3A_427 = arith.constant 3 : i32
      %add3A_428 = arith.addi %add3A_122, %add3A_427 : i32
      %add3A_429 = arith.constant 48 : i32
      %add3A_430 = arith.addi %mul3A_376, %add3A_429 : i32
      %get3A_431 = arith.index_cast %add3A_428 : i32 to index
      %get3A_432 = arith.index_cast %add3A_430 : i32 to index
      %get3A_433 = tpu.vector_load %arg14[%get3A_431, %get3A_432] {strides = array<i32>} : memref<256x128xf32, #tpu.memory_space<vmem>>, vector<16xf32>,
      %mul3A_434 = arith.mulf %get3A_426, %get3A_433 : vector<16xf32>
      %add3A_435 = arith.addf %add3A_419, %mul3A_434 : vector<16xf32>
      %reduce_sum3A_436 = arith.constant true
      %reduce_sum3A_437 = vector.broadcast %reduce_sum3A_436 : i1 to vector<16xi1>
      %reduce_sum3A_438 = tpu.scan <sum>, %add3A_435 masked %reduce_sum3A_437 : vector<16xf32>, vector<16xi1> -> vector<16xf32>
      %reduce_sum3A_439 = vector.extract %reduce_sum3A_438[15] : f32 from vector<16xf32>
      %eq3A_440 = arith.constant 3 : i32
      %eq3A_441 = vector.broadcast %eq3A_440 : i32 to vector<16xi32>
      %eq3A_442 = arith.cmpi eq, %iota3A, %eq3A_441 : vector<16xi32>
      %broadcast_in_dim3A_443 = vector.broadcast %reduce_sum3A_439 : f32 to vector<16xf32>
      %select_n3A_444 = arith.select %eq3A_442, %broadcast_in_dim3A_443, %select_n3A_364 : vector<16xi1>, vector<16xf32>
      %slice3A_445 = vector.extract_strided_slice %get3A_125 {offsets = [4], sizes = [1], strides = [1]} : vector<16xi32> to vector<1xi32>
      %squeeze3A_446 = vector.extract %slice3A_445[0] : i32 from vector<1xi32>
      %and3A_447 = arith.constant 1 : i32
      %and3A_448 = arith.andi %squeeze3A_446, %and3A_447 : i32
      %mul3A_449 = arith.constant 64 : i32
      %mul3A_450 = arith.muli %and3A_448, %mul3A_449 : i32
      %slice3A_451 = vector.extract_strided_slice %get3A_129 {offsets = [4], sizes = [1], strides = [1]} : vector<16xi32> to vector<1xi32>
      %squeeze3A_452 = vector.extract %slice3A_451[0] : i32 from vector<1xi32>
      %and3A_453 = arith.constant 1 : i32
      %and3A_454 = arith.andi %squeeze3A_452, %and3A_453 : i32
      %mul3A_455 = arith.constant 64 : i32
      %mul3A_456 = arith.muli %and3A_454, %mul3A_455 : i32
      %add3A_457 = arith.constant 4 : i32
      %add3A_458 = arith.addi %add3A_122, %add3A_457 : i32
      %get3A_459 = arith.index_cast %add3A_458 : i32 to index
      %get3A_460 = arith.index_cast %mul3A_450 : i32 to index
      %get3A_461 = tpu.vector_load %arg13[%get3A_459, %get3A_460] {strides = array<i32>} : memref<256x128xf32, #tpu.memory_space<vmem>>, vector<16xf32>,
      %add3A_462 = arith.constant 4 : i32
      %add3A_463 = arith.addi %add3A_122, %add3A_462 : i32
      %get3A_464 = arith.index_cast %add3A_463 : i32 to index
      %get3A_465 = arith.index_cast %mul3A_456 : i32 to index
      %get3A_466 = tpu.vector_load %arg14[%get3A_464, %get3A_465] {strides = array<i32>} : memref<256x128xf32, #tpu.memory_space<vmem>>, vector<16xf32>,
      %mul3A_467 = arith.mulf %get3A_461, %get3A_466 : vector<16xf32>
      %add3A_468 = arith.constant 4 : i32
      %add3A_469 = arith.addi %add3A_122, %add3A_468 : i32
      %add3A_470 = arith.constant 16 : i32
      %add3A_471 = arith.addi %mul3A_450, %add3A_470 : i32
      %get3A_472 = arith.index_cast %add3A_469 : i32 to index
      %get3A_473 = arith.index_cast %add3A_471 : i32 to index
      %get3A_474 = tpu.vector_load %arg13[%get3A_472, %get3A_473] {strides = array<i32>} : memref<256x128xf32, #tpu.memory_space<vmem>>, vector<16xf32>,
      %add3A_475 = arith.constant 4 : i32
      %add3A_476 = arith.addi %add3A_122, %add3A_475 : i32
      %add3A_477 = arith.constant 16 : i32
      %add3A_478 = arith.addi %mul3A_456, %add3A_477 : i32
      %get3A_479 = arith.index_cast %add3A_476 : i32 to index
      %get3A_480 = arith.index_cast %add3A_478 : i32 to index
      %get3A_481 = tpu.vector_load %arg14[%get3A_479, %get3A_480] {strides = array<i32>} : memref<256x128xf32, #tpu.memory_space<vmem>>, vector<16xf32>,
      %mul3A_482 = arith.mulf %get3A_474, %get3A_481 : vector<16xf32>
      %add3A_483 = arith.addf %mul3A_467, %mul3A_482 : vector<16xf32>
      %add3A_484 = arith.constant 4 : i32
      %add3A_485 = arith.addi %add3A_122, %add3A_484 : i32
      %add3A_486 = arith.constant 32 : i32
      %add3A_487 = arith.addi %mul3A_450, %add3A_486 : i32
      %get3A_488 = arith.index_cast %add3A_485 : i32 to index
      %get3A_489 = arith.index_cast %add3A_487 : i32 to index
      %get3A_490 = tpu.vector_load %arg13[%get3A_488, %get3A_489] {strides = array<i32>} : memref<256x128xf32, #tpu.memory_space<vmem>>, vector<16xf32>,
      %add3A_491 = arith.constant 4 : i32
      %add3A_492 = arith.addi %add3A_122, %add3A_491 : i32
      %add3A_493 = arith.constant 32 : i32
      %add3A_494 = arith.addi %mul3A_456, %add3A_493 : i32
      %get3A_495 = arith.index_cast %add3A_492 : i32 to index
      %get3A_496 = arith.index_cast %add3A_494 : i32 to index
      %get3A_497 = tpu.vector_load %arg14[%get3A_495, %get3A_496] {strides = array<i32>} : memref<256x128xf32, #tpu.memory_space<vmem>>, vector<16xf32>,
      %mul3A_498 = arith.mulf %get3A_490, %get3A_497 : vector<16xf32>
      %add3A_499 = arith.addf %add3A_483, %mul3A_498 : vector<16xf32>
      %add3A_500 = arith.constant 4 : i32
      %add3A_501 = arith.addi %add3A_122, %add3A_500 : i32
      %add3A_502 = arith.constant 48 : i32
      %add3A_503 = arith.addi %mul3A_450, %add3A_502 : i32
      %get3A_504 = arith.index_cast %add3A_501 : i32 to index
      %get3A_505 = arith.index_cast %add3A_503 : i32 to index
      %get3A_506 = tpu.vector_load %arg13[%get3A_504, %get3A_505] {strides = array<i32>} : memref<256x128xf32, #tpu.memory_space<vmem>>, vector<16xf32>,
      %add3A_507 = arith.constant 4 : i32
      %add3A_508 = arith.addi %add3A_122, %add3A_507 : i32
      %add3A_509 = arith.constant 48 : i32
      %add3A_510 = arith.addi %mul3A_456, %add3A_509 : i32
      %get3A_511 = arith.index_cast %add3A_508 : i32 to index
      %get3A_512 = arith.index_cast %add3A_510 : i32 to index
      %get3A_513 = tpu.vector_load %arg14[%get3A_511, %get3A_512] {strides = array<i32>} : memref<256x128xf32, #tpu.memory_space<vmem>>, vector<16xf32>,
      %mul3A_514 = arith.mulf %get3A_506, %get3A_513 : vector<16xf32>
      %add3A_515 = arith.addf %add3A_499, %mul3A_514 : vector<16xf32>
      %reduce_sum3A_516 = arith.constant true
      %reduce_sum3A_517 = vector.broadcast %reduce_sum3A_516 : i1 to vector<16xi1>
      %reduce_sum3A_518 = tpu.scan <sum>, %add3A_515 masked %reduce_sum3A_517 : vector<16xf32>, vector<16xi1> -> vector<16xf32>
      %reduce_sum3A_519 = vector.extract %reduce_sum3A_518[15] : f32 from vector<16xf32>
      %eq3A_520 = arith.constant 4 : i32
      %eq3A_521 = vector.broadcast %eq3A_520 : i32 to vector<16xi32>
      %eq3A_522 = arith.cmpi eq, %iota3A, %eq3A_521 : vector<16xi32>
      %broadcast_in_dim3A_523 = vector.broadcast %reduce_sum3A_519 : f32 to vector<16xf32>
      %select_n3A_524 = arith.select %eq3A_522, %broadcast_in_dim3A_523, %select_n3A_444 : vector<16xi1>, vector<16xf32>
      %slice3A_525 = vector.extract_strided_slice %get3A_125 {offsets = [5], sizes = [1], strides = [1]} : vector<16xi32> to vector<1xi32>
      %squeeze3A_526 = vector.extract %slice3A_525[0] : i32 from vector<1xi32>
      %and3A_527 = arith.constant 1 : i32
      %and3A_528 = arith.andi %squeeze3A_526, %and3A_527 : i32
      %mul3A_529 = arith.constant 64 : i32
      %mul3A_530 = arith.muli %and3A_528, %mul3A_529 : i32
      %slice3A_531 = vector.extract_strided_slice %get3A_129 {offsets = [5], sizes = [1], strides = [1]} : vector<16xi32> to vector<1xi32>
      %squeeze3A_532 = vector.extract %slice3A_531[0] : i32 from vector<1xi32>
      %and3A_533 = arith.constant 1 : i32
      %and3A_534 = arith.andi %squeeze3A_532, %and3A_533 : i32
      %mul3A_535 = arith.constant 64 : i32
      %mul3A_536 = arith.muli %and3A_534, %mul3A_535 : i32
      %add3A_537 = arith.constant 5 : i32
      %add3A_538 = arith.addi %add3A_122, %add3A_537 : i32
      %get3A_539 = arith.index_cast %add3A_538 : i32 to index
      %get3A_540 = arith.index_cast %mul3A_530 : i32 to index
      %get3A_541 = tpu.vector_load %arg13[%get3A_539, %get3A_540] {strides = array<i32>} : memref<256x128xf32, #tpu.memory_space<vmem>>, vector<16xf32>,
      %add3A_542 = arith.constant 5 : i32
      %add3A_543 = arith.addi %add3A_122, %add3A_542 : i32
      %get3A_544 = arith.index_cast %add3A_543 : i32 to index
      %get3A_545 = arith.index_cast %mul3A_536 : i32 to index
      %get3A_546 = tpu.vector_load %arg14[%get3A_544, %get3A_545] {strides = array<i32>} : memref<256x128xf32, #tpu.memory_space<vmem>>, vector<16xf32>,
      %mul3A_547 = arith.mulf %get3A_541, %get3A_546 : vector<16xf32>
      %add3A_548 = arith.constant 5 : i32
      %add3A_549 = arith.addi %add3A_122, %add3A_548 : i32
      %add3A_550 = arith.constant 16 : i32
      %add3A_551 = arith.addi %mul3A_530, %add3A_550 : i32
      %get3A_552 = arith.index_cast %add3A_549 : i32 to index
      %get3A_553 = arith.index_cast %add3A_551 : i32 to index
      %get3A_554 = tpu.vector_load %arg13[%get3A_552, %get3A_553] {strides = array<i32>} : memref<256x128xf32, #tpu.memory_space<vmem>>, vector<16xf32>,
      %add3A_555 = arith.constant 5 : i32
      %add3A_556 = arith.addi %add3A_122, %add3A_555 : i32
      %add3A_557 = arith.constant 16 : i32
      %add3A_558 = arith.addi %mul3A_536, %add3A_557 : i32
      %get3A_559 = arith.index_cast %add3A_556 : i32 to index
      %get3A_560 = arith.index_cast %add3A_558 : i32 to index
      %get3A_561 = tpu.vector_load %arg14[%get3A_559, %get3A_560] {strides = array<i32>} : memref<256x128xf32, #tpu.memory_space<vmem>>, vector<16xf32>,
      %mul3A_562 = arith.mulf %get3A_554, %get3A_561 : vector<16xf32>
      %add3A_563 = arith.addf %mul3A_547, %mul3A_562 : vector<16xf32>
      %add3A_564 = arith.constant 5 : i32
      %add3A_565 = arith.addi %add3A_122, %add3A_564 : i32
      %add3A_566 = arith.constant 32 : i32
      %add3A_567 = arith.addi %mul3A_530, %add3A_566 : i32
      %get3A_568 = arith.index_cast %add3A_565 : i32 to index
      %get3A_569 = arith.index_cast %add3A_567 : i32 to index
      %get3A_570 = tpu.vector_load %arg13[%get3A_568, %get3A_569] {strides = array<i32>} : memref<256x128xf32, #tpu.memory_space<vmem>>, vector<16xf32>,
      %add3A_571 = arith.constant 5 : i32
      %add3A_572 = arith.addi %add3A_122, %add3A_571 : i32
      %add3A_573 = arith.constant 32 : i32
      %add3A_574 = arith.addi %mul3A_536, %add3A_573 : i32
      %get3A_575 = arith.index_cast %add3A_572 : i32 to index
      %get3A_576 = arith.index_cast %add3A_574 : i32 to index
      %get3A_577 = tpu.vector_load %arg14[%get3A_575, %get3A_576] {strides = array<i32>} : memref<256x128xf32, #tpu.memory_space<vmem>>, vector<16xf32>,
      %mul3A_578 = arith.mulf %get3A_570, %get3A_577 : vector<16xf32>
      %add3A_579 = arith.addf %add3A_563, %mul3A_578 : vector<16xf32>
      %add3A_580 = arith.constant 5 : i32
      %add3A_581 = arith.addi %add3A_122, %add3A_580 : i32
      %add3A_582 = arith.constant 48 : i32
      %add3A_583 = arith.addi %mul3A_530, %add3A_582 : i32
      %get3A_584 = arith.index_cast %add3A_581 : i32 to index
      %get3A_585 = arith.index_cast %add3A_583 : i32 to index
      %get3A_586 = tpu.vector_load %arg13[%get3A_584, %get3A_585] {strides = array<i32>} : memref<256x128xf32, #tpu.memory_space<vmem>>, vector<16xf32>,
      %add3A_587 = arith.constant 5 : i32
      %add3A_588 = arith.addi %add3A_122, %add3A_587 : i32
      %add3A_589 = arith.constant 48 : i32
      %add3A_590 = arith.addi %mul3A_536, %add3A_589 : i32
      %get3A_591 = arith.index_cast %add3A_588 : i32 to index
      %get3A_592 = arith.index_cast %add3A_590 : i32 to index
      %get3A_593 = tpu.vector_load %arg14[%get3A_591, %get3A_592] {strides = array<i32>} : memref<256x128xf32, #tpu.memory_space<vmem>>, vector<16xf32>,
      %mul3A_594 = arith.mulf %get3A_586, %get3A_593 : vector<16xf32>
      %add3A_595 = arith.addf %add3A_579, %mul3A_594 : vector<16xf32>
      %reduce_sum3A_596 = arith.constant true
      %reduce_sum3A_597 = vector.broadcast %reduce_sum3A_596 : i1 to vector<16xi1>
      %reduce_sum3A_598 = tpu.scan <sum>, %add3A_595 masked %reduce_sum3A_597 : vector<16xf32>, vector<16xi1> -> vector<16xf32>
      %reduce_sum3A_599 = vector.extract %reduce_sum3A_598[15] : f32 from vector<16xf32>
      %eq3A_600 = arith.constant 5 : i32
      %eq3A_601 = vector.broadcast %eq3A_600 : i32 to vector<16xi32>
      %eq3A_602 = arith.cmpi eq, %iota3A, %eq3A_601 : vector<16xi32>
      %broadcast_in_dim3A_603 = vector.broadcast %reduce_sum3A_599 : f32 to vector<16xf32>
      %select_n3A_604 = arith.select %eq3A_602, %broadcast_in_dim3A_603, %select_n3A_524 : vector<16xi1>, vector<16xf32>
      %slice3A_605 = vector.extract_strided_slice %get3A_125 {offsets = [6], sizes = [1], strides = [1]} : vector<16xi32> to vector<1xi32>
      %squeeze3A_606 = vector.extract %slice3A_605[0] : i32 from vector<1xi32>
      %and3A_607 = arith.constant 1 : i32
      %and3A_608 = arith.andi %squeeze3A_606, %and3A_607 : i32
      %mul3A_609 = arith.constant 64 : i32
      %mul3A_610 = arith.muli %and3A_608, %mul3A_609 : i32
      %slice3A_611 = vector.extract_strided_slice %get3A_129 {offsets = [6], sizes = [1], strides = [1]} : vector<16xi32> to vector<1xi32>
      %squeeze3A_612 = vector.extract %slice3A_611[0] : i32 from vector<1xi32>
      %and3A_613 = arith.constant 1 : i32
      %and3A_614 = arith.andi %squeeze3A_612, %and3A_613 : i32
      %mul3A_615 = arith.constant 64 : i32
      %mul3A_616 = arith.muli %and3A_614, %mul3A_615 : i32
      %add3A_617 = arith.constant 6 : i32
      %add3A_618 = arith.addi %add3A_122, %add3A_617 : i32
      %get3A_619 = arith.index_cast %add3A_618 : i32 to index
      %get3A_620 = arith.index_cast %mul3A_610 : i32 to index
      %get3A_621 = tpu.vector_load %arg13[%get3A_619, %get3A_620] {strides = array<i32>} : memref<256x128xf32, #tpu.memory_space<vmem>>, vector<16xf32>,
      %add3A_622 = arith.constant 6 : i32
      %add3A_623 = arith.addi %add3A_122, %add3A_622 : i32
      %get3A_624 = arith.index_cast %add3A_623 : i32 to index
      %get3A_625 = arith.index_cast %mul3A_616 : i32 to index
      %get3A_626 = tpu.vector_load %arg14[%get3A_624, %get3A_625] {strides = array<i32>} : memref<256x128xf32, #tpu.memory_space<vmem>>, vector<16xf32>,
      %mul3A_627 = arith.mulf %get3A_621, %get3A_626 : vector<16xf32>
      %add3A_628 = arith.constant 6 : i32
      %add3A_629 = arith.addi %add3A_122, %add3A_628 : i32
      %add3A_630 = arith.constant 16 : i32
      %add3A_631 = arith.addi %mul3A_610, %add3A_630 : i32
      %get3A_632 = arith.index_cast %add3A_629 : i32 to index
      %get3A_633 = arith.index_cast %add3A_631 : i32 to index
      %get3A_634 = tpu.vector_load %arg13[%get3A_632, %get3A_633] {strides = array<i32>} : memref<256x128xf32, #tpu.memory_space<vmem>>, vector<16xf32>,
      %add3A_635 = arith.constant 6 : i32
      %add3A_636 = arith.addi %add3A_122, %add3A_635 : i32
      %add3A_637 = arith.constant 16 : i32
      %add3A_638 = arith.addi %mul3A_616, %add3A_637 : i32
      %get3A_639 = arith.index_cast %add3A_636 : i32 to index
      %get3A_640 = arith.index_cast %add3A_638 : i32 to index
      %get3A_641 = tpu.vector_load %arg14[%get3A_639, %get3A_640] {strides = array<i32>} : memref<256x128xf32, #tpu.memory_space<vmem>>, vector<16xf32>,
      %mul3A_642 = arith.mulf %get3A_634, %get3A_641 : vector<16xf32>
      %add3A_643 = arith.addf %mul3A_627, %mul3A_642 : vector<16xf32>
      %add3A_644 = arith.constant 6 : i32
      %add3A_645 = arith.addi %add3A_122, %add3A_644 : i32
      %add3A_646 = arith.constant 32 : i32
      %add3A_647 = arith.addi %mul3A_610, %add3A_646 : i32
      %get3A_648 = arith.index_cast %add3A_645 : i32 to index
      %get3A_649 = arith.index_cast %add3A_647 : i32 to index
      %get3A_650 = tpu.vector_load %arg13[%get3A_648, %get3A_649] {strides = array<i32>} : memref<256x128xf32, #tpu.memory_space<vmem>>, vector<16xf32>,
      %add3A_651 = arith.constant 6 : i32
      %add3A_652 = arith.addi %add3A_122, %add3A_651 : i32
      %add3A_653 = arith.constant 32 : i32
      %add3A_654 = arith.addi %mul3A_616, %add3A_653 : i32
      %get3A_655 = arith.index_cast %add3A_652 : i32 to index
      %get3A_656 = arith.index_cast %add3A_654 : i32 to index
      %get3A_657 = tpu.vector_load %arg14[%get3A_655, %get3A_656] {strides = array<i32>} : memref<256x128xf32, #tpu.memory_space<vmem>>, vector<16xf32>,
      %mul3A_658 = arith.mulf %get3A_650, %get3A_657 : vector<16xf32>
      %add3A_659 = arith.addf %add3A_643, %mul3A_658 : vector<16xf32>
      %add3A_660 = arith.constant 6 : i32
      %add3A_661 = arith.addi %add3A_122, %add3A_660 : i32
      %add3A_662 = arith.constant 48 : i32
      %add3A_663 = arith.addi %mul3A_610, %add3A_662 : i32
      %get3A_664 = arith.index_cast %add3A_661 : i32 to index
      %get3A_665 = arith.index_cast %add3A_663 : i32 to index
      %get3A_666 = tpu.vector_load %arg13[%get3A_664, %get3A_665] {strides = array<i32>} : memref<256x128xf32, #tpu.memory_space<vmem>>, vector<16xf32>,
      %add3A_667 = arith.constant 6 : i32
      %add3A_668 = arith.addi %add3A_122, %add3A_667 : i32
      %add3A_669 = arith.constant 48 : i32
      %add3A_670 = arith.addi %mul3A_616, %add3A_669 : i32
      %get3A_671 = arith.index_cast %add3A_668 : i32 to index
      %get3A_672 = arith.index_cast %add3A_670 : i32 to index
      %get3A_673 = tpu.vector_load %arg14[%get3A_671, %get3A_672] {strides = array<i32>} : memref<256x128xf32, #tpu.memory_space<vmem>>, vector<16xf32>,
      %mul3A_674 = arith.mulf %get3A_666, %get3A_673 : vector<16xf32>
      %add3A_675 = arith.addf %add3A_659, %mul3A_674 : vector<16xf32>
      %reduce_sum3A_676 = arith.constant true
      %reduce_sum3A_677 = vector.broadcast %reduce_sum3A_676 : i1 to vector<16xi1>
      %reduce_sum3A_678 = tpu.scan <sum>, %add3A_675 masked %reduce_sum3A_677 : vector<16xf32>, vector<16xi1> -> vector<16xf32>
      %reduce_sum3A_679 = vector.extract %reduce_sum3A_678[15] : f32 from vector<16xf32>
      %eq3A_680 = arith.constant 6 : i32
      %eq3A_681 = vector.broadcast %eq3A_680 : i32 to vector<16xi32>
      %eq3A_682 = arith.cmpi eq, %iota3A, %eq3A_681 : vector<16xi32>
      %broadcast_in_dim3A_683 = vector.broadcast %reduce_sum3A_679 : f32 to vector<16xf32>
      %select_n3A_684 = arith.select %eq3A_682, %broadcast_in_dim3A_683, %select_n3A_604 : vector<16xi1>, vector<16xf32>
      %slice3A_685 = vector.extract_strided_slice %get3A_125 {offsets = [7], sizes = [1], strides = [1]} : vector<16xi32> to vector<1xi32>
      %squeeze3A_686 = vector.extract %slice3A_685[0] : i32 from vector<1xi32>
      %and3A_687 = arith.constant 1 : i32
      %and3A_688 = arith.andi %squeeze3A_686, %and3A_687 : i32
      %mul3A_689 = arith.constant 64 : i32
      %mul3A_690 = arith.muli %and3A_688, %mul3A_689 : i32
      %slice3A_691 = vector.extract_strided_slice %get3A_129 {offsets = [7], sizes = [1], strides = [1]} : vector<16xi32> to vector<1xi32>
      %squeeze3A_692 = vector.extract %slice3A_691[0] : i32 from vector<1xi32>
      %and3A_693 = arith.constant 1 : i32
      %and3A_694 = arith.andi %squeeze3A_692, %and3A_693 : i32
      %mul3A_695 = arith.constant 64 : i32
      %mul3A_696 = arith.muli %and3A_694, %mul3A_695 : i32
      %add3A_697 = arith.constant 7 : i32
      %add3A_698 = arith.addi %add3A_122, %add3A_697 : i32
      %get3A_699 = arith.index_cast %add3A_698 : i32 to index
      %get3A_700 = arith.index_cast %mul3A_690 : i32 to index
      %get3A_701 = tpu.vector_load %arg13[%get3A_699, %get3A_700] {strides = array<i32>} : memref<256x128xf32, #tpu.memory_space<vmem>>, vector<16xf32>,
      %add3A_702 = arith.constant 7 : i32
      %add3A_703 = arith.addi %add3A_122, %add3A_702 : i32
      %get3A_704 = arith.index_cast %add3A_703 : i32 to index
      %get3A_705 = arith.index_cast %mul3A_696 : i32 to index
      %get3A_706 = tpu.vector_load %arg14[%get3A_704, %get3A_705] {strides = array<i32>} : memref<256x128xf32, #tpu.memory_space<vmem>>, vector<16xf32>,
      %mul3A_707 = arith.mulf %get3A_701, %get3A_706 : vector<16xf32>
      %add3A_708 = arith.constant 7 : i32
      %add3A_709 = arith.addi %add3A_122, %add3A_708 : i32
      %add3A_710 = arith.constant 16 : i32
      %add3A_711 = arith.addi %mul3A_690, %add3A_710 : i32
      %get3A_712 = arith.index_cast %add3A_709 : i32 to index
      %get3A_713 = arith.index_cast %add3A_711 : i32 to index
      %get3A_714 = tpu.vector_load %arg13[%get3A_712, %get3A_713] {strides = array<i32>} : memref<256x128xf32, #tpu.memory_space<vmem>>, vector<16xf32>,
      %add3A_715 = arith.constant 7 : i32
      %add3A_716 = arith.addi %add3A_122, %add3A_715 : i32
      %add3A_717 = arith.constant 16 : i32
      %add3A_718 = arith.addi %mul3A_696, %add3A_717 : i32
      %get3A_719 = arith.index_cast %add3A_716 : i32 to index
      %get3A_720 = arith.index_cast %add3A_718 : i32 to index
      %get3A_721 = tpu.vector_load %arg14[%get3A_719, %get3A_720] {strides = array<i32>} : memref<256x128xf32, #tpu.memory_space<vmem>>, vector<16xf32>,
      %mul3A_722 = arith.mulf %get3A_714, %get3A_721 : vector<16xf32>
      %add3A_723 = arith.addf %mul3A_707, %mul3A_722 : vector<16xf32>
      %add3A_724 = arith.constant 7 : i32
      %add3A_725 = arith.addi %add3A_122, %add3A_724 : i32
      %add3A_726 = arith.constant 32 : i32
      %add3A_727 = arith.addi %mul3A_690, %add3A_726 : i32
      %get3A_728 = arith.index_cast %add3A_725 : i32 to index
      %get3A_729 = arith.index_cast %add3A_727 : i32 to index
      %get3A_730 = tpu.vector_load %arg13[%get3A_728, %get3A_729] {strides = array<i32>} : memref<256x128xf32, #tpu.memory_space<vmem>>, vector<16xf32>,
      %add3A_731 = arith.constant 7 : i32
      %add3A_732 = arith.addi %add3A_122, %add3A_731 : i32
      %add3A_733 = arith.constant 32 : i32
      %add3A_734 = arith.addi %mul3A_696, %add3A_733 : i32
      %get3A_735 = arith.index_cast %add3A_732 : i32 to index
      %get3A_736 = arith.index_cast %add3A_734 : i32 to index
      %get3A_737 = tpu.vector_load %arg14[%get3A_735, %get3A_736] {strides = array<i32>} : memref<256x128xf32, #tpu.memory_space<vmem>>, vector<16xf32>,
      %mul3A_738 = arith.mulf %get3A_730, %get3A_737 : vector<16xf32>
      %add3A_739 = arith.addf %add3A_723, %mul3A_738 : vector<16xf32>
      %add3A_740 = arith.constant 7 : i32
      %add3A_741 = arith.addi %add3A_122, %add3A_740 : i32
      %add3A_742 = arith.constant 48 : i32
      %add3A_743 = arith.addi %mul3A_690, %add3A_742 : i32
      %get3A_744 = arith.index_cast %add3A_741 : i32 to index
      %get3A_745 = arith.index_cast %add3A_743 : i32 to index
      %get3A_746 = tpu.vector_load %arg13[%get3A_744, %get3A_745] {strides = array<i32>} : memref<256x128xf32, #tpu.memory_space<vmem>>, vector<16xf32>,
      %add3A_747 = arith.constant 7 : i32
      %add3A_748 = arith.addi %add3A_122, %add3A_747 : i32
      %add3A_749 = arith.constant 48 : i32
      %add3A_750 = arith.addi %mul3A_696, %add3A_749 : i32
      %get3A_751 = arith.index_cast %add3A_748 : i32 to index
      %get3A_752 = arith.index_cast %add3A_750 : i32 to index
      %get3A_753 = tpu.vector_load %arg14[%get3A_751, %get3A_752] {strides = array<i32>} : memref<256x128xf32, #tpu.memory_space<vmem>>, vector<16xf32>,
      %mul3A_754 = arith.mulf %get3A_746, %get3A_753 : vector<16xf32>
      %add3A_755 = arith.addf %add3A_739, %mul3A_754 : vector<16xf32>
      %reduce_sum3A_756 = arith.constant true
      %reduce_sum3A_757 = vector.broadcast %reduce_sum3A_756 : i1 to vector<16xi1>
      %reduce_sum3A_758 = tpu.scan <sum>, %add3A_755 masked %reduce_sum3A_757 : vector<16xf32>, vector<16xi1> -> vector<16xf32>
      %reduce_sum3A_759 = vector.extract %reduce_sum3A_758[15] : f32 from vector<16xf32>
      %eq3A_760 = arith.constant 7 : i32
      %eq3A_761 = vector.broadcast %eq3A_760 : i32 to vector<16xi32>
      %eq3A_762 = arith.cmpi eq, %iota3A, %eq3A_761 : vector<16xi32>
      %broadcast_in_dim3A_763 = vector.broadcast %reduce_sum3A_759 : f32 to vector<16xf32>
      %select_n3A_764 = arith.select %eq3A_762, %broadcast_in_dim3A_763, %select_n3A_684 : vector<16xi1>, vector<16xf32>
      %slice3A_765 = vector.extract_strided_slice %get3A_125 {offsets = [8], sizes = [1], strides = [1]} : vector<16xi32> to vector<1xi32>
      %squeeze3A_766 = vector.extract %slice3A_765[0] : i32 from vector<1xi32>
      %and3A_767 = arith.constant 1 : i32
      %and3A_768 = arith.andi %squeeze3A_766, %and3A_767 : i32
      %mul3A_769 = arith.constant 64 : i32
      %mul3A_770 = arith.muli %and3A_768, %mul3A_769 : i32
      %slice3A_771 = vector.extract_strided_slice %get3A_129 {offsets = [8], sizes = [1], strides = [1]} : vector<16xi32> to vector<1xi32>
      %squeeze3A_772 = vector.extract %slice3A_771[0] : i32 from vector<1xi32>
      %and3A_773 = arith.constant 1 : i32
      %and3A_774 = arith.andi %squeeze3A_772, %and3A_773 : i32
      %mul3A_775 = arith.constant 64 : i32
      %mul3A_776 = arith.muli %and3A_774, %mul3A_775 : i32
      %add3A_777 = arith.constant 8 : i32
      %add3A_778 = arith.addi %add3A_122, %add3A_777 : i32
      %get3A_779 = arith.index_cast %add3A_778 : i32 to index
      %get3A_780 = arith.index_cast %mul3A_770 : i32 to index
      %get3A_781 = tpu.vector_load %arg13[%get3A_779, %get3A_780] {strides = array<i32>} : memref<256x128xf32, #tpu.memory_space<vmem>>, vector<16xf32>,
      %add3A_782 = arith.constant 8 : i32
      %add3A_783 = arith.addi %add3A_122, %add3A_782 : i32
      %get3A_784 = arith.index_cast %add3A_783 : i32 to index
      %get3A_785 = arith.index_cast %mul3A_776 : i32 to index
      %get3A_786 = tpu.vector_load %arg14[%get3A_784, %get3A_785] {strides = array<i32>} : memref<256x128xf32, #tpu.memory_space<vmem>>, vector<16xf32>,
      %mul3A_787 = arith.mulf %get3A_781, %get3A_786 : vector<16xf32>
      %add3A_788 = arith.constant 8 : i32
      %add3A_789 = arith.addi %add3A_122, %add3A_788 : i32
      %add3A_790 = arith.constant 16 : i32
      %add3A_791 = arith.addi %mul3A_770, %add3A_790 : i32
      %get3A_792 = arith.index_cast %add3A_789 : i32 to index
      %get3A_793 = arith.index_cast %add3A_791 : i32 to index
      %get3A_794 = tpu.vector_load %arg13[%get3A_792, %get3A_793] {strides = array<i32>} : memref<256x128xf32, #tpu.memory_space<vmem>>, vector<16xf32>,
      %add3A_795 = arith.constant 8 : i32
      %add3A_796 = arith.addi %add3A_122, %add3A_795 : i32
      %add3A_797 = arith.constant 16 : i32
      %add3A_798 = arith.addi %mul3A_776, %add3A_797 : i32
      %get3A_799 = arith.index_cast %add3A_796 : i32 to index
      %get3A_800 = arith.index_cast %add3A_798 : i32 to index
      %get3A_801 = tpu.vector_load %arg14[%get3A_799, %get3A_800] {strides = array<i32>} : memref<256x128xf32, #tpu.memory_space<vmem>>, vector<16xf32>,
      %mul3A_802 = arith.mulf %get3A_794, %get3A_801 : vector<16xf32>
      %add3A_803 = arith.addf %mul3A_787, %mul3A_802 : vector<16xf32>
      %add3A_804 = arith.constant 8 : i32
      %add3A_805 = arith.addi %add3A_122, %add3A_804 : i32
      %add3A_806 = arith.constant 32 : i32
      %add3A_807 = arith.addi %mul3A_770, %add3A_806 : i32
      %get3A_808 = arith.index_cast %add3A_805 : i32 to index
      %get3A_809 = arith.index_cast %add3A_807 : i32 to index
      %get3A_810 = tpu.vector_load %arg13[%get3A_808, %get3A_809] {strides = array<i32>} : memref<256x128xf32, #tpu.memory_space<vmem>>, vector<16xf32>,
      %add3A_811 = arith.constant 8 : i32
      %add3A_812 = arith.addi %add3A_122, %add3A_811 : i32
      %add3A_813 = arith.constant 32 : i32
      %add3A_814 = arith.addi %mul3A_776, %add3A_813 : i32
      %get3A_815 = arith.index_cast %add3A_812 : i32 to index
      %get3A_816 = arith.index_cast %add3A_814 : i32 to index
      %get3A_817 = tpu.vector_load %arg14[%get3A_815, %get3A_816] {strides = array<i32>} : memref<256x128xf32, #tpu.memory_space<vmem>>, vector<16xf32>,
      %mul3A_818 = arith.mulf %get3A_810, %get3A_817 : vector<16xf32>
      %add3A_819 = arith.addf %add3A_803, %mul3A_818 : vector<16xf32>
      %add3A_820 = arith.constant 8 : i32
      %add3A_821 = arith.addi %add3A_122, %add3A_820 : i32
      %add3A_822 = arith.constant 48 : i32
      %add3A_823 = arith.addi %mul3A_770, %add3A_822 : i32
      %get3A_824 = arith.index_cast %add3A_821 : i32 to index
      %get3A_825 = arith.index_cast %add3A_823 : i32 to index
      %get3A_826 = tpu.vector_load %arg13[%get3A_824, %get3A_825] {strides = array<i32>} : memref<256x128xf32, #tpu.memory_space<vmem>>, vector<16xf32>,
      %add3A_827 = arith.constant 8 : i32
      %add3A_828 = arith.addi %add3A_122, %add3A_827 : i32
      %add3A_829 = arith.constant 48 : i32
      %add3A_830 = arith.addi %mul3A_776, %add3A_829 : i32
      %get3A_831 = arith.index_cast %add3A_828 : i32 to index
      %get3A_832 = arith.index_cast %add3A_830 : i32 to index
      %get3A_833 = tpu.vector_load %arg14[%get3A_831, %get3A_832] {strides = array<i32>} : memref<256x128xf32, #tpu.memory_space<vmem>>, vector<16xf32>,
      %mul3A_834 = arith.mulf %get3A_826, %get3A_833 : vector<16xf32>
      %add3A_835 = arith.addf %add3A_819, %mul3A_834 : vector<16xf32>
      %reduce_sum3A_836 = arith.constant true
      %reduce_sum3A_837 = vector.broadcast %reduce_sum3A_836 : i1 to vector<16xi1>
      %reduce_sum3A_838 = tpu.scan <sum>, %add3A_835 masked %reduce_sum3A_837 : vector<16xf32>, vector<16xi1> -> vector<16xf32>
      %reduce_sum3A_839 = vector.extract %reduce_sum3A_838[15] : f32 from vector<16xf32>
      %eq3A_840 = arith.constant 8 : i32
      %eq3A_841 = vector.broadcast %eq3A_840 : i32 to vector<16xi32>
      %eq3A_842 = arith.cmpi eq, %iota3A, %eq3A_841 : vector<16xi32>
      %broadcast_in_dim3A_843 = vector.broadcast %reduce_sum3A_839 : f32 to vector<16xf32>
      %select_n3A_844 = arith.select %eq3A_842, %broadcast_in_dim3A_843, %select_n3A_764 : vector<16xi1>, vector<16xf32>
      %slice3A_845 = vector.extract_strided_slice %get3A_125 {offsets = [9], sizes = [1], strides = [1]} : vector<16xi32> to vector<1xi32>
      %squeeze3A_846 = vector.extract %slice3A_845[0] : i32 from vector<1xi32>
      %and3A_847 = arith.constant 1 : i32
      %and3A_848 = arith.andi %squeeze3A_846, %and3A_847 : i32
      %mul3A_849 = arith.constant 64 : i32
      %mul3A_850 = arith.muli %and3A_848, %mul3A_849 : i32
      %slice3A_851 = vector.extract_strided_slice %get3A_129 {offsets = [9], sizes = [1], strides = [1]} : vector<16xi32> to vector<1xi32>
      %squeeze3A_852 = vector.extract %slice3A_851[0] : i32 from vector<1xi32>
      %and3A_853 = arith.constant 1 : i32
      %and3A_854 = arith.andi %squeeze3A_852, %and3A_853 : i32
      %mul3A_855 = arith.constant 64 : i32
      %mul3A_856 = arith.muli %and3A_854, %mul3A_855 : i32
      %add3A_857 = arith.constant 9 : i32
      %add3A_858 = arith.addi %add3A_122, %add3A_857 : i32
      %get3A_859 = arith.index_cast %add3A_858 : i32 to index
      %get3A_860 = arith.index_cast %mul3A_850 : i32 to index
      %get3A_861 = tpu.vector_load %arg13[%get3A_859, %get3A_860] {strides = array<i32>} : memref<256x128xf32, #tpu.memory_space<vmem>>, vector<16xf32>,
      %add3A_862 = arith.constant 9 : i32
      %add3A_863 = arith.addi %add3A_122, %add3A_862 : i32
      %get3A_864 = arith.index_cast %add3A_863 : i32 to index
      %get3A_865 = arith.index_cast %mul3A_856 : i32 to index
      %get3A_866 = tpu.vector_load %arg14[%get3A_864, %get3A_865] {strides = array<i32>} : memref<256x128xf32, #tpu.memory_space<vmem>>, vector<16xf32>,
      %mul3A_867 = arith.mulf %get3A_861, %get3A_866 : vector<16xf32>
      %add3A_868 = arith.constant 9 : i32
      %add3A_869 = arith.addi %add3A_122, %add3A_868 : i32
      %add3A_870 = arith.constant 16 : i32
      %add3A_871 = arith.addi %mul3A_850, %add3A_870 : i32
      %get3A_872 = arith.index_cast %add3A_869 : i32 to index
      %get3A_873 = arith.index_cast %add3A_871 : i32 to index
      %get3A_874 = tpu.vector_load %arg13[%get3A_872, %get3A_873] {strides = array<i32>} : memref<256x128xf32, #tpu.memory_space<vmem>>, vector<16xf32>,
      %add3A_875 = arith.constant 9 : i32
      %add3A_876 = arith.addi %add3A_122, %add3A_875 : i32
      %add3A_877 = arith.constant 16 : i32
      %add3A_878 = arith.addi %mul3A_856, %add3A_877 : i32
      %get3A_879 = arith.index_cast %add3A_876 : i32 to index
      %get3A_880 = arith.index_cast %add3A_878 : i32 to index
      %get3A_881 = tpu.vector_load %arg14[%get3A_879, %get3A_880] {strides = array<i32>} : memref<256x128xf32, #tpu.memory_space<vmem>>, vector<16xf32>,
      %mul3A_882 = arith.mulf %get3A_874, %get3A_881 : vector<16xf32>
      %add3A_883 = arith.addf %mul3A_867, %mul3A_882 : vector<16xf32>
      %add3A_884 = arith.constant 9 : i32
      %add3A_885 = arith.addi %add3A_122, %add3A_884 : i32
      %add3A_886 = arith.constant 32 : i32
      %add3A_887 = arith.addi %mul3A_850, %add3A_886 : i32
      %get3A_888 = arith.index_cast %add3A_885 : i32 to index
      %get3A_889 = arith.index_cast %add3A_887 : i32 to index
      %get3A_890 = tpu.vector_load %arg13[%get3A_888, %get3A_889] {strides = array<i32>} : memref<256x128xf32, #tpu.memory_space<vmem>>, vector<16xf32>,
      %add3A_891 = arith.constant 9 : i32
      %add3A_892 = arith.addi %add3A_122, %add3A_891 : i32
      %add3A_893 = arith.constant 32 : i32
      %add3A_894 = arith.addi %mul3A_856, %add3A_893 : i32
      %get3A_895 = arith.index_cast %add3A_892 : i32 to index
      %get3A_896 = arith.index_cast %add3A_894 : i32 to index
      %get3A_897 = tpu.vector_load %arg14[%get3A_895, %get3A_896] {strides = array<i32>} : memref<256x128xf32, #tpu.memory_space<vmem>>, vector<16xf32>,
      %mul3A_898 = arith.mulf %get3A_890, %get3A_897 : vector<16xf32>
      %add3A_899 = arith.addf %add3A_883, %mul3A_898 : vector<16xf32>
      %add3A_900 = arith.constant 9 : i32
      %add3A_901 = arith.addi %add3A_122, %add3A_900 : i32
      %add3A_902 = arith.constant 48 : i32
      %add3A_903 = arith.addi %mul3A_850, %add3A_902 : i32
      %get3A_904 = arith.index_cast %add3A_901 : i32 to index
      %get3A_905 = arith.index_cast %add3A_903 : i32 to index
      %get3A_906 = tpu.vector_load %arg13[%get3A_904, %get3A_905] {strides = array<i32>} : memref<256x128xf32, #tpu.memory_space<vmem>>, vector<16xf32>,
      %add3A_907 = arith.constant 9 : i32
      %add3A_908 = arith.addi %add3A_122, %add3A_907 : i32
      %add3A_909 = arith.constant 48 : i32
      %add3A_910 = arith.addi %mul3A_856, %add3A_909 : i32
      %get3A_911 = arith.index_cast %add3A_908 : i32 to index
      %get3A_912 = arith.index_cast %add3A_910 : i32 to index
      %get3A_913 = tpu.vector_load %arg14[%get3A_911, %get3A_912] {strides = array<i32>} : memref<256x128xf32, #tpu.memory_space<vmem>>, vector<16xf32>,
      %mul3A_914 = arith.mulf %get3A_906, %get3A_913 : vector<16xf32>
      %add3A_915 = arith.addf %add3A_899, %mul3A_914 : vector<16xf32>
      %reduce_sum3A_916 = arith.constant true
      %reduce_sum3A_917 = vector.broadcast %reduce_sum3A_916 : i1 to vector<16xi1>
      %reduce_sum3A_918 = tpu.scan <sum>, %add3A_915 masked %reduce_sum3A_917 : vector<16xf32>, vector<16xi1> -> vector<16xf32>
      %reduce_sum3A_919 = vector.extract %reduce_sum3A_918[15] : f32 from vector<16xf32>
      %eq3A_920 = arith.constant 9 : i32
      %eq3A_921 = vector.broadcast %eq3A_920 : i32 to vector<16xi32>
      %eq3A_922 = arith.cmpi eq, %iota3A, %eq3A_921 : vector<16xi32>
      %broadcast_in_dim3A_923 = vector.broadcast %reduce_sum3A_919 : f32 to vector<16xf32>
      %select_n3A_924 = arith.select %eq3A_922, %broadcast_in_dim3A_923, %select_n3A_844 : vector<16xi1>, vector<16xf32>
      %slice3A_925 = vector.extract_strided_slice %get3A_125 {offsets = [10], sizes = [1], strides = [1]} : vector<16xi32> to vector<1xi32>
      %squeeze3A_926 = vector.extract %slice3A_925[0] : i32 from vector<1xi32>
      %and3A_927 = arith.constant 1 : i32
      %and3A_928 = arith.andi %squeeze3A_926, %and3A_927 : i32
      %mul3A_929 = arith.constant 64 : i32
      %mul3A_930 = arith.muli %and3A_928, %mul3A_929 : i32
      %slice3A_931 = vector.extract_strided_slice %get3A_129 {offsets = [10], sizes = [1], strides = [1]} : vector<16xi32> to vector<1xi32>
      %squeeze3A_932 = vector.extract %slice3A_931[0] : i32 from vector<1xi32>
      %and3A_933 = arith.constant 1 : i32
      %and3A_934 = arith.andi %squeeze3A_932, %and3A_933 : i32
      %mul3A_935 = arith.constant 64 : i32
      %mul3A_936 = arith.muli %and3A_934, %mul3A_935 : i32
      %add3A_937 = arith.constant 10 : i32
      %add3A_938 = arith.addi %add3A_122, %add3A_937 : i32
      %get3A_939 = arith.index_cast %add3A_938 : i32 to index
      %get3A_940 = arith.index_cast %mul3A_930 : i32 to index
      %get3A_941 = tpu.vector_load %arg13[%get3A_939, %get3A_940] {strides = array<i32>} : memref<256x128xf32, #tpu.memory_space<vmem>>, vector<16xf32>,
      %add3A_942 = arith.constant 10 : i32
      %add3A_943 = arith.addi %add3A_122, %add3A_942 : i32
      %get3A_944 = arith.index_cast %add3A_943 : i32 to index
      %get3A_945 = arith.index_cast %mul3A_936 : i32 to index
      %get3A_946 = tpu.vector_load %arg14[%get3A_944, %get3A_945] {strides = array<i32>} : memref<256x128xf32, #tpu.memory_space<vmem>>, vector<16xf32>,
      %mul3A_947 = arith.mulf %get3A_941, %get3A_946 : vector<16xf32>
      %add3A_948 = arith.constant 10 : i32
      %add3A_949 = arith.addi %add3A_122, %add3A_948 : i32
      %add3A_950 = arith.constant 16 : i32
      %add3A_951 = arith.addi %mul3A_930, %add3A_950 : i32
      %get3A_952 = arith.index_cast %add3A_949 : i32 to index
      %get3A_953 = arith.index_cast %add3A_951 : i32 to index
      %get3A_954 = tpu.vector_load %arg13[%get3A_952, %get3A_953] {strides = array<i32>} : memref<256x128xf32, #tpu.memory_space<vmem>>, vector<16xf32>,
      %add3A_955 = arith.constant 10 : i32
      %add3A_956 = arith.addi %add3A_122, %add3A_955 : i32
      %add3A_957 = arith.constant 16 : i32
      %add3A_958 = arith.addi %mul3A_936, %add3A_957 : i32
      %get3A_959 = arith.index_cast %add3A_956 : i32 to index
      %get3A_960 = arith.index_cast %add3A_958 : i32 to index
      %get3A_961 = tpu.vector_load %arg14[%get3A_959, %get3A_960] {strides = array<i32>} : memref<256x128xf32, #tpu.memory_space<vmem>>, vector<16xf32>,
      %mul3A_962 = arith.mulf %get3A_954, %get3A_961 : vector<16xf32>
      %add3A_963 = arith.addf %mul3A_947, %mul3A_962 : vector<16xf32>
      %add3A_964 = arith.constant 10 : i32
      %add3A_965 = arith.addi %add3A_122, %add3A_964 : i32
      %add3A_966 = arith.constant 32 : i32
      %add3A_967 = arith.addi %mul3A_930, %add3A_966 : i32
      %get3A_968 = arith.index_cast %add3A_965 : i32 to index
      %get3A_969 = arith.index_cast %add3A_967 : i32 to index
      %get3A_970 = tpu.vector_load %arg13[%get3A_968, %get3A_969] {strides = array<i32>} : memref<256x128xf32, #tpu.memory_space<vmem>>, vector<16xf32>,
      %add3A_971 = arith.constant 10 : i32
      %add3A_972 = arith.addi %add3A_122, %add3A_971 : i32
      %add3A_973 = arith.constant 32 : i32
      %add3A_974 = arith.addi %mul3A_936, %add3A_973 : i32
      %get3A_975 = arith.index_cast %add3A_972 : i32 to index
      %get3A_976 = arith.index_cast %add3A_974 : i32 to index
      %get3A_977 = tpu.vector_load %arg14[%get3A_975, %get3A_976] {strides = array<i32>} : memref<256x128xf32, #tpu.memory_space<vmem>>, vector<16xf32>,
      %mul3A_978 = arith.mulf %get3A_970, %get3A_977 : vector<16xf32>
      %add3A_979 = arith.addf %add3A_963, %mul3A_978 : vector<16xf32>
      %add3A_980 = arith.constant 10 : i32
      %add3A_981 = arith.addi %add3A_122, %add3A_980 : i32
      %add3A_982 = arith.constant 48 : i32
      %add3A_983 = arith.addi %mul3A_930, %add3A_982 : i32
      %get3A_984 = arith.index_cast %add3A_981 : i32 to index
      %get3A_985 = arith.index_cast %add3A_983 : i32 to index
      %get3A_986 = tpu.vector_load %arg13[%get3A_984, %get3A_985] {strides = array<i32>} : memref<256x128xf32, #tpu.memory_space<vmem>>, vector<16xf32>,
      %add3A_987 = arith.constant 10 : i32
      %add3A_988 = arith.addi %add3A_122, %add3A_987 : i32
      %add3A_989 = arith.constant 48 : i32
      %add3A_990 = arith.addi %mul3A_936, %add3A_989 : i32
      %get3A_991 = arith.index_cast %add3A_988 : i32 to index
      %get3A_992 = arith.index_cast %add3A_990 : i32 to index
      %get3A_993 = tpu.vector_load %arg14[%get3A_991, %get3A_992] {strides = array<i32>} : memref<256x128xf32, #tpu.memory_space<vmem>>, vector<16xf32>,
      %mul3A_994 = arith.mulf %get3A_986, %get3A_993 : vector<16xf32>
      %add3A_995 = arith.addf %add3A_979, %mul3A_994 : vector<16xf32>
      %reduce_sum3A_996 = arith.constant true
      %reduce_sum3A_997 = vector.broadcast %reduce_sum3A_996 : i1 to vector<16xi1>
      %reduce_sum3A_998 = tpu.scan <sum>, %add3A_995 masked %reduce_sum3A_997 : vector<16xf32>, vector<16xi1> -> vector<16xf32>
      %reduce_sum3A_999 = vector.extract %reduce_sum3A_998[15] : f32 from vector<16xf32>
      %eq3A_1000 = arith.constant 10 : i32
      %eq3A_1001 = vector.broadcast %eq3A_1000 : i32 to vector<16xi32>
      %eq3A_1002 = arith.cmpi eq, %iota3A, %eq3A_1001 : vector<16xi32>
      %broadcast_in_dim3A_1003 = vector.broadcast %reduce_sum3A_999 : f32 to vector<16xf32>
      %select_n3A_1004 = arith.select %eq3A_1002, %broadcast_in_dim3A_1003, %select_n3A_924 : vector<16xi1>, vector<16xf32>
      %slice3A_1005 = vector.extract_strided_slice %get3A_125 {offsets = [11], sizes = [1], strides = [1]} : vector<16xi32> to vector<1xi32>
      %squeeze3A_1006 = vector.extract %slice3A_1005[0] : i32 from vector<1xi32>
      %and3A_1007 = arith.constant 1 : i32
      %and3A_1008 = arith.andi %squeeze3A_1006, %and3A_1007 : i32
      %mul3A_1009 = arith.constant 64 : i32
      %mul3A_1010 = arith.muli %and3A_1008, %mul3A_1009 : i32
      %slice3A_1011 = vector.extract_strided_slice %get3A_129 {offsets = [11], sizes = [1], strides = [1]} : vector<16xi32> to vector<1xi32>
      %squeeze3A_1012 = vector.extract %slice3A_1011[0] : i32 from vector<1xi32>
      %and3A_1013 = arith.constant 1 : i32
      %and3A_1014 = arith.andi %squeeze3A_1012, %and3A_1013 : i32
      %mul3A_1015 = arith.constant 64 : i32
      %mul3A_1016 = arith.muli %and3A_1014, %mul3A_1015 : i32
      %add3A_1017 = arith.constant 11 : i32
      %add3A_1018 = arith.addi %add3A_122, %add3A_1017 : i32
      %get3A_1019 = arith.index_cast %add3A_1018 : i32 to index
      %get3A_1020 = arith.index_cast %mul3A_1010 : i32 to index
      %get3A_1021 = tpu.vector_load %arg13[%get3A_1019, %get3A_1020] {strides = array<i32>} : memref<256x128xf32, #tpu.memory_space<vmem>>, vector<16xf32>,
      %add3A_1022 = arith.constant 11 : i32
      %add3A_1023 = arith.addi %add3A_122, %add3A_1022 : i32
      %get3A_1024 = arith.index_cast %add3A_1023 : i32 to index
      %get3A_1025 = arith.index_cast %mul3A_1016 : i32 to index
      %get3A_1026 = tpu.vector_load %arg14[%get3A_1024, %get3A_1025] {strides = array<i32>} : memref<256x128xf32, #tpu.memory_space<vmem>>, vector<16xf32>,
      %mul3A_1027 = arith.mulf %get3A_1021, %get3A_1026 : vector<16xf32>
      %add3A_1028 = arith.constant 11 : i32
      %add3A_1029 = arith.addi %add3A_122, %add3A_1028 : i32
      %add3A_1030 = arith.constant 16 : i32
      %add3A_1031 = arith.addi %mul3A_1010, %add3A_1030 : i32
      %get3A_1032 = arith.index_cast %add3A_1029 : i32 to index
      %get3A_1033 = arith.index_cast %add3A_1031 : i32 to index
      %get3A_1034 = tpu.vector_load %arg13[%get3A_1032, %get3A_1033] {strides = array<i32>} : memref<256x128xf32, #tpu.memory_space<vmem>>, vector<16xf32>,
      %add3A_1035 = arith.constant 11 : i32
      %add3A_1036 = arith.addi %add3A_122, %add3A_1035 : i32
      %add3A_1037 = arith.constant 16 : i32
      %add3A_1038 = arith.addi %mul3A_1016, %add3A_1037 : i32
      %get3A_1039 = arith.index_cast %add3A_1036 : i32 to index
      %get3A_1040 = arith.index_cast %add3A_1038 : i32 to index
      %get3A_1041 = tpu.vector_load %arg14[%get3A_1039, %get3A_1040] {strides = array<i32>} : memref<256x128xf32, #tpu.memory_space<vmem>>, vector<16xf32>,
      %mul3A_1042 = arith.mulf %get3A_1034, %get3A_1041 : vector<16xf32>
      %add3A_1043 = arith.addf %mul3A_1027, %mul3A_1042 : vector<16xf32>
      %add3A_1044 = arith.constant 11 : i32
      %add3A_1045 = arith.addi %add3A_122, %add3A_1044 : i32
      %add3A_1046 = arith.constant 32 : i32
      %add3A_1047 = arith.addi %mul3A_1010, %add3A_1046 : i32
      %get3A_1048 = arith.index_cast %add3A_1045 : i32 to index
      %get3A_1049 = arith.index_cast %add3A_1047 : i32 to index
      %get3A_1050 = tpu.vector_load %arg13[%get3A_1048, %get3A_1049] {strides = array<i32>} : memref<256x128xf32, #tpu.memory_space<vmem>>, vector<16xf32>,
      %add3A_1051 = arith.constant 11 : i32
      %add3A_1052 = arith.addi %add3A_122, %add3A_1051 : i32
      %add3A_1053 = arith.constant 32 : i32
      %add3A_1054 = arith.addi %mul3A_1016, %add3A_1053 : i32
      %get3A_1055 = arith.index_cast %add3A_1052 : i32 to index
      %get3A_1056 = arith.index_cast %add3A_1054 : i32 to index
      %get3A_1057 = tpu.vector_load %arg14[%get3A_1055, %get3A_1056] {strides = array<i32>} : memref<256x128xf32, #tpu.memory_space<vmem>>, vector<16xf32>,
      %mul3A_1058 = arith.mulf %get3A_1050, %get3A_1057 : vector<16xf32>
      %add3A_1059 = arith.addf %add3A_1043, %mul3A_1058 : vector<16xf32>
      %add3A_1060 = arith.constant 11 : i32
      %add3A_1061 = arith.addi %add3A_122, %add3A_1060 : i32
      %add3A_1062 = arith.constant 48 : i32
      %add3A_1063 = arith.addi %mul3A_1010, %add3A_1062 : i32
      %get3A_1064 = arith.index_cast %add3A_1061 : i32 to index
      %get3A_1065 = arith.index_cast %add3A_1063 : i32 to index
      %get3A_1066 = tpu.vector_load %arg13[%get3A_1064, %get3A_1065] {strides = array<i32>} : memref<256x128xf32, #tpu.memory_space<vmem>>, vector<16xf32>,
      %add3A_1067 = arith.constant 11 : i32
      %add3A_1068 = arith.addi %add3A_122, %add3A_1067 : i32
      %add3A_1069 = arith.constant 48 : i32
      %add3A_1070 = arith.addi %mul3A_1016, %add3A_1069 : i32
      %get3A_1071 = arith.index_cast %add3A_1068 : i32 to index
      %get3A_1072 = arith.index_cast %add3A_1070 : i32 to index
      %get3A_1073 = tpu.vector_load %arg14[%get3A_1071, %get3A_1072] {strides = array<i32>} : memref<256x128xf32, #tpu.memory_space<vmem>>, vector<16xf32>,
      %mul3A_1074 = arith.mulf %get3A_1066, %get3A_1073 : vector<16xf32>
      %add3A_1075 = arith.addf %add3A_1059, %mul3A_1074 : vector<16xf32>
      %reduce_sum3A_1076 = arith.constant true
      %reduce_sum3A_1077 = vector.broadcast %reduce_sum3A_1076 : i1 to vector<16xi1>
      %reduce_sum3A_1078 = tpu.scan <sum>, %add3A_1075 masked %reduce_sum3A_1077 : vector<16xf32>, vector<16xi1> -> vector<16xf32>
      %reduce_sum3A_1079 = vector.extract %reduce_sum3A_1078[15] : f32 from vector<16xf32>
      %eq3A_1080 = arith.constant 11 : i32
      %eq3A_1081 = vector.broadcast %eq3A_1080 : i32 to vector<16xi32>
      %eq3A_1082 = arith.cmpi eq, %iota3A, %eq3A_1081 : vector<16xi32>
      %broadcast_in_dim3A_1083 = vector.broadcast %reduce_sum3A_1079 : f32 to vector<16xf32>
      %select_n3A_1084 = arith.select %eq3A_1082, %broadcast_in_dim3A_1083, %select_n3A_1004 : vector<16xi1>, vector<16xf32>
      %slice3A_1085 = vector.extract_strided_slice %get3A_125 {offsets = [12], sizes = [1], strides = [1]} : vector<16xi32> to vector<1xi32>
      %squeeze3A_1086 = vector.extract %slice3A_1085[0] : i32 from vector<1xi32>
      %and3A_1087 = arith.constant 1 : i32
      %and3A_1088 = arith.andi %squeeze3A_1086, %and3A_1087 : i32
      %mul3A_1089 = arith.constant 64 : i32
      %mul3A_1090 = arith.muli %and3A_1088, %mul3A_1089 : i32
      %slice3A_1091 = vector.extract_strided_slice %get3A_129 {offsets = [12], sizes = [1], strides = [1]} : vector<16xi32> to vector<1xi32>
      %squeeze3A_1092 = vector.extract %slice3A_1091[0] : i32 from vector<1xi32>
      %and3A_1093 = arith.constant 1 : i32
      %and3A_1094 = arith.andi %squeeze3A_1092, %and3A_1093 : i32
      %mul3A_1095 = arith.constant 64 : i32
      %mul3A_1096 = arith.muli %and3A_1094, %mul3A_1095 : i32
      %add3A_1097 = arith.constant 12 : i32
      %add3A_1098 = arith.addi %add3A_122, %add3A_1097 : i32
      %get3A_1099 = arith.index_cast %add3A_1098 : i32 to index
      %get3A_1100 = arith.index_cast %mul3A_1090 : i32 to index
      %get3A_1101 = tpu.vector_load %arg13[%get3A_1099, %get3A_1100] {strides = array<i32>} : memref<256x128xf32, #tpu.memory_space<vmem>>, vector<16xf32>,
      %add3A_1102 = arith.constant 12 : i32
      %add3A_1103 = arith.addi %add3A_122, %add3A_1102 : i32
      %get3A_1104 = arith.index_cast %add3A_1103 : i32 to index
      %get3A_1105 = arith.index_cast %mul3A_1096 : i32 to index
      %get3A_1106 = tpu.vector_load %arg14[%get3A_1104, %get3A_1105] {strides = array<i32>} : memref<256x128xf32, #tpu.memory_space<vmem>>, vector<16xf32>,
      %mul3A_1107 = arith.mulf %get3A_1101, %get3A_1106 : vector<16xf32>
      %add3A_1108 = arith.constant 12 : i32
      %add3A_1109 = arith.addi %add3A_122, %add3A_1108 : i32
      %add3A_1110 = arith.constant 16 : i32
      %add3A_1111 = arith.addi %mul3A_1090, %add3A_1110 : i32
      %get3A_1112 = arith.index_cast %add3A_1109 : i32 to index
      %get3A_1113 = arith.index_cast %add3A_1111 : i32 to index
      %get3A_1114 = tpu.vector_load %arg13[%get3A_1112, %get3A_1113] {strides = array<i32>} : memref<256x128xf32, #tpu.memory_space<vmem>>, vector<16xf32>,
      %add3A_1115 = arith.constant 12 : i32
      %add3A_1116 = arith.addi %add3A_122, %add3A_1115 : i32
      %add3A_1117 = arith.constant 16 : i32
      %add3A_1118 = arith.addi %mul3A_1096, %add3A_1117 : i32
      %get3A_1119 = arith.index_cast %add3A_1116 : i32 to index
      %get3A_1120 = arith.index_cast %add3A_1118 : i32 to index
      %get3A_1121 = tpu.vector_load %arg14[%get3A_1119, %get3A_1120] {strides = array<i32>} : memref<256x128xf32, #tpu.memory_space<vmem>>, vector<16xf32>,
      %mul3A_1122 = arith.mulf %get3A_1114, %get3A_1121 : vector<16xf32>
      %add3A_1123 = arith.addf %mul3A_1107, %mul3A_1122 : vector<16xf32>
      %add3A_1124 = arith.constant 12 : i32
      %add3A_1125 = arith.addi %add3A_122, %add3A_1124 : i32
      %add3A_1126 = arith.constant 32 : i32
      %add3A_1127 = arith.addi %mul3A_1090, %add3A_1126 : i32
      %get3A_1128 = arith.index_cast %add3A_1125 : i32 to index
      %get3A_1129 = arith.index_cast %add3A_1127 : i32 to index
      %get3A_1130 = tpu.vector_load %arg13[%get3A_1128, %get3A_1129] {strides = array<i32>} : memref<256x128xf32, #tpu.memory_space<vmem>>, vector<16xf32>,
      %add3A_1131 = arith.constant 12 : i32
      %add3A_1132 = arith.addi %add3A_122, %add3A_1131 : i32
      %add3A_1133 = arith.constant 32 : i32
      %add3A_1134 = arith.addi %mul3A_1096, %add3A_1133 : i32
      %get3A_1135 = arith.index_cast %add3A_1132 : i32 to index
      %get3A_1136 = arith.index_cast %add3A_1134 : i32 to index
      %get3A_1137 = tpu.vector_load %arg14[%get3A_1135, %get3A_1136] {strides = array<i32>} : memref<256x128xf32, #tpu.memory_space<vmem>>, vector<16xf32>,
      %mul3A_1138 = arith.mulf %get3A_1130, %get3A_1137 : vector<16xf32>
      %add3A_1139 = arith.addf %add3A_1123, %mul3A_1138 : vector<16xf32>
      %add3A_1140 = arith.constant 12 : i32
      %add3A_1141 = arith.addi %add3A_122, %add3A_1140 : i32
      %add3A_1142 = arith.constant 48 : i32
      %add3A_1143 = arith.addi %mul3A_1090, %add3A_1142 : i32
      %get3A_1144 = arith.index_cast %add3A_1141 : i32 to index
      %get3A_1145 = arith.index_cast %add3A_1143 : i32 to index
      %get3A_1146 = tpu.vector_load %arg13[%get3A_1144, %get3A_1145] {strides = array<i32>} : memref<256x128xf32, #tpu.memory_space<vmem>>, vector<16xf32>,
      %add3A_1147 = arith.constant 12 : i32
      %add3A_1148 = arith.addi %add3A_122, %add3A_1147 : i32
      %add3A_1149 = arith.constant 48 : i32
      %add3A_1150 = arith.addi %mul3A_1096, %add3A_1149 : i32
      %get3A_1151 = arith.index_cast %add3A_1148 : i32 to index
      %get3A_1152 = arith.index_cast %add3A_1150 : i32 to index
      %get3A_1153 = tpu.vector_load %arg14[%get3A_1151, %get3A_1152] {strides = array<i32>} : memref<256x128xf32, #tpu.memory_space<vmem>>, vector<16xf32>,
      %mul3A_1154 = arith.mulf %get3A_1146, %get3A_1153 : vector<16xf32>
      %add3A_1155 = arith.addf %add3A_1139, %mul3A_1154 : vector<16xf32>
      %reduce_sum3A_1156 = arith.constant true
      %reduce_sum3A_1157 = vector.broadcast %reduce_sum3A_1156 : i1 to vector<16xi1>
      %reduce_sum3A_1158 = tpu.scan <sum>, %add3A_1155 masked %reduce_sum3A_1157 : vector<16xf32>, vector<16xi1> -> vector<16xf32>
      %reduce_sum3A_1159 = vector.extract %reduce_sum3A_1158[15] : f32 from vector<16xf32>
      %eq3A_1160 = arith.constant 12 : i32
      %eq3A_1161 = vector.broadcast %eq3A_1160 : i32 to vector<16xi32>
      %eq3A_1162 = arith.cmpi eq, %iota3A, %eq3A_1161 : vector<16xi32>
      %broadcast_in_dim3A_1163 = vector.broadcast %reduce_sum3A_1159 : f32 to vector<16xf32>
      %select_n3A_1164 = arith.select %eq3A_1162, %broadcast_in_dim3A_1163, %select_n3A_1084 : vector<16xi1>, vector<16xf32>
      %slice3A_1165 = vector.extract_strided_slice %get3A_125 {offsets = [13], sizes = [1], strides = [1]} : vector<16xi32> to vector<1xi32>
      %squeeze3A_1166 = vector.extract %slice3A_1165[0] : i32 from vector<1xi32>
      %and3A_1167 = arith.constant 1 : i32
      %and3A_1168 = arith.andi %squeeze3A_1166, %and3A_1167 : i32
      %mul3A_1169 = arith.constant 64 : i32
      %mul3A_1170 = arith.muli %and3A_1168, %mul3A_1169 : i32
      %slice3A_1171 = vector.extract_strided_slice %get3A_129 {offsets = [13], sizes = [1], strides = [1]} : vector<16xi32> to vector<1xi32>
      %squeeze3A_1172 = vector.extract %slice3A_1171[0] : i32 from vector<1xi32>
      %and3A_1173 = arith.constant 1 : i32
      %and3A_1174 = arith.andi %squeeze3A_1172, %and3A_1173 : i32
      %mul3A_1175 = arith.constant 64 : i32
      %mul3A_1176 = arith.muli %and3A_1174, %mul3A_1175 : i32
      %add3A_1177 = arith.constant 13 : i32
      %add3A_1178 = arith.addi %add3A_122, %add3A_1177 : i32
      %get3A_1179 = arith.index_cast %add3A_1178 : i32 to index
      %get3A_1180 = arith.index_cast %mul3A_1170 : i32 to index
      %get3A_1181 = tpu.vector_load %arg13[%get3A_1179, %get3A_1180] {strides = array<i32>} : memref<256x128xf32, #tpu.memory_space<vmem>>, vector<16xf32>,
      %add3A_1182 = arith.constant 13 : i32
      %add3A_1183 = arith.addi %add3A_122, %add3A_1182 : i32
      %get3A_1184 = arith.index_cast %add3A_1183 : i32 to index
      %get3A_1185 = arith.index_cast %mul3A_1176 : i32 to index
      %get3A_1186 = tpu.vector_load %arg14[%get3A_1184, %get3A_1185] {strides = array<i32>} : memref<256x128xf32, #tpu.memory_space<vmem>>, vector<16xf32>,
      %mul3A_1187 = arith.mulf %get3A_1181, %get3A_1186 : vector<16xf32>
      %add3A_1188 = arith.constant 13 : i32
      %add3A_1189 = arith.addi %add3A_122, %add3A_1188 : i32
      %add3A_1190 = arith.constant 16 : i32
      %add3A_1191 = arith.addi %mul3A_1170, %add3A_1190 : i32
      %get3A_1192 = arith.index_cast %add3A_1189 : i32 to index
      %get3A_1193 = arith.index_cast %add3A_1191 : i32 to index
      %get3A_1194 = tpu.vector_load %arg13[%get3A_1192, %get3A_1193] {strides = array<i32>} : memref<256x128xf32, #tpu.memory_space<vmem>>, vector<16xf32>,
      %add3A_1195 = arith.constant 13 : i32
      %add3A_1196 = arith.addi %add3A_122, %add3A_1195 : i32
      %add3A_1197 = arith.constant 16 : i32
      %add3A_1198 = arith.addi %mul3A_1176, %add3A_1197 : i32
      %get3A_1199 = arith.index_cast %add3A_1196 : i32 to index
      %get3A_1200 = arith.index_cast %add3A_1198 : i32 to index
      %get3A_1201 = tpu.vector_load %arg14[%get3A_1199, %get3A_1200] {strides = array<i32>} : memref<256x128xf32, #tpu.memory_space<vmem>>, vector<16xf32>,
      %mul3A_1202 = arith.mulf %get3A_1194, %get3A_1201 : vector<16xf32>
      %add3A_1203 = arith.addf %mul3A_1187, %mul3A_1202 : vector<16xf32>
      %add3A_1204 = arith.constant 13 : i32
      %add3A_1205 = arith.addi %add3A_122, %add3A_1204 : i32
      %add3A_1206 = arith.constant 32 : i32
      %add3A_1207 = arith.addi %mul3A_1170, %add3A_1206 : i32
      %get3A_1208 = arith.index_cast %add3A_1205 : i32 to index
      %get3A_1209 = arith.index_cast %add3A_1207 : i32 to index
      %get3A_1210 = tpu.vector_load %arg13[%get3A_1208, %get3A_1209] {strides = array<i32>} : memref<256x128xf32, #tpu.memory_space<vmem>>, vector<16xf32>,
      %add3A_1211 = arith.constant 13 : i32
      %add3A_1212 = arith.addi %add3A_122, %add3A_1211 : i32
      %add3A_1213 = arith.constant 32 : i32
      %add3A_1214 = arith.addi %mul3A_1176, %add3A_1213 : i32
      %get3A_1215 = arith.index_cast %add3A_1212 : i32 to index
      %get3A_1216 = arith.index_cast %add3A_1214 : i32 to index
      %get3A_1217 = tpu.vector_load %arg14[%get3A_1215, %get3A_1216] {strides = array<i32>} : memref<256x128xf32, #tpu.memory_space<vmem>>, vector<16xf32>,
      %mul3A_1218 = arith.mulf %get3A_1210, %get3A_1217 : vector<16xf32>
      %add3A_1219 = arith.addf %add3A_1203, %mul3A_1218 : vector<16xf32>
      %add3A_1220 = arith.constant 13 : i32
      %add3A_1221 = arith.addi %add3A_122, %add3A_1220 : i32
      %add3A_1222 = arith.constant 48 : i32
      %add3A_1223 = arith.addi %mul3A_1170, %add3A_1222 : i32
      %get3A_1224 = arith.index_cast %add3A_1221 : i32 to index
      %get3A_1225 = arith.index_cast %add3A_1223 : i32 to index
      %get3A_1226 = tpu.vector_load %arg13[%get3A_1224, %get3A_1225] {strides = array<i32>} : memref<256x128xf32, #tpu.memory_space<vmem>>, vector<16xf32>,
      %add3A_1227 = arith.constant 13 : i32
      %add3A_1228 = arith.addi %add3A_122, %add3A_1227 : i32
      %add3A_1229 = arith.constant 48 : i32
      %add3A_1230 = arith.addi %mul3A_1176, %add3A_1229 : i32
      %get3A_1231 = arith.index_cast %add3A_1228 : i32 to index
      %get3A_1232 = arith.index_cast %add3A_1230 : i32 to index
      %get3A_1233 = tpu.vector_load %arg14[%get3A_1231, %get3A_1232] {strides = array<i32>} : memref<256x128xf32, #tpu.memory_space<vmem>>, vector<16xf32>,
      %mul3A_1234 = arith.mulf %get3A_1226, %get3A_1233 : vector<16xf32>
      %add3A_1235 = arith.addf %add3A_1219, %mul3A_1234 : vector<16xf32>
      %reduce_sum3A_1236 = arith.constant true
      %reduce_sum3A_1237 = vector.broadcast %reduce_sum3A_1236 : i1 to vector<16xi1>
      %reduce_sum3A_1238 = tpu.scan <sum>, %add3A_1235 masked %reduce_sum3A_1237 : vector<16xf32>, vector<16xi1> -> vector<16xf32>
      %reduce_sum3A_1239 = vector.extract %reduce_sum3A_1238[15] : f32 from vector<16xf32>
      %eq3A_1240 = arith.constant 13 : i32
      %eq3A_1241 = vector.broadcast %eq3A_1240 : i32 to vector<16xi32>
      %eq3A_1242 = arith.cmpi eq, %iota3A, %eq3A_1241 : vector<16xi32>
      %broadcast_in_dim3A_1243 = vector.broadcast %reduce_sum3A_1239 : f32 to vector<16xf32>
      %select_n3A_1244 = arith.select %eq3A_1242, %broadcast_in_dim3A_1243, %select_n3A_1164 : vector<16xi1>, vector<16xf32>
      %slice3A_1245 = vector.extract_strided_slice %get3A_125 {offsets = [14], sizes = [1], strides = [1]} : vector<16xi32> to vector<1xi32>
      %squeeze3A_1246 = vector.extract %slice3A_1245[0] : i32 from vector<1xi32>
      %and3A_1247 = arith.constant 1 : i32
      %and3A_1248 = arith.andi %squeeze3A_1246, %and3A_1247 : i32
      %mul3A_1249 = arith.constant 64 : i32
      %mul3A_1250 = arith.muli %and3A_1248, %mul3A_1249 : i32
      %slice3A_1251 = vector.extract_strided_slice %get3A_129 {offsets = [14], sizes = [1], strides = [1]} : vector<16xi32> to vector<1xi32>
      %squeeze3A_1252 = vector.extract %slice3A_1251[0] : i32 from vector<1xi32>
      %and3A_1253 = arith.constant 1 : i32
      %and3A_1254 = arith.andi %squeeze3A_1252, %and3A_1253 : i32
      %mul3A_1255 = arith.constant 64 : i32
      %mul3A_1256 = arith.muli %and3A_1254, %mul3A_1255 : i32
      %add3A_1257 = arith.constant 14 : i32
      %add3A_1258 = arith.addi %add3A_122, %add3A_1257 : i32
      %get3A_1259 = arith.index_cast %add3A_1258 : i32 to index
      %get3A_1260 = arith.index_cast %mul3A_1250 : i32 to index
      %get3A_1261 = tpu.vector_load %arg13[%get3A_1259, %get3A_1260] {strides = array<i32>} : memref<256x128xf32, #tpu.memory_space<vmem>>, vector<16xf32>,
      %add3A_1262 = arith.constant 14 : i32
      %add3A_1263 = arith.addi %add3A_122, %add3A_1262 : i32
      %get3A_1264 = arith.index_cast %add3A_1263 : i32 to index
      %get3A_1265 = arith.index_cast %mul3A_1256 : i32 to index
      %get3A_1266 = tpu.vector_load %arg14[%get3A_1264, %get3A_1265] {strides = array<i32>} : memref<256x128xf32, #tpu.memory_space<vmem>>, vector<16xf32>,
      %mul3A_1267 = arith.mulf %get3A_1261, %get3A_1266 : vector<16xf32>
      %add3A_1268 = arith.constant 14 : i32
      %add3A_1269 = arith.addi %add3A_122, %add3A_1268 : i32
      %add3A_1270 = arith.constant 16 : i32
      %add3A_1271 = arith.addi %mul3A_1250, %add3A_1270 : i32
      %get3A_1272 = arith.index_cast %add3A_1269 : i32 to index
      %get3A_1273 = arith.index_cast %add3A_1271 : i32 to index
      %get3A_1274 = tpu.vector_load %arg13[%get3A_1272, %get3A_1273] {strides = array<i32>} : memref<256x128xf32, #tpu.memory_space<vmem>>, vector<16xf32>,
      %add3A_1275 = arith.constant 14 : i32
      %add3A_1276 = arith.addi %add3A_122, %add3A_1275 : i32
      %add3A_1277 = arith.constant 16 : i32
      %add3A_1278 = arith.addi %mul3A_1256, %add3A_1277 : i32
      %get3A_1279 = arith.index_cast %add3A_1276 : i32 to index
      %get3A_1280 = arith.index_cast %add3A_1278 : i32 to index
      %get3A_1281 = tpu.vector_load %arg14[%get3A_1279, %get3A_1280] {strides = array<i32>} : memref<256x128xf32, #tpu.memory_space<vmem>>, vector<16xf32>,
      %mul3A_1282 = arith.mulf %get3A_1274, %get3A_1281 : vector<16xf32>
      %add3A_1283 = arith.addf %mul3A_1267, %mul3A_1282 : vector<16xf32>
      %add3A_1284 = arith.constant 14 : i32
      %add3A_1285 = arith.addi %add3A_122, %add3A_1284 : i32
      %add3A_1286 = arith.constant 32 : i32
      %add3A_1287 = arith.addi %mul3A_1250, %add3A_1286 : i32
      %get3A_1288 = arith.index_cast %add3A_1285 : i32 to index
      %get3A_1289 = arith.index_cast %add3A_1287 : i32 to index
      %get3A_1290 = tpu.vector_load %arg13[%get3A_1288, %get3A_1289] {strides = array<i32>} : memref<256x128xf32, #tpu.memory_space<vmem>>, vector<16xf32>,
      %add3A_1291 = arith.constant 14 : i32
      %add3A_1292 = arith.addi %add3A_122, %add3A_1291 : i32
      %add3A_1293 = arith.constant 32 : i32
      %add3A_1294 = arith.addi %mul3A_1256, %add3A_1293 : i32
      %get3A_1295 = arith.index_cast %add3A_1292 : i32 to index
      %get3A_1296 = arith.index_cast %add3A_1294 : i32 to index
      %get3A_1297 = tpu.vector_load %arg14[%get3A_1295, %get3A_1296] {strides = array<i32>} : memref<256x128xf32, #tpu.memory_space<vmem>>, vector<16xf32>,
      %mul3A_1298 = arith.mulf %get3A_1290, %get3A_1297 : vector<16xf32>
      %add3A_1299 = arith.addf %add3A_1283, %mul3A_1298 : vector<16xf32>
      %add3A_1300 = arith.constant 14 : i32
      %add3A_1301 = arith.addi %add3A_122, %add3A_1300 : i32
      %add3A_1302 = arith.constant 48 : i32
      %add3A_1303 = arith.addi %mul3A_1250, %add3A_1302 : i32
      %get3A_1304 = arith.index_cast %add3A_1301 : i32 to index
      %get3A_1305 = arith.index_cast %add3A_1303 : i32 to index
      %get3A_1306 = tpu.vector_load %arg13[%get3A_1304, %get3A_1305] {strides = array<i32>} : memref<256x128xf32, #tpu.memory_space<vmem>>, vector<16xf32>,
      %add3A_1307 = arith.constant 14 : i32
      %add3A_1308 = arith.addi %add3A_122, %add3A_1307 : i32
      %add3A_1309 = arith.constant 48 : i32
      %add3A_1310 = arith.addi %mul3A_1256, %add3A_1309 : i32
      %get3A_1311 = arith.index_cast %add3A_1308 : i32 to index
      %get3A_1312 = arith.index_cast %add3A_1310 : i32 to index
      %get3A_1313 = tpu.vector_load %arg14[%get3A_1311, %get3A_1312] {strides = array<i32>} : memref<256x128xf32, #tpu.memory_space<vmem>>, vector<16xf32>,
      %mul3A_1314 = arith.mulf %get3A_1306, %get3A_1313 : vector<16xf32>
      %add3A_1315 = arith.addf %add3A_1299, %mul3A_1314 : vector<16xf32>
      %reduce_sum3A_1316 = arith.constant true
      %reduce_sum3A_1317 = vector.broadcast %reduce_sum3A_1316 : i1 to vector<16xi1>
      %reduce_sum3A_1318 = tpu.scan <sum>, %add3A_1315 masked %reduce_sum3A_1317 : vector<16xf32>, vector<16xi1> -> vector<16xf32>
      %reduce_sum3A_1319 = vector.extract %reduce_sum3A_1318[15] : f32 from vector<16xf32>
      %eq3A_1320 = arith.constant 14 : i32
      %eq3A_1321 = vector.broadcast %eq3A_1320 : i32 to vector<16xi32>
      %eq3A_1322 = arith.cmpi eq, %iota3A, %eq3A_1321 : vector<16xi32>
      %broadcast_in_dim3A_1323 = vector.broadcast %reduce_sum3A_1319 : f32 to vector<16xf32>
      %select_n3A_1324 = arith.select %eq3A_1322, %broadcast_in_dim3A_1323, %select_n3A_1244 : vector<16xi1>, vector<16xf32>
      %slice3A_1325 = vector.extract_strided_slice %get3A_125 {offsets = [15], sizes = [1], strides = [1]} : vector<16xi32> to vector<1xi32>
      %squeeze3A_1326 = vector.extract %slice3A_1325[0] : i32 from vector<1xi32>
      %and3A_1327 = arith.constant 1 : i32
      %and3A_1328 = arith.andi %squeeze3A_1326, %and3A_1327 : i32
      %mul3A_1329 = arith.constant 64 : i32
      %mul3A_1330 = arith.muli %and3A_1328, %mul3A_1329 : i32
      %slice3A_1331 = vector.extract_strided_slice %get3A_129 {offsets = [15], sizes = [1], strides = [1]} : vector<16xi32> to vector<1xi32>
      %squeeze3A_1332 = vector.extract %slice3A_1331[0] : i32 from vector<1xi32>
      %and3A_1333 = arith.constant 1 : i32
      %and3A_1334 = arith.andi %squeeze3A_1332, %and3A_1333 : i32
      %mul3A_1335 = arith.constant 64 : i32
      %mul3A_1336 = arith.muli %and3A_1334, %mul3A_1335 : i32
      %add3A_1337 = arith.constant 15 : i32
      %add3A_1338 = arith.addi %add3A_122, %add3A_1337 : i32
      %get3A_1339 = arith.index_cast %add3A_1338 : i32 to index
      %get3A_1340 = arith.index_cast %mul3A_1330 : i32 to index
      %get3A_1341 = tpu.vector_load %arg13[%get3A_1339, %get3A_1340] {strides = array<i32>} : memref<256x128xf32, #tpu.memory_space<vmem>>, vector<16xf32>,
      %add3A_1342 = arith.constant 15 : i32
      %add3A_1343 = arith.addi %add3A_122, %add3A_1342 : i32
      %get3A_1344 = arith.index_cast %add3A_1343 : i32 to index
      %get3A_1345 = arith.index_cast %mul3A_1336 : i32 to index
      %get3A_1346 = tpu.vector_load %arg14[%get3A_1344, %get3A_1345] {strides = array<i32>} : memref<256x128xf32, #tpu.memory_space<vmem>>, vector<16xf32>,
      %mul3A_1347 = arith.mulf %get3A_1341, %get3A_1346 : vector<16xf32>
      %add3A_1348 = arith.constant 15 : i32
      %add3A_1349 = arith.addi %add3A_122, %add3A_1348 : i32
      %add3A_1350 = arith.constant 16 : i32
      %add3A_1351 = arith.addi %mul3A_1330, %add3A_1350 : i32
      %get3A_1352 = arith.index_cast %add3A_1349 : i32 to index
      %get3A_1353 = arith.index_cast %add3A_1351 : i32 to index
      %get3A_1354 = tpu.vector_load %arg13[%get3A_1352, %get3A_1353] {strides = array<i32>} : memref<256x128xf32, #tpu.memory_space<vmem>>, vector<16xf32>,
      %add3A_1355 = arith.constant 15 : i32
      %add3A_1356 = arith.addi %add3A_122, %add3A_1355 : i32
      %add3A_1357 = arith.constant 16 : i32
      %add3A_1358 = arith.addi %mul3A_1336, %add3A_1357 : i32
      %get3A_1359 = arith.index_cast %add3A_1356 : i32 to index
      %get3A_1360 = arith.index_cast %add3A_1358 : i32 to index
      %get3A_1361 = tpu.vector_load %arg14[%get3A_1359, %get3A_1360] {strides = array<i32>} : memref<256x128xf32, #tpu.memory_space<vmem>>, vector<16xf32>,
      %mul3A_1362 = arith.mulf %get3A_1354, %get3A_1361 : vector<16xf32>
      %add3A_1363 = arith.addf %mul3A_1347, %mul3A_1362 : vector<16xf32>
      %add3A_1364 = arith.constant 15 : i32
      %add3A_1365 = arith.addi %add3A_122, %add3A_1364 : i32
      %add3A_1366 = arith.constant 32 : i32
      %add3A_1367 = arith.addi %mul3A_1330, %add3A_1366 : i32
      %get3A_1368 = arith.index_cast %add3A_1365 : i32 to index
      %get3A_1369 = arith.index_cast %add3A_1367 : i32 to index
      %get3A_1370 = tpu.vector_load %arg13[%get3A_1368, %get3A_1369] {strides = array<i32>} : memref<256x128xf32, #tpu.memory_space<vmem>>, vector<16xf32>,
      %add3A_1371 = arith.constant 15 : i32
      %add3A_1372 = arith.addi %add3A_122, %add3A_1371 : i32
      %add3A_1373 = arith.constant 32 : i32
      %add3A_1374 = arith.addi %mul3A_1336, %add3A_1373 : i32
      %get3A_1375 = arith.index_cast %add3A_1372 : i32 to index
      %get3A_1376 = arith.index_cast %add3A_1374 : i32 to index
      %get3A_1377 = tpu.vector_load %arg14[%get3A_1375, %get3A_1376] {strides = array<i32>} : memref<256x128xf32, #tpu.memory_space<vmem>>, vector<16xf32>,
      %mul3A_1378 = arith.mulf %get3A_1370, %get3A_1377 : vector<16xf32>
      %add3A_1379 = arith.addf %add3A_1363, %mul3A_1378 : vector<16xf32>
      %add3A_1380 = arith.constant 15 : i32
      %add3A_1381 = arith.addi %add3A_122, %add3A_1380 : i32
      %add3A_1382 = arith.constant 48 : i32
      %add3A_1383 = arith.addi %mul3A_1330, %add3A_1382 : i32
      %get3A_1384 = arith.index_cast %add3A_1381 : i32 to index
      %get3A_1385 = arith.index_cast %add3A_1383 : i32 to index
      %get3A_1386 = tpu.vector_load %arg13[%get3A_1384, %get3A_1385] {strides = array<i32>} : memref<256x128xf32, #tpu.memory_space<vmem>>, vector<16xf32>,
      %add3A_1387 = arith.constant 15 : i32
      %add3A_1388 = arith.addi %add3A_122, %add3A_1387 : i32
      %add3A_1389 = arith.constant 48 : i32
      %add3A_1390 = arith.addi %mul3A_1336, %add3A_1389 : i32
      %get3A_1391 = arith.index_cast %add3A_1388 : i32 to index
      %get3A_1392 = arith.index_cast %add3A_1390 : i32 to index
      %get3A_1393 = tpu.vector_load %arg14[%get3A_1391, %get3A_1392] {strides = array<i32>} : memref<256x128xf32, #tpu.memory_space<vmem>>, vector<16xf32>,
      %mul3A_1394 = arith.mulf %get3A_1386, %get3A_1393 : vector<16xf32>
      %add3A_1395 = arith.addf %add3A_1379, %mul3A_1394 : vector<16xf32>
      %reduce_sum3A_1396 = arith.constant true
      %reduce_sum3A_1397 = vector.broadcast %reduce_sum3A_1396 : i1 to vector<16xi1>
      %reduce_sum3A_1398 = tpu.scan <sum>, %add3A_1395 masked %reduce_sum3A_1397 : vector<16xf32>, vector<16xi1> -> vector<16xf32>
      %reduce_sum3A_1399 = vector.extract %reduce_sum3A_1398[15] : f32 from vector<16xf32>
      %eq3A_1400 = arith.constant 15 : i32
      %eq3A_1401 = vector.broadcast %eq3A_1400 : i32 to vector<16xi32>
      %eq3A_1402 = arith.cmpi eq, %iota3A, %eq3A_1401 : vector<16xi32>
      %broadcast_in_dim3A_1403 = vector.broadcast %reduce_sum3A_1399 : f32 to vector<16xf32>
      %select_n3A_1404 = arith.select %eq3A_1402, %broadcast_in_dim3A_1403, %select_n3A_1324 : vector<16xi1>, vector<16xf32>
      %add3A_1405 = arith.constant 256 : i32
      %add3A_1406 = arith.addi %add3A_1405, %add3A_122 : i32
      %swap3A = arith.index_cast %add3A_1406 : i32 to index
      %swap3A_1407 = tpu.vector_load %arg15[%swap3A] {strides = array<i32>} : memref<512xf32, #tpu.memory_space<vmem>>, vector<16xf32>,
      tpu.vector_store %arg15[%swap3A], %select_n3A_1404 {strides = array<i32>} : memref<512xf32, #tpu.memory_space<vmem>>, vector<16xf32>,
    }
    %scan3A_88 = arith.constant 16 : i32
    %dma_wait3A_89 = arith.constant 0 : i32
    %dma_wait3A_90 = tpu.memref_slice %arg6[%add3A, %dma_wait3A_89] : memref<32x512xf32, #tpu.memory_space<hbm>> -> memref<1x512xf32, #tpu.memory_space<hbm>>
    %dma_wait3A_91 = tpu.memref_squeeze %dma_wait3A_90 : memref<1x512xf32, #tpu.memory_space<hbm>> -> memref<512xf32, #tpu.memory_space<hbm>>
    %dma_wait3A_92 = arith.constant 0 : i32
    %dma_wait3A_93 = tpu.memref_slice %arg6[%add3A, %dma_wait3A_92] : memref<32x512xf32, #tpu.memory_space<hbm>> -> memref<1x512xf32, #tpu.memory_space<hbm>>
    %dma_wait3A_94 = tpu.memref_squeeze %dma_wait3A_93 : memref<1x512xf32, #tpu.memory_space<hbm>> -> memref<512xf32, #tpu.memory_space<hbm>>
    tpu.wait_dma2 semaphore(%arg18 : memref<!tpu.dma_semaphore, #tpu.memory_space<semaphore_mem>>) src(%dma_wait3A_94 : memref<512xf32, #tpu.memory_space<hbm>>) dst(%arg16 : memref<512xf32, #tpu.memory_space<vmem>>)
    %dma_wait3A_95 = arith.constant 0 : i32
    %dma_wait3A_96 = tpu.memref_slice %arg7[%add3A, %dma_wait3A_95] : memref<32x512xf32, #tpu.memory_space<hbm>> -> memref<1x512xf32, #tpu.memory_space<hbm>>
    %dma_wait3A_97 = tpu.memref_squeeze %dma_wait3A_96 : memref<1x512xf32, #tpu.memory_space<hbm>> -> memref<512xf32, #tpu.memory_space<hbm>>
    %dma_wait3A_98 = arith.constant 0 : i32
    %dma_wait3A_99 = tpu.memref_slice %arg7[%add3A, %dma_wait3A_98] : memref<32x512xf32, #tpu.memory_space<hbm>> -> memref<1x512xf32, #tpu.memory_space<hbm>>
    %dma_wait3A_100 = tpu.memref_squeeze %dma_wait3A_99 : memref<1x512xf32, #tpu.memory_space<hbm>> -> memref<512xf32, #tpu.memory_space<hbm>>
    tpu.wait_dma2 semaphore(%arg18 : memref<!tpu.dma_semaphore, #tpu.memory_space<semaphore_mem>>) src(%dma_wait3A_100 : memref<512xf32, #tpu.memory_space<hbm>>) dst(%arg17 : memref<512xf32, #tpu.memory_space<vmem>>)
    %scan3A_101 = arith.constant 0 : i32
    %scan3A_102 = arith.constant 32 : i32
    %scan3A_103 = arith.addi %scan3A_101, %scan3A_102 : i32
    %scan3A_104 = arith.constant 1 : i32
    scf.for %scan3A_118 = %scan3A_101 to %scan3A_103 step %scan3A_104  : i32 {
      %mul3A_119 = arith.constant 16 : i32
      %mul3A_120 = arith.muli %scan3A_118, %mul3A_119 : i32
      %add3A_121 = arith.constant 0 : i32
      %add3A_122 = arith.addi %add3A_121, %mul3A_120 : i32
      %get3A = arith.index_cast %add3A_122 : i32 to index
      %get3A_123 = tpu.vector_load %arg15[%get3A] {strides = array<i32>} : memref<512xf32, #tpu.memory_space<vmem>>, vector<16xf32>,
      %get3A_124 = arith.index_cast %add3A_122 : i32 to index
      %get3A_125 = tpu.vector_load %arg16[%get3A_124] {strides = array<i32>} : memref<512xf32, #tpu.memory_space<vmem>>, vector<16xf32>,
      %add3A_126 = arith.addf %get3A_123, %get3A_125 : vector<16xf32>
      %get3A_127 = arith.index_cast %add3A_122 : i32 to index
      %get3A_128 = tpu.vector_load %arg17[%get3A_127] {strides = array<i32>} : memref<512xf32, #tpu.memory_space<vmem>>, vector<16xf32>,
      %add3A_129 = arith.addf %add3A_126, %get3A_128 : vector<16xf32>
      %neg3A = arith.constant 0.000000e+00 : f32
      %neg3A_130 = vector.broadcast %neg3A : f32 to vector<16xf32>
      %neg3A_131 = arith.subf %neg3A_130, %add3A_129 : vector<16xf32>
      %exp3A = math.exp %neg3A_131 : vector<16xf32>
      %add3A_132 = arith.constant 1.000000e+00 : f32
      %add3A_133 = vector.broadcast %add3A_132 : f32 to vector<16xf32>
      %add3A_134 = arith.addf %add3A_133, %exp3A : vector<16xf32>
      %div3A = arith.constant 1.000000e+00 : f32
      %div3A_135 = vector.broadcast %div3A : f32 to vector<16xf32>
      %div3A_136 = arith.divf %div3A_135, %add3A_134 : vector<16xf32>
      %swap3A = arith.index_cast %add3A_122 : i32 to index
      %swap3A_137 = tpu.vector_load %arg15[%swap3A] {strides = array<i32>} : memref<512xf32, #tpu.memory_space<vmem>>, vector<16xf32>,
      tpu.vector_store %arg15[%swap3A], %div3A_136 {strides = array<i32>} : memref<512xf32, #tpu.memory_space<vmem>>, vector<16xf32>,
    }
    %scan3A_105 = arith.constant 32 : i32
    %dma_start3A_106 = arith.constant 0 : i32
    %dma_start3A_107 = tpu.memref_slice %arg8[%add3A, %dma_start3A_106] : memref<32x512xf32, #tpu.memory_space<hbm>> -> memref<1x512xf32, #tpu.memory_space<hbm>>
    %dma_start3A_108 = tpu.memref_squeeze %dma_start3A_107 : memref<1x512xf32, #tpu.memory_space<hbm>> -> memref<512xf32, #tpu.memory_space<hbm>>
    %dma_start3A_109 = arith.constant 0 : i32
    %dma_start3A_110 = tpu.memref_slice %arg8[%add3A, %dma_start3A_109] : memref<32x512xf32, #tpu.memory_space<hbm>> -> memref<1x512xf32, #tpu.memory_space<hbm>>
    %dma_start3A_111 = tpu.memref_squeeze %dma_start3A_110 : memref<1x512xf32, #tpu.memory_space<hbm>> -> memref<512xf32, #tpu.memory_space<hbm>>
    tpu.enqueue_dma source(%arg15 : memref<512xf32, #tpu.memory_space<vmem>>) target(%dma_start3A_111 : memref<512xf32, #tpu.memory_space<hbm>>) target_semaphore(%arg18 : memref<!tpu.dma_semaphore, #tpu.memory_space<semaphore_mem>>)
    %dma_wait3A_112 = arith.constant 0 : i32
    %dma_wait3A_113 = tpu.memref_slice %arg8[%add3A, %dma_wait3A_112] : memref<32x512xf32, #tpu.memory_space<hbm>> -> memref<1x512xf32, #tpu.memory_space<hbm>>
    %dma_wait3A_114 = tpu.memref_squeeze %dma_wait3A_113 : memref<1x512xf32, #tpu.memory_space<hbm>> -> memref<512xf32, #tpu.memory_space<hbm>>
    %dma_wait3A_115 = arith.constant 0 : i32
    %dma_wait3A_116 = tpu.memref_slice %arg8[%add3A, %dma_wait3A_115] : memref<32x512xf32, #tpu.memory_space<hbm>> -> memref<1x512xf32, #tpu.memory_space<hbm>>
    %dma_wait3A_117 = tpu.memref_squeeze %dma_wait3A_116 : memref<1x512xf32, #tpu.memory_space<hbm>> -> memref<512xf32, #tpu.memory_space<hbm>>
    tpu.wait_dma2 semaphore(%arg18 : memref<!tpu.dma_semaphore, #tpu.memory_space<semaphore_mem>>) src(%arg15 : memref<512xf32, #tpu.memory_space<vmem>>) dst(%dma_wait3A_117 : memref<512xf32, #tpu.memory_space<hbm>>)
    return
  }
}

#map = affine_map<(d0, d1) -> (0)>
module attributes {stable_mosaic.version = 14 : i64} {
  func.func @_bias_kernel(%arg0: i32, %arg1: i32, %arg2: memref<16384xi32, #tpu.memory_space<hbm>>, %arg3: memref<16384xi32, #tpu.memory_space<hbm>>, %arg4: memref<1000000xf32, #tpu.memory_space<hbm>>, %arg5: memref<100000xf32, #tpu.memory_space<hbm>>, %arg6: memref<16384xf32, #tpu.memory_space<hbm>>, %arg7: memref<16384xf32, #tpu.memory_space<hbm>>, %arg8: memref<512xi32, #tpu.memory_space<vmem>>, %arg9: memref<512xi32, #tpu.memory_space<vmem>>, %arg10: memref<512xf32, #tpu.memory_space<vmem>>, %arg11: memref<512xf32, #tpu.memory_space<vmem>>, %arg12: memref<!tpu.dma_semaphore, #tpu.memory_space<semaphore_mem>>, %arg13: memref<!tpu.dma_semaphore, #tpu.memory_space<semaphore_mem>>) attributes {dimension_semantics = [#tpu.dimension_semantics<core_parallel>, #tpu.dimension_semantics<subcore_parallel>], iteration_bounds = array<i64: 2, 16>, scalar_prefetch = 0 : i64, scratch_operands = 6 : i64, tpu.core_type = #tpu.core_type<sc_vector_subcore>, window_params = [{transform_indices = #map}, {transform_indices = #map}, {transform_indices = #map}, {transform_indices = #map}, {transform_indices = #map}, {transform_indices = #map}]} {
    %mul3A = arith.constant 2 : i32
    %mul3A_0 = arith.muli %arg1, %mul3A : i32
    %add3A = arith.addi %mul3A_0, %arg0 : i32
    %mul3A_1 = arith.constant 512 : i32
    %mul3A_2 = arith.muli %add3A, %mul3A_1 : i32
    %dma_start3A = tpu.memref_slice %arg2[%mul3A_2] : memref<16384xi32, #tpu.memory_space<hbm>> -> memref<512xi32, #tpu.memory_space<hbm>>
    %dma_start3A_3 = tpu.memref_slice %arg2[%mul3A_2] : memref<16384xi32, #tpu.memory_space<hbm>> -> memref<512xi32, #tpu.memory_space<hbm>>
    tpu.enqueue_dma source(%dma_start3A_3 : memref<512xi32, #tpu.memory_space<hbm>>) target(%arg8 : memref<512xi32, #tpu.memory_space<vmem>>) target_semaphore(%arg12 : memref<!tpu.dma_semaphore, #tpu.memory_space<semaphore_mem>>)
    %dma_wait3A = tpu.memref_slice %arg2[%mul3A_2] : memref<16384xi32, #tpu.memory_space<hbm>> -> memref<512xi32, #tpu.memory_space<hbm>>
    %dma_wait3A_4 = tpu.memref_slice %arg2[%mul3A_2] : memref<16384xi32, #tpu.memory_space<hbm>> -> memref<512xi32, #tpu.memory_space<hbm>>
    tpu.wait_dma2 semaphore(%arg12 : memref<!tpu.dma_semaphore, #tpu.memory_space<semaphore_mem>>) src(%dma_wait3A_4 : memref<512xi32, #tpu.memory_space<hbm>>) dst(%arg8 : memref<512xi32, #tpu.memory_space<vmem>>)
    %dma_start3A_5 = tpu.memref_slice %arg3[%mul3A_2] : memref<16384xi32, #tpu.memory_space<hbm>> -> memref<512xi32, #tpu.memory_space<hbm>>
    %dma_start3A_6 = tpu.memref_slice %arg3[%mul3A_2] : memref<16384xi32, #tpu.memory_space<hbm>> -> memref<512xi32, #tpu.memory_space<hbm>>
    tpu.enqueue_dma source(%dma_start3A_6 : memref<512xi32, #tpu.memory_space<hbm>>) target(%arg9 : memref<512xi32, #tpu.memory_space<vmem>>) target_semaphore(%arg12 : memref<!tpu.dma_semaphore, #tpu.memory_space<semaphore_mem>>)
    %dma_wait3A_7 = tpu.memref_slice %arg3[%mul3A_2] : memref<16384xi32, #tpu.memory_space<hbm>> -> memref<512xi32, #tpu.memory_space<hbm>>
    %dma_wait3A_8 = tpu.memref_slice %arg3[%mul3A_2] : memref<16384xi32, #tpu.memory_space<hbm>> -> memref<512xi32, #tpu.memory_space<hbm>>
    tpu.wait_dma2 semaphore(%arg12 : memref<!tpu.dma_semaphore, #tpu.memory_space<semaphore_mem>>) src(%dma_wait3A_8 : memref<512xi32, #tpu.memory_space<hbm>>) dst(%arg9 : memref<512xi32, #tpu.memory_space<vmem>>)
    %dma_start3A_9 = arith.constant 0 : i32
    %dma_start3A_10 = tpu.memref_slice %arg4[%dma_start3A_9] : memref<1000000xf32, #tpu.memory_space<hbm>> -> memref<1000000xf32, #tpu.memory_space<hbm>>
    tpu.enqueue_indirect_dma source(%dma_start3A_10 : memref<1000000xf32, #tpu.memory_space<hbm>>) target(%arg10 : memref<512xf32, #tpu.memory_space<vmem>>) offsets(%arg8 : memref<512xi32, #tpu.memory_space<vmem>>) semaphore(%arg13 : memref<!tpu.dma_semaphore, #tpu.memory_space<semaphore_mem>>)
    %dma_start3A_11 = arith.constant 0 : i32
    %dma_start3A_12 = tpu.memref_slice %arg5[%dma_start3A_11] : memref<100000xf32, #tpu.memory_space<hbm>> -> memref<100000xf32, #tpu.memory_space<hbm>>
    tpu.enqueue_indirect_dma source(%dma_start3A_12 : memref<100000xf32, #tpu.memory_space<hbm>>) target(%arg11 : memref<512xf32, #tpu.memory_space<vmem>>) offsets(%arg9 : memref<512xi32, #tpu.memory_space<vmem>>) semaphore(%arg13 : memref<!tpu.dma_semaphore, #tpu.memory_space<semaphore_mem>>)
    %dma_wait3A_13 = arith.constant 0 : i32
    %dma_wait3A_14 = tpu.memref_slice %arg4[%dma_wait3A_13] : memref<1000000xf32, #tpu.memory_space<hbm>> -> memref<1000000xf32, #tpu.memory_space<hbm>>
    tpu.wait_indirect_dma semaphore(%arg13 : memref<!tpu.dma_semaphore, #tpu.memory_space<semaphore_mem>>) src(%dma_wait3A_14 : memref<1000000xf32, #tpu.memory_space<hbm>>) dst(%arg10 : memref<512xf32, #tpu.memory_space<vmem>>)
    %dma_wait3A_15 = arith.constant 0 : i32
    %dma_wait3A_16 = tpu.memref_slice %arg5[%dma_wait3A_15] : memref<100000xf32, #tpu.memory_space<hbm>> -> memref<100000xf32, #tpu.memory_space<hbm>>
    tpu.wait_indirect_dma semaphore(%arg13 : memref<!tpu.dma_semaphore, #tpu.memory_space<semaphore_mem>>) src(%dma_wait3A_16 : memref<100000xf32, #tpu.memory_space<hbm>>) dst(%arg11 : memref<512xf32, #tpu.memory_space<vmem>>)
    %dma_start3A_17 = tpu.memref_slice %arg6[%mul3A_2] : memref<16384xf32, #tpu.memory_space<hbm>> -> memref<512xf32, #tpu.memory_space<hbm>>
    %dma_start3A_18 = tpu.memref_slice %arg6[%mul3A_2] : memref<16384xf32, #tpu.memory_space<hbm>> -> memref<512xf32, #tpu.memory_space<hbm>>
    tpu.enqueue_dma source(%arg10 : memref<512xf32, #tpu.memory_space<vmem>>) target(%dma_start3A_18 : memref<512xf32, #tpu.memory_space<hbm>>) target_semaphore(%arg12 : memref<!tpu.dma_semaphore, #tpu.memory_space<semaphore_mem>>)
    %dma_wait3A_19 = tpu.memref_slice %arg6[%mul3A_2] : memref<16384xf32, #tpu.memory_space<hbm>> -> memref<512xf32, #tpu.memory_space<hbm>>
    %dma_wait3A_20 = tpu.memref_slice %arg6[%mul3A_2] : memref<16384xf32, #tpu.memory_space<hbm>> -> memref<512xf32, #tpu.memory_space<hbm>>
    tpu.wait_dma2 semaphore(%arg12 : memref<!tpu.dma_semaphore, #tpu.memory_space<semaphore_mem>>) src(%arg10 : memref<512xf32, #tpu.memory_space<vmem>>) dst(%dma_wait3A_20 : memref<512xf32, #tpu.memory_space<hbm>>)
    %dma_start3A_21 = tpu.memref_slice %arg7[%mul3A_2] : memref<16384xf32, #tpu.memory_space<hbm>> -> memref<512xf32, #tpu.memory_space<hbm>>
    %dma_start3A_22 = tpu.memref_slice %arg7[%mul3A_2] : memref<16384xf32, #tpu.memory_space<hbm>> -> memref<512xf32, #tpu.memory_space<hbm>>
    tpu.enqueue_dma source(%arg11 : memref<512xf32, #tpu.memory_space<vmem>>) target(%dma_start3A_22 : memref<512xf32, #tpu.memory_space<hbm>>) target_semaphore(%arg12 : memref<!tpu.dma_semaphore, #tpu.memory_space<semaphore_mem>>)
    %dma_wait3A_23 = tpu.memref_slice %arg7[%mul3A_2] : memref<16384xf32, #tpu.memory_space<hbm>> -> memref<512xf32, #tpu.memory_space<hbm>>
    %dma_wait3A_24 = tpu.memref_slice %arg7[%mul3A_2] : memref<16384xf32, #tpu.memory_space<hbm>> -> memref<512xf32, #tpu.memory_space<hbm>>
    tpu.wait_dma2 semaphore(%arg12 : memref<!tpu.dma_semaphore, #tpu.memory_space<semaphore_mem>>) src(%arg11 : memref<512xf32, #tpu.memory_space<vmem>>) dst(%dma_wait3A_24 : memref<512xf32, #tpu.memory_space<hbm>>)
    return
  }
}

module attributes {stable_mosaic.version = 14 : i64} {
  func.func @_repack_kernel(%arg0: i32, %arg1: memref<64x1024xf32, #tpu.memory_space<vmem>>, %arg2: memref<512x128xf32, #tpu.memory_space<vmem>>) attributes {dimension_semantics = [#tpu.dimension_semantics<arbitrary>], iteration_bounds = array<i64: 98>, scalar_prefetch = 0 : i64, scratch_operands = 0 : i64, tpu.core_type = #tpu.core_type<tc>, window_params = [{transform_indices = @transform_0, window_bounds = array<i64: 64, 1024>}, {transform_indices = @transform_1, window_bounds = array<i64: 512, 128>}]} {
    %get3A = arith.constant 0 : index
    %get3A_0 = arith.constant 0 : index
    %get3A_1 = vector.load %arg1[%get3A, %get3A_0] : memref<64x1024xf32, #tpu.memory_space<vmem>>, vector<64x1024xf32>
    %transpose3A = tpu.transpose %get3A_1, [1, 0] : vector<64x1024xf32> -> vector<1024x64xf32>
    %reshape3A = vector.shape_cast %transpose3A : vector<1024x64xf32> to vector<512x2x64xf32>
    %slice3A = vector.extract_strided_slice %reshape3A {offsets = [0, 0, 0], sizes = [512, 1, 64], strides = [1, 1, 1]} : vector<512x2x64xf32> to vector<512x1x64xf32>
    %squeeze3A = vector.shape_cast %slice3A : vector<512x1x64xf32> to vector<512x64xf32>
    %slice3A_2 = vector.extract_strided_slice %reshape3A {offsets = [0, 1, 0], sizes = [512, 1, 64], strides = [1, 1, 1]} : vector<512x2x64xf32> to vector<512x1x64xf32>
    %squeeze3A_3 = vector.shape_cast %slice3A_2 : vector<512x1x64xf32> to vector<512x64xf32>
    %concatenate3A = tpu.concatenate %squeeze3A, %squeeze3A_3 in 1 : vector<512x64xf32>, vector<512x64xf32> -> vector<512x128xf32>
    %swap3A = arith.constant 0 : index
    %swap3A_4 = arith.constant 0 : index
    %swap3A_5 = vector.load %arg2[%swap3A, %swap3A_4] : memref<512x128xf32, #tpu.memory_space<vmem>>, vector<512x128xf32>
    tpu.vector_store %arg2[%swap3A, %swap3A_4], %concatenate3A {strides = array<i32>} : memref<512x128xf32, #tpu.memory_space<vmem>>, vector<512x128xf32>,
    return
  }
  func.func @transform_0(%arg0: i32) -> (i32, i32) {
    %c0_i32 = arith.constant 0 : i32
    %c0_i32_0 = arith.constant 0 : i32
    return %c0_i32, %arg0 : i32, i32
  }
  func.func @transform_1(%arg0: i32) -> (i32, i32) {
    %c0_i32 = arith.constant 0 : i32
    %c0_i32_0 = arith.constant 0 : i32
    return %arg0, %c0_i32 : i32, i32
  }
}

module attributes {stable_mosaic.version = 14 : i64} {
  func.func @_repack_kernel(%arg0: i32, %arg1: memref<64x1024xf32, #tpu.memory_space<vmem>>, %arg2: memref<512x128xf32, #tpu.memory_space<vmem>>) attributes {dimension_semantics = [#tpu.dimension_semantics<arbitrary>], iteration_bounds = array<i64: 977>, scalar_prefetch = 0 : i64, scratch_operands = 0 : i64, tpu.core_type = #tpu.core_type<tc>, window_params = [{transform_indices = @transform_0, window_bounds = array<i64: 64, 1024>}, {transform_indices = @transform_1, window_bounds = array<i64: 512, 128>}]} {
    %get3A = arith.constant 0 : index
    %get3A_0 = arith.constant 0 : index
    %get3A_1 = vector.load %arg1[%get3A, %get3A_0] : memref<64x1024xf32, #tpu.memory_space<vmem>>, vector<64x1024xf32>
    %transpose3A = tpu.transpose %get3A_1, [1, 0] : vector<64x1024xf32> -> vector<1024x64xf32>
    %reshape3A = vector.shape_cast %transpose3A : vector<1024x64xf32> to vector<512x2x64xf32>
    %slice3A = vector.extract_strided_slice %reshape3A {offsets = [0, 0, 0], sizes = [512, 1, 64], strides = [1, 1, 1]} : vector<512x2x64xf32> to vector<512x1x64xf32>
    %squeeze3A = vector.shape_cast %slice3A : vector<512x1x64xf32> to vector<512x64xf32>
    %slice3A_2 = vector.extract_strided_slice %reshape3A {offsets = [0, 1, 0], sizes = [512, 1, 64], strides = [1, 1, 1]} : vector<512x2x64xf32> to vector<512x1x64xf32>
    %squeeze3A_3 = vector.shape_cast %slice3A_2 : vector<512x1x64xf32> to vector<512x64xf32>
    %concatenate3A = tpu.concatenate %squeeze3A, %squeeze3A_3 in 1 : vector<512x64xf32>, vector<512x64xf32> -> vector<512x128xf32>
    %swap3A = arith.constant 0 : index
    %swap3A_4 = arith.constant 0 : index
    %swap3A_5 = vector.load %arg2[%swap3A, %swap3A_4] : memref<512x128xf32, #tpu.memory_space<vmem>>, vector<512x128xf32>
    tpu.vector_store %arg2[%swap3A, %swap3A_4], %concatenate3A {strides = array<i32>} : memref<512x128xf32, #tpu.memory_space<vmem>>, vector<512x128xf32>,
    return
  }
  func.func @transform_0(%arg0: i32) -> (i32, i32) {
    %c0_i32 = arith.constant 0 : i32
    %c0_i32_0 = arith.constant 0 : i32
    return %c0_i32, %arg0 : i32, i32
  }
  func.func @transform_1(%arg0: i32) -> (i32, i32) {
    %c0_i32 = arith.constant 0 : i32
    %c0_i32_0 = arith.constant 0 : i32
    return %arg0, %c0_i32 : i32, i32
  }
}

</mosaic_0001>

<sc_bundles>
// kernel: kernel.6.cloned.1.call-start
scs
__scs_entry_jumppad:
0x0: {  	(pc) =	sbr.rel $0x88, $3  }
0x1: {  	(tag) =	ssettag $0x0;
	lr =	simm.s32 $0x1  }
0x2: {  	[smem:$0x3F9B] =	sst lr;
	_ =	strace $0xD0000000  }
0x3: {  	_ = 	snop  }
0x4: {  	_ = 	snop  }
0x5: {  	_ = 	snop  }
0x6: {  	_ = 	snop  }
0x7: {  	_ = 	snop  }
__scs_overlays_trampoline_lowered:
0x8: {  	[smem:$0x3FAA] =	sst s0  }
0x9: {  	[smem:$0x3FAB] =	sst s1  }
0xa: {  	[smem:$0x3FAC] =	sst s2  }
0xb: {  	[smem:$0x3FAD] =	sst s3  }
0xc: {  	[smem:$0x3FAE] =	sst s4  }
0xd: {  	[smem:$0x3FAF] =	sst s5  }
0xe: {  	[smem:$0x3FB0] =	sst s6  }
0xf: {  	[smem:$0x3FB1] =	sst s7  }
0x10: {  	[smem:$0x3FB2] =	sst s8  }
0x11: {  	[smem:$0x3FB3] =	sst s9;
	s0 =	simm.s32 @!p0 $0x0  }
0x12: {  	s1 =	sld [smem:$0x3F99];
	s0 =	simm.s32 @p0 $0x1  }
0x13: {  	[smem:$0x3FB4] =	sst s0;
	s0 =	simm.s32 @!p1 $0x0  }
0x14: {  	s2 =	sld [smem:$0x3F98];
	s0 =	simm.s32 @p1 $0x1  }
0x15: {  	[smem:$0x3FB5] =	sst s0;
	s0 =	simm.s32 @!p2 $0x0  }
0x16: {  	s3 =	sld [smem:$0x3FDB];
	s0 =	simm.s32 @p2 $0x1  }
0x17: {  	s4 =	simm.s32 $0x1BF5;
	[smem:$0x3FB7] =	sst s0  }
0x18: {  	s0 =	sld [smem:$0x3F9A];
	_ =	swait.ge [sflag:s4], $0x0  }
0x19: {  	s7 =	sld [smem:$0x3F9B]  }
0x1a: {  	s8 =	sadd.s32 $0xFFFFE003, lr  }
0x1b: {  	s9 =	sadd.s32 $0xFFFFFEF7, lr;
	s5 =	simm.s32 $0xFFFFFFFF;
	p2 =	slt.u32 s8, $0xFFFFF086  }
0x1c: {  	p1 =	slt.u32 s9, $0xF7A;
	s5 =	simm.s32 @!p2 $0x0  }
0x1d: {  	s5 =	simm.s32 @p1 $0x1;
	p0 =	seq.s32 s7, s2  }
0x1e: {  	s7 =	smul.u32 @!p0 $0xF7A, s2;
	p2 =	seq.s32 @!p0 s5, $0x0  }
0x1f: {  	s9 =	smul.u32 $0xF7A, s1;
	s8 =	simm.s32 @!p0 $0x1BF5;
	p2 =	por !p2, p0  }
0x20: {  	[sflag:s8] =	ssyncset.s32 @!p0 $0xFFFFF086;
	s6 =	sadd.s32 @!p0 s3, s7;
	s7 =	simm.s32 @!p0 $0x108  }
0x21: {  	s3 =	sadd.s32 s3, s9;
	s6 =	sadd.s32 @!p0 $0x88, s6;
	s7 =	simm.s32 @p2 $0x1082  }
0x22: {  	[simem:s7], [sflag:s8] =	dma.local @!p0 [hbm:s6], $0xF7A  }
0x23: {  	s9 =	sor.u32 $0xD0000000, s2;
	s6 =	simm.s32 $0x108;
	_ =	swait.ge @!p0 [sflag:s8], $0x0  }
0x24: {  	s3 =	sadd.s32 $0x88, s3;
	s6 =	simm.s32 @!p1 $0x1082;
	[sflag:s4] =	ssyncset.s32 $0xFFFFF086  }
0x25: {  	[simem:s6], [sflag:s4] =	dma.local [hbm:s3], $0xF7A  }
0x26: {  	[smem:$0x3F9B] =	sst s1;
	(tag) =	ssettag s2;
	_ =	strace s9  }
0x27: {  	s1 =	sld [smem:$0x3FAB]  }
0x28: {  	s2 =	sld [smem:$0x3FAC]  }
0x29: {  	s4 =	sld [smem:$0x3FAE]  }
0x2a: {  	p0 =	seq.s32 s5, $0x0;
	s5 =	sld [smem:$0x3FAF]  }
0x2b: {  	s6 =	sld [smem:$0x3FB0]  }
0x2c: {  	s7 =	sld [smem:$0x3FB1]  }
0x2d: {  	s3 =	simm.s32 $0x108;
	s8 =	sld [smem:$0x3FB2]  }
0x2e: {  	s3 =	simm.s32 @!p0 $0x1082;
	s9 =	sld [smem:$0x3FB3]  }
0x2f: {  	lr =	sadd.s32 s0, s3;
	s0 =	sld [smem:$0x3FAA]  }
0x30: {  	s3 =	sld [smem:$0x3FAD]  }
0x31: {  	[smem:$0x3FB6] =	sst s10  }
0x32: {  	s10 =	sld [smem:$0x3FB4];
	_ =	sdelay $0x3  }
0x33: {  	p0 =	seq.s32 s10, $0x1;
	s10 =	sld [smem:$0x3FB6];
	_ =	sdelay $0x3  }
0x34: {  	[smem:$0x3FB6] =	sst s10  }
0x35: {  	s10 =	sld [smem:$0x3FB5];
	_ =	sdelay $0x3  }
0x36: {  	p1 =	seq.s32 s10, $0x1;
	s10 =	sld [smem:$0x3FB6];
	_ =	sdelay $0x3  }
0x37: {  	[smem:$0x3FB6] =	sst s10  }
0x38: {  	s10 =	sld [smem:$0x3FB7]  }
0x39: {  	_ = 	snop;
	(pc) =	sbr.ind lr, $3  }
0x3a: {  	_ = 	snop  }
0x3b: {  	_ = 	snop  }
0x3c: {  	p2 =	seq.s32 s10, $0x1;
	s10 =	sld [smem:$0x3FB6]  }
0x3d: {  	_ =	shalt  }
0x3e: {  	_ =	shalt  }
0x3f: {  	_ =	shalt  }
0x40: {  	_ =	shalt  }
0x41: {  	_ =	shalt  }
0x42: {  	_ =	shalt  }
0x43: {  	_ =	shalt  }
0x44: {  	_ =	shalt  }
0x45: {  	_ =	shalt  }
0x46: {  	_ =	shalt  }
0x47: {  	_ =	shalt  }
0x48: {  	_ =	shalt  }
0x49: {  	_ =	shalt  }
0x4a: {  	_ =	shalt  }
0x4b: {  	_ =	shalt  }
0x4c: {  	_ =	shalt  }
0x4d: {  	_ =	shalt  }
0x4e: {  	_ =	shalt  }
0x4f: {  	_ =	shalt  }
0x50: {  	_ =	shalt  }
0x51: {  	_ =	shalt  }
0x52: {  	_ =	shalt  }
0x53: {  	_ =	shalt  }
0x54: {  	_ =	shalt  }
0x55: {  	_ =	shalt  }
0x56: {  	_ =	shalt  }
0x57: {  	_ =	shalt  }
0x58: {  	_ =	shalt  }
0x59: {  	_ =	shalt  }
0x5a: {  	_ =	shalt  }
0x5b: {  	_ =	shalt  }
0x5c: {  	_ =	shalt  }
0x5d: {  	_ =	shalt  }
0x5e: {  	_ =	shalt  }
0x5f: {  	_ =	shalt  }
0x60: {  	_ =	shalt  }
0x61: {  	_ =	shalt  }
0x62: {  	_ =	shalt  }
0x63: {  	_ =	shalt  }
0x64: {  	_ =	shalt  }
0x65: {  	_ =	shalt  }
0x66: {  	_ =	shalt  }
0x67: {  	_ =	shalt  }
0x68: {  	_ =	shalt  }
0x69: {  	_ =	shalt  }
0x6a: {  	_ =	shalt  }
0x6b: {  	_ =	shalt  }
0x6c: {  	_ =	shalt  }
0x6d: {  	_ =	shalt  }
0x6e: {  	_ =	shalt  }
0x6f: {  	_ =	shalt  }
0x70: {  	_ =	shalt  }
0x71: {  	_ =	shalt  }
0x72: {  	_ =	shalt  }
0x73: {  	_ =	shalt  }
0x74: {  	_ =	shalt  }
0x75: {  	_ =	shalt  }
0x76: {  	_ =	shalt  }
0x77: {  	_ =	shalt  }
0x78: {  	_ =	shalt  }
0x79: {  	_ =	shalt  }
0x7a: {  	_ =	shalt  }
0x7b: {  	_ =	shalt  }
0x7c: {  	_ =	shalt  }
0x7d: {  	_ =	shalt  }
0x7e: {  	_ =	shalt  }
0x7f: {  	_ =	shalt  }
0x80: {  	_ =	shalt  }
0x81: {  	_ =	shalt  }
0x82: {  	_ =	shalt  }
0x83: {  	_ =	shalt  }
0x84: {  	_ =	shalt  }
0x85: {  	_ =	shalt  }
0x86: {  	_ =	shalt  }
0x87: {  	_ =	shalt  }
.Lfunc_end0:
.L_simem_size_0:
called_computation_lowered:
.L_overlay_start_0:
0x88: {  	s2 =	sld [smem:$0x3FD9]  }
0x89: {  	s3 =	sld [smem:$0x3FFE];
	_ =	sdelay $0x1  }
0x8a: {  	s1 =	srdreg.scid  }
0x8b: {  	s0 =	sand.u32 $0x1, s1  }
0x8c: {  	s17 =	sshll.u32 s0, $0xA;
	s2 =	sadd.s32 s3, s2  }
0x8d: {  	s2 =	sadd.s32 s2, s17  }
0x8e: {  	[smem:$0x3FC2] =	sst s2  }
0x8f: {  	_ = 	snop  }
0x90: {  	s2 =	sld [smem:$0x3FC9]  }
0x91: {  	s18 =	sld [smem:$0x3FC8];
	(tm) =	ssettm $0x1  }
0x92: {  	s4 =	sld [smem:$0x3FFB];
	_ =	sdelay $0x3  }
0x93: {  	_ =	strace s4  }
0x94: {  	s4 =	sld [smem:$0x3FFC];
	_ =	sdelay $0x3  }
0x95: {  	_ =	strace s4  }
0x96: {  	s4 =	sld [smem:$0x3FFD];
	_ =	sdelay $0x3  }
0x97: {  	_ =	strace s4  }
0x98: {  	_ =	strace $0x8FFFFFFF  }
0x99: {  	s19 =	sld [smem:$0x3FDB];
	_ =	sdelay $0x1  }
0x9a: {  	s5 =	simm.s32 $_scs_section_size  }
0x9b: {  	s6 =	simm.s32 $_size__tile_overlayer_lowered;
	s7 =	simm.s32 $_tile_overlayer_lowered  }
0x9c: {  	s22 =	simm.s32 $0x1BFF;
	s21 =	sshll.u32 s7, $0x1;
	s4 =	sadd.s32 s5, s19  }
0x9d: {  	s8 =	simm.s32 $0x0;
	s20 =	sshll.u32 s6, $0x1;
	s6 =	sadd.s32 s21, s4  }
0x9e: {  	[timem:s8], [sflag:s22] =	dma.local [hbm:s6], s20  }
0x9f: {  	_ =	swait.ge [sflag:s22], s20  }
0xa0: {  	s5 =	ssub.s32 $0x0, s20;
	[sflag:s22] =	ssyncset.done $0x0  }
0xa1: {  	[sflag:s22] =	ssyncadd.s32 s5;
	_ =	sdelay $0x1  }
0xa2: {  	s23 =	simm.s32 $0x1B8B  }
0xa3: {  	_ =	swait.ge [sflag:s23], $0x1  }
0xa4: {  	[sflag:s23] =	ssyncset.done $0x0  }
0xa5: {  	s25 =	simm.s32 $0x1B8E;
	s24 =	sld [smem:$0x3FFE];
	[sflag:s23] =	ssyncadd.s32 $0xFFFFFFFF  }
0xa6: {  	s26 =	simm.s32 $execute0_lowered;
	[smem:$0x3FD2] =	sst s25  }
0xa7: {  	s6 =	sshll.u32 s26, $0x1;
	_ =	strace $0x80000046;
	[dreg:$0x1] =	wrdreg $0xFFFFFFFF  }
0xa8: {  	s28 =	simm.s32 $_size_execute0_lowered;
	s4 =	sadd.s32 s4, s6;
	[dreg:$0x0] =	wrdreg $0x0  }
0xa9: {  	s6 =	sshll.u32 s28, $0x1;
	[dreg:$0x2] =	wrdreg s4  }
0xaa: {  	[dreg:$0x3] =	wrdreg s6  }
0xab: {  	[dreg:$0x4] =	wrdreg $0xC0  }
0xac: {  	_ =	task [dreg:s8], $0x5FFFF  }
0xad: {  	[dreg:$0x1] =	wrdreg $0xFFFFFFFF  }
0xae: {  	[dreg:$0x0] =	wrdreg $0x60  }
0xaf: {  	[dreg:$0x2] =	wrdreg s2  }
0xb0: {  	[dreg:$0x3] =	wrdreg s18  }
0xb1: {  	[dreg:$0x4] =	wrdreg s24  }
0xb2: {  	[dreg:$0x5] =	wrdreg $0x9  }
0xb3: {  	_ =	task.clear_ibuf [dreg:s8], $0x6FFFF;
	_ =	strace $0x90000046  }
0xb4: {  	s29 =	simm.s32 $0x9;
	_ =	strace $0x80000048  }
0xb5: {  	_ =	swait.ge [sflag:s29], $0x1  }
0xb6: {  	[sflag:s29] =	ssyncadd.s32 $0xFFFFFFFF  }
0xb7: {  	_ =	strace $0x90000048  }
0xb8: {  	_ =	sfence  }
0xb9: {  	s30 =	sld [smem:$0x0];
	_ =	sdelay $0x2  }
0xba: {  	s31 =	sshll.u32 s1, $0xD;
	s1 =	sshrl.u32 s1, $0x2  }
0xbb: {  	s3 =	sand.u32 $0x4000, s31;
	s1 =	sadd.s32 s1, s30  }
0xbc: {  	s0 =	sor.u32 s3, s0;
	s1 =	sshll.u32 s1, $0x11  }
0xbd: {  	s0 =	sor.u32 s1, s0  }
0xbe: {  	s0 =	sadd.s32 $0x8F2B, s0  }
0xbf: {  	[sflag:s0] =	ssyncadd.remote.s32 $0x1  }
0xc0: {  	_ =	sfence.sel $0xFFFF  }
0xc1: {  	[dreg:$0x0] =	wrdreg $0xFFFFFFFF;
	(pc) =	sbr.abs _section_cstart, $3  }
0xc2: {  	[dreg:$0x1] =	wrdreg $0xFFFFFFFF  }
0xc3: {  	_ =	task.clear_ibuf [dreg:s8], $0x2FFFF;
	_ =	strace $0x9FFFFFFF  }
0xc4: {  	(tm) =	ssettm $0x7FFFFFFF  }
0xc5: {  	_ =	shalt  }
tec
execute0_lowered:
.L_overlay_start_1:
0x0: {  	(tag) =	ssettag $0x1  }
0x1: {  	s3 =	rddreg [dreg:$0x0]  }
0x2: {  	s5 =	rddreg [dreg:$0x1]  }
0x3: {  	s12 =	rddreg [dreg:$0x2];
	s2 =	srdreg.scid  }
0x4: {  	s0 =	rddreg [dreg:$0x3];
	s1 =	stileid.u32;
	s13 =	sand.u32 $0x1, s2  }
0x5: {  	s2 =	simm.s32 $0x0;
	s4 =	sshll.u32 s1, $0x7;
	s6 =	sshll.u32 s13, $0x6  }
0x6: {  	[smem:$0x7FF] =	sst s2;
	s14 =	sor.u32 s6, s4  }
0x7: {  	_ =	strace $0x80000047;
	s4 =	sadd.s32 s3, s14;
	s3 =	simm.s32 $0x1  }
0x8: {  	[tilespmem:s2], [sflag:$0x1] =	stream.linear.gather [hbm4b:s4+s2], $0x200, $0x38;
	[tilespmem:$0x800] =	vst v63  }
0x9: {  	_ =	swait.ge [sflag:s3], $0x200  }
0xa: {  	[sflag:s3] =	ssyncset.done $0x0  }
0xb: {  	s6 =	simm.s32 $0x200;
	s5 =	sadd.s32 s5, s14;
	[sflag:s3] =	ssyncadd.s32 $0xFFFFFE00  }
0xc: {  	[tilespmem:s6], [sflag:$0x1] =	stream.linear.gather [hbm4b:s5+s2], $0x200, $0x38;
	[tilespmem:$0x800] =	vst v63  }
0xd: {  	_ =	swait.ge [sflag:s3], $0x200  }
0xe: {  	[sflag:s3] =	ssyncset.done $0x0  }
0xf: {  	s8 =	simm.s32 $0x400;
	s7 =	sadd.s32 $0x3400, s12;
	[sflag:s3] =	ssyncadd.s32 $0xFFFFFE00  }
0x10: {  	[tilespmem:s8], [sflag:$0x2] =	stream.indirect.gather [hbm4b:s7+s6], $0x1, s2, s6, $0xb8;
	[tilespmem:$0x800] =	vst v63  }
0x11: {  	s10 =	simm.s32 $0x600;
	s11 =	simm.s32 $0x2;
	s9 =	sadd.s32 $0x200, s12  }
0x12: {  	[tilespmem:s10], [sflag:$0x2] =	stream.indirect.gather [hbm4b:s9+s6], $0x1, s6, s6, $0xb8;
	[tilespmem:$0x800] =	vst v63  }
0x13: {  	_ =	swait.ge [sflag:s11], $0x200  }
0x14: {  	[sflag:s11] =	ssyncset.done $0x0  }
0x15: {  	s13 =	ssub.s32 $0x2, s13;
	[sflag:s11] =	ssyncadd.s32 $0xFFFFFE00  }
0x16: {  	s15 =	sshrl.u32 s13, $0x1;
	_ =	swait.ge [sflag:s11], $0x200  }
0x17: {  	s14 =	sadd.s32 s14, s12;
	s15 =	ssub.s32 s13, s15;
	[sflag:s11] =	ssyncset.done $0x0  }
0x18: {  	s12 =	sadd.s32 $0x21E00, s14;
	s31 =	smax.u32 s15, $0x1;
	[sflag:s11] =	ssyncadd.s32 $0xFFFFFE00  }
0x19: {  	[hbm4b:s12+s2] =	stream.linear.scatter [tilespmem:s8], [sflag:$0x1], $0x200, $0x38;
	[tilespmem:$0x800] =	vst v63  }
0x1a: {  	p0 =	sne.s32 s31, $0x1;
	_ =	swait.ge [sflag:s3], $0x200  }
.Ltmp0:
0x1b: {  	[sflag:s3] =	ssyncset.done $0x0;
	(pc) =	sbr.rel @!p0 .LBB2_2-.Ltmp0, $4  }
0x1c: {  	s13 =	sadd.s32 $0x22600, s14;
	[sflag:s3] =	ssyncadd.s32 $0xFFFFFE00  }
0x1d: {  	[hbm4b:s13+s2] =	stream.linear.scatter [tilespmem:s10], [sflag:$0x1], $0x200, $0x38;
	[tilespmem:$0x800] =	vst v63  }
0x1e: {  	_ =	swait.ge [sflag:s3], $0x200  }
0x1f: {  	s14 =	sadd.s32 $0xFFFFFFFF, s31;
	[sflag:s3] =	ssyncset.done $0x0  }
.LBB2_1:
0x20: {  	p0 =	sne.s32 s14, $0x1;
	s14 =	sadd.s32 $0xFFFFFFFF, s14;
	[sflag:s3] =	ssyncadd.s32 $0xFFFFFE00  }
0x21: {  	[tilespmem:s2], [sflag:$0x1] =	stream.linear.gather [hbm4b:s4+s2], $0x200, $0x38;
	[tilespmem:$0x800] =	vst v63  }
0x22: {  	_ =	swait.ge [sflag:s3], $0x200  }
0x23: {  	[sflag:s3] =	ssyncset.done $0x0  }
0x24: {  	[sflag:s3] =	ssyncadd.s32 $0xFFFFFE00  }
0x25: {  	[tilespmem:s6], [sflag:$0x1] =	stream.linear.gather [hbm4b:s5+s2], $0x200, $0x38;
	[tilespmem:$0x800] =	vst v63  }
0x26: {  	_ =	swait.ge [sflag:s3], $0x200  }
0x27: {  	[sflag:s3] =	ssyncset.done $0x0  }
0x28: {  	[sflag:s3] =	ssyncadd.s32 $0xFFFFFE00  }
0x29: {  	[tilespmem:s8], [sflag:$0x2] =	stream.indirect.gather [hbm4b:s7+s6], $0x1, s2, s6, $0xb8;
	[tilespmem:$0x800] =	vst v63  }
0x2a: {  	_ = 	snop  }
0x2b: {  	[tilespmem:s10], [sflag:$0x2] =	stream.indirect.gather [hbm4b:s9+s6], $0x1, s6, s6, $0xb8;
	[tilespmem:$0x800] =	vst v63  }
0x2c: {  	_ =	swait.ge [sflag:s11], $0x200  }
0x2d: {  	[sflag:s11] =	ssyncset.done $0x0  }
0x2e: {  	[sflag:s11] =	ssyncadd.s32 $0xFFFFFE00  }
0x2f: {  	_ =	swait.ge [sflag:s11], $0x200  }
0x30: {  	[sflag:s11] =	ssyncset.done $0x0  }
0x31: {  	[sflag:s11] =	ssyncadd.s32 $0xFFFFFE00  }
0x32: {  	[hbm4b:s12+s2] =	stream.linear.scatter [tilespmem:s8], [sflag:$0x1], $0x200, $0x38;
	[tilespmem:$0x800] =	vst v63  }
0x33: {  	_ =	swait.ge [sflag:s3], $0x200  }
.Ltmp1:
0x34: {  	[sflag:s3] =	ssyncset.done $0x0;
	(pc) =	sbr.rel @p0 .LBB2_1-.Ltmp1, $4  }
0x35: {  	[sflag:s3] =	ssyncadd.s32 $0xFFFFFE00  }
0x36: {  	[hbm4b:s13+s2] =	stream.linear.scatter [tilespmem:s10], [sflag:$0x1], $0x200, $0x38;
	[tilespmem:$0x800] =	vst v63  }
0x37: {  	_ =	swait.ge [sflag:s3], $0x200  }
0x38: {  	[sflag:s3] =	ssyncset.done $0x0  }
.LBB2_2:
0x39: {  	[sflag:s3] =	ssyncadd.s32 $0xFFFFFE00  }
0x3a: {  	_ =	sfence.sel $0x180000  }
0x3b: {  	[bflag:$0x0] =	sbarrier.arrive $0xFFFF  }
0x3c: {  	p0 =	sne.s32 s1, $0x0;
	_ =	strace $0x90000047  }
0x3d: {  	s0 =	sadd.s32 @!p0 $0x100000, s0;
	[bflag:$0x2] =	sbarrier.arrive $0xFFFF  }
0x3e: {  	[sflag:s0] =	ssyncadd.tile.s32 @!p0 $0x1;
	_ =	shalt  }
.Lfunc_end2:
_tile_overlayer_lowered:
.L_overlay_start_2:
0x3f: {  	(tag) =	ssettag $0x2  }
0x40: {  	s0 =	rddreg [dreg:$0x0];
	s2 =	stileid.u32  }
0x41: {  	s1 =	rddreg [dreg:$0x1];
	p0 =	sne.s32 s2, $0x0  }
0x42: {  	s3 =	rddreg [dreg:$0x2];
	[bflag:$0x3] =	sbarrier.arrive $0xFFFF;
	s2 =	simm.s32 @!p0 $0x1C03  }
0x43: {  	[timem:s3], [sflag:s2] =	dma.local @!p0 [hbm:s0], s1  }
0x44: {  	s0 =	simm.s32 @!p0 $0x3  }
0x45: {  	_ =	swait.ge @!p0 [sflag:s0], s1  }
0x46: {  	s1 =	ssub.s32 @!p0 $0x0, s1;
	[sflag:s0] =	ssyncset.done @!p0 $0x0  }
0x47: {  	[sflag:s0] =	ssyncadd.s32 @!p0 s1  }
0x48: {  	[bflag:$0x3] =	sbarrier.arrive $0xFFFF  }
0x49: {  	_ =	shalt  }

// kernel: kernel.9.cloned.1.call-start
scs
__scs_entry_jumppad:
0x0: {  	(pc) =	sbr.rel $0x88, $3  }
0x1: {  	(tag) =	ssettag $0x0;
	lr =	simm.s32 $0x1  }
0x2: {  	[smem:$0x3F9B] =	sst lr;
	_ =	strace $0xD0000000  }
0x3: {  	_ = 	snop  }
0x4: {  	_ = 	snop  }
0x5: {  	_ = 	snop  }
0x6: {  	_ = 	snop  }
0x7: {  	_ = 	snop  }
__scs_overlays_trampoline_lowered:
0x8: {  	[smem:$0x3FAA] =	sst s0  }
0x9: {  	[smem:$0x3FAB] =	sst s1  }
0xa: {  	[smem:$0x3FAC] =	sst s2  }
0xb: {  	[smem:$0x3FAD] =	sst s3  }
0xc: {  	[smem:$0x3FAE] =	sst s4  }
0xd: {  	[smem:$0x3FAF] =	sst s5  }
0xe: {  	[smem:$0x3FB0] =	sst s6  }
0xf: {  	[smem:$0x3FB1] =	sst s7  }
0x10: {  	[smem:$0x3FB2] =	sst s8  }
0x11: {  	[smem:$0x3FB3] =	sst s9;
	s0 =	simm.s32 @!p0 $0x0  }
0x12: {  	s1 =	sld [smem:$0x3F99];
	s0 =	simm.s32 @p0 $0x1  }
0x13: {  	[smem:$0x3FB4] =	sst s0;
	s0 =	simm.s32 @!p1 $0x0  }
0x14: {  	s2 =	sld [smem:$0x3F98];
	s0 =	simm.s32 @p1 $0x1  }
0x15: {  	[smem:$0x3FB5] =	sst s0;
	s0 =	simm.s32 @!p2 $0x0  }
0x16: {  	s3 =	sld [smem:$0x3FDB];
	s0 =	simm.s32 @p2 $0x1  }
0x17: {  	s4 =	simm.s32 $0x1BF5;
	[smem:$0x3FB7] =	sst s0  }
0x18: {  	s0 =	sld [smem:$0x3F9A];
	_ =	swait.ge [sflag:s4], $0x0  }
0x19: {  	s7 =	sld [smem:$0x3F9B]  }
0x1a: {  	s8 =	sadd.s32 $0xFFFFE003, lr  }
0x1b: {  	s9 =	sadd.s32 $0xFFFFFEF7, lr;
	s5 =	simm.s32 $0xFFFFFFFF;
	p2 =	slt.u32 s8, $0xFFFFF086  }
0x1c: {  	p1 =	slt.u32 s9, $0xF7A;
	s5 =	simm.s32 @!p2 $0x0  }
0x1d: {  	s5 =	simm.s32 @p1 $0x1;
	p0 =	seq.s32 s7, s2  }
0x1e: {  	s7 =	smul.u32 @!p0 $0xF7A, s2;
	p2 =	seq.s32 @!p0 s5, $0x0  }
0x1f: {  	s9 =	smul.u32 $0xF7A, s1;
	s8 =	simm.s32 @!p0 $0x1BF5;
	p2 =	por !p2, p0  }
0x20: {  	[sflag:s8] =	ssyncset.s32 @!p0 $0xFFFFF086;
	s6 =	sadd.s32 @!p0 s3, s7;
	s7 =	simm.s32 @!p0 $0x108  }
0x21: {  	s3 =	sadd.s32 s3, s9;
	s6 =	sadd.s32 @!p0 $0x88, s6;
	s7 =	simm.s32 @p2 $0x1082  }
0x22: {  	[simem:s7], [sflag:s8] =	dma.local @!p0 [hbm:s6], $0xF7A  }
0x23: {  	s9 =	sor.u32 $0xD0000000, s2;
	s6 =	simm.s32 $0x108;
	_ =	swait.ge @!p0 [sflag:s8], $0x0  }
0x24: {  	s3 =	sadd.s32 $0x88, s3;
	s6 =	simm.s32 @!p1 $0x1082;
	[sflag:s4] =	ssyncset.s32 $0xFFFFF086  }
0x25: {  	[simem:s6], [sflag:s4] =	dma.local [hbm:s3], $0xF7A  }
0x26: {  	[smem:$0x3F9B] =	sst s1;
	(tag) =	ssettag s2;
	_ =	strace s9  }
0x27: {  	s1 =	sld [smem:$0x3FAB]  }
0x28: {  	s2 =	sld [smem:$0x3FAC]  }
0x29: {  	s4 =	sld [smem:$0x3FAE]  }
0x2a: {  	p0 =	seq.s32 s5, $0x0;
	s5 =	sld [smem:$0x3FAF]  }
0x2b: {  	s6 =	sld [smem:$0x3FB0]  }
0x2c: {  	s7 =	sld [smem:$0x3FB1]  }
0x2d: {  	s3 =	simm.s32 $0x108;
	s8 =	sld [smem:$0x3FB2]  }
0x2e: {  	s3 =	simm.s32 @!p0 $0x1082;
	s9 =	sld [smem:$0x3FB3]  }
0x2f: {  	lr =	sadd.s32 s0, s3;
	s0 =	sld [smem:$0x3FAA]  }
0x30: {  	s3 =	sld [smem:$0x3FAD]  }
0x31: {  	[smem:$0x3FB6] =	sst s10  }
0x32: {  	s10 =	sld [smem:$0x3FB4];
	_ =	sdelay $0x3  }
0x33: {  	p0 =	seq.s32 s10, $0x1;
	s10 =	sld [smem:$0x3FB6];
	_ =	sdelay $0x3  }
0x34: {  	[smem:$0x3FB6] =	sst s10  }
0x35: {  	s10 =	sld [smem:$0x3FB5];
	_ =	sdelay $0x3  }
0x36: {  	p1 =	seq.s32 s10, $0x1;
	s10 =	sld [smem:$0x3FB6];
	_ =	sdelay $0x3  }
0x37: {  	[smem:$0x3FB6] =	sst s10  }
0x38: {  	s10 =	sld [smem:$0x3FB7]  }
0x39: {  	_ = 	snop;
	(pc) =	sbr.ind lr, $3  }
0x3a: {  	_ = 	snop  }
0x3b: {  	_ = 	snop  }
0x3c: {  	p2 =	seq.s32 s10, $0x1;
	s10 =	sld [smem:$0x3FB6]  }
0x3d: {  	_ =	shalt  }
0x3e: {  	_ =	shalt  }
0x3f: {  	_ =	shalt  }
0x40: {  	_ =	shalt  }
0x41: {  	_ =	shalt  }
0x42: {  	_ =	shalt  }
0x43: {  	_ =	shalt  }
0x44: {  	_ =	shalt  }
0x45: {  	_ =	shalt  }
0x46: {  	_ =	shalt  }
0x47: {  	_ =	shalt  }
0x48: {  	_ =	shalt  }
0x49: {  	_ =	shalt  }
0x4a: {  	_ =	shalt  }
0x4b: {  	_ =	shalt  }
0x4c: {  	_ =	shalt  }
0x4d: {  	_ =	shalt  }
0x4e: {  	_ =	shalt  }
0x4f: {  	_ =	shalt  }
0x50: {  	_ =	shalt  }
0x51: {  	_ =	shalt  }
0x52: {  	_ =	shalt  }
0x53: {  	_ =	shalt  }
0x54: {  	_ =	shalt  }
0x55: {  	_ =	shalt  }
0x56: {  	_ =	shalt  }
0x57: {  	_ =	shalt  }
0x58: {  	_ =	shalt  }
0x59: {  	_ =	shalt  }
0x5a: {  	_ =	shalt  }
0x5b: {  	_ =	shalt  }
0x5c: {  	_ =	shalt  }
0x5d: {  	_ =	shalt  }
0x5e: {  	_ =	shalt  }
0x5f: {  	_ =	shalt  }
0x60: {  	_ =	shalt  }
0x61: {  	_ =	shalt  }
0x62: {  	_ =	shalt  }
0x63: {  	_ =	shalt  }
0x64: {  	_ =	shalt  }
0x65: {  	_ =	shalt  }
0x66: {  	_ =	shalt  }
0x67: {  	_ =	shalt  }
0x68: {  	_ =	shalt  }
0x69: {  	_ =	shalt  }
0x6a: {  	_ =	shalt  }
0x6b: {  	_ =	shalt  }
0x6c: {  	_ =	shalt  }
0x6d: {  	_ =	shalt  }
0x6e: {  	_ =	shalt  }
0x6f: {  	_ =	shalt  }
0x70: {  	_ =	shalt  }
0x71: {  	_ =	shalt  }
0x72: {  	_ =	shalt  }
0x73: {  	_ =	shalt  }
0x74: {  	_ =	shalt  }
0x75: {  	_ =	shalt  }
0x76: {  	_ =	shalt  }
0x77: {  	_ =	shalt  }
0x78: {  	_ =	shalt  }
0x79: {  	_ =	shalt  }
0x7a: {  	_ =	shalt  }
0x7b: {  	_ =	shalt  }
0x7c: {  	_ =	shalt  }
0x7d: {  	_ =	shalt  }
0x7e: {  	_ =	shalt  }
0x7f: {  	_ =	shalt  }
0x80: {  	_ =	shalt  }
0x81: {  	_ =	shalt  }
0x82: {  	_ =	shalt  }
0x83: {  	_ =	shalt  }
0x84: {  	_ =	shalt  }
0x85: {  	_ =	shalt  }
0x86: {  	_ =	shalt  }
0x87: {  	_ =	shalt  }
.Lfunc_end0:
.L_simem_size_0:
called_computation.1_lowered:
.L_overlay_start_0:
0x88: {  	s2 =	sld [smem:$0x3FD9]  }
0x89: {  	s3 =	sld [smem:$0x3FFE];
	_ =	sdelay $0x1  }
0x8a: {  	s1 =	srdreg.scid  }
0x8b: {  	s0 =	sand.u32 $0x1, s1  }
0x8c: {  	s17 =	sshll.u32 s0, $0xA;
	s2 =	sadd.s32 s3, s2  }
0x8d: {  	s2 =	sadd.s32 s2, s17  }
0x8e: {  	[smem:$0x3FC2] =	sst s2  }
0x8f: {  	_ = 	snop  }
0x90: {  	s2 =	sld [smem:$0x3FD0];
	(tm) =	ssettm $0x1  }
0x91: {  	s18 =	sld [smem:$0x3FFB];
	_ =	sdelay $0x3  }
0x92: {  	_ =	strace s18  }
0x93: {  	s3 =	sld [smem:$0x3FFC];
	_ =	sdelay $0x3  }
0x94: {  	_ =	strace s3  }
0x95: {  	s3 =	sld [smem:$0x3FFD];
	_ =	sdelay $0x3  }
0x96: {  	_ =	strace s3  }
0x97: {  	_ =	strace $0x8FFFFFFF  }
0x98: {  	s19 =	sld [smem:$0x3FDB];
	_ =	sdelay $0x1  }
0x99: {  	s4 =	simm.s32 $_scs_section_size  }
0x9a: {  	s5 =	simm.s32 $_size__tile_overlayer_lowered;
	s6 =	simm.s32 $_tile_overlayer_lowered  }
0x9b: {  	s22 =	simm.s32 $0x1BFF;
	s21 =	sshll.u32 s6, $0x1;
	s3 =	sadd.s32 s4, s19  }
0x9c: {  	s7 =	simm.s32 $0x0;
	s20 =	sshll.u32 s5, $0x1;
	s5 =	sadd.s32 s21, s3  }
0x9d: {  	[timem:s7], [sflag:s22] =	dma.local [hbm:s5], s20  }
0x9e: {  	_ =	swait.ge [sflag:s22], s20  }
0x9f: {  	s4 =	ssub.s32 $0x0, s20;
	[sflag:s22] =	ssyncset.done $0x0  }
0xa0: {  	[sflag:s22] =	ssyncadd.s32 s4;
	_ =	sdelay $0x1  }
0xa1: {  	s23 =	simm.s32 $0x1B8B  }
0xa2: {  	_ =	swait.ge [sflag:s23], $0x1  }
0xa3: {  	[sflag:s23] =	ssyncset.done $0x0  }
0xa4: {  	s25 =	simm.s32 $0x1B8E;
	s24 =	sld [smem:$0x3FFE];
	[sflag:s23] =	ssyncadd.s32 $0xFFFFFFFF  }
0xa5: {  	s26 =	simm.s32 $execute0_lowered;
	[smem:$0x3FD2] =	sst s25  }
0xa6: {  	s5 =	sshll.u32 s26, $0x1;
	_ =	strace $0x80000049;
	[dreg:$0x1] =	wrdreg $0xFFFFFFFF  }
0xa7: {  	s28 =	simm.s32 $_size_execute0_lowered;
	s3 =	sadd.s32 s3, s5;
	[dreg:$0x0] =	wrdreg $0x0  }
0xa8: {  	s5 =	sshll.u32 s28, $0x1;
	[dreg:$0x2] =	wrdreg s3  }
0xa9: {  	[dreg:$0x3] =	wrdreg s5  }
0xaa: {  	[dreg:$0x4] =	wrdreg $0xC0  }
0xab: {  	_ =	task [dreg:s7], $0x5FFFF  }
0xac: {  	[dreg:$0x1] =	wrdreg $0xFFFFFFFF  }
0xad: {  	[dreg:$0x0] =	wrdreg $0x60  }
0xae: {  	[dreg:$0x2] =	wrdreg s24  }
0xaf: {  	[dreg:$0x3] =	wrdreg s2  }
0xb0: {  	[dreg:$0x4] =	wrdreg $0x9  }
0xb1: {  	_ =	task.clear_ibuf [dreg:s7], $0x5FFFF;
	_ =	strace $0x90000049  }
0xb2: {  	s29 =	simm.s32 $0x9;
	_ =	strace $0x8000004B  }
0xb3: {  	_ =	swait.ge [sflag:s29], $0x1  }
0xb4: {  	[sflag:s29] =	ssyncadd.s32 $0xFFFFFFFF  }
0xb5: {  	_ =	strace $0x9000004B  }
0xb6: {  	_ =	sfence  }
0xb7: {  	s30 =	sld [smem:$0x0];
	_ =	sdelay $0x2  }
0xb8: {  	s31 =	sshll.u32 s1, $0xD;
	s1 =	sshrl.u32 s1, $0x2  }
0xb9: {  	s3 =	sand.u32 $0x4000, s31;
	s1 =	sadd.s32 s1, s30  }
0xba: {  	s0 =	sor.u32 s3, s0;
	s1 =	sshll.u32 s1, $0x11  }
0xbb: {  	s0 =	sor.u32 s1, s0  }
0xbc: {  	s0 =	sadd.s32 $0x8F2B, s0  }
0xbd: {  	[sflag:s0] =	ssyncadd.remote.s32 $0x1  }
0xbe: {  	_ =	sfence.sel $0xFFFF  }
0xbf: {  	[dreg:$0x0] =	wrdreg $0xFFFFFFFF;
	(pc) =	sbr.abs _section_cstart, $3  }
0xc0: {  	[dreg:$0x1] =	wrdreg $0xFFFFFFFF  }
0xc1: {  	_ =	task.clear_ibuf [dreg:s7], $0x2FFFF;
	_ =	strace $0x9FFFFFFF  }
0xc2: {  	(tm) =	ssettm $0x7FFFFFFF  }
0xc3: {  	_ =	shalt  }
tec
execute0_lowered:
.L_overlay_start_1:
0x0: {  	(tag) =	ssettag $0x1  }
0x1: {  	s0 =	rddreg [dreg:$0x0]  }
0x2: {  	s1 =	rddreg [dreg:$0x1];
	s2 =	simm.s32 $0x0  }
0x3: {  	s4 =	srdreg.scid;
	s29 =	stileid.u32;
	s11 =	simm.s32 $0x80  }
0x4: {  	s12 =	simm.s32 $0x400;
	s13 =	simm.s32 $0x1;
	s17 =	simm.s32 $0x100  }
0x5: {  	s18 =	simm.s32 $0x800;
	s20 =	simm.s32 $0x8800;
	s21 =	simm.s32 $0x2  }
0x6: {  	s22 =	simm.s32 $0x3;
	s26 =	simm.s32 $0x0;
	[smem:$0x7FF] =	sst s2  }
0x7: {  	s3 =	sadd.s32 $0xE6C00, s0;
	s4 =	sand.u32 $0x1, s4;
	s5 =	sshll.u32 s29, $0x5  }
0x8: {  	s6 =	sshll.u32 s29, $0x7;
	s7 =	sshll.u32 s4, $0x4;
	s5 =	sand.u32 $0x60, s5  }
0x9: {  	vm0 =	vmmov $0x1;
	vm1 =	vmmov $0x3;
	vm2 =	vmmov $0x7;
	s6 =	sand.u32 $0x600, s6;
	s30 =	ssub.s32 $0x2, s4;
	s5 =	sor.u32 s7, s5  }
0xa: {  	vm3 =	vmmov $0xf;
	vm4 =	vmmov $0x1f;
	vm5 =	vmmov $0x3f;
	_ =	strace $0x8000004A;
	s31 =	sshrl.u32 s30, $0x1;
	s5 =	sor.u32 s6, s5  }
0xb: {  	vm6 =	vmmov $0x7f;
	vm7 =	vmmov $0xff;
	vm8 =	vmmov $0x1ff;
	s4 =	sadd.s32 $0x23600, s0;
	s10 =	ssub.s32 s30, s31;
	s0 =	sadd.s32 s5, s0  }
0xc: {  	vm9 =	vmmov $0x3ff;
	vm10 =	vmmov $0x7ff;
	vm11 =	vmmov $0xfff;
	s5 =	sadd.s32 s1, s5;
	s10 =	smax.u32 s10, $0x1;
	s6 =	sadd.s32 $0x22E00, s0  }
0xd: {  	vm12 =	vmmov $0x1fff;
	vm13 =	vmmov $0x3fff;
	vm14 =	vmmov $0x7fff;
	s7 =	sadd.s32 $0x200, s0;
	s8 =	sadd.s32 $0xA00, s0;
	s9 =	sadd.s32 $0x1200, s0  }
.LBB2_1:
0xe: {  	s0 =	simm.s32 $0x0  }
0xf: {  	[tilespmem:s0], [sflag:$0x1] =	stream.strided.gather [hbm4b:s5+s11], $0x200, s12, s11, $0x38;
	[tilespmem:$0x10E00] =	vst v63  }
0x10: {  	_ =	swait.ge [sflag:s13], $0x200  }
0x11: {  	[sflag:s13] =	ssyncset.done $0x0  }
0x12: {  	s29 =	simm.s32 $0x200;
	[sflag:s13] =	ssyncadd.s32 $0xFFFFFE00  }
0x13: {  	[tilespmem:s29], [sflag:$0x1] =	stream.strided.gather [hbm4b:s6+s11], $0x200, s12, s11, $0x38;
	[tilespmem:$0x10E00] =	vst v63  }
0x14: {  	_ =	swait.ge [sflag:s13], $0x200  }
0x15: {  	[sflag:s13] =	ssyncset.done $0x0  }
0x16: {  	s30 =	simm.s32 $0x10A00;
	[sflag:s13] =	ssyncadd.s32 $0xFFFFFE00  }
0x17: {  	[tilespmem:s30], [sflag:$0x1] =	stream.strided.gather [hbm4b:s7+s11], $0x200, s12, s11, $0x38;
	[tilespmem:$0x10E00] =	vst v63  }
0x18: {  	s31 =	simm.s32 $0x10C00;
	s0 =	simm.s32 $0x0  }
0x19: {  	[tilespmem:s31], [sflag:$0x1] =	stream.strided.gather [hbm4b:s8+s11], $0x200, s12, s11, $0x38;
	[tilespmem:$0x10E00] =	vst v63  }
0x1a: {  	v0 =	vld [tilespmem:s0+$0x200]  }
0x1b: {  	s1 =	simm.s32 $0x40;
	v1 =	vld [tilespmem:s0+$0x0]  }
.LBB2_2:
0x1c: {  	p0 =	sne.s32 s1, $0x7C0  }
.Ltmp0:
0x1d: {  	_ = 	snop;
	(pc) =	sbr.rel @p0 .LBB2_2-.Ltmp0, $4  }
0x1e: {  	_ = 	snop  }
0x1f: {  	s14 =	sshra.s32 s1, $0x2;
	s1 =	sadd.s32 $0x40, s1;
	v2 =	vshrl.u32 v0, $0x1  }
0x20: {  	v0 =	vld [tilespmem:s14+$0x200];
	v3 =	vshrl.u32 v1, $0x1;
	[tilespmem:s0+$0x600] =	vst v2  }
0x21: {  	v1 =	vld [tilespmem:s14+$0x0];
	[tilespmem:s0+$0x400] =	vst v3;
	s0 =	smov.u32 s14  }
0x22: {  	_ =	sdelay $0x2  }
0x23: {  	v0 =	vshrl.u32 v0, $0x1  }
0x24: {  	v1 =	vshrl.u32 v1, $0x1;
	[tilespmem:s0+$0x600] =	vst v0  }
0x25: {  	[tilespmem:s0+$0x400] =	vst v1  }
0x26: {  	[tilespmem:s18], [sflag:$0x2] =	stream.indirect.gather [hbm4b:s3+s17], $0x80, s12, s17, $0xb8;
	[tilespmem:$0x10E00] =	vst v63  }
0x27: {  	s16 =	simm.s32 $0x600  }
0x28: {  	[tilespmem:s20], [sflag:$0x3] =	stream.indirect.gather [hbm4b:s4+s17], $0x80, s16, s17, $0xb8;
	[tilespmem:$0x10E00] =	vst v63  }
0x29: {  	_ =	swait.ge [sflag:s21], $0x8000  }
0x2a: {  	[sflag:s21] =	ssyncset.done $0x0  }
0x2b: {  	[sflag:s21] =	ssyncadd.s32 $0xFFFF8000  }
0x2c: {  	_ =	swait.ge [sflag:s22], $0x8000  }
0x2d: {  	[sflag:s22] =	ssyncset.done $0x0  }
0x2e: {  	s19 =	simm.s32 $0x0;
	[sflag:s22] =	ssyncadd.s32 $0xFFFF8000  }
0x2f: {  	v0 =	vld [tilespmem:s19+$0x0];
	_ =	sdelay $0x4  }
0x30: {  	(v2sf) =	vpush v0, $0xE;
	_ =	sdelay $0x4  }
0x31: {  	(v2sf) =	vpush v0, $0xD;
	_ =	sdelay $0x4  }
0x32: {  	(v2sf) =	vpush v0, $0xF;
	_ =	sdelay $0x4  }
0x33: {  	s23 =	spop (v2sf)  }
0x34: {  	s0 =	sand.u32 $0x1, s23  }
0x35: {  	s0 =	sshll.u32 s0, $0x6  }
0x36: {  	s15 =	sadd.s32 $0x0, s0  }
0x37: {  	v1 =	vld [tilespmem:s15+$0xF30]  }
0x38: {  	(v2sf) =	vpush v0, $0xC;
	s1 =	spop (v2sf)  }
0x39: {  	s1 =	sand.u32 $0x1, s1  }
0x3a: {  	s1 =	sshll.u32 s1, $0x6  }
0x3b: {  	s1 =	sadd.s32 $0x0, s1  }
0x3c: {  	[tilespmem:$0x1FD20] =	vst v1;
	v1 =	vld [tilespmem:s1+$0xEB0]  }
0x3d: {  	(v2sf) =	vpush v0, $0xB;
	s14 =	spop (v2sf)  }
0x3e: {  	s24 =	sand.u32 $0x1, s14  }
0x3f: {  	s0 =	sshll.u32 s24, $0x6  }
0x40: {  	s0 =	sadd.s32 $0x0, s0  }
0x41: {  	[tilespmem:$0x1FE80] =	vst v1;
	v1 =	vld [tilespmem:s0+$0xF80];
	_ =	sdelay $0x4  }
0x42: {  	[tilespmem:$0x1FEA0] =	vst v1;
	v1 =	vld [tilespmem:s0+$0xF90]  }
0x43: {  	(v2sf) =	vpush v0, $0xA;
	s25 =	spop (v2sf)  }
0x44: {  	s14 =	sand.u32 $0x1, s25  }
0x45: {  	s14 =	sshll.u32 s14, $0x6  }
0x46: {  	s14 =	sadd.s32 $0x0, s14  }
0x47: {  	[tilespmem:$0x1FEB0] =	vst v1;
	v1 =	vld [tilespmem:s14+$0xE30]  }
0x48: {  	(v2sf) =	vpush v0, $0x9;
	s16 =	spop (v2sf)  }
0x49: {  	s16 =	sand.u32 $0x1, s16  }
0x4a: {  	s16 =	sshll.u32 s16, $0x6  }
0x4b: {  	s16 =	sadd.s32 $0x0, s16  }
0x4c: {  	[tilespmem:$0x1FD30] =	vst v1;
	v1 =	vld [tilespmem:s16+$0xDB0];
	_ =	sdelay $0x4  }
0x4d: {  	[tilespmem:$0x1FD40] =	vst v1;
	v1 =	vld [tilespmem:s1+$0xEA0]  }
0x4e: {  	s19 =	spop (v2sf)  }
0x4f: {  	s19 =	sand.u32 $0x1, s19  }
0x50: {  	s19 =	sshll.u32 s19, $0x6  }
0x51: {  	s19 =	sadd.s32 $0x0, s19  }
0x52: {  	[tilespmem:$0x1FE70] =	vst v1;
	v1 =	vld [tilespmem:s19+$0xD30]  }
0x53: {  	(v2sf) =	vpush v0, $0x8;
	s23 =	spop (v2sf)  }
0x54: {  	s23 =	sand.u32 $0x1, s23  }
0x55: {  	s23 =	sshll.u32 s23, $0x6  }
0x56: {  	s23 =	sadd.s32 $0x0, s23  }
0x57: {  	[tilespmem:$0x1FE60] =	vst v1;
	v1 =	vld [tilespmem:s23+$0xCB0];
	_ =	sdelay $0x4  }
0x58: {  	[tilespmem:$0x1FD50] =	vst v1;
	v1 =	vld [tilespmem:s1+$0xE80]  }
0x59: {  	(v2sf) =	vpush v0, $0x7;
	_ =	sdelay $0x2  }
0x5a: {  	v36 =	vld [tilespmem:s15+$0xF20]  }
0x5b: {  	[tilespmem:$0x1FE40] =	vst v1;
	v1 =	vld [tilespmem:s1+$0xE90]  }
0x5c: {  	v47 =	vld [tilespmem:s15+$0xF00];
	(v2sf) =	vpush v0, $0x6;
	s2 =	spop (v2sf)  }
0x5d: {  	v48 =	vld [tilespmem:s15+$0xF10];
	s15 =	sand.u32 $0x1, s2  }
0x5e: {  	s15 =	sshll.u32 s15, $0x6  }
0x5f: {  	s15 =	sadd.s32 $0x0, s15  }
0x60: {  	(v2sf) =	vpush v0, $0x5;
	[tilespmem:$0x1FE50] =	vst v1;
	v1 =	vld [tilespmem:s15+$0xC30];
	_ =	sdelay $0x4  }
0x61: {  	[tilespmem:$0x1FD60] =	vst v1;
	v1 =	vld [tilespmem:s19+$0xD20]  }
0x62: {  	v35 =	vld [tilespmem:s14+$0xE20];
	s24 =	spop (v2sf)  }
0x63: {  	v51 =	vld [tilespmem:s14+$0xE00];
	s1 =	sand.u32 $0x1, s24  }
0x64: {  	v52 =	vld [tilespmem:s14+$0xE10];
	s1 =	sshll.u32 s1, $0x6  }
0x65: {  	v30 =	vld [tilespmem:s16+$0xDA0];
	(v2sf) =	vpush v0, $0x4;
	s1 =	sadd.s32 $0x0, s1  }
0x66: {  	[tilespmem:$0x1FE30] =	vst v1;
	v1 =	vld [tilespmem:s1+$0xBB0]  }
0x67: {  	v49 =	vld [tilespmem:s16+$0xD80];
	s25 =	spop (v2sf)  }
0x68: {  	v50 =	vld [tilespmem:s16+$0xD90];
	s14 =	sand.u32 $0x1, s25  }
0x69: {  	v38 =	vld [tilespmem:s23+$0xCA0];
	(v2sf) =	vpush v0, $0x3;
	s14 =	sshll.u32 s14, $0x6  }
0x6a: {  	v58 =	vld [tilespmem:s23+$0xC80];
	s14 =	sadd.s32 $0x0, s14  }
0x6b: {  	s2 =	spop (v2sf);
	[tilespmem:$0x1FE20] =	vst v1;
	v1 =	vld [tilespmem:s14+$0xB30]  }
0x6c: {  	v59 =	vld [tilespmem:s23+$0xC90];
	s16 =	sand.u32 $0x1, s2  }
0x6d: {  	(v2sf) =	vpush v0, $0x2;
	v37 =	vld [tilespmem:s15+$0xC20];
	s16 =	sshll.u32 s16, $0x6  }
0x6e: {  	v56 =	vld [tilespmem:s15+$0xC00];
	(v2sf) =	vpush v0, $0x0;
	s16 =	sadd.s32 $0x0, s16  }
0x6f: {  	(v2sf) =	vpush v0, $0x1;
	v0 =	vld [tilespmem:s16+$0xAB0]  }
0x70: {  	[tilespmem:$0x1FD70] =	vst v1;
	v1 =	vld [tilespmem:s19+$0xD00]  }
0x71: {  	v57 =	vld [tilespmem:s15+$0xC10]  }
0x72: {  	v40 =	vld [tilespmem:s14+$0xB20]  }
0x73: {  	v62 =	vld [tilespmem:s14+$0xB00]  }
0x74: {  	[tilespmem:$0x1FD80] =	vst v0;
	s24 =	spop (v2sf);
	v0 =	vld [tilespmem:s1+$0xBA0]  }
0x75: {  	[tilespmem:$0x1FE00] =	vst v1;
	v1 =	vld [tilespmem:s19+$0xD10];
	s19 =	sand.u32 $0x1, s24;
	s24 =	simm.s32 $0x200  }
0x76: {  	v45 =	vld [tilespmem:s24+$0x0]  }
0x77: {  	v24 =	vld [tilespmem:s14+$0xB10]  }
0x78: {  	v33 =	vld [tilespmem:s16+$0xAA0];
	s25 =	spop (v2sf);
	s19 =	sshll.u32 s19, $0x6  }
0x79: {  	v60 =	vld [tilespmem:s16+$0xA80];
	s23 =	sand.u32 $0x1, s25;
	s19 =	sadd.s32 $0x0, s19  }
0x7a: {  	s23 =	sshll.u32 s23, $0x6;
	[tilespmem:$0x1FDF0] =	vst v0;
	v0 =	vld [tilespmem:s19+$0xA30]  }
0x7b: {  	v61 =	vld [tilespmem:s16+$0xA90];
	s23 =	sadd.s32 $0x0, s23;
	(v2sf) =	vpush v45, $0xE  }
0x7c: {  	v27 =	vld [tilespmem:s23+$0x9B0];
	(v2sf) =	vpush v45, $0xD  }
0x7d: {  	s2 =	spop (v2sf);
	v44 =	vld [tilespmem:s23+$0x9A0];
	(v2sf) =	vpush v45, $0xC  }
0x7e: {  	s15 =	sand.u32 $0x1, s2;
	v63 =	vld [tilespmem:s23+$0x980]  }
0x7f: {  	s15 =	sshll.u32 s15, $0x6;
	[tilespmem:$0x1FDE0] =	vst v0;
	v0 =	vld [tilespmem:s1+$0xB80]  }
0x80: {  	v25 =	vld [tilespmem:s23+$0x990];
	s15 =	sadd.s32 $0x0, s15  }
0x81: {  	v39 =	vld [tilespmem:s15+$0x920]  }
0x82: {  	v53 =	vld [tilespmem:s15+$0x900]  }
0x83: {  	v54 =	vld [tilespmem:s15+$0x910];
	s24 =	spop (v2sf)  }
0x84: {  	(v2sf) =	vpush v45, $0xB;
	[tilespmem:$0x1FDC0] =	vst v0;
	v0 =	vld [tilespmem:s1+$0xB90];
	s1 =	sand.u32 $0x1, s24  }
0x85: {  	s25 =	spop (v2sf);
	v28 =	vld [tilespmem:s19+$0xA00];
	(v2sf) =	vpush v45, $0x9;
	s1 =	sshll.u32 s1, $0x6  }
0x86: {  	v29 =	vld [tilespmem:s19+$0xA10];
	(v2sf) =	vpush v45, $0x8;
	s24 =	sand.u32 $0x1, s25;
	s1 =	sadd.s32 $0x0, s1  }
0x87: {  	s24 =	sshll.u32 s24, $0x6;
	v26 =	vld [tilespmem:s1+$0x830]  }
0x88: {  	s2 =	sadd.s32 $0x0, s24;
	v34 =	vld [tilespmem:s1+$0x820]  }
0x89: {  	v32 =	vld [tilespmem:s2+$0x8A0]  }
0x8a: {  	[tilespmem:$0x1FDD0] =	vst v0;
	v0 =	vld [tilespmem:s15+$0x930];
	s16 =	spop (v2sf)  }
0x8b: {  	v42 =	vld [tilespmem:s1+$0x800];
	s23 =	spop (v2sf)  }
0x8c: {  	v43 =	vld [tilespmem:s1+$0x810];
	s24 =	spop (v2sf)  }
0x8d: {  	v41 =	vld [tilespmem:s2+$0x880];
	s25 =	sand.u32 $0x1, s24  }
0x8e: {  	v46 =	vld [tilespmem:s2+$0x890];
	s14 =	sshll.u32 s25, $0x6  }
0x8f: {  	[tilespmem:$0x1FD90] =	vst v0;
	v0 =	vld [tilespmem:s19+$0xA20];
	s14 =	sadd.s32 $0x0, s14  }
0x90: {  	v17 =	vld [tilespmem:s14+$0x8E30]  }
0x91: {  	v13 =	vld [tilespmem:s14+$0x8E20]  }
0x92: {  	s19 =	sand.u32 $0x1, s16;
	v7 =	vld [tilespmem:s14+$0x8E00]  }
0x93: {  	s1 =	sshll.u32 s19, $0x6;
	s19 =	spop (v2sf);
	v3 =	vld [tilespmem:s14+$0x8E10]  }
0x94: {  	s15 =	sand.u32 $0x1, s23;
	s23 =	spop (v2sf);
	[tilespmem:$0x1FDB0] =	vst v0;
	v0 =	vld [tilespmem:s2+$0x8B0];
	s2 =	sadd.s32 $0x0, s1  }
0x95: {  	s24 =	spop (v2sf);
	v16 =	vld [tilespmem:s2+$0x8F30]  }
0x96: {  	(v2sf) =	vpush v45, $0x6;
	s25 =	sand.u32 $0x1, s24;
	v10 =	vld [tilespmem:s2+$0x8F20]  }
0x97: {  	s16 =	sshll.u32 s25, $0x6;
	v8 =	vld [tilespmem:s2+$0x8F00]  }
0x98: {  	v4 =	vld [tilespmem:s2+$0x8F10];
	s16 =	sadd.s32 $0x0, s16  }
0x99: {  	s15 =	sshll.u32 s15, $0x6;
	v20 =	vld [tilespmem:s16+$0x8C30]  }
0x9a: {  	s1 =	sadd.s32 $0x0, s15;
	s15 =	sand.u32 $0x1, s19;
	v11 =	vld [tilespmem:s16+$0x8C20]  }
0x9b: {  	(v2sf) =	vpush v45, $0xA;
	s19 =	sand.u32 $0x1, s23;
	s15 =	sshll.u32 s15, $0x6;
	v6 =	vld [tilespmem:s16+$0x8C00]  }
0x9c: {  	(v2sf) =	vpush v45, $0x5;
	s19 =	sshll.u32 s19, $0x6;
	s15 =	sadd.s32 $0x0, s15;
	v2 =	vld [tilespmem:s16+$0x8C10]  }
0x9d: {  	s19 =	sadd.s32 $0x0, s19;
	v22 =	vld [tilespmem:s15+$0x8DB0]  }
0x9e: {  	(v2sf) =	vpush v45, $0x3;
	v18 =	vld [tilespmem:s19+$0x8CB0]  }
0x9f: {  	v15 =	vld [tilespmem:s15+$0x8DA0]  }
0xa0: {  	v12 =	vld [tilespmem:s19+$0x8CA0]  }
0xa1: {  	(v2sf) =	vpush v45, $0x7;
	v7 =	vmul.f32 v7, v51;
	v3 =	vmul.f32 v3, v52;
	[tilespmem:$0x1FDA0] =	vst v0;
	v0 =	vld [tilespmem:s1+$0x8EB0]  }
0xa2: {  	(v2sf) =	vpush v45, $0x2;
	v9 =	vld [tilespmem:s15+$0x8D80];
	v13 =	vmul.f32 v13, v35  }
0xa3: {  	v5 =	vld [tilespmem:s15+$0x8D90];
	v8 =	vmul.f32 v8, v47;
	v4 =	vmul.f32 v4, v48;
	v3 =	vadd.f32 v3, v7  }
0xa4: {  	[tilespmem:$0x1FE10] =	vst v1;
	v1 =	vld [tilespmem:s19+$0x8C80];
	v6 =	vmul.f32 v6, v56;
	v2 =	vmul.f32 v2, v57  }
0xa5: {  	s2 =	spop (v2sf);
	v4 =	vadd.f32 v4, v8;
	v8 =	vmul.f32 v10, v36;
	v3 =	vadd.f32 v13, v3;
	v13 =	vld [tilespmem:$0x1FD30]  }
0xa6: {  	s24 =	sand.u32 $0x1, s2;
	v2 =	vadd.f32 v2, v6;
	v6 =	vmul.f32 v11, v37;
	[tilespmem:$0x1FE90] =	vst v0;
	v0 =	vld [tilespmem:s19+$0x8C90]  }
0xa7: {  	s14 =	sshll.u32 s24, $0x6;
	v4 =	vadd.f32 v8, v4;
	v8 =	vld [tilespmem:$0x1FD20]  }
0xa8: {  	s24 =	sadd.s32 $0x0, s14;
	v2 =	vadd.f32 v6, v2;
	v6 =	vld [tilespmem:$0x1FD60]  }
0xa9: {  	v7 =	vmul.f32 v9, v49;
	v5 =	vmul.f32 v5, v50;
	v23 =	vld [tilespmem:s24+$0x8B30]  }
0xaa: {  	(v2sf) =	vpush v45, $0x0;
	s25 =	spop (v2sf);
	v14 =	vld [tilespmem:s24+$0x8B20]  }
0xab: {  	v15 =	vmul.f32 v15, v30;
	s2 =	spop (v2sf);
	v5 =	vadd.f32 v5, v7;
	v10 =	vld [tilespmem:s24+$0x8B00]  }
0xac: {  	s14 =	sand.u32 $0x1, s25;
	s25 =	sand.u32 $0x1, s2;
	v52 =	vld [tilespmem:s24+$0x8B10]  }
0xad: {  	s2 =	spop (v2sf);
	(v2sf) =	vpush v45, $0x1;
	s15 =	sshll.u32 s25, $0x6;
	v5 =	vadd.f32 v15, v5;
	v15 =	vld [tilespmem:$0x1FD40]  }
0xae: {  	s23 =	sadd.s32 $0x0, s15;
	v13 =	vmul.f32 v17, v13;
	v17 =	vld [tilespmem:$0x1FD50]  }
0xaf: {  	s15 =	sand.u32 $0x1, s2;
	v21 =	vld [tilespmem:s23+$0x8AB0]  }
0xb0: {  	s25 =	spop (v2sf);
	s15 =	sshll.u32 s15, $0x6;
	v48 =	vld [tilespmem:s23+$0x8AA0]  }
0xb1: {  	s19 =	spop (v2sf);
	v9 =	vld [tilespmem:s23+$0x8A80];
	s28 =	sadd.s32 $0x0, s15  }
0xb2: {  	s16 =	sand.u32 $0x1, s19;
	v19 =	vld [tilespmem:s28+$0x89B0]  }
0xb3: {  	s16 =	sshll.u32 s16, $0x6;
	v3 =	vadd.f32 v13, v3;
	v13 =	vld [tilespmem:s28+$0x8990]  }
0xb4: {  	v8 =	vmul.f32 v16, v8;
	s16 =	sadd.s32 $0x0, s16;
	v6 =	vmul.f32 v20, v6;
	v20 =	vld [tilespmem:$0x1FD70]  }
0xb5: {  	v1 =	vmul.f32 v1, v58;
	v0 =	vmul.f32 v0, v59;
	v16 =	vld [tilespmem:s16+$0x8930]  }
0xb6: {  	v4 =	vadd.f32 v8, v4;
	v8 =	vld [tilespmem:s23+$0x8A90]  }
0xb7: {  	v0 =	vadd.f32 v0, v1;
	v1 =	vmul.f32 v12, v38;
	v12 =	vld [tilespmem:s28+$0x8980]  }
0xb8: {  	v11 =	vld [tilespmem:s16+$0x8900]  }
0xb9: {  	s2 =	sand.u32 $0x1, s25;
	s25 =	spop (v2sf);
	v15 =	vmul.f32 v22, v15;
	v20 =	vmul.f32 v23, v20;
	v23 =	vld [tilespmem:$0x1FD80]  }
0xba: {  	(v2sf) =	vpush v45, $0x4;
	s19 =	sand.u32 $0x1, s25;
	v17 =	vmul.f32 v18, v17;
	v18 =	vld [tilespmem:s16+$0x8910];
	v0 =	vadd.f32 v1, v0  }
0xbb: {  	s19 =	sshll.u32 s19, $0x6;
	v1 =	vld [tilespmem:s28+$0x89A0];
	v5 =	vadd.f32 v15, v5;
	v9 =	vmul.f32 v9, v60;
	(xrf2) =	vadd.scan.msk.f32 $0xffff, v4;
	v8 =	vmul.f32 v8, v61  }
0xbc: {  	s15 =	sshll.u32 s2, $0x6;
	s19 =	sadd.s32 $0x0, s19;
	v10 =	vmul.f32 v10, v62;
	(xrf2) =	vadd.scan.msk.f32 $0xffff, v3;
	v0 =	vadd.f32 v17, v0;
	v17 =	vld [tilespmem:s16+$0x8920];
	s2 =	spop (v2sf)  }
0xbd: {  	v7 =	vld [tilespmem:s19+$0x8830];
	v13 =	vmul.f32 v13, v25;
	(xrf2) =	vadd.scan.msk.f32 $0xffff, v5;
	v8 =	vadd.f32 v8, v9;
	v9 =	vmul.f32 v48, v33;
	s23 =	sand.u32 $0x1, s2  }
0xbe: {  	v2 =	vadd.f32 v6, v2;
	v12 =	vmul.f32 v12, v63;
	(xrf2) =	vadd.scan.msk.f32 $0xffff, v0;
	v0 =	vld [tilespmem:$0x1FD90];
	v21 =	vmul.f32 v21, v23;
	s16 =	sshll.u32 s23, $0x6  }
0xbf: {  	v6 =	vld [tilespmem:s19+$0x8810];
	v8 =	vadd.f32 v9, v8;
	v9 =	vmul.f32 v11, v53;
	v11 =	vmul.f32 v18, v54;
	s16 =	sadd.s32 $0x0, s16  }
0xc0: {  	v15 =	vmul.f32 v52, v24;
	v12 =	vadd.f32 v13, v12;
	v1 =	vmul.f32 v1, v44;
	v22 =	vld [tilespmem:s16+$0x8880]  }
0xc1: {  	v4 =	vadd.f32 v21, v8;
	v8 =	vadd.f32 v11, v9;
	v9 =	vmul.f32 v17, v39;
	v13 =	vld [tilespmem:s16+$0x8890]  }
0xc2: {  	v10 =	vadd.f32 v15, v10;
	v15 =	vld [tilespmem:s19+$0x8800];
	v1 =	vadd.f32 v1, v12;
	v12 =	vmul.f32 v19, v27  }
0xc3: {  	v14 =	vmul.f32 v14, v40;
	v0 =	vmul.f32 v16, v0;
	v19 =	vld [tilespmem:s16+$0x88A0];
	v5 =	vadd.f32 v9, v8  }
0xc4: {  	v1 =	vadd.f32 v12, v1;
	v12 =	vld [tilespmem:s16+$0x88B0]  }
0xc5: {  	v10 =	vadd.f32 v14, v10;
	v0 =	vadd.f32 v0, v5;
	v5 =	vld [tilespmem:$0x1FDA0]  }
0xc6: {  	v14 =	vld [tilespmem:s19+$0x8820];
	v8 =	vmul.f32 v22, v41;
	v9 =	vmul.f32 v13, v46  }
0xc7: {  	v10 =	vadd.f32 v20, v10  }
0xc8: {  	(xrf2) =	vadd.scan.msk.f32 $0xffff, v2;
	v2 =	vmul.f32 v7, v26;
	v7 =	vadd.f32 v9, v8;
	v8 =	vmul.f32 v19, v32  }
0xc9: {  	s15 =	sadd.s32 $0x0, s15;
	v6 =	vmul.f32 v6, v43;
	v3 =	vmul.f32 v15, v42;
	(xrf2) =	vadd.scan.msk.f32 $0xffff, v10  }
0xca: {  	v47 =	vld [tilespmem:s15+$0x8B80];
	s24 =	spop (v2sf);
	(xrf2) =	vadd.scan.msk.f32 $0xffff, v4;
	v5 =	vmul.f32 v12, v5;
	v4 =	vadd.f32 v8, v7  }
0xcb: {  	v3 =	vadd.f32 v6, v3;
	v6 =	vmul.f32 v14, v34;
	v14 =	vld [tilespmem:s15+$0x8B90];
	s25 =	sand.u32 $0x1, s24;
	(xrf2) =	vadd.scan.msk.f32 $0xffff, v1  }
0xcc: {  	s19 =	sshll.u32 s25, $0x6;
	(xrf2) =	vadd.scan.msk.f32 $0xffff, v0;
	v0 =	vadd.f32 v5, v4;
	v4 =	vld [tilespmem:$0x1FDC0]  }
0xcd: {  	s19 =	sadd.s32 $0x0, s19;
	v5 =	vld [tilespmem:$0x1FDD0]  }
0xce: {  	v11 =	vld [tilespmem:s19+$0x8A10]  }
0xcf: {  	v3 =	vadd.f32 v6, v3  }
0xd0: {  	v18 =	vld [tilespmem:s19+$0x8A00]  }
0xd1: {  	v1 =	vadd.f32 v2, v3;
	v3 =	vld [tilespmem:$0x1FDB0]  }
0xd2: {  	v13 =	vld [tilespmem:s19+$0x8A20];
	v4 =	vmul.f32 v47, v4;
	v5 =	vmul.f32 v14, v5  }
0xd3: {  	v10 =	vmul.f32 v11, v29;
	v11 =	vld [tilespmem:s15+$0x8BA0]  }
0xd4: {  	v4 =	vadd.f32 v5, v4;
	v5 =	vld [tilespmem:$0x1FDF0]  }
0xd5: {  	v6 =	vmul.f32 v18, v28;
	_ =	sdelay $0x1  }
0xd6: {  	v31 =	vld [tilespmem:s1+$0x8E80];
	v2 =	vadd.f32 v10, v6;
	v3 =	vmul.f32 v13, v3  }
0xd7: {  	v9 =	vld [tilespmem:s19+$0x8A30]  }
0xd8: {  	(xrf2) =	vadd.scan.msk.f32 $0xffff, v1;
	v1 =	vadd.f32 v3, v2;
	v2 =	vld [tilespmem:$0x1FDE0];
	v5 =	vmul.f32 v11, v5  }
0xd9: {  	s14 =	sshll.u32 s14, $0x6;
	v6 =	vld [tilespmem:s15+$0x8BB0]  }
0xda: {  	s14 =	sadd.s32 $0x0, s14;
	(v2sf) =	vpush v45, $0xF;
	v4 =	vadd.f32 v5, v4;
	v5 =	vld [tilespmem:$0x1FE20]  }
0xdb: {  	v55 =	vld [tilespmem:s14+$0x8D00]  }
0xdc: {  	v7 =	vld [tilespmem:s14+$0x8D10]  }
0xdd: {  	v3 =	vld [tilespmem:s1+$0x8E90];
	v2 =	vmul.f32 v9, v2  }
0xde: {  	v14 =	vld [tilespmem:$0x1FE50]  }
0xdf: {  	v1 =	vadd.f32 v2, v1;
	v2 =	vld [tilespmem:$0x1FE00];
	v5 =	vmul.f32 v6, v5  }
0xe0: {  	v11 =	vld [tilespmem:$0x1FE10]  }
0xe1: {  	v4 =	vadd.f32 v5, v4;
	v5 =	vld [tilespmem:$0x1FE40];
	_ =	sdelay $0x3  }
0xe2: {  	v8 =	vld [tilespmem:s14+$0x8D20];
	v2 =	vmul.f32 v55, v2;
	v7 =	vmul.f32 v7, v11  }
0xe3: {  	v3 =	vmul.f32 v3, v14;
	v11 =	vld [tilespmem:s1+$0x8EA0];
	v5 =	vmul.f32 v31, v5  }
0xe4: {  	v2 =	vadd.f32 v7, v2;
	v7 =	vld [tilespmem:$0x1FE30]  }
0xe5: {  	v3 =	vadd.f32 v3, v5;
	v5 =	vld [tilespmem:$0x1FE70]  }
0xe6: {  	s2 =	spop (v2sf)  }
0xe7: {  	s15 =	sand.u32 $0x1, s2  }
0xe8: {  	s16 =	sshll.u32 s15, $0x6  }
0xe9: {  	v10 =	vld [tilespmem:s14+$0x8D30];
	s19 =	sadd.s32 $0x0, s16;
	v7 =	vmul.f32 v8, v7  }
0xea: {  	v6 =	vld [tilespmem:s19+$0x8F80];
	v5 =	vmul.f32 v11, v5  }
0xeb: {  	v2 =	vadd.f32 v7, v2;
	v7 =	vld [tilespmem:$0x1FE60]  }
0xec: {  	v3 =	vadd.f32 v5, v3;
	v5 =	vld [tilespmem:$0x1FEA0];
	_ =	sdelay $0x3  }
0xed: {  	v9, _, _ =	vpop (xrf2);
	(xrf2) =	vadd.scan.msk.f32 $0xffff, v0;
	v8 =	vld [tilespmem:s19+$0x8F90]  }
0xee: {  	v0, _, _ =	vpop (xrf2);
	v7 =	vmul.f32 v10, v7;
	v5 =	vmul.f32 v6, v5;
	v6 =	vld [tilespmem:$0x1FEB0]  }
0xef: {  	v17 =	vld [tilespmem:$0x1FE90];
	v12, _, _ =	vpop (xrf2)  }
0xf0: {  	v13, _, _ =	vpop (xrf2);
	v2 =	vadd.f32 v7, v2;
	v7 =	vld [tilespmem:$0x1FE80]  }
0xf1: {  	(xrf2) =	vadd.scan.msk.f32 $0xffff, v1;
	v1, _, _ =	vpop (xrf2)  }
0xf2: {  	v15, _, _ =	vpop (xrf2)  }
0xf3: {  	v16, _, _ =	vpop (xrf2);
	v6 =	vmul.f32 v8, v6  }
0xf4: {  	(xrf2) =	vadd.scan.msk.f32 $0xffff, v4;
	v4, _, _ =	vpop (xrf2)  }
0xf5: {  	v18, _, _ =	vpop (xrf2);
	v7 =	vmul.f32 v17, v7  }
0xf6: {  	v14 =	vld [tilespmem:s0+$0xFA0];
	v8, _, _ =	vpop (xrf2)  }
0xf7: {  	v10 =	vld [tilespmem:s19+$0x8FA0];
	(xrf2) =	vadd.scan.msk.f32 $0xffff, v2;
	v2 =	vadd.f32 v7, v3;
	v3 =	vadd.f32 v6, v5;
	v6, _, _ =	vpop (xrf2)  }
0xf8: {  	v11 =	vld [tilespmem:s0+$0xFB0];
	v6 =	vbroadcast v6, $0xF  }
0xf9: {  	v17 =	vld [tilespmem:s19+$0x8FB0]  }
0xfa: {  	v7 =	vbroadcast v8, $0xF;
	_ =	sdelay $0x1  }
0xfb: {  	v5 =	vmul.f32 v10, v14;
	(xrf2) =	vadd.scan.msk.f32 $0xffff, v2;
	v2 =	vsel vm0, v7, v6;
	v6, _, _ =	vpop (xrf2)  }
0xfc: {  	v8 =	vbroadcast v18, $0xF;
	v6 =	vbroadcast v6, $0xF  }
0xfd: {  	v4 =	vbroadcast v4, $0xF;
	v3 =	vadd.f32 v5, v3;
	v5 =	vmul.f32 v17, v11  }
0xfe: {  	v2 =	vsel vm1, v2, v8  }
0xff: {  	v3 =	vadd.f32 v5, v3;
	v2 =	vsel vm2, v2, v4;
	v4 =	vbroadcast v16, $0xF  }
0x100: {  	v5 =	vbroadcast v15, $0xF;
	v2 =	vsel vm3, v2, v6;
	v6, _, _ =	vpop (xrf2)  }
0x101: {  	(xrf2) =	vadd.scan.msk.f32 $0xffff, v3;
	v2 =	vsel vm4, v2, v4;
	v3 =	vbroadcast v6, $0xF  }
0x102: {  	v1 =	vbroadcast v1, $0xF;
	v2 =	vsel vm5, v2, v5  }
0x103: {  	v4, _, _ =	vpop (xrf2);
	v2 =	vsel vm6, v2, v3;
	v3 =	vbroadcast v13, $0xF  }
0x104: {  	v1 =	vsel vm7, v2, v1;
	v2 =	vbroadcast v4, $0xF  }
0x105: {  	v1 =	vsel vm8, v1, v3;
	v3 =	vbroadcast v12, $0xF  }
0x106: {  	v0 =	vbroadcast v0, $0xF;
	v1 =	vsel vm9, v1, v2  }
0x107: {  	v1 =	vsel vm10, v1, v3  }
0x108: {  	v2, _, _ =	vpop (xrf2);
	v0 =	vsel vm11, v1, v0;
	v1 =	vbroadcast v9, $0xF  }
0x109: {  	v2 =	vbroadcast v2, $0xF;
	_ =	sdelay $0x1  }
0x10a: {  	v0 =	vsel vm12, v0, v2  }
0x10b: {  	v0 =	vsel vm13, v0, v1;
	v1, _, _ =	vpop (xrf2)  }
0x10c: {  	s28 =	simm.s32 $0x10800;
	v0 =	vsel vm14, v0, v1  }
0x10d: {  	s30 =	simm.s32 $0x10;
	[tilespmem:s28+$0x0] =	vst v0  }
0x10e: {  	v2 =	vld [tilespmem:s30+$0x0];
	_ =	sdelay $0x4  }
0x10f: {  	(v2sf) =	vpush v2, $0xE  }
0x110: {  	(v2sf) =	vpush v2, $0xD;
	_ =	sdelay $0x4  }
0x111: {  	(v2sf) =	vpush v2, $0xF;
	_ =	sdelay $0x8  }
0x112: {  	(v2sf) =	vpush v2, $0xC;
	s23 =	spop (v2sf)  }
0x113: {  	(v2sf) =	vpush v2, $0xB;
	s24 =	spop (v2sf)  }
0x114: {  	s1 =	sand.u32 $0x1, s24  }
0x115: {  	s1 =	sshll.u32 s1, $0x6  }
0x116: {  	s1 =	sadd.s32 $0x800, s1  }
0x117: {  	v0 =	vld [tilespmem:s1+$0xEB0]  }
0x118: {  	s25 =	spop (v2sf)  }
0x119: {  	s14 =	sand.u32 $0x1, s25  }
0x11a: {  	s14 =	sshll.u32 s14, $0x6  }
0x11b: {  	s29 =	sadd.s32 $0x800, s14  }
0x11c: {  	[tilespmem:$0x1FEC0] =	vst v0;
	v0 =	vld [tilespmem:s29+$0xF80]  }
0x11d: {  	(v2sf) =	vpush v2, $0xA;
	_ =	sdelay $0x3  }
0x11e: {  	s2 =	spop (v2sf);
	[tilespmem:$0x1FED0] =	vst v0;
	v0 =	vld [tilespmem:s29+$0xF90]  }
0x11f: {  	s15 =	sand.u32 $0x1, s2;
	s19 =	spop (v2sf)  }
0x120: {  	s16 =	sshll.u32 s15, $0x6;
	s15 =	sand.u32 $0x1, s19  }
0x121: {  	(v2sf) =	vpush v2, $0x9;
	s15 =	sshll.u32 s15, $0x6  }
0x122: {  	(v2sf) =	vpush v2, $0x8;
	s15 =	sadd.s32 $0x800, s15  }
0x123: {  	[tilespmem:$0x1FEE0] =	vst v0;
	v0 =	vld [tilespmem:s15+$0xDB0];
	_ =	sdelay $0x4  }
0x124: {  	[tilespmem:$0x1FEF0] =	vst v0;
	v0 =	vld [tilespmem:s1+$0xEA0]  }
0x125: {  	s0 =	sand.u32 $0x1, s23;
	s23 =	spop (v2sf)  }
0x126: {  	s14 =	sadd.s32 $0x800, s16;
	s16 =	sand.u32 $0x1, s23  }
0x127: {  	s31 =	simm.s32 $0x210;
	v1 =	vld [tilespmem:s1+$0xE80];
	s16 =	sshll.u32 s16, $0x6  }
0x128: {  	v41 =	vld [tilespmem:s31+$0x0];
	s0 =	sshll.u32 s0, $0x6;
	(v2sf) =	vpush v2, $0x7;
	s16 =	sadd.s32 $0x800, s16  }
0x129: {  	s0 =	sadd.s32 $0x800, s0;
	[tilespmem:$0x1FF00] =	vst v0;
	v0 =	vld [tilespmem:s16+$0xD30]  }
0x12a: {  	v24 =	vld [tilespmem:s0+$0xF30];
	(v2sf) =	vpush v2, $0x6  }
0x12b: {  	v37 =	vld [tilespmem:s0+$0xF20]  }
0x12c: {  	s24 =	spop (v2sf);
	[tilespmem:$0x1FF20] =	vst v1;
	v1 =	vld [tilespmem:s1+$0xE90]  }
0x12d: {  	v19 =	vld [tilespmem:s0+$0xF10];
	s25 =	spop (v2sf)  }
0x12e: {  	[tilespmem:$0x1FF10] =	vst v0;
	v0 =	vld [tilespmem:s0+$0xF00];
	s0 =	sand.u32 $0x1, s25  }
0x12f: {  	(v2sf) =	vpush v2, $0x5;
	v21 =	vld [tilespmem:s14+$0xE30];
	s0 =	sshll.u32 s0, $0x6  }
0x130: {  	v33 =	vld [tilespmem:s14+$0xE20];
	s0 =	sadd.s32 $0x800, s0  }
0x131: {  	[tilespmem:$0x1FF30] =	vst v1;
	v1 =	vld [tilespmem:s0+$0xC30]  }
0x132: {  	v51 =	vld [tilespmem:s14+$0xE00]  }
0x133: {  	v53 =	vld [tilespmem:s14+$0xE10]  }
0x134: {  	v31 =	vld [tilespmem:s15+$0xDA0]  }
0x135: {  	s19 =	sand.u32 $0x1, s24;
	v47 =	vld [tilespmem:s15+$0xD80]  }
0x136: {  	s19 =	sshll.u32 s19, $0x6;
	[tilespmem:$0x1FF40] =	vst v1;
	v1 =	vld [tilespmem:s16+$0xD20]  }
0x137: {  	v48 =	vld [tilespmem:s15+$0xD90];
	s19 =	sadd.s32 $0x800, s19;
	(v2sf) =	vpush v2, $0x4;
	s2 =	spop (v2sf)  }
0x138: {  	v20 =	vld [tilespmem:s19+$0xCB0];
	(v2sf) =	vpush v2, $0x3;
	s1 =	sand.u32 $0x1, s2  }
0x139: {  	v38 =	vld [tilespmem:s19+$0xCA0];
	s23 =	spop (v2sf);
	s1 =	sshll.u32 s1, $0x6  }
0x13a: {  	v56 =	vld [tilespmem:s19+$0xC80];
	s14 =	sand.u32 $0x1, s23;
	s1 =	sadd.s32 $0x800, s1  }
0x13b: {  	s14 =	sshll.u32 s14, $0x6;
	[tilespmem:$0x1FF50] =	vst v1;
	v1 =	vld [tilespmem:s1+$0xBB0]  }
0x13c: {  	v57 =	vld [tilespmem:s19+$0xC90];
	s14 =	sadd.s32 $0x800, s14  }
0x13d: {  	(v2sf) =	vpush v2, $0x2;
	v22 =	vld [tilespmem:s14+$0xB30]  }
0x13e: {  	s24 =	spop (v2sf);
	v40 =	vld [tilespmem:s14+$0xB20]  }
0x13f: {  	s15 =	sand.u32 $0x1, s24;
	v58 =	vld [tilespmem:s14+$0xB00]  }
0x140: {  	s15 =	sshll.u32 s15, $0x6;
	[tilespmem:$0x1FF60] =	vst v1;
	v1 =	vld [tilespmem:s16+$0xD00]  }
0x141: {  	s15 =	sadd.s32 $0x800, s15;
	v63 =	vld [tilespmem:s14+$0xB10]  }
0x142: {  	v23 =	vld [tilespmem:s15+$0xAB0]  }
0x143: {  	(v2sf) =	vpush v2, $0x0;
	v36 =	vld [tilespmem:s15+$0xAA0]  }
0x144: {  	(v2sf) =	vpush v2, $0x1;
	v59 =	vld [tilespmem:s15+$0xA80]  }
0x145: {  	[tilespmem:$0x1FF70] =	vst v1;
	v1 =	vld [tilespmem:s16+$0xD10]  }
0x146: {  	v61 =	vld [tilespmem:s15+$0xA90];
	s25 =	spop (v2sf)  }
0x147: {  	s2 =	spop (v2sf);
	v35 =	vld [tilespmem:s0+$0xC20]  }
0x148: {  	(v2sf) =	vpush v41, $0xE;
	s19 =	sand.u32 $0x1, s2;
	v52 =	vld [tilespmem:s0+$0xC00]  }
0x149: {  	s19 =	sshll.u32 s19, $0x6;
	v54 =	vld [tilespmem:s0+$0xC10]  }
0x14a: {  	s19 =	sadd.s32 $0x800, s19;
	[tilespmem:$0x1FF80] =	vst v1;
	v1 =	vld [tilespmem:s1+$0xBA0]  }
0x14b: {  	v26 =	vld [tilespmem:s19+$0x9B0]  }
0x14c: {  	s23 =	spop (v2sf);
	v43 =	vld [tilespmem:s19+$0x9A0];
	s16 =	sand.u32 $0x1, s25  }
0x14d: {  	s0 =	sand.u32 $0x1, s23;
	v60 =	vld [tilespmem:s19+$0x980];
	s16 =	sshll.u32 s16, $0x6  }
0x14e: {  	s0 =	sshll.u32 s0, $0x6;
	v62 =	vld [tilespmem:s19+$0x990];
	s16 =	sadd.s32 $0x800, s16  }
0x14f: {  	s0 =	sadd.s32 $0x800, s0;
	[tilespmem:$0x1FF90] =	vst v1;
	v1 =	vld [tilespmem:s16+$0xA30]  }
0x150: {  	(v2sf) =	vpush v41, $0xD;
	v25 =	vld [tilespmem:s0+$0x930]  }
0x151: {  	v39 =	vld [tilespmem:s0+$0x920]  }
0x152: {  	(v2sf) =	vpush v41, $0xC;
	s24 =	spop (v2sf);
	v49 =	vld [tilespmem:s0+$0x900]  }
0x153: {  	v50 =	vld [tilespmem:s0+$0x910];
	s25 =	spop (v2sf)  }
0x154: {  	(v2sf) =	vpush v41, $0xB;
	s23 =	sand.u32 $0x1, s25;
	[tilespmem:$0x1FFA0] =	vst v1;
	v1 =	vld [tilespmem:s1+$0xB80]  }
0x155: {  	s23 =	sshll.u32 s23, $0x6;
	v28 =	vld [tilespmem:s16+$0xA00]  }
0x156: {  	s2 =	sadd.s32 $0x800, s23;
	v29 =	vld [tilespmem:s16+$0xA10]  }
0x157: {  	s15 =	spop (v2sf);
	v30 =	vld [tilespmem:s2+$0x8A0]  }
0x158: {  	s0 =	sand.u32 $0x1, s15;
	v42 =	vld [tilespmem:s2+$0x880]  }
0x159: {  	s0 =	sshll.u32 s0, $0x6;
	[tilespmem:$0x1FFB0] =	vst v1;
	v1 =	vld [tilespmem:s1+$0xB90];
	s1 =	sand.u32 $0x1, s24  }
0x15a: {  	v45 =	vld [tilespmem:s2+$0x890];
	s0 =	sadd.s32 $0x800, s0;
	s1 =	sshll.u32 s1, $0x6  }
0x15b: {  	(v2sf) =	vpush v41, $0x9;
	v8 =	vld [tilespmem:s0+$0x8F30];
	s1 =	sadd.s32 $0x800, s1  }
0x15c: {  	v27 =	vld [tilespmem:s1+$0x830]  }
0x15d: {  	v34 =	vld [tilespmem:s1+$0x820]  }
0x15e: {  	(v2sf) =	vpush v41, $0x8;
	v44 =	vld [tilespmem:s1+$0x800]  }
0x15f: {  	[tilespmem:$0x1FFC0] =	vst v1;
	v1 =	vld [tilespmem:s16+$0xA20];
	s16 =	spop (v2sf)  }
0x160: {  	v46 =	vld [tilespmem:s1+$0x810];
	(v2sf) =	vpush v41, $0x6;
	s1 =	sand.u32 $0x1, s16  }
0x161: {  	v13 =	vld [tilespmem:s0+$0x8F20];
	s19 =	spop (v2sf);
	(v2sf) =	vpush v41, $0xA;
	s1 =	sshll.u32 s1, $0x6  }
0x162: {  	v18 =	vld [tilespmem:s0+$0x8F00];
	s23 =	sand.u32 $0x1, s19;
	s14 =	sadd.s32 $0x800, s1  }
0x163: {  	s24 =	spop (v2sf);
	(v2sf) =	vpush v41, $0x5;
	s15 =	sshll.u32 s23, $0x6;
	v32 =	vld [tilespmem:s14+$0x8E80]  }
0x164: {  	s15 =	sadd.s32 $0x800, s15;
	[tilespmem:$0x1FFD0] =	vst v1;
	v1 =	vld [tilespmem:s2+$0x8B0]  }
0x165: {  	v7 =	vld [tilespmem:s15+$0x8E30]  }
0x166: {  	s1 =	sand.u32 $0x1, s24;
	v12 =	vld [tilespmem:s15+$0x8E20]  }
0x167: {  	s1 =	sshll.u32 s1, $0x6;
	v16 =	vld [tilespmem:s15+$0x8E00]  }
0x168: {  	s1 =	sadd.s32 $0x800, s1;
	v17 =	vld [tilespmem:s15+$0x8E10]  }
0x169: {  	v5 =	vld [tilespmem:s1+$0x8DB0]  }
0x16a: {  	s25 =	spop (v2sf);
	[tilespmem:$0x1FFE0] =	vst v1;
	v1 =	vld [tilespmem:s14+$0x8EB0]  }
0x16b: {  	s16 =	sand.u32 $0x1, s25;
	v9 =	vld [tilespmem:s1+$0x8DA0]  }
0x16c: {  	s16 =	sshll.u32 s16, $0x6;
	v14 =	vld [tilespmem:s1+$0x8D80]  }
0x16d: {  	s2 =	spop (v2sf);
	s24 =	sadd.s32 $0x800, s16;
	v15 =	vld [tilespmem:s1+$0x8D90]  }
0x16e: {  	s19 =	sand.u32 $0x1, s2;
	v6 =	vld [tilespmem:s24+$0x8CB0]  }
0x16f: {  	[tilespmem:$0x1FFF0] =	vst v1;
	v1 =	vld [tilespmem:s0+$0x8F10];
	s0 =	sshll.u32 s19, $0x6;
	s23 =	spop (v2sf)  }
0x170: {  	v10 =	vld [tilespmem:s24+$0x8CA0];
	s16 =	sadd.s32 $0x800, s0;
	s0 =	sand.u32 $0x1, s23;
	s25 =	spop (v2sf)  }
0x171: {  	v3 =	vld [tilespmem:s16+$0x8C30];
	s0 =	sshll.u32 s0, $0x6;
	s2 =	sand.u32 $0x1, s25  }
0x172: {  	s19 =	spop (v2sf);
	v11 =	vld [tilespmem:s16+$0x8C20];
	s23 =	sadd.s32 $0x800, s0;
	s0 =	sshll.u32 s2, $0x6  }
0x173: {  	(v2sf) =	vpush v41, $0x3;
	s25 =	sand.u32 $0x1, s19;
	v4 =	vld [tilespmem:s23+$0x8B30];
	s15 =	sadd.s32 $0x800, s0  }
0x174: {  	(v2sf) =	vpush v41, $0x7;
	s1 =	sshll.u32 s25, $0x6;
	v55 =	vld [tilespmem:s15+$0x8D00]  }
0x175: {  	v0 =	vmul.f32 v18, v0;
	(v2sf) =	vpush v41, $0x2;
	s19 =	sadd.s32 $0x800, s1;
	v18 =	vmul.f32 v1, v19;
	v1 =	vld [tilespmem:s24+$0x8C80]  }
0x176: {  	s0 =	simm.s32 $0x800;
	(v2sf) =	vpush v41, $0x0;
	s1 =	simm.s32 $0x4000;
	v2 =	vld [tilespmem:s19+$0x8AB0]  }
.LBB2_4:
0x177: {  	_ =	sdelay $0x6  }
0x178: {  	v19 =	vld [tilespmem:s24+$0x8C90];
	v13 =	vmul.f32 v13, v37;
	v14 =	vmul.f32 v14, v47;
	v0 =	vadd.f32 v18, v0  }
0x179: {  	v15 =	vmul.f32 v15, v48;
	v17 =	vmul.f32 v17, v53;
	v53 =	vld [tilespmem:s16+$0x8C00]  }
0x17a: {  	v0 =	vadd.f32 v13, v0;
	v13 =	vld [tilespmem:s16+$0x8C10]  }
0x17b: {  	v8 =	vmul.f32 v8, v24;
	v9 =	vmul.f32 v9, v31;
	v14 =	vadd.f32 v15, v14  }
0x17c: {  	v16 =	vmul.f32 v16, v51;
	v1 =	vmul.f32 v1, v56;
	s2 =	spop (v2sf)  }
0x17d: {  	v9 =	vadd.f32 v9, v14;
	v14 =	vld [tilespmem:$0x1FEF0];
	v15 =	vmul.f32 v19, v57;
	s25 =	spop (v2sf);
	(v2sf) =	vpush v41, $0x1  }
0x17e: {  	v12 =	vmul.f32 v12, v33;
	v16 =	vadd.f32 v17, v16;
	v0 =	vadd.f32 v8, v0  }
0x17f: {  	v18 =	vld [tilespmem:s23+$0x8B20];
	v1 =	vadd.f32 v15, v1;
	v15 =	vmul.f32 v53, v52;
	v13 =	vmul.f32 v13, v54  }
0x180: {  	v8 =	vld [tilespmem:s19+$0x8AA0];
	v12 =	vadd.f32 v12, v16;
	v16 =	vmul.f32 v7, v21  }
0x181: {  	v11 =	vmul.f32 v11, v35;
	(xrf2) =	vadd.scan.msk.f32 $0xffff, v0;
	v0 =	vld [tilespmem:s23+$0x8B00];
	v13 =	vadd.f32 v13, v15  }
0x182: {  	v12 =	vadd.f32 v16, v12;
	v16 =	vld [tilespmem:s23+$0x8B10];
	v5 =	vmul.f32 v5, v14  }
0x183: {  	v10 =	vmul.f32 v10, v38;
	s24 =	sand.u32 $0x1, s2;
	v11 =	vadd.f32 v11, v13;
	v13 =	vld [tilespmem:$0x1FF40]  }
0x184: {  	(xrf2) =	vadd.scan.msk.f32 $0xffff, v12;
	v12 =	vld [tilespmem:s19+$0x8A80];
	v5 =	vadd.f32 v5, v9;
	s24 =	sshll.u32 s24, $0x6;
	s25 =	sand.u32 $0x1, s25  }
0x185: {  	v6 =	vmul.f32 v6, v20;
	v1 =	vadd.f32 v10, v1;
	v9 =	vld [tilespmem:s19+$0x8A90];
	s2 =	spop (v2sf);
	s24 =	sadd.s32 s0, s24;
	s25 =	sshll.u32 s25, $0x6  }
0x186: {  	(xrf2) =	vadd.scan.msk.f32 $0xffff, v5;
	s16 =	sadd.s32 s0, s25;
	s25 =	sand.u32 $0x1, s2;
	v5 =	vld [tilespmem:s24+$0x8980]  }
0x187: {  	v1 =	vadd.f32 v6, v1;
	v19 =	vmul.f32 v0, v58;
	v15 =	vmul.f32 v16, v63;
	v6 =	vld [tilespmem:s24+$0x8990];
	s25 =	sshll.u32 s25, $0x6  }
0x188: {  	(v2sf) =	vpush v41, $0x4;
	s25 =	sadd.s32 s0, s25;
	v3 =	vmul.f32 v3, v13;
	v13 =	vld [tilespmem:s24+$0x89A0]  }
0x189: {  	v16 =	vmul.f32 v18, v40;
	v15 =	vadd.f32 v15, v19;
	v14 =	vld [tilespmem:s25+$0x8930]  }
0x18a: {  	v18 =	vld [tilespmem:s25+$0x8900]  }
0x18b: {  	v19 =	vmul.f32 v12, v59;
	s2 =	spop (v2sf);
	v9 =	vmul.f32 v9, v61;
	v12 =	vadd.f32 v16, v15;
	v15 =	vld [tilespmem:s25+$0x8920]  }
0x18c: {  	v4 =	vmul.f32 v4, v22;
	(xrf2) =	vadd.scan.msk.f32 $0xffff, v1;
	s23 =	sand.u32 $0x1, s2;
	v3 =	vadd.f32 v3, v11;
	v11 =	vld [tilespmem:s25+$0x8910];
	s25 =	spop (v2sf)  }
0x18d: {  	v8 =	vmul.f32 v8, v36;
	v17 =	vld [tilespmem:s24+$0x89B0];
	s23 =	sshll.u32 s23, $0x6;
	v9 =	vadd.f32 v9, v19;
	s19 =	sand.u32 $0x1, s25  }
0x18e: {  	s23 =	sadd.s32 s0, s23;
	v4 =	vadd.f32 v4, v12;
	v5 =	vmul.f32 v5, v60;
	v6 =	vmul.f32 v6, v62;
	s19 =	sshll.u32 s19, $0x6  }
0x18f: {  	v16 =	vmul.f32 v2, v23;
	v0, _, _ =	vpop (xrf2);
	v8 =	vadd.f32 v8, v9;
	(xrf2) =	vadd.scan.msk.f32 $0xffff, v3;
	v3 =	vld [tilespmem:s23+$0x8800];
	s19 =	sadd.s32 s0, s19  }
0x190: {  	v1, _, _ =	vpop (xrf2);
	v5 =	vadd.f32 v6, v5;
	v6 =	vmul.f32 v13, v43;
	(xrf2) =	vadd.scan.msk.f32 $0xffff, v4;
	v4 =	vld [tilespmem:s19+$0x8880]  }
0x191: {  	v8 =	vadd.f32 v16, v8;
	v16 =	vld [tilespmem:s19+$0x8890]  }
0x192: {  	v12 =	vld [tilespmem:s23+$0x8810];
	v5 =	vadd.f32 v6, v5;
	v6 =	vmul.f32 v17, v26  }
0x193: {  	v17 =	vld [tilespmem:s19+$0x88A0]  }
0x194: {  	v9 =	vld [tilespmem:s23+$0x8820];
	v13 =	vmul.f32 v18, v49;
	v5 =	vadd.f32 v6, v5  }
0x195: {  	v2, _, _ =	vpop (xrf2);
	v11 =	vmul.f32 v11, v50;
	(xrf2) =	vadd.scan.msk.f32 $0xffff, v8;
	v8 =	vmul.f32 v3, v44  }
0x196: {  	v3, _, _ =	vpop (xrf2);
	(xrf2) =	vadd.scan.msk.f32 $0xffff, v5;
	v4 =	vmul.f32 v4, v42;
	v5 =	vmul.f32 v16, v45  }
0x197: {  	v10 =	vld [tilespmem:s23+$0x8830];
	v12 =	vmul.f32 v12, v46;
	v11 =	vadd.f32 v11, v13;
	s2 =	spop (v2sf)  }
0x198: {  	v13 =	vmul.f32 v15, v39;
	s24 =	sand.u32 $0x1, s2;
	v4 =	vadd.f32 v5, v4;
	v5 =	vmul.f32 v17, v30  }
0x199: {  	v9 =	vmul.f32 v9, v34;
	v8 =	vadd.f32 v12, v8;
	s23 =	sshll.u32 s24, $0x6;
	v12 =	vld [tilespmem:s19+$0x88B0]  }
0x19a: {  	v6 =	vadd.f32 v13, v11;
	v11 =	vmul.f32 v14, v25;
	s23 =	sadd.s32 s0, s23;
	v4 =	vadd.f32 v5, v4;
	v5 =	vld [tilespmem:$0x1FFE0]  }
0x19b: {  	v15 =	vld [tilespmem:s23+$0x8A00]  }
0x19c: {  	v6 =	vadd.f32 v11, v6;
	v8 =	vadd.f32 v9, v8;
	v9 =	vmul.f32 v10, v27;
	v13 =	vld [tilespmem:s23+$0x8A10];
	_ =	sdelay $0x1  }
0x19d: {  	v7 =	vld [tilespmem:s16+$0x8B80];
	v14, _, _ =	vpop (xrf2);
	(xrf2) =	vadd.scan.msk.f32 $0xffff, v6;
	v6 =	vadd.f32 v9, v8  }
0x19e: {  	v10 =	vld [tilespmem:s16+$0x8B90];
	v5 =	vmul.f32 v12, v5  }
0x19f: {  	v8 =	vmul.f32 v15, v28;
	v15, _, _ =	vpop (xrf2);
	(xrf2) =	vadd.scan.msk.f32 $0xffff, v6;
	v6 =	vld [tilespmem:$0x1FFC0]  }
0x1a0: {  	v9 =	vmul.f32 v13, v29;
	v4 =	vadd.f32 v5, v4;
	v5 =	vld [tilespmem:$0x1FFB0]  }
0x1a1: {  	v11 =	vld [tilespmem:s23+$0x8A20]  }
0x1a2: {  	v8 =	vadd.f32 v9, v8;
	v9 =	vld [tilespmem:$0x1FFD0];
	_ =	sdelay $0x2  }
0x1a3: {  	v6 =	vmul.f32 v10, v6;
	v5 =	vmul.f32 v7, v5  }
0x1a4: {  	v13 =	vld [tilespmem:s16+$0x8BA0]  }
0x1a5: {  	v9 =	vmul.f32 v11, v9;
	v5 =	vadd.f32 v6, v5;
	v6 =	vld [tilespmem:$0x1FF90]  }
0x1a6: {  	v16 =	vld [tilespmem:s23+$0x8A30]  }
0x1a7: {  	v8 =	vadd.f32 v9, v8;
	v9 =	vld [tilespmem:$0x1FFA0];
	_ =	sdelay $0x2  }
0x1a8: {  	v6 =	vmul.f32 v13, v6  }
0x1a9: {  	v11 =	vld [tilespmem:s16+$0x8BB0]  }
0x1aa: {  	v9 =	vmul.f32 v16, v9;
	v5 =	vadd.f32 v6, v5;
	v6 =	vld [tilespmem:$0x1FF60]  }
0x1ab: {  	v12 =	vld [tilespmem:s15+$0x8D10]  }
0x1ac: {  	(v2sf) =	vpush v41, $0xF;
	v10, _, _ =	vpop (xrf2);
	(xrf2) =	vadd.scan.msk.f32 $0xffff, v4;
	v4 =	vadd.f32 v9, v8;
	v8 =	vld [tilespmem:$0x1FF70]  }
0x1ad: {  	v9 =	vld [tilespmem:$0x1FF80];
	_ =	sdelay $0x1  }
0x1ae: {  	v6 =	vmul.f32 v11, v6  }
0x1af: {  	v16 =	vld [tilespmem:s14+$0x8E90]  }
0x1b0: {  	v17, _, _ =	vpop (xrf2);
	(xrf2) =	vadd.scan.msk.f32 $0xffff, v4;
	v4 =	vadd.f32 v6, v5;
	v5 =	vld [tilespmem:$0x1FF20]  }
0x1b1: {  	v8 =	vmul.f32 v55, v8;
	v9 =	vmul.f32 v12, v9;
	v6 =	vld [tilespmem:$0x1FF30]  }
0x1b2: {  	v7 =	vld [tilespmem:s15+$0x8D20]  }
0x1b3: {  	v8 =	vadd.f32 v9, v8;
	v9 =	vld [tilespmem:$0x1FF50];
	_ =	sdelay $0x2  }
0x1b4: {  	v5 =	vmul.f32 v32, v5;
	v6 =	vmul.f32 v16, v6  }
0x1b5: {  	v12 =	vld [tilespmem:s14+$0x8EA0]  }
0x1b6: {  	v7 =	vmul.f32 v7, v9;
	v5 =	vadd.f32 v6, v5;
	v6 =	vld [tilespmem:$0x1FF00]  }
0x1b7: {  	v13 =	vld [tilespmem:s15+$0x8D30]  }
0x1b8: {  	s25 =	spop (v2sf);
	v7 =	vadd.f32 v7, v8;
	v8 =	vld [tilespmem:$0x1FF10]  }
0x1b9: {  	s16 =	sand.u32 $0x1, s25  }
0x1ba: {  	s2 =	sshll.u32 s16, $0x6  }
0x1bb: {  	s14 =	sadd.s32 s0, s2;
	v6 =	vmul.f32 v12, v6  }
0x1bc: {  	v11 =	vld [tilespmem:s14+$0x8F80]  }
0x1bd: {  	v8 =	vmul.f32 v13, v8;
	v5 =	vadd.f32 v6, v5;
	v6 =	vld [tilespmem:$0x1FED0];
	_ =	sdelay $0x1  }
0x1be: {  	v18, _, _ =	vpop (xrf2);
	(xrf2) =	vadd.scan.msk.f32 $0xffff, v4;
	v4 =	vadd.f32 v8, v7;
	v7 =	vld [tilespmem:$0x1FEC0]  }
0x1bf: {  	v8 =	vld [tilespmem:$0x1FFF0]  }
0x1c0: {  	v9 =	vld [tilespmem:s14+$0x8F90]  }
0x1c1: {  	v6 =	vmul.f32 v11, v6;
	v11 =	vld [tilespmem:$0x1FEE0]  }
0x1c2: {  	v13 =	vld [tilespmem:s14+$0x8FA0]  }
0x1c3: {  	v16 =	vld [tilespmem:s29+$0xFA0]  }
0x1c4: {  	v20 =	vmul.f32 v8, v7;
	v8 =	vld [tilespmem:s14+$0x8FB0]  }
0x1c5: {  	v12 =	vld [tilespmem:s29+$0xFB0]  }
0x1c6: {  	v9 =	vmul.f32 v9, v11  }
0x1c7: {  	v19, _, _ =	vpop (xrf2);
	(xrf2) =	vadd.scan.msk.f32 $0xffff, v4  }
0x1c8: {  	v7, _, _ =	vpop (xrf2);
	v4 =	vadd.f32 v20, v5;
	v5 =	vadd.f32 v9, v6;
	v6 =	vmul.f32 v13, v16  }
0x1c9: {  	v7 =	vbroadcast v7, $0xF;
	v9 =	vbroadcast v19, $0xF  }
0x1ca: {  	(xrf2) =	vadd.scan.msk.f32 $0xffff, v4;
	v11 =	vbroadcast v18, $0xF;
	v5 =	vadd.f32 v6, v5;
	v6 =	vmul.f32 v8, v12  }
0x1cb: {  	v4 =	vsel vm0, v9, v7;
	v7 =	vbroadcast v17, $0xF;
	v8, _, _ =	vpop (xrf2)  }
0x1cc: {  	v4 =	vsel vm1, v4, v11;
	v9 =	vbroadcast v8, $0xF;
	v5 =	vadd.f32 v6, v5  }
0x1cd: {  	v4 =	vsel vm2, v4, v7;
	v6 =	vbroadcast v10, $0xF  }
0x1ce: {  	v8, _, _ =	vpop (xrf2);
	v7 =	vbroadcast v15, $0xF;
	v4 =	vsel vm3, v4, v9;
	(xrf2) =	vadd.scan.msk.f32 $0xffff, v5  }
0x1cf: {  	v8 =	vbroadcast v8, $0xF;
	v4 =	vsel vm4, v4, v6  }
0x1d0: {  	v6 =	vbroadcast v14, $0xF;
	v4 =	vsel vm5, v4, v7  }
0x1d1: {  	v3 =	vbroadcast v3, $0xF;
	v4 =	vsel vm6, v4, v8;
	v5, _, _ =	vpop (xrf2)  }
0x1d2: {  	v6 =	vsel vm7, v4, v6;
	v5 =	vbroadcast v5, $0xF  }
0x1d3: {  	v2 =	vbroadcast v2, $0xF;
	v3 =	vsel vm8, v6, v3  }
0x1d4: {  	v1 =	vbroadcast v1, $0xF;
	v3 =	vsel vm9, v3, v5;
	v4, _, _ =	vpop (xrf2)  }
0x1d5: {  	v2 =	vsel vm10, v3, v2;
	v3 =	vbroadcast v4, $0xF  }
0x1d6: {  	v0 =	vbroadcast v0, $0xF;
	v4 =	vsel vm11, v2, v1  }
0x1d7: {  	v2 =	vsel vm12, v4, v3  }
0x1d8: {  	v0 =	vsel vm13, v2, v0;
	v1, _, _ =	vpop (xrf2)  }
0x1d9: {  	s28 =	sadd.s32 $0x10, s28;
	v0 =	vsel vm14, v0, v1  }
0x1da: {  	s30 =	sadd.s32 $0x10, s30;
	[tilespmem:s28+$0x0] =	vst v0  }
0x1db: {  	v2 =	vld [tilespmem:s30+$0x0];
	_ =	sdelay $0x4  }
0x1dc: {  	(v2sf) =	vpush v2, $0xE  }
0x1dd: {  	(v2sf) =	vpush v2, $0xD;
	_ =	sdelay $0x4  }
0x1de: {  	(v2sf) =	vpush v2, $0xF;
	_ =	sdelay $0x8  }
0x1df: {  	(v2sf) =	vpush v2, $0xC;
	s15 =	spop (v2sf)  }
0x1e0: {  	(v2sf) =	vpush v2, $0xB;
	s16 =	spop (v2sf)  }
0x1e1: {  	s14 =	sand.u32 $0x1, s15;
	s15 =	sand.u32 $0x1, s16  }
0x1e2: {  	s0 =	sshra.s32 s1, $0x2;
	s15 =	sshll.u32 s15, $0x6  }
0x1e3: {  	s15 =	sadd.s32 s0, s15  }
0x1e4: {  	v0 =	vld [tilespmem:s15+$0xEB0]  }
0x1e5: {  	s19 =	spop (v2sf)  }
0x1e6: {  	s16 =	sand.u32 $0x1, s19  }
0x1e7: {  	s16 =	sshll.u32 s16, $0x6  }
0x1e8: {  	s29 =	sadd.s32 s0, s16  }
0x1e9: {  	[tilespmem:$0x1FEC0] =	vst v0;
	v0 =	vld [tilespmem:s29+$0xF80]  }
0x1ea: {  	(v2sf) =	vpush v2, $0xA;
	_ =	sdelay $0x3  }
0x1eb: {  	(v2sf) =	vpush v2, $0x9;
	s23 =	spop (v2sf);
	[tilespmem:$0x1FED0] =	vst v0;
	v0 =	vld [tilespmem:s29+$0xF90]  }
0x1ec: {  	s19 =	sand.u32 $0x1, s23;
	s25 =	spop (v2sf)  }
0x1ed: {  	s24 =	sshll.u32 s19, $0x6;
	s19 =	sand.u32 $0x1, s25  }
0x1ee: {  	s2 =	sshll.u32 s19, $0x6  }
0x1ef: {  	(v2sf) =	vpush v2, $0x8;
	s2 =	sadd.s32 s0, s2  }
0x1f0: {  	[tilespmem:$0x1FEE0] =	vst v0;
	v0 =	vld [tilespmem:s2+$0xDB0]  }
0x1f1: {  	s31 =	sadd.s32 $0x10, s31;
	s14 =	sshll.u32 s14, $0x6  }
0x1f2: {  	v41 =	vld [tilespmem:s31+$0x0];
	s14 =	sadd.s32 s0, s14  }
0x1f3: {  	v24 =	vld [tilespmem:s14+$0xF30]  }
0x1f4: {  	v37 =	vld [tilespmem:s14+$0xF20]  }
0x1f5: {  	(v2sf) =	vpush v2, $0x7;
	[tilespmem:$0x1FEF0] =	vst v0;
	v0 =	vld [tilespmem:s15+$0xEA0]  }
0x1f6: {  	v1 =	vld [tilespmem:s14+$0xF10];
	s23 =	spop (v2sf)  }
0x1f7: {  	(v2sf) =	vpush v2, $0x6;
	v3 =	vld [tilespmem:s15+$0xE80];
	s25 =	sadd.s32 s0, s24;
	s19 =	sand.u32 $0x1, s23  }
0x1f8: {  	v21 =	vld [tilespmem:s25+$0xE30];
	s24 =	sshll.u32 s19, $0x6  }
0x1f9: {  	v33 =	vld [tilespmem:s25+$0xE20];
	s23 =	sadd.s32 s0, s24  }
0x1fa: {  	s19 =	spop (v2sf);
	(v2sf) =	vpush v2, $0x5;
	[tilespmem:$0x1FF00] =	vst v0;
	v0 =	vld [tilespmem:s23+$0xD30]  }
0x1fb: {  	v51 =	vld [tilespmem:s25+$0xE00]  }
0x1fc: {  	v53 =	vld [tilespmem:s25+$0xE10]  }
0x1fd: {  	[tilespmem:$0x1FF20] =	vst v3;
	v3 =	vld [tilespmem:s15+$0xE90]  }
0x1fe: {  	v31 =	vld [tilespmem:s2+$0xDA0];
	s24 =	spop (v2sf)  }
0x1ff: {  	[tilespmem:$0x1FF10] =	vst v0;
	v0 =	vld [tilespmem:s14+$0xF00];
	s14 =	sand.u32 $0x1, s24  }
0x200: {  	s16 =	sand.u32 $0x1, s19;
	v47 =	vld [tilespmem:s2+$0xD80];
	s14 =	sshll.u32 s14, $0x6  }
0x201: {  	v48 =	vld [tilespmem:s2+$0xD90];
	s16 =	sshll.u32 s16, $0x6;
	s24 =	sadd.s32 s0, s14  }
0x202: {  	s19 =	sadd.s32 s0, s16;
	[tilespmem:$0x1FF30] =	vst v3;
	v3 =	vld [tilespmem:s24+$0xC30]  }
0x203: {  	v20 =	vld [tilespmem:s19+$0xCB0]  }
0x204: {  	v38 =	vld [tilespmem:s19+$0xCA0];
	(v2sf) =	vpush v2, $0x4;
	s16 =	spop (v2sf)  }
0x205: {  	v56 =	vld [tilespmem:s19+$0xC80];
	s14 =	sand.u32 $0x1, s16  }
0x206: {  	v57 =	vld [tilespmem:s19+$0xC90];
	s25 =	spop (v2sf);
	s14 =	sshll.u32 s14, $0x6  }
0x207: {  	(v2sf) =	vpush v2, $0x3;
	s16 =	sadd.s32 s0, s14;
	s14 =	sand.u32 $0x1, s25;
	[tilespmem:$0x1FF40] =	vst v3;
	v3 =	vld [tilespmem:s23+$0xD20]  }
0x208: {  	(v2sf) =	vpush v2, $0x2;
	v35 =	vld [tilespmem:s24+$0xC20];
	s14 =	sshll.u32 s14, $0x6  }
0x209: {  	v52 =	vld [tilespmem:s24+$0xC00];
	s15 =	sadd.s32 s0, s14;
	s14 =	spop (v2sf);
	(v2sf) =	vpush v2, $0x0  }
0x20a: {  	v54 =	vld [tilespmem:s24+$0xC10];
	(v2sf) =	vpush v2, $0x1  }
0x20b: {  	v22 =	vld [tilespmem:s15+$0xB30]  }
0x20c: {  	[tilespmem:$0x1FF50] =	vst v3;
	v3 =	vld [tilespmem:s16+$0xBB0]  }
0x20d: {  	v2 =	vld [tilespmem:s16+$0xBA0]  }
0x20e: {  	v40 =	vld [tilespmem:s15+$0xB20]  }
0x20f: {  	s2 =	sand.u32 $0x1, s14;
	v58 =	vld [tilespmem:s15+$0xB00]  }
0x210: {  	v63 =	vld [tilespmem:s15+$0xB10];
	s2 =	sshll.u32 s2, $0x6  }
0x211: {  	s14 =	sadd.s32 s0, s2;
	[tilespmem:$0x1FF60] =	vst v3;
	v3 =	vld [tilespmem:s23+$0xD00]  }
0x212: {  	v23 =	vld [tilespmem:s14+$0xAB0]  }
0x213: {  	s25 =	spop (v2sf);
	v36 =	vld [tilespmem:s14+$0xAA0]  }
0x214: {  	s2 =	sand.u32 $0x1, s25;
	v59 =	vld [tilespmem:s14+$0xA80]  }
0x215: {  	s2 =	sshll.u32 s2, $0x6;
	v61 =	vld [tilespmem:s14+$0xA90]  }
0x216: {  	s19 =	spop (v2sf);
	[tilespmem:$0x1FF70] =	vst v3;
	v3 =	vld [tilespmem:s23+$0xD10];
	s23 =	sadd.s32 s0, s2  }
0x217: {  	s25 =	spop (v2sf);
	[tilespmem:$0x1FF90] =	vst v2;
	s2 =	sand.u32 $0x1, s19;
	v2 =	vld [tilespmem:s23+$0xA30]  }
0x218: {  	s24 =	spop (v2sf);
	s19 =	sand.u32 $0x1, s25;
	s2 =	sshll.u32 s2, $0x6;
	v28 =	vld [tilespmem:s23+$0xA00]  }
0x219: {  	s25 =	spop (v2sf);
	(v2sf) =	vpush v41, $0xE;
	s19 =	sshll.u32 s19, $0x6;
	v29 =	vld [tilespmem:s23+$0xA10];
	s2 =	sadd.s32 s0, s2  }
0x21a: {  	s19 =	sadd.s32 s0, s19;
	v26 =	vld [tilespmem:s2+$0x9B0]  }
0x21b: {  	v25 =	vld [tilespmem:s19+$0x930]  }
0x21c: {  	[tilespmem:$0x1FFA0] =	vst v2;
	v2 =	vld [tilespmem:s16+$0xB80]  }
0x21d: {  	(v2sf) =	vpush v41, $0xD;
	v43 =	vld [tilespmem:s2+$0x9A0]  }
0x21e: {  	v39 =	vld [tilespmem:s19+$0x920]  }
0x21f: {  	(v2sf) =	vpush v41, $0xC;
	v60 =	vld [tilespmem:s2+$0x980]  }
0x220: {  	(v2sf) =	vpush v41, $0xB;
	v62 =	vld [tilespmem:s2+$0x990]  }
0x221: {  	[tilespmem:$0x1FFB0] =	vst v2;
	v2 =	vld [tilespmem:s16+$0xB90];
	s16 =	sand.u32 $0x1, s24  }
0x222: {  	v49 =	vld [tilespmem:s19+$0x900];
	s16 =	sshll.u32 s16, $0x6  }
0x223: {  	v50 =	vld [tilespmem:s19+$0x910];
	s24 =	sand.u32 $0x1, s25;
	s16 =	sadd.s32 s0, s16  }
0x224: {  	s24 =	sshll.u32 s24, $0x6;
	v27 =	vld [tilespmem:s16+$0x830]  }
0x225: {  	s25 =	sadd.s32 s0, s24;
	v34 =	vld [tilespmem:s16+$0x820]  }
0x226: {  	v30 =	vld [tilespmem:s25+$0x8A0]  }
0x227: {  	(v2sf) =	vpush v41, $0x9;
	v44 =	vld [tilespmem:s16+$0x800]  }
0x228: {  	v46 =	vld [tilespmem:s16+$0x810];
	s14 =	spop (v2sf)  }
0x229: {  	v42 =	vld [tilespmem:s25+$0x880];
	s2 =	sand.u32 $0x1, s14  }
0x22a: {  	(v2sf) =	vpush v41, $0x8;
	v45 =	vld [tilespmem:s25+$0x890];
	s2 =	sshll.u32 s2, $0x6  }
0x22b: {  	[tilespmem:$0x1FFC0] =	vst v2;
	v2 =	vld [tilespmem:s23+$0xA20];
	s2 =	sadd.s32 s0, s2  }
0x22c: {  	s16 =	spop (v2sf);
	(v2sf) =	vpush v41, $0x6;
	v8 =	vld [tilespmem:s2+$0x8F30]  }
0x22d: {  	s14 =	sand.u32 $0x1, s16;
	v13 =	vld [tilespmem:s2+$0x8F20]  }
0x22e: {  	s19 =	spop (v2sf);
	(v2sf) =	vpush v41, $0xA;
	s14 =	sshll.u32 s14, $0x6;
	v18 =	vld [tilespmem:s2+$0x8F00]  }
0x22f: {  	s23 =	sand.u32 $0x1, s19;
	s24 =	spop (v2sf);
	(v2sf) =	vpush v41, $0x5;
	s14 =	sadd.s32 s0, s14;
	v19 =	vld [tilespmem:s2+$0x8F10]  }
0x230: {  	s15 =	sshll.u32 s23, $0x6;
	v32 =	vld [tilespmem:s14+$0x8E80]  }
0x231: {  	s15 =	sadd.s32 s0, s15;
	[tilespmem:$0x1FFD0] =	vst v2;
	v2 =	vld [tilespmem:s25+$0x8B0]  }
0x232: {  	v7 =	vld [tilespmem:s15+$0x8E30]  }
0x233: {  	s16 =	sand.u32 $0x1, s24;
	v12 =	vld [tilespmem:s15+$0x8E20]  }
0x234: {  	s16 =	sshll.u32 s16, $0x6;
	v16 =	vld [tilespmem:s15+$0x8E00]  }
0x235: {  	s19 =	sadd.s32 s0, s16;
	v17 =	vld [tilespmem:s15+$0x8E10]  }
0x236: {  	s25 =	spop (v2sf);
	v5 =	vld [tilespmem:s19+$0x8DB0]  }
0x237: {  	s16 =	sand.u32 $0x1, s25;
	v9 =	vld [tilespmem:s19+$0x8DA0]  }
0x238: {  	v14 =	vld [tilespmem:s19+$0x8D80];
	s16 =	sshll.u32 s16, $0x6  }
0x239: {  	v15 =	vld [tilespmem:s19+$0x8D90];
	s24 =	sadd.s32 s0, s16;
	s16 =	spop (v2sf)  }
0x23a: {  	s2 =	sand.u32 $0x1, s16;
	v6 =	vld [tilespmem:s24+$0x8CB0]  }
0x23b: {  	v10 =	vld [tilespmem:s24+$0x8CA0];
	s2 =	sshll.u32 s2, $0x6;
	s23 =	spop (v2sf)  }
0x23c: {  	v0 =	vmul.f32 v18, v0;
	v18 =	vmul.f32 v19, v1;
	v1 =	vld [tilespmem:s24+$0x8C80];
	s16 =	sadd.s32 s0, s2;
	s2 =	sand.u32 $0x1, s23  }
0x23d: {  	p0 =	sne.s32 s1, $0x1E000;
	[tilespmem:$0x1FFE0] =	vst v2;
	v2 =	vld [tilespmem:s14+$0x8EB0];
	s25 =	spop (v2sf);
	s2 =	sshll.u32 s2, $0x6  }
.Ltmp1:
0x23e: {  	[tilespmem:$0x1FF80] =	vst v3;
	v3 =	vld [tilespmem:s16+$0x8C30];
	s25 =	sand.u32 $0x1, s25;
	s19 =	spop (v2sf);
	(pc) =	sbr.rel @p0 .LBB2_4-.Ltmp1, $4  }
0x23f: {  	(v2sf) =	vpush v41, $0x3;
	v11 =	vld [tilespmem:s16+$0x8C20];
	s23 =	sadd.s32 s0, s2;
	s15 =	sand.u32 $0x1, s19;
	s2 =	sshll.u32 s25, $0x6  }
0x240: {  	(v2sf) =	vpush v41, $0x7;
	v4 =	vld [tilespmem:s23+$0x8B30];
	s25 =	sshll.u32 s15, $0x6;
	s15 =	sadd.s32 s0, s2  }
0x241: {  	(v2sf) =	vpush v41, $0x2;
	s19 =	sadd.s32 s0, s25;
	v55 =	vld [tilespmem:s15+$0x8D00]  }
0x242: {  	s1 =	sadd.s32 $0x2000, s1;
	[tilespmem:$0x1FFF0] =	vst v2;
	(v2sf) =	vpush v41, $0x0;
	v2 =	vld [tilespmem:s19+$0x8AB0]  }
0x243: {  	v19 =	vld [tilespmem:s24+$0x8C90];
	_ =	sdelay $0x4  }
0x244: {  	[tilespmem:$0x1F9D0] =	vst v19;
	v19 =	vld [tilespmem:s23+$0x8B20];
	_ =	sdelay $0x4  }
0x245: {  	[tilespmem:$0x1FA00] =	vst v19;
	v19 =	vld [tilespmem:s16+$0x8C00];
	_ =	sdelay $0x4  }
0x246: {  	[tilespmem:$0x1F9E0] =	vst v19;
	v19 =	vld [tilespmem:s16+$0x8C10]  }
0x247: {  	s1 =	spop (v2sf)  }
0x248: {  	s1 =	sand.u32 $0x1, s1  }
0x249: {  	s1 =	sshll.u32 s1, $0x6  }
0x24a: {  	v13 =	vmul.f32 v13, v37;
	s24 =	sadd.s32 s0, s1  }
0x24b: {  	v0 =	vadd.f32 v18, v0;
	v16 =	vmul.f32 v16, v51;
	v17 =	vmul.f32 v17, v53;
	[tilespmem:$0x1F9F0] =	vst v19;
	v19 =	vld [tilespmem:s24+$0x89B0]  }
0x24c: {  	v8 =	vmul.f32 v8, v24  }
0x24d: {  	v12 =	vmul.f32 v12, v33;
	v0 =	vadd.f32 v13, v0;
	v16 =	vadd.f32 v17, v16;
	_ =	sdelay $0x1  }
0x24e: {  	v7 =	vmul.f32 v7, v21;
	v0 =	vadd.f32 v8, v0;
	v12 =	vadd.f32 v12, v16;
	v8 =	vld [tilespmem:$0x1F9D0]  }
0x24f: {  	[tilespmem:$0x1FA20] =	vst v19;
	v19 =	vld [tilespmem:s19+$0x8AA0]  }
0x250: {  	v7 =	vadd.f32 v7, v12;
	s2 =	spop (v2sf);
	v12 =	vld [tilespmem:$0x1F9E0]  }
0x251: {  	s2 =	sand.u32 $0x1, s2;
	v16 =	vld [tilespmem:$0x1F9F0]  }
0x252: {  	v18 =	vld [tilespmem:s23+$0x8B00];
	v14 =	vmul.f32 v14, v47;
	v15 =	vmul.f32 v15, v48;
	s1 =	sshll.u32 s2, $0x6  }
0x253: {  	v51 =	vld [tilespmem:s23+$0x8B10];
	v1 =	vmul.f32 v1, v56;
	v8 =	vmul.f32 v8, v57;
	s1 =	sadd.s32 s0, s1  }
0x254: {  	(v2sf) =	vpush v41, $0x1;
	v9 =	vmul.f32 v9, v31;
	v14 =	vadd.f32 v15, v14;
	[tilespmem:$0x1FA10] =	vst v19;
	v19 =	vld [tilespmem:s1+$0x8B80]  }
0x255: {  	v17 =	vld [tilespmem:s19+$0x8A80];
	v1 =	vadd.f32 v8, v1;
	v8 =	vmul.f32 v10, v38  }
0x256: {  	v9 =	vadd.f32 v9, v14;
	v14 =	vld [tilespmem:$0x1FEF0];
	v12 =	vmul.f32 v12, v52;
	v16 =	vmul.f32 v16, v54  }
0x257: {  	v6 =	vmul.f32 v6, v20;
	(v2sf) =	vpush v41, $0x4;
	v10 =	vld [tilespmem:s24+$0x8980]  }
0x258: {  	v11 =	vmul.f32 v11, v35;
	s16 =	spop (v2sf);
	v21 =	vld [tilespmem:s24+$0x8990];
	v1 =	vadd.f32 v8, v1;
	v12 =	vadd.f32 v16, v12  }
0x259: {  	s2 =	sand.u32 $0x1, s16;
	[tilespmem:$0x1FA30] =	vst v19;
	v19 =	vld [tilespmem:s19+$0x8A90]  }
0x25a: {  	s2 =	sshll.u32 s2, $0x6;
	v1 =	vadd.f32 v6, v1;
	v6 =	vadd.f32 v11, v12;
	v12 =	vld [tilespmem:$0x1FA00]  }
0x25b: {  	v5 =	vmul.f32 v5, v14;
	v8 =	vld [tilespmem:s24+$0x89A0];
	s2 =	sadd.s32 s0, s2  }
0x25c: {  	v13 =	vld [tilespmem:s2+$0x8930]  }
0x25d: {  	v5 =	vadd.f32 v5, v9;
	v9 =	vmul.f32 v18, v58;
	s25 =	spop (v2sf);
	v14 =	vld [tilespmem:s2+$0x8900];
	v16 =	vmul.f32 v51, v63  }
0x25e: {  	v17 =	vmul.f32 v17, v59;
	s16 =	sand.u32 $0x1, s25;
	v18 =	vld [tilespmem:s2+$0x8910];
	v19 =	vmul.f32 v19, v61  }
0x25f: {  	s16 =	sshll.u32 s16, $0x6;
	v11 =	vld [tilespmem:$0x1FF40];
	v9 =	vadd.f32 v16, v9;
	v12 =	vmul.f32 v12, v40  }
0x260: {  	s16 =	sadd.s32 s0, s16;
	v17 =	vadd.f32 v19, v17;
	v19 =	vld [tilespmem:$0x1FA10]  }
0x261: {  	v4 =	vmul.f32 v4, v22;
	v15 =	vld [tilespmem:s16+$0x8830];
	v9 =	vadd.f32 v12, v9  }
0x262: {  	v20 =	vld [tilespmem:s16+$0x8820]  }
0x263: {  	s25 =	spop (v2sf);
	v10 =	vmul.f32 v10, v60;
	v4 =	vadd.f32 v4, v9;
	v9 =	vld [tilespmem:$0x1FA20]  }
0x264: {  	v3 =	vmul.f32 v3, v11;
	v11 =	vld [tilespmem:s2+$0x8920];
	s19 =	sand.u32 $0x1, s25;
	v12 =	vmul.f32 v21, v62  }
0x265: {  	v2 =	vmul.f32 v2, v23;
	v16 =	vld [tilespmem:s16+$0x8800];
	s2 =	sshll.u32 s19, $0x6;
	v19 =	vmul.f32 v19, v36  }
0x266: {  	v8 =	vmul.f32 v8, v43;
	v3 =	vadd.f32 v3, v6;
	v6 =	vld [tilespmem:s16+$0x8810];
	s2 =	sadd.s32 s0, s2;
	v10 =	vadd.f32 v12, v10  }
0x267: {  	(xrf2) =	vadd.scan.msk.f32 $0xffff, v0;
	s23 =	spop (v2sf);
	v14 =	vmul.f32 v14, v49;
	v18 =	vmul.f32 v18, v50;
	v21 =	vld [tilespmem:s2+$0x8880];
	v17 =	vadd.f32 v19, v17  }
0x268: {  	(xrf2) =	vadd.scan.msk.f32 $0xffff, v7;
	s24 =	sand.u32 $0x1, s23;
	v12 =	vld [tilespmem:s2+$0x8890];
	v8 =	vadd.f32 v8, v10;
	v9 =	vmul.f32 v9, v26  }
0x269: {  	(xrf2) =	vadd.scan.msk.f32 $0xffff, v5;
	s16 =	sshll.u32 s24, $0x6;
	v11 =	vmul.f32 v11, v39;
	v10 =	vld [tilespmem:s2+$0x88A0];
	v0 =	vadd.f32 v2, v17;
	v2 =	vadd.f32 v18, v14  }
0x26a: {  	(xrf2) =	vadd.scan.msk.f32 $0xffff, v1;
	s16 =	sadd.s32 s0, s16;
	v8 =	vadd.f32 v9, v8;
	v9 =	vld [tilespmem:s2+$0x88B0]  }
0x26b: {  	v1 =	vmul.f32 v13, v25;
	(xrf2) =	vadd.scan.msk.f32 $0xffff, v3;
	v19 =	vld [tilespmem:s16+$0x8A00];
	v2 =	vadd.f32 v11, v2  }
0x26c: {  	(xrf2) =	vadd.scan.msk.f32 $0xffff, v4;
	v14 =	vld [tilespmem:s16+$0x8A10]  }
0x26d: {  	v7 =	vmul.f32 v16, v44;
	v6 =	vmul.f32 v6, v46;
	(xrf2) =	vadd.scan.msk.f32 $0xffff, v0;
	v0 =	vadd.f32 v1, v2;
	v2 =	vld [tilespmem:$0x1FFE0]  }
0x26e: {  	v13 =	vld [tilespmem:s1+$0x8B90];
	v5 =	vmul.f32 v21, v42;
	v11 =	vmul.f32 v12, v45  }
0x26f: {  	v6 =	vadd.f32 v6, v7;
	v7 =	vmul.f32 v20, v34;
	v12 =	vld [tilespmem:s16+$0x8A20]  }
0x270: {  	v3 =	vmul.f32 v15, v27;
	v10 =	vmul.f32 v10, v30;
	v5 =	vadd.f32 v11, v5;
	v11 =	vld [tilespmem:s16+$0x8A30]  }
0x271: {  	v4 =	vadd.f32 v7, v6;
	v6 =	vmul.f32 v19, v28;
	v7 =	vmul.f32 v14, v29;
	v14 =	vld [tilespmem:s1+$0x8BA0]  }
0x272: {  	(v2sf) =	vpush v41, $0xF;
	(xrf2) =	vadd.scan.msk.f32 $0xffff, v8;
	v1 =	vadd.f32 v10, v5;
	v5 =	vld [tilespmem:s15+$0x8D10];
	v2 =	vmul.f32 v9, v2  }
0x273: {  	v3 =	vadd.f32 v3, v4;
	v4 =	vadd.f32 v7, v6;
	v6 =	vld [tilespmem:$0x1FFD0]  }
0x274: {  	(xrf2) =	vadd.scan.msk.f32 $0xffff, v0;
	v0 =	vadd.f32 v2, v1;
	v1 =	vld [tilespmem:$0x1FFB0]  }
0x275: {  	v2 =	vld [tilespmem:$0x1FA30];
	_ =	sdelay $0x4  }
0x276: {  	v1 =	vmul.f32 v2, v1;
	v2 =	vld [tilespmem:$0x1FFC0];
	_ =	sdelay $0x4  }
0x277: {  	v2 =	vmul.f32 v13, v2;
	_ =	sdelay $0x1  }
0x278: {  	v1 =	vadd.f32 v2, v1;
	v2 =	vld [tilespmem:$0x1FF90];
	_ =	sdelay $0x3  }
0x279: {  	v6 =	vmul.f32 v12, v6  }
0x27a: {  	v7 =	vld [tilespmem:s1+$0x8BB0];
	v2 =	vmul.f32 v14, v2  }
0x27b: {  	(xrf2) =	vadd.scan.msk.f32 $0xffff, v3;
	v3 =	vadd.f32 v6, v4;
	v4 =	vld [tilespmem:$0x1FFA0]  }
0x27c: {  	v1 =	vadd.f32 v2, v1;
	v2 =	vld [tilespmem:$0x1FF60];
	_ =	sdelay $0x3  }
0x27d: {  	v6 =	vld [tilespmem:s14+$0x8E90]  }
0x27e: {  	v4 =	vmul.f32 v11, v4;
	v11 =	vld [tilespmem:$0x1FF80];
	v2 =	vmul.f32 v7, v2  }
0x27f: {  	v14 =	vld [tilespmem:$0x1FF30]  }
0x280: {  	v1 =	vadd.f32 v2, v1;
	v2 =	vld [tilespmem:$0x1FF20]  }
0x281: {  	v3 =	vadd.f32 v4, v3;
	v4 =	vld [tilespmem:$0x1FF70];
	_ =	sdelay $0x3  }
0x282: {  	v8 =	vld [tilespmem:s15+$0x8D20];
	v6 =	vmul.f32 v6, v14;
	v2 =	vmul.f32 v32, v2  }
0x283: {  	v5 =	vmul.f32 v5, v11;
	v11 =	vld [tilespmem:s14+$0x8EA0];
	v4 =	vmul.f32 v55, v4  }
0x284: {  	v2 =	vadd.f32 v6, v2;
	v6 =	vld [tilespmem:$0x1FF00]  }
0x285: {  	v4 =	vadd.f32 v5, v4;
	v5 =	vld [tilespmem:$0x1FF50]  }
0x286: {  	s25 =	spop (v2sf)  }
0x287: {  	s1 =	sand.u32 $0x1, s25  }
0x288: {  	s1 =	sshll.u32 s1, $0x6  }
0x289: {  	v10 =	vld [tilespmem:s15+$0x8D30];
	s1 =	sadd.s32 s0, s1;
	v6 =	vmul.f32 v11, v6  }
0x28a: {  	v5 =	vmul.f32 v8, v5;
	v7 =	vld [tilespmem:s1+$0x8F80]  }
0x28b: {  	v2 =	vadd.f32 v6, v2;
	v6 =	vld [tilespmem:$0x1FED0]  }
0x28c: {  	v4 =	vadd.f32 v5, v4;
	v5 =	vld [tilespmem:$0x1FF10]  }
0x28d: {  	v9, _, _ =	vpop (xrf2);
	(xrf2) =	vadd.scan.msk.f32 $0xffff, v0  }
0x28e: {  	v0, _, _ =	vpop (xrf2)  }
0x28f: {  	v12, _, _ =	vpop (xrf2);
	v8 =	vld [tilespmem:s1+$0x8F90]  }
0x290: {  	v13, _, _ =	vpop (xrf2);
	v6 =	vmul.f32 v7, v6;
	v7 =	vld [tilespmem:$0x1FEE0]  }
0x291: {  	(xrf2) =	vadd.scan.msk.f32 $0xffff, v3;
	v3, _, _ =	vpop (xrf2);
	v5 =	vmul.f32 v10, v5  }
0x292: {  	v17 =	vld [tilespmem:$0x1FFF0];
	v15, _, _ =	vpop (xrf2)  }
0x293: {  	v16, _, _ =	vpop (xrf2);
	v4 =	vadd.f32 v5, v4;
	v5 =	vld [tilespmem:$0x1FEC0]  }
0x294: {  	(xrf2) =	vadd.scan.msk.f32 $0xffff, v1;
	v1, _, _ =	vpop (xrf2)  }
0x295: {  	v18, _, _ =	vpop (xrf2);
	v7 =	vmul.f32 v8, v7  }
0x296: {  	v14 =	vld [tilespmem:s29+$0xFA0];
	v8, _, _ =	vpop (xrf2)  }
0x297: {  	v10 =	vld [tilespmem:s1+$0x8FA0];
	(xrf2) =	vadd.scan.msk.f32 $0xffff, v4;
	v4 =	vadd.f32 v7, v6;
	v6, _, _ =	vpop (xrf2)  }
0x298: {  	v5 =	vmul.f32 v17, v5;
	v17 =	vld [tilespmem:s1+$0x8FB0];
	v6 =	vbroadcast v6, $0xF  }
0x299: {  	v11 =	vld [tilespmem:s29+$0xFB0]  }
0x29a: {  	v2 =	vadd.f32 v5, v2;
	v7 =	vbroadcast v8, $0xF;
	_ =	sdelay $0x1  }
0x29b: {  	v5 =	vmul.f32 v10, v14;
	(xrf2) =	vadd.scan.msk.f32 $0xffff, v2;
	v2 =	vsel vm0, v7, v6;
	v6, _, _ =	vpop (xrf2)  }
0x29c: {  	v8 =	vbroadcast v18, $0xF;
	v6 =	vbroadcast v6, $0xF  }
0x29d: {  	v1 =	vbroadcast v1, $0xF;
	v4 =	vadd.f32 v5, v4;
	v5 =	vmul.f32 v17, v11  }
0x29e: {  	v2 =	vsel vm1, v2, v8  }
0x29f: {  	v4 =	vadd.f32 v5, v4;
	v1 =	vsel vm2, v2, v1;
	v2 =	vbroadcast v16, $0xF  }
0x2a0: {  	v5 =	vbroadcast v15, $0xF;
	v1 =	vsel vm3, v1, v6;
	v6, _, _ =	vpop (xrf2)  }
0x2a1: {  	v1 =	vsel vm4, v1, v2;
	v2 =	vbroadcast v6, $0xF  }
0x2a2: {  	v3 =	vbroadcast v3, $0xF;
	(xrf2) =	vadd.scan.msk.f32 $0xffff, v4;
	v1 =	vsel vm5, v1, v5  }
0x2a3: {  	v4, _, _ =	vpop (xrf2);
	v1 =	vsel vm6, v1, v2;
	v2 =	vbroadcast v13, $0xF  }
0x2a4: {  	v1 =	vsel vm7, v1, v3;
	v3 =	vbroadcast v4, $0xF  }
0x2a5: {  	v1 =	vsel vm8, v1, v2;
	v2 =	vbroadcast v12, $0xF  }
0x2a6: {  	v0 =	vbroadcast v0, $0xF;
	v1 =	vsel vm9, v1, v3  }
0x2a7: {  	v1 =	vsel vm10, v1, v2  }
0x2a8: {  	v3, _, _ =	vpop (xrf2);
	v0 =	vsel vm11, v1, v0;
	v1 =	vbroadcast v9, $0xF  }
0x2a9: {  	v2 =	vbroadcast v3, $0xF;
	_ =	sdelay $0x1  }
0x2aa: {  	v0 =	vsel vm12, v0, v2  }
0x2ab: {  	v0 =	vsel vm13, v0, v1;
	v1, _, _ =	vpop (xrf2)  }
0x2ac: {  	s2 =	sadd.s32 $0x10, s28;
	v0 =	vsel vm14, v0, v1  }
0x2ad: {  	s15 =	simm.s32 $0x500;
	s14 =	simm.s32 $0x100;
	[tilespmem:s2+$0x0] =	vst v0  }
0x2ae: {  	[tilespmem:s18], [sflag:$0x2] =	stream.indirect.gather [hbm4b:s3+s14], $0x80, s15, s14, $0xb8;
	[tilespmem:$0x10E00] =	vst v63  }
0x2af: {  	s16 =	simm.s32 $0x700  }
0x2b0: {  	[tilespmem:s20], [sflag:$0x3] =	stream.indirect.gather [hbm4b:s4+s14], $0x80, s16, s14, $0xb8;
	[tilespmem:$0x10E00] =	vst v63  }
0x2b1: {  	_ =	swait.ge [sflag:s21], $0x8000  }
0x2b2: {  	[sflag:s21] =	ssyncset.done $0x0  }
0x2b3: {  	[sflag:s21] =	ssyncadd.s32 $0xFFFF8000  }
0x2b4: {  	_ =	swait.ge [sflag:s22], $0x8000  }
0x2b5: {  	[sflag:s22] =	ssyncset.done $0x0  }
0x2b6: {  	[sflag:s22] =	ssyncadd.s32 $0xFFFF8000  }
0x2b7: {  	v0 =	vld [tilespmem:s14+$0x0];
	_ =	sdelay $0x4  }
0x2b8: {  	(v2sf) =	vpush v0, $0xE;
	_ =	sdelay $0x4  }
0x2b9: {  	(v2sf) =	vpush v0, $0xD;
	_ =	sdelay $0x4  }
0x2ba: {  	(v2sf) =	vpush v0, $0xF;
	_ =	sdelay $0x4  }
0x2bb: {  	s19 =	spop (v2sf)  }
0x2bc: {  	s0 =	sand.u32 $0x1, s19  }
0x2bd: {  	s0 =	sshll.u32 s0, $0x6  }
0x2be: {  	s25 =	sadd.s32 $0x0, s0  }
0x2bf: {  	v1 =	vld [tilespmem:s25+$0xF30]  }
0x2c0: {  	(v2sf) =	vpush v0, $0xC;
	s23 =	spop (v2sf)  }
0x2c1: {  	s1 =	sand.u32 $0x1, s23  }
0x2c2: {  	s1 =	sshll.u32 s1, $0x6  }
0x2c3: {  	s1 =	sadd.s32 $0x0, s1  }
0x2c4: {  	[tilespmem:$0x1FA40] =	vst v1;
	v1 =	vld [tilespmem:s1+$0xEB0]  }
0x2c5: {  	(v2sf) =	vpush v0, $0xB;
	s24 =	spop (v2sf)  }
0x2c6: {  	s2 =	sand.u32 $0x1, s24  }
0x2c7: {  	s0 =	sshll.u32 s2, $0x6  }
0x2c8: {  	s0 =	sadd.s32 $0x0, s0  }
0x2c9: {  	[tilespmem:$0x1FBA0] =	vst v1;
	v1 =	vld [tilespmem:s0+$0xF80];
	_ =	sdelay $0x4  }
0x2ca: {  	[tilespmem:$0x1FBC0] =	vst v1;
	v1 =	vld [tilespmem:s0+$0xF90]  }
0x2cb: {  	(v2sf) =	vpush v0, $0xA;
	s15 =	spop (v2sf)  }
0x2cc: {  	s2 =	sand.u32 $0x1, s15  }
0x2cd: {  	s2 =	sshll.u32 s2, $0x6  }
0x2ce: {  	s2 =	sadd.s32 $0x0, s2  }
0x2cf: {  	[tilespmem:$0x1FBD0] =	vst v1;
	v1 =	vld [tilespmem:s2+$0xE30]  }
0x2d0: {  	(v2sf) =	vpush v0, $0x9;
	s16 =	spop (v2sf)  }
0x2d1: {  	s15 =	sand.u32 $0x1, s16  }
0x2d2: {  	s15 =	sshll.u32 s15, $0x6  }
0x2d3: {  	s15 =	sadd.s32 $0x0, s15  }
0x2d4: {  	[tilespmem:$0x1FA50] =	vst v1;
	v1 =	vld [tilespmem:s15+$0xDB0];
	_ =	sdelay $0x4  }
0x2d5: {  	[tilespmem:$0x1FA60] =	vst v1;
	v1 =	vld [tilespmem:s1+$0xEA0]  }
0x2d6: {  	s19 =	spop (v2sf)  }
0x2d7: {  	s16 =	sand.u32 $0x1, s19  }
0x2d8: {  	s16 =	sshll.u32 s16, $0x6  }
0x2d9: {  	s16 =	sadd.s32 $0x0, s16  }
0x2da: {  	[tilespmem:$0x1FB90] =	vst v1;
	v1 =	vld [tilespmem:s16+$0xD30]  }
0x2db: {  	(v2sf) =	vpush v0, $0x8;
	s23 =	spop (v2sf)  }
0x2dc: {  	s19 =	sand.u32 $0x1, s23  }
0x2dd: {  	s19 =	sshll.u32 s19, $0x6  }
0x2de: {  	s19 =	sadd.s32 $0x0, s19  }
0x2df: {  	[tilespmem:$0x1FB80] =	vst v1;
	v1 =	vld [tilespmem:s19+$0xCB0];
	_ =	sdelay $0x4  }
0x2e0: {  	[tilespmem:$0x1FA70] =	vst v1;
	v1 =	vld [tilespmem:s1+$0xE80]  }
0x2e1: {  	(v2sf) =	vpush v0, $0x7;
	_ =	sdelay $0x3  }
0x2e2: {  	[tilespmem:$0x1FB60] =	vst v1;
	v1 =	vld [tilespmem:s1+$0xE90]  }
0x2e3: {  	(v2sf) =	vpush v0, $0x6;
	s24 =	spop (v2sf)  }
0x2e4: {  	s14 =	sand.u32 $0x1, s24  }
0x2e5: {  	s14 =	sshll.u32 s14, $0x6  }
0x2e6: {  	s14 =	sadd.s32 $0x0, s14  }
0x2e7: {  	(v2sf) =	vpush v0, $0x5;
	[tilespmem:$0x1FB70] =	vst v1;
	v1 =	vld [tilespmem:s14+$0xC30];
	_ =	sdelay $0x1  }
0x2e8: {  	v36 =	vld [tilespmem:s25+$0xF20]  }
0x2e9: {  	v47 =	vld [tilespmem:s25+$0xF00]  }
0x2ea: {  	v48 =	vld [tilespmem:s25+$0xF10]  }
0x2eb: {  	[tilespmem:$0x1FA80] =	vst v1;
	v1 =	vld [tilespmem:s16+$0xD20]  }
0x2ec: {  	v35 =	vld [tilespmem:s2+$0xE20];
	s25 =	spop (v2sf)  }
0x2ed: {  	v51 =	vld [tilespmem:s2+$0xE00];
	s1 =	sand.u32 $0x1, s25  }
0x2ee: {  	v52 =	vld [tilespmem:s2+$0xE10];
	s1 =	sshll.u32 s1, $0x6  }
0x2ef: {  	v30 =	vld [tilespmem:s15+$0xDA0];
	(v2sf) =	vpush v0, $0x4;
	s1 =	sadd.s32 $0x0, s1  }
0x2f0: {  	[tilespmem:$0x1FB50] =	vst v1;
	v1 =	vld [tilespmem:s1+$0xBB0]  }
0x2f1: {  	v49 =	vld [tilespmem:s15+$0xD80];
	s23 =	spop (v2sf)  }
0x2f2: {  	v50 =	vld [tilespmem:s15+$0xD90];
	s2 =	sand.u32 $0x1, s23  }
0x2f3: {  	v38 =	vld [tilespmem:s19+$0xCA0];
	(v2sf) =	vpush v0, $0x3;
	s2 =	sshll.u32 s2, $0x6  }
0x2f4: {  	v58 =	vld [tilespmem:s19+$0xC80];
	s2 =	sadd.s32 $0x0, s2  }
0x2f5: {  	s24 =	spop (v2sf);
	[tilespmem:$0x1FB40] =	vst v1;
	v1 =	vld [tilespmem:s2+$0xB30]  }
0x2f6: {  	v59 =	vld [tilespmem:s19+$0xC90];
	s15 =	sand.u32 $0x1, s24  }
0x2f7: {  	(v2sf) =	vpush v0, $0x2;
	v37 =	vld [tilespmem:s14+$0xC20];
	s15 =	sshll.u32 s15, $0x6  }
0x2f8: {  	v56 =	vld [tilespmem:s14+$0xC00];
	(v2sf) =	vpush v0, $0x0;
	s15 =	sadd.s32 $0x0, s15  }
0x2f9: {  	(v2sf) =	vpush v0, $0x1;
	v0 =	vld [tilespmem:s15+$0xAB0]  }
0x2fa: {  	[tilespmem:$0x1FA90] =	vst v1;
	v1 =	vld [tilespmem:s16+$0xD00]  }
0x2fb: {  	v57 =	vld [tilespmem:s14+$0xC10]  }
0x2fc: {  	v40 =	vld [tilespmem:s2+$0xB20]  }
0x2fd: {  	v62 =	vld [tilespmem:s2+$0xB00]  }
0x2fe: {  	[tilespmem:$0x1FAA0] =	vst v0;
	s25 =	spop (v2sf);
	v0 =	vld [tilespmem:s1+$0xBA0]  }
0x2ff: {  	[tilespmem:$0x1FB20] =	vst v1;
	v1 =	vld [tilespmem:s16+$0xD10];
	s16 =	sand.u32 $0x1, s25;
	s25 =	simm.s32 $0x300  }
0x300: {  	v45 =	vld [tilespmem:s25+$0x0]  }
0x301: {  	v24 =	vld [tilespmem:s2+$0xB10]  }
0x302: {  	v33 =	vld [tilespmem:s15+$0xAA0];
	s23 =	spop (v2sf);
	s16 =	sshll.u32 s16, $0x6  }
0x303: {  	v60 =	vld [tilespmem:s15+$0xA80];
	s19 =	sand.u32 $0x1, s23;
	s16 =	sadd.s32 $0x0, s16  }
0x304: {  	s19 =	sshll.u32 s19, $0x6;
	[tilespmem:$0x1FB10] =	vst v0;
	v0 =	vld [tilespmem:s16+$0xA30]  }
0x305: {  	v61 =	vld [tilespmem:s15+$0xA90];
	s19 =	sadd.s32 $0x0, s19;
	(v2sf) =	vpush v45, $0xE  }
0x306: {  	v27 =	vld [tilespmem:s19+$0x9B0];
	(v2sf) =	vpush v45, $0xD  }
0x307: {  	s24 =	spop (v2sf);
	v44 =	vld [tilespmem:s19+$0x9A0];
	(v2sf) =	vpush v45, $0xC  }
0x308: {  	s14 =	sand.u32 $0x1, s24;
	v63 =	vld [tilespmem:s19+$0x980]  }
0x309: {  	s14 =	sshll.u32 s14, $0x6;
	[tilespmem:$0x1FB00] =	vst v0;
	v0 =	vld [tilespmem:s1+$0xB80]  }
0x30a: {  	v25 =	vld [tilespmem:s19+$0x990];
	s14 =	sadd.s32 $0x0, s14  }
0x30b: {  	v39 =	vld [tilespmem:s14+$0x920]  }
0x30c: {  	v53 =	vld [tilespmem:s14+$0x900]  }
0x30d: {  	s23 =	spop (v2sf);
	v54 =	vld [tilespmem:s14+$0x910]  }
0x30e: {  	(v2sf) =	vpush v45, $0xB;
	[tilespmem:$0x1FAE0] =	vst v0;
	v0 =	vld [tilespmem:s1+$0xB90];
	s1 =	sand.u32 $0x1, s23  }
0x30f: {  	s24 =	spop (v2sf);
	v28 =	vld [tilespmem:s16+$0xA00];
	(v2sf) =	vpush v45, $0x9;
	s1 =	sshll.u32 s1, $0x6  }
0x310: {  	v29 =	vld [tilespmem:s16+$0xA10];
	(v2sf) =	vpush v45, $0x8;
	s23 =	sand.u32 $0x1, s24;
	s1 =	sadd.s32 $0x0, s1  }
0x311: {  	s23 =	sshll.u32 s23, $0x6;
	v26 =	vld [tilespmem:s1+$0x830]  }
0x312: {  	s25 =	sadd.s32 $0x0, s23;
	v34 =	vld [tilespmem:s1+$0x820]  }
0x313: {  	v32 =	vld [tilespmem:s25+$0x8A0]  }
0x314: {  	[tilespmem:$0x1FAF0] =	vst v0;
	v0 =	vld [tilespmem:s14+$0x930];
	s15 =	spop (v2sf)  }
0x315: {  	v42 =	vld [tilespmem:s1+$0x800];
	s19 =	spop (v2sf)  }
0x316: {  	v43 =	vld [tilespmem:s1+$0x810];
	s23 =	spop (v2sf)  }
0x317: {  	v41 =	vld [tilespmem:s25+$0x880];
	s24 =	sand.u32 $0x1, s23  }
0x318: {  	v46 =	vld [tilespmem:s25+$0x890];
	s2 =	sshll.u32 s24, $0x6  }
0x319: {  	[tilespmem:$0x1FAB0] =	vst v0;
	v0 =	vld [tilespmem:s16+$0xA20];
	s2 =	sadd.s32 $0x0, s2  }
0x31a: {  	v17 =	vld [tilespmem:s2+$0x8E30]  }
0x31b: {  	v13 =	vld [tilespmem:s2+$0x8E20]  }
0x31c: {  	s16 =	sand.u32 $0x1, s15;
	v7 =	vld [tilespmem:s2+$0x8E00]  }
0x31d: {  	s1 =	sshll.u32 s16, $0x6;
	s16 =	spop (v2sf);
	v3 =	vld [tilespmem:s2+$0x8E10]  }
0x31e: {  	s14 =	sand.u32 $0x1, s19;
	s19 =	spop (v2sf);
	[tilespmem:$0x1FAD0] =	vst v0;
	v0 =	vld [tilespmem:s25+$0x8B0];
	s25 =	sadd.s32 $0x0, s1  }
0x31f: {  	s23 =	spop (v2sf);
	v16 =	vld [tilespmem:s25+$0x8F30]  }
0x320: {  	(v2sf) =	vpush v45, $0x6;
	s24 =	sand.u32 $0x1, s23;
	v10 =	vld [tilespmem:s25+$0x8F20]  }
0x321: {  	s15 =	sshll.u32 s24, $0x6;
	v8 =	vld [tilespmem:s25+$0x8F00]  }
0x322: {  	v4 =	vld [tilespmem:s25+$0x8F10];
	s15 =	sadd.s32 $0x0, s15  }
0x323: {  	s14 =	sshll.u32 s14, $0x6;
	v20 =	vld [tilespmem:s15+$0x8C30]  }
0x324: {  	s1 =	sadd.s32 $0x0, s14;
	s14 =	sand.u32 $0x1, s16;
	v11 =	vld [tilespmem:s15+$0x8C20]  }
0x325: {  	(v2sf) =	vpush v45, $0xA;
	s16 =	sand.u32 $0x1, s19;
	s14 =	sshll.u32 s14, $0x6;
	v6 =	vld [tilespmem:s15+$0x8C00]  }
0x326: {  	(v2sf) =	vpush v45, $0x5;
	s16 =	sshll.u32 s16, $0x6;
	s14 =	sadd.s32 $0x0, s14;
	v2 =	vld [tilespmem:s15+$0x8C10]  }
0x327: {  	s16 =	sadd.s32 $0x0, s16;
	v22 =	vld [tilespmem:s14+$0x8DB0]  }
0x328: {  	(v2sf) =	vpush v45, $0x3;
	v18 =	vld [tilespmem:s16+$0x8CB0]  }
0x329: {  	v15 =	vld [tilespmem:s14+$0x8DA0]  }
0x32a: {  	v12 =	vld [tilespmem:s16+$0x8CA0]  }
0x32b: {  	v7 =	vmul.f32 v7, v51;
	v3 =	vmul.f32 v3, v52;
	[tilespmem:$0x1FAC0] =	vst v0;
	v0 =	vld [tilespmem:s1+$0x8EB0]  }
0x32c: {  	(v2sf) =	vpush v45, $0x7;
	v9 =	vld [tilespmem:s14+$0x8D80];
	v13 =	vmul.f32 v13, v35  }
0x32d: {  	v5 =	vld [tilespmem:s14+$0x8D90];
	v8 =	vmul.f32 v8, v47;
	v4 =	vmul.f32 v4, v48;
	v3 =	vadd.f32 v3, v7  }
0x32e: {  	[tilespmem:$0x1FB30] =	vst v1;
	(v2sf) =	vpush v45, $0x2;
	v1 =	vld [tilespmem:s16+$0x8C80];
	v6 =	vmul.f32 v6, v56;
	v2 =	vmul.f32 v2, v57  }
0x32f: {  	s25 =	spop (v2sf);
	v4 =	vadd.f32 v4, v8;
	v8 =	vmul.f32 v10, v36;
	v3 =	vadd.f32 v13, v3;
	v13 =	vld [tilespmem:$0x1FA50]  }
0x330: {  	s23 =	sand.u32 $0x1, s25;
	v2 =	vadd.f32 v2, v6;
	v6 =	vmul.f32 v11, v37;
	[tilespmem:$0x1FBB0] =	vst v0;
	v0 =	vld [tilespmem:s16+$0x8C90]  }
0x331: {  	s2 =	sshll.u32 s23, $0x6;
	v4 =	vadd.f32 v8, v4;
	v8 =	vld [tilespmem:$0x1FA40]  }
0x332: {  	s2 =	sadd.s32 $0x0, s2;
	v2 =	vadd.f32 v6, v2;
	v6 =	vld [tilespmem:$0x1FA80]  }
0x333: {  	v7 =	vmul.f32 v9, v49;
	v5 =	vmul.f32 v5, v50;
	v23 =	vld [tilespmem:s2+$0x8B30]  }
0x334: {  	(v2sf) =	vpush v45, $0x0;
	s24 =	spop (v2sf);
	v14 =	vld [tilespmem:s2+$0x8B20]  }
0x335: {  	v15 =	vmul.f32 v15, v30;
	s25 =	spop (v2sf);
	v5 =	vadd.f32 v5, v7;
	v10 =	vld [tilespmem:s2+$0x8B00]  }
0x336: {  	s19 =	sand.u32 $0x1, s24;
	s24 =	sand.u32 $0x1, s25;
	v52 =	vld [tilespmem:s2+$0x8B10]  }
0x337: {  	s19 =	sshll.u32 s19, $0x6;
	s25 =	spop (v2sf);
	(v2sf) =	vpush v45, $0x1;
	s23 =	sshll.u32 s24, $0x6;
	v5 =	vadd.f32 v15, v5;
	v15 =	vld [tilespmem:$0x1FA60]  }
0x338: {  	s14 =	sadd.s32 $0x0, s19;
	s19 =	sadd.s32 $0x0, s23;
	v13 =	vmul.f32 v17, v13;
	v17 =	vld [tilespmem:$0x1FA70]  }
0x339: {  	s24 =	sand.u32 $0x1, s25;
	v21 =	vld [tilespmem:s19+$0x8AB0]  }
0x33a: {  	s16 =	sshll.u32 s24, $0x6;
	v48 =	vld [tilespmem:s19+$0x8AA0]  }
0x33b: {  	s25 =	spop (v2sf);
	s16 =	sadd.s32 $0x0, s16;
	v9 =	vld [tilespmem:s19+$0x8A80]  }
0x33c: {  	s23 =	sand.u32 $0x1, s25;
	v19 =	vld [tilespmem:s16+$0x89B0]  }
0x33d: {  	v1 =	vmul.f32 v1, v58;
	s24 =	spop (v2sf);
	s23 =	sshll.u32 s23, $0x6;
	v8 =	vmul.f32 v16, v8;
	v3 =	vadd.f32 v13, v3;
	v13 =	vld [tilespmem:s16+$0x8990]  }
0x33e: {  	s15 =	sadd.s32 $0x0, s23;
	s23 =	sand.u32 $0x1, s24;
	v0 =	vmul.f32 v0, v59;
	v6 =	vmul.f32 v20, v6;
	v20 =	vld [tilespmem:$0x1FA90]  }
0x33f: {  	s23 =	sshll.u32 s23, $0x6;
	v4 =	vadd.f32 v8, v4;
	v8 =	vld [tilespmem:s19+$0x8A90]  }
0x340: {  	s23 =	sadd.s32 $0x0, s23;
	v0 =	vadd.f32 v0, v1;
	v1 =	vmul.f32 v12, v38;
	v12 =	vld [tilespmem:s16+$0x8980]  }
0x341: {  	v16 =	vld [tilespmem:s23+$0x8930]  }
0x342: {  	v11 =	vld [tilespmem:s23+$0x8900]  }
0x343: {  	s25 =	spop (v2sf);
	v15 =	vmul.f32 v22, v15;
	v20 =	vmul.f32 v23, v20;
	v23 =	vld [tilespmem:$0x1FAA0]  }
0x344: {  	(v2sf) =	vpush v45, $0x4;
	s25 =	sand.u32 $0x1, s25;
	v17 =	vmul.f32 v18, v17;
	v18 =	vld [tilespmem:s23+$0x8910];
	v0 =	vadd.f32 v1, v0  }
0x345: {  	s2 =	sshll.u32 s25, $0x6;
	v1 =	vld [tilespmem:s16+$0x89A0];
	v5 =	vadd.f32 v15, v5;
	v9 =	vmul.f32 v9, v60;
	(xrf2) =	vadd.scan.msk.f32 $0xffff, v4;
	v8 =	vmul.f32 v8, v61  }
0x346: {  	s2 =	sadd.s32 $0x0, s2;
	v10 =	vmul.f32 v10, v62;
	(xrf2) =	vadd.scan.msk.f32 $0xffff, v3;
	v0 =	vadd.f32 v17, v0;
	v17 =	vld [tilespmem:s23+$0x8920];
	s19 =	spop (v2sf)  }
0x347: {  	v7 =	vld [tilespmem:s2+$0x8830];
	v13 =	vmul.f32 v13, v25;
	(xrf2) =	vadd.scan.msk.f32 $0xffff, v5;
	v8 =	vadd.f32 v8, v9;
	v9 =	vmul.f32 v48, v33;
	s16 =	sand.u32 $0x1, s19  }
0x348: {  	v2 =	vadd.f32 v6, v2;
	v12 =	vmul.f32 v12, v63;
	(xrf2) =	vadd.scan.msk.f32 $0xffff, v0;
	v0 =	vld [tilespmem:$0x1FAB0];
	v21 =	vmul.f32 v21, v23;
	s16 =	sshll.u32 s16, $0x6  }
0x349: {  	v6 =	vld [tilespmem:s2+$0x8810];
	v8 =	vadd.f32 v9, v8;
	v9 =	vmul.f32 v11, v53;
	v11 =	vmul.f32 v18, v54;
	s24 =	sadd.s32 $0x0, s16  }
0x34a: {  	v15 =	vmul.f32 v52, v24;
	v12 =	vadd.f32 v13, v12;
	v1 =	vmul.f32 v1, v44;
	v22 =	vld [tilespmem:s24+$0x8880]  }
0x34b: {  	v4 =	vadd.f32 v21, v8;
	v8 =	vadd.f32 v11, v9;
	v9 =	vmul.f32 v17, v39;
	v13 =	vld [tilespmem:s24+$0x8890]  }
0x34c: {  	v10 =	vadd.f32 v15, v10;
	v15 =	vld [tilespmem:s2+$0x8800];
	v1 =	vadd.f32 v1, v12;
	v12 =	vmul.f32 v19, v27  }
0x34d: {  	v14 =	vmul.f32 v14, v40;
	v0 =	vmul.f32 v16, v0;
	v19 =	vld [tilespmem:s24+$0x88A0];
	v5 =	vadd.f32 v9, v8  }
0x34e: {  	v1 =	vadd.f32 v12, v1;
	v12 =	vld [tilespmem:s24+$0x88B0]  }
0x34f: {  	v10 =	vadd.f32 v14, v10;
	v0 =	vadd.f32 v0, v5;
	v5 =	vld [tilespmem:$0x1FAC0]  }
0x350: {  	v14 =	vld [tilespmem:s2+$0x8820];
	v8 =	vmul.f32 v22, v41;
	v9 =	vmul.f32 v13, v46  }
0x351: {  	v10 =	vadd.f32 v20, v10  }
0x352: {  	(xrf2) =	vadd.scan.msk.f32 $0xffff, v2;
	v2 =	vmul.f32 v7, v26;
	v7 =	vadd.f32 v9, v8;
	v8 =	vmul.f32 v19, v32  }
0x353: {  	v6 =	vmul.f32 v6, v43;
	v3 =	vmul.f32 v15, v42;
	(xrf2) =	vadd.scan.msk.f32 $0xffff, v10  }
0x354: {  	v47 =	vld [tilespmem:s15+$0x8B80];
	s23 =	spop (v2sf);
	(xrf2) =	vadd.scan.msk.f32 $0xffff, v4;
	v5 =	vmul.f32 v12, v5;
	v4 =	vadd.f32 v8, v7  }
0x355: {  	v3 =	vadd.f32 v6, v3;
	v6 =	vmul.f32 v14, v34;
	v14 =	vld [tilespmem:s15+$0x8B90];
	s25 =	sand.u32 $0x1, s23;
	(xrf2) =	vadd.scan.msk.f32 $0xffff, v1  }
0x356: {  	s16 =	sshll.u32 s25, $0x6;
	(xrf2) =	vadd.scan.msk.f32 $0xffff, v0;
	v0 =	vadd.f32 v5, v4;
	v4 =	vld [tilespmem:$0x1FAE0]  }
0x357: {  	s16 =	sadd.s32 $0x0, s16;
	v5 =	vld [tilespmem:$0x1FAF0]  }
0x358: {  	v11 =	vld [tilespmem:s16+$0x8A10]  }
0x359: {  	v3 =	vadd.f32 v6, v3  }
0x35a: {  	v18 =	vld [tilespmem:s16+$0x8A00]  }
0x35b: {  	v1 =	vadd.f32 v2, v3;
	v3 =	vld [tilespmem:$0x1FAD0]  }
0x35c: {  	v13 =	vld [tilespmem:s16+$0x8A20];
	v4 =	vmul.f32 v47, v4;
	v5 =	vmul.f32 v14, v5  }
0x35d: {  	v10 =	vmul.f32 v11, v29;
	v11 =	vld [tilespmem:s15+$0x8BA0]  }
0x35e: {  	v4 =	vadd.f32 v5, v4;
	v5 =	vld [tilespmem:$0x1FB10]  }
0x35f: {  	v6 =	vmul.f32 v18, v28;
	_ =	sdelay $0x1  }
0x360: {  	v31 =	vld [tilespmem:s1+$0x8E80];
	v2 =	vadd.f32 v10, v6;
	v3 =	vmul.f32 v13, v3  }
0x361: {  	v9 =	vld [tilespmem:s16+$0x8A30]  }
0x362: {  	(xrf2) =	vadd.scan.msk.f32 $0xffff, v1;
	v1 =	vadd.f32 v3, v2;
	v2 =	vld [tilespmem:$0x1FB00];
	v5 =	vmul.f32 v11, v5  }
0x363: {  	v6 =	vld [tilespmem:s15+$0x8BB0]  }
0x364: {  	(v2sf) =	vpush v45, $0xF;
	v4 =	vadd.f32 v5, v4;
	v5 =	vld [tilespmem:$0x1FB40]  }
0x365: {  	v55 =	vld [tilespmem:s14+$0x8D00]  }
0x366: {  	v7 =	vld [tilespmem:s14+$0x8D10]  }
0x367: {  	v3 =	vld [tilespmem:s1+$0x8E90];
	v2 =	vmul.f32 v9, v2  }
0x368: {  	v14 =	vld [tilespmem:$0x1FB70]  }
0x369: {  	v1 =	vadd.f32 v2, v1;
	v2 =	vld [tilespmem:$0x1FB20];
	v5 =	vmul.f32 v6, v5  }
0x36a: {  	v11 =	vld [tilespmem:$0x1FB30]  }
0x36b: {  	v4 =	vadd.f32 v5, v4;
	v5 =	vld [tilespmem:$0x1FB60];
	_ =	sdelay $0x3  }
0x36c: {  	v8 =	vld [tilespmem:s14+$0x8D20];
	v2 =	vmul.f32 v55, v2;
	v7 =	vmul.f32 v7, v11  }
0x36d: {  	v3 =	vmul.f32 v3, v14;
	v11 =	vld [tilespmem:s1+$0x8EA0];
	v5 =	vmul.f32 v31, v5  }
0x36e: {  	v2 =	vadd.f32 v7, v2;
	v7 =	vld [tilespmem:$0x1FB50]  }
0x36f: {  	v3 =	vadd.f32 v3, v5;
	v5 =	vld [tilespmem:$0x1FB90]  }
0x370: {  	s15 =	spop (v2sf)  }
0x371: {  	s2 =	sand.u32 $0x1, s15  }
0x372: {  	s2 =	sshll.u32 s2, $0x6  }
0x373: {  	v10 =	vld [tilespmem:s14+$0x8D30];
	s16 =	sadd.s32 $0x0, s2;
	v7 =	vmul.f32 v8, v7  }
0x374: {  	v6 =	vld [tilespmem:s16+$0x8F80];
	v5 =	vmul.f32 v11, v5  }
0x375: {  	v2 =	vadd.f32 v7, v2;
	v7 =	vld [tilespmem:$0x1FB80]  }
0x376: {  	v3 =	vadd.f32 v5, v3;
	v5 =	vld [tilespmem:$0x1FBC0];
	_ =	sdelay $0x3  }
0x377: {  	v9, _, _ =	vpop (xrf2);
	(xrf2) =	vadd.scan.msk.f32 $0xffff, v0;
	v8 =	vld [tilespmem:s16+$0x8F90]  }
0x378: {  	v0, _, _ =	vpop (xrf2);
	v7 =	vmul.f32 v10, v7;
	v5 =	vmul.f32 v6, v5;
	v6 =	vld [tilespmem:$0x1FBD0]  }
0x379: {  	v17 =	vld [tilespmem:$0x1FBB0];
	v12, _, _ =	vpop (xrf2)  }
0x37a: {  	v13, _, _ =	vpop (xrf2);
	v2 =	vadd.f32 v7, v2;
	v7 =	vld [tilespmem:$0x1FBA0]  }
0x37b: {  	(xrf2) =	vadd.scan.msk.f32 $0xffff, v1;
	v1, _, _ =	vpop (xrf2)  }
0x37c: {  	v15, _, _ =	vpop (xrf2)  }
0x37d: {  	v16, _, _ =	vpop (xrf2);
	v6 =	vmul.f32 v8, v6  }
0x37e: {  	(xrf2) =	vadd.scan.msk.f32 $0xffff, v4;
	v4, _, _ =	vpop (xrf2)  }
0x37f: {  	v18, _, _ =	vpop (xrf2);
	v7 =	vmul.f32 v17, v7  }
0x380: {  	v14 =	vld [tilespmem:s0+$0xFA0];
	v8, _, _ =	vpop (xrf2)  }
0x381: {  	v10 =	vld [tilespmem:s16+$0x8FA0];
	(xrf2) =	vadd.scan.msk.f32 $0xffff, v2;
	v2 =	vadd.f32 v7, v3;
	v3 =	vadd.f32 v6, v5;
	v6, _, _ =	vpop (xrf2)  }
0x382: {  	v11 =	vld [tilespmem:s0+$0xFB0];
	v6 =	vbroadcast v6, $0xF  }
0x383: {  	v17 =	vld [tilespmem:s16+$0x8FB0]  }
0x384: {  	v7 =	vbroadcast v8, $0xF;
	_ =	sdelay $0x1  }
0x385: {  	v5 =	vmul.f32 v10, v14;
	(xrf2) =	vadd.scan.msk.f32 $0xffff, v2;
	v2 =	vsel vm0, v7, v6;
	v6, _, _ =	vpop (xrf2)  }
0x386: {  	v8 =	vbroadcast v18, $0xF;
	v6 =	vbroadcast v6, $0xF  }
0x387: {  	v4 =	vbroadcast v4, $0xF;
	v3 =	vadd.f32 v5, v3;
	v5 =	vmul.f32 v17, v11  }
0x388: {  	v2 =	vsel vm1, v2, v8  }
0x389: {  	v3 =	vadd.f32 v5, v3;
	v2 =	vsel vm2, v2, v4;
	v4 =	vbroadcast v16, $0xF  }
0x38a: {  	v5 =	vbroadcast v15, $0xF;
	v2 =	vsel vm3, v2, v6;
	v6, _, _ =	vpop (xrf2)  }
0x38b: {  	(xrf2) =	vadd.scan.msk.f32 $0xffff, v3;
	v2 =	vsel vm4, v2, v4;
	v3 =	vbroadcast v6, $0xF  }
0x38c: {  	v1 =	vbroadcast v1, $0xF;
	v2 =	vsel vm5, v2, v5  }
0x38d: {  	v4, _, _ =	vpop (xrf2);
	v2 =	vsel vm6, v2, v3;
	v3 =	vbroadcast v13, $0xF  }
0x38e: {  	v1 =	vsel vm7, v2, v1;
	v2 =	vbroadcast v4, $0xF  }
0x38f: {  	v1 =	vsel vm8, v1, v3;
	v3 =	vbroadcast v12, $0xF  }
0x390: {  	v0 =	vbroadcast v0, $0xF;
	v1 =	vsel vm9, v1, v2  }
0x391: {  	v1 =	vsel vm10, v1, v3  }
0x392: {  	v2, _, _ =	vpop (xrf2);
	v0 =	vsel vm11, v1, v0;
	v1 =	vbroadcast v9, $0xF  }
0x393: {  	v2 =	vbroadcast v2, $0xF;
	_ =	sdelay $0x1  }
0x394: {  	v0 =	vsel vm12, v0, v2  }
0x395: {  	v0 =	vsel vm13, v0, v1;
	v1, _, _ =	vpop (xrf2)  }
0x396: {  	s28 =	simm.s32 $0x10900;
	v0 =	vsel vm14, v0, v1  }
0x397: {  	s30 =	simm.s32 $0x110;
	[tilespmem:s28+$0x0] =	vst v0  }
0x398: {  	v2 =	vld [tilespmem:s30+$0x0];
	_ =	sdelay $0x4  }
0x399: {  	(v2sf) =	vpush v2, $0xE  }
0x39a: {  	(v2sf) =	vpush v2, $0xD;
	_ =	sdelay $0x4  }
0x39b: {  	(v2sf) =	vpush v2, $0xF;
	_ =	sdelay $0x8  }
0x39c: {  	(v2sf) =	vpush v2, $0xC;
	s19 =	spop (v2sf)  }
0x39d: {  	(v2sf) =	vpush v2, $0xB;
	s23 =	spop (v2sf)  }
0x39e: {  	s1 =	sand.u32 $0x1, s23  }
0x39f: {  	s1 =	sshll.u32 s1, $0x6  }
0x3a0: {  	s1 =	sadd.s32 $0x800, s1  }
0x3a1: {  	v0 =	vld [tilespmem:s1+$0xEB0]  }
0x3a2: {  	s24 =	spop (v2sf)  }
0x3a3: {  	s2 =	sand.u32 $0x1, s24  }
0x3a4: {  	s2 =	sshll.u32 s2, $0x6  }
0x3a5: {  	s29 =	sadd.s32 $0x800, s2  }
0x3a6: {  	[tilespmem:$0x1FBE0] =	vst v0;
	v0 =	vld [tilespmem:s29+$0xF80]  }
0x3a7: {  	(v2sf) =	vpush v2, $0xA;
	_ =	sdelay $0x3  }
0x3a8: {  	s25 =	spop (v2sf);
	[tilespmem:$0x1FBF0] =	vst v0;
	v0 =	vld [tilespmem:s29+$0xF90]  }
0x3a9: {  	s14 =	sand.u32 $0x1, s25;
	s16 =	spop (v2sf)  }
0x3aa: {  	s15 =	sshll.u32 s14, $0x6;
	s14 =	sand.u32 $0x1, s16  }
0x3ab: {  	s14 =	sshll.u32 s14, $0x6  }
0x3ac: {  	s14 =	sadd.s32 $0x800, s14  }
0x3ad: {  	[tilespmem:$0x1FC00] =	vst v0;
	v0 =	vld [tilespmem:s14+$0xDB0];
	_ =	sdelay $0x4  }
0x3ae: {  	(v2sf) =	vpush v2, $0x9;
	[tilespmem:$0x1FC10] =	vst v0;
	v0 =	vld [tilespmem:s1+$0xEA0]  }
0x3af: {  	(v2sf) =	vpush v2, $0x8;
	s0 =	sand.u32 $0x1, s19;
	s19 =	spop (v2sf)  }
0x3b0: {  	s2 =	sadd.s32 $0x800, s15;
	s15 =	sand.u32 $0x1, s19  }
0x3b1: {  	s15 =	sshll.u32 s15, $0x6  }
0x3b2: {  	s15 =	sadd.s32 $0x800, s15  }
0x3b3: {  	[tilespmem:$0x1FC20] =	vst v0;
	v0 =	vld [tilespmem:s15+$0xD30];
	_ =	sdelay $0x4  }
0x3b4: {  	[tilespmem:$0x1FC30] =	vst v0;
	v0 =	vld [tilespmem:s1+$0xE80]  }
0x3b5: {  	s0 =	sshll.u32 s0, $0x6;
	(v2sf) =	vpush v2, $0x7  }
0x3b6: {  	s0 =	sadd.s32 $0x800, s0  }
0x3b7: {  	v24 =	vld [tilespmem:s0+$0xF30]  }
0x3b8: {  	v37 =	vld [tilespmem:s0+$0xF20]  }
0x3b9: {  	s23 =	spop (v2sf);
	[tilespmem:$0x1FC40] =	vst v0;
	v0 =	vld [tilespmem:s1+$0xE90]  }
0x3ba: {  	v19 =	vld [tilespmem:s0+$0xF00];
	s24 =	spop (v2sf)  }
0x3bb: {  	v1 =	vld [tilespmem:s0+$0xF10];
	s0 =	sand.u32 $0x1, s24  }
0x3bc: {  	s31 =	simm.s32 $0x310;
	s0 =	sshll.u32 s0, $0x6  }
0x3bd: {  	v41 =	vld [tilespmem:s31+$0x0];
	(v2sf) =	vpush v2, $0x6;
	s0 =	sadd.s32 $0x800, s0  }
0x3be: {  	[tilespmem:$0x1FC50] =	vst v0;
	v0 =	vld [tilespmem:s0+$0xC30]  }
0x3bf: {  	v21 =	vld [tilespmem:s2+$0xE30]  }
0x3c0: {  	v33 =	vld [tilespmem:s2+$0xE20]  }
0x3c1: {  	v51 =	vld [tilespmem:s2+$0xE00]  }
0x3c2: {  	(v2sf) =	vpush v2, $0x5;
	v53 =	vld [tilespmem:s2+$0xE10]  }
0x3c3: {  	[tilespmem:$0x1FC60] =	vst v0;
	v0 =	vld [tilespmem:s15+$0xD20]  }
0x3c4: {  	s16 =	sand.u32 $0x1, s23;
	v31 =	vld [tilespmem:s14+$0xDA0];
	s25 =	spop (v2sf)  }
0x3c5: {  	s16 =	sshll.u32 s16, $0x6;
	v47 =	vld [tilespmem:s14+$0xD80];
	s1 =	sand.u32 $0x1, s25  }
0x3c6: {  	v48 =	vld [tilespmem:s14+$0xD90];
	s16 =	sadd.s32 $0x800, s16;
	(v2sf) =	vpush v2, $0x4;
	s1 =	sshll.u32 s1, $0x6  }
0x3c7: {  	v20 =	vld [tilespmem:s16+$0xCB0];
	(v2sf) =	vpush v2, $0x3;
	s1 =	sadd.s32 $0x800, s1  }
0x3c8: {  	[tilespmem:$0x1FC70] =	vst v0;
	v0 =	vld [tilespmem:s1+$0xBB0]  }
0x3c9: {  	v38 =	vld [tilespmem:s16+$0xCA0]  }
0x3ca: {  	v56 =	vld [tilespmem:s16+$0xC80]  }
0x3cb: {  	v57 =	vld [tilespmem:s16+$0xC90]  }
0x3cc: {  	(v2sf) =	vpush v2, $0x2;
	s19 =	spop (v2sf);
	v35 =	vld [tilespmem:s0+$0xC20]  }
0x3cd: {  	s2 =	sand.u32 $0x1, s19;
	[tilespmem:$0x1FC80] =	vst v0;
	v0 =	vld [tilespmem:s15+$0xD00]  }
0x3ce: {  	v52 =	vld [tilespmem:s0+$0xC00];
	s2 =	sshll.u32 s2, $0x6  }
0x3cf: {  	v54 =	vld [tilespmem:s0+$0xC10];
	s2 =	sadd.s32 $0x800, s2  }
0x3d0: {  	v22 =	vld [tilespmem:s2+$0xB30]  }
0x3d1: {  	s23 =	spop (v2sf);
	v40 =	vld [tilespmem:s2+$0xB20]  }
0x3d2: {  	s14 =	sand.u32 $0x1, s23;
	[tilespmem:$0x1FC90] =	vst v0;
	v0 =	vld [tilespmem:s15+$0xD10]  }
0x3d3: {  	(v2sf) =	vpush v2, $0x0;
	s14 =	sshll.u32 s14, $0x6;
	v58 =	vld [tilespmem:s2+$0xB00]  }
0x3d4: {  	(v2sf) =	vpush v2, $0x1;
	s14 =	sadd.s32 $0x800, s14;
	v63 =	vld [tilespmem:s2+$0xB10]  }
0x3d5: {  	v23 =	vld [tilespmem:s14+$0xAB0];
	s24 =	spop (v2sf)  }
0x3d6: {  	v36 =	vld [tilespmem:s14+$0xAA0];
	s25 =	spop (v2sf)  }
0x3d7: {  	s16 =	sand.u32 $0x1, s25;
	[tilespmem:$0x1FCA0] =	vst v0;
	v0 =	vld [tilespmem:s1+$0xBA0]  }
0x3d8: {  	v59 =	vld [tilespmem:s14+$0xA80];
	s16 =	sshll.u32 s16, $0x6  }
0x3d9: {  	v61 =	vld [tilespmem:s14+$0xA90];
	s16 =	sadd.s32 $0x800, s16;
	s15 =	sand.u32 $0x1, s24  }
0x3da: {  	v26 =	vld [tilespmem:s16+$0x9B0];
	s15 =	sshll.u32 s15, $0x6  }
0x3db: {  	s19 =	spop (v2sf);
	v43 =	vld [tilespmem:s16+$0x9A0];
	s15 =	sadd.s32 $0x800, s15  }
0x3dc: {  	(v2sf) =	vpush v41, $0xE;
	s0 =	sand.u32 $0x1, s19;
	[tilespmem:$0x1FCB0] =	vst v0;
	v0 =	vld [tilespmem:s15+$0xA30]  }
0x3dd: {  	v60 =	vld [tilespmem:s16+$0x980];
	s0 =	sshll.u32 s0, $0x6  }
0x3de: {  	v62 =	vld [tilespmem:s16+$0x990];
	s0 =	sadd.s32 $0x800, s0  }
0x3df: {  	v25 =	vld [tilespmem:s0+$0x930]  }
0x3e0: {  	(v2sf) =	vpush v41, $0xD;
	v39 =	vld [tilespmem:s0+$0x920]  }
0x3e1: {  	(v2sf) =	vpush v41, $0xC;
	[tilespmem:$0x1FCC0] =	vst v0;
	v0 =	vld [tilespmem:s1+$0xB80]  }
0x3e2: {  	s23 =	spop (v2sf);
	v49 =	vld [tilespmem:s0+$0x900]  }
0x3e3: {  	(v2sf) =	vpush v41, $0xB;
	v50 =	vld [tilespmem:s0+$0x910];
	s24 =	spop (v2sf)  }
0x3e4: {  	s19 =	sand.u32 $0x1, s24;
	v28 =	vld [tilespmem:s15+$0xA00]  }
0x3e5: {  	s19 =	sshll.u32 s19, $0x6;
	v29 =	vld [tilespmem:s15+$0xA10]  }
0x3e6: {  	s25 =	sadd.s32 $0x800, s19;
	[tilespmem:$0x1FCD0] =	vst v0;
	v0 =	vld [tilespmem:s1+$0xB90]  }
0x3e7: {  	v30 =	vld [tilespmem:s25+$0x8A0];
	s1 =	sand.u32 $0x1, s23  }
0x3e8: {  	v42 =	vld [tilespmem:s25+$0x880];
	s1 =	sshll.u32 s1, $0x6  }
0x3e9: {  	v45 =	vld [tilespmem:s25+$0x890];
	s1 =	sadd.s32 $0x800, s1  }
0x3ea: {  	(v2sf) =	vpush v41, $0x9;
	v27 =	vld [tilespmem:s1+$0x830]  }
0x3eb: {  	[tilespmem:$0x1FCE0] =	vst v0;
	v0 =	vld [tilespmem:s15+$0xA20];
	s15 =	spop (v2sf)  }
0x3ec: {  	v34 =	vld [tilespmem:s1+$0x820];
	s0 =	sand.u32 $0x1, s15  }
0x3ed: {  	(v2sf) =	vpush v41, $0x8;
	v44 =	vld [tilespmem:s1+$0x800];
	s0 =	sshll.u32 s0, $0x6  }
0x3ee: {  	v46 =	vld [tilespmem:s1+$0x810];
	s0 =	sadd.s32 $0x800, s0  }
0x3ef: {  	s16 =	spop (v2sf);
	(v2sf) =	vpush v41, $0x6;
	v8 =	vld [tilespmem:s0+$0x8F30]  }
0x3f0: {  	s1 =	sand.u32 $0x1, s16;
	s19 =	spop (v2sf);
	v13 =	vld [tilespmem:s0+$0x8F20]  }
0x3f1: {  	(v2sf) =	vpush v41, $0xA;
	s23 =	sand.u32 $0x1, s19;
	s1 =	sshll.u32 s1, $0x6;
	v18 =	vld [tilespmem:s0+$0x8F00]  }
0x3f2: {  	s24 =	spop (v2sf);
	(v2sf) =	vpush v41, $0x5;
	s2 =	sshll.u32 s23, $0x6;
	s14 =	sadd.s32 $0x800, s1;
	[tilespmem:$0x1FCF0] =	vst v0;
	v0 =	vld [tilespmem:s25+$0x8B0]  }
0x3f3: {  	s2 =	sadd.s32 $0x800, s2;
	v32 =	vld [tilespmem:s14+$0x8E80]  }
0x3f4: {  	v7 =	vld [tilespmem:s2+$0x8E30]  }
0x3f5: {  	s1 =	sand.u32 $0x1, s24;
	v12 =	vld [tilespmem:s2+$0x8E20]  }
0x3f6: {  	s1 =	sshll.u32 s1, $0x6;
	v16 =	vld [tilespmem:s2+$0x8E00]  }
0x3f7: {  	s1 =	sadd.s32 $0x800, s1;
	v17 =	vld [tilespmem:s2+$0x8E10]  }
0x3f8: {  	v5 =	vld [tilespmem:s1+$0x8DB0]  }
0x3f9: {  	s25 =	spop (v2sf);
	[tilespmem:$0x1FD00] =	vst v0;
	v0 =	vld [tilespmem:s14+$0x8EB0]  }
0x3fa: {  	s15 =	sand.u32 $0x1, s25;
	v9 =	vld [tilespmem:s1+$0x8DA0]  }
0x3fb: {  	s15 =	sshll.u32 s15, $0x6;
	v14 =	vld [tilespmem:s1+$0x8D80]  }
0x3fc: {  	s16 =	spop (v2sf);
	v15 =	vld [tilespmem:s1+$0x8D90];
	s24 =	sadd.s32 $0x800, s15  }
0x3fd: {  	s19 =	sand.u32 $0x1, s16;
	v6 =	vld [tilespmem:s24+$0x8CB0]  }
0x3fe: {  	[tilespmem:$0x1FD10] =	vst v0;
	v0 =	vld [tilespmem:s0+$0x8F10];
	s0 =	sshll.u32 s19, $0x6;
	s23 =	spop (v2sf)  }
0x3ff: {  	v10 =	vld [tilespmem:s24+$0x8CA0];
	s16 =	sadd.s32 $0x800, s0;
	s0 =	sand.u32 $0x1, s23  }
0x400: {  	v3 =	vld [tilespmem:s16+$0x8C30];
	s25 =	spop (v2sf);
	s0 =	sshll.u32 s0, $0x6  }
0x401: {  	v11 =	vld [tilespmem:s16+$0x8C20];
	s15 =	sand.u32 $0x1, s25;
	s19 =	spop (v2sf);
	s23 =	sadd.s32 $0x800, s0  }
0x402: {  	(v2sf) =	vpush v41, $0x3;
	s25 =	sand.u32 $0x1, s19;
	s0 =	sshll.u32 s15, $0x6;
	v4 =	vld [tilespmem:s23+$0x8B30]  }
0x403: {  	(v2sf) =	vpush v41, $0x7;
	s1 =	sshll.u32 s25, $0x6;
	s15 =	sadd.s32 $0x800, s0;
	v1 =	vmul.f32 v0, v1;
	v0 =	vld [tilespmem:s24+$0x8C80]  }
0x404: {  	(v2sf) =	vpush v41, $0x2;
	s19 =	sadd.s32 $0x800, s1;
	v55 =	vld [tilespmem:s15+$0x8D00]  }
0x405: {  	v18 =	vmul.f32 v18, v19;
	s0 =	simm.s32 $0x800;
	(v2sf) =	vpush v41, $0x0;
	s1 =	simm.s32 $0x4000;
	v2 =	vld [tilespmem:s19+$0x8AB0]  }
.LBB2_6:
0x406: {  	_ =	sdelay $0x7  }
0x407: {  	v19 =	vld [tilespmem:s24+$0x8C90];
	v13 =	vmul.f32 v13, v37;
	v14 =	vmul.f32 v14, v47;
	v1 =	vadd.f32 v1, v18  }
0x408: {  	v15 =	vmul.f32 v15, v48;
	v17 =	vmul.f32 v17, v53;
	v53 =	vld [tilespmem:s16+$0x8C00]  }
0x409: {  	v16 =	vmul.f32 v16, v51;
	v1 =	vadd.f32 v13, v1;
	v13 =	vld [tilespmem:s16+$0x8C10]  }
0x40a: {  	v8 =	vmul.f32 v8, v24;
	v9 =	vmul.f32 v9, v31;
	v14 =	vadd.f32 v15, v14;
	s2 =	spop (v2sf)  }
0x40b: {  	v12 =	vmul.f32 v12, v33;
	v16 =	vadd.f32 v17, v16;
	s25 =	spop (v2sf);
	(v2sf) =	vpush v41, $0x1  }
0x40c: {  	v0 =	vmul.f32 v0, v56;
	v9 =	vadd.f32 v9, v14;
	v14 =	vld [tilespmem:$0x1FC10];
	v15 =	vmul.f32 v19, v57  }
0x40d: {  	v18 =	vld [tilespmem:s23+$0x8B20];
	v1 =	vadd.f32 v8, v1;
	v12 =	vadd.f32 v12, v16;
	v16 =	vmul.f32 v7, v21  }
0x40e: {  	v8 =	vld [tilespmem:s19+$0x8AA0];
	v0 =	vadd.f32 v15, v0;
	v15 =	vmul.f32 v53, v52;
	v13 =	vmul.f32 v13, v54  }
0x40f: {  	(xrf2) =	vadd.scan.msk.f32 $0xffff, v1;
	v1 =	vld [tilespmem:s23+$0x8B00];
	v12 =	vadd.f32 v16, v12  }
0x410: {  	v11 =	vmul.f32 v11, v35;
	v16 =	vld [tilespmem:s23+$0x8B10];
	v13 =	vadd.f32 v13, v15  }
0x411: {  	v10 =	vmul.f32 v10, v38;
	v5 =	vmul.f32 v5, v14;
	(xrf2) =	vadd.scan.msk.f32 $0xffff, v12;
	v12 =	vld [tilespmem:s19+$0x8A80];
	s2 =	sand.u32 $0x1, s2  }
0x412: {  	v11 =	vadd.f32 v11, v13;
	v13 =	vld [tilespmem:$0x1FC60];
	s2 =	sshll.u32 s2, $0x6  }
0x413: {  	v6 =	vmul.f32 v6, v20;
	v0 =	vadd.f32 v10, v0;
	v5 =	vadd.f32 v5, v9;
	v9 =	vld [tilespmem:s19+$0x8A90];
	s25 =	sand.u32 $0x1, s25;
	s24 =	sadd.s32 s0, s2  }
0x414: {  	s2 =	sshll.u32 s25, $0x6;
	s25 =	spop (v2sf);
	v17 =	vld [tilespmem:s24+$0x89B0]  }
0x415: {  	v19 =	vadd.f32 v6, v0;
	(xrf2) =	vadd.scan.msk.f32 $0xffff, v5;
	s16 =	sadd.s32 s0, s2;
	s2 =	sand.u32 $0x1, s25;
	v5 =	vld [tilespmem:s24+$0x8980]  }
0x416: {  	v1 =	vmul.f32 v1, v58;
	v15 =	vmul.f32 v16, v63;
	(v2sf) =	vpush v41, $0x4;
	v6 =	vld [tilespmem:s24+$0x8990];
	s2 =	sshll.u32 s2, $0x6  }
0x417: {  	s2 =	sadd.s32 s0, s2;
	v3 =	vmul.f32 v3, v13;
	v13 =	vld [tilespmem:s24+$0x89A0]  }
0x418: {  	v1 =	vadd.f32 v15, v1;
	v15 =	vmul.f32 v18, v40;
	v14 =	vld [tilespmem:s2+$0x8930]  }
0x419: {  	s25 =	spop (v2sf);
	v16 =	vld [tilespmem:s2+$0x8900]  }
0x41a: {  	v4 =	vmul.f32 v4, v22;
	(xrf2) =	vadd.scan.msk.f32 $0xffff, v19;
	s23 =	sand.u32 $0x1, s25;
	v18 =	vadd.f32 v15, v1;
	v15 =	vld [tilespmem:s2+$0x8920];
	s19 =	spop (v2sf)  }
0x41b: {  	v12 =	vmul.f32 v12, v59;
	v9 =	vmul.f32 v9, v61;
	s23 =	sshll.u32 s23, $0x6;
	v3 =	vadd.f32 v3, v11;
	v11 =	vld [tilespmem:s2+$0x8910];
	s2 =	sand.u32 $0x1, s19  }
0x41c: {  	s23 =	sadd.s32 s0, s23;
	v4 =	vadd.f32 v4, v18;
	v5 =	vmul.f32 v5, v60;
	v6 =	vmul.f32 v6, v62;
	s2 =	sshll.u32 s2, $0x6  }
0x41d: {  	v8 =	vmul.f32 v8, v36;
	v0, _, _ =	vpop (xrf2);
	v9 =	vadd.f32 v9, v12;
	(xrf2) =	vadd.scan.msk.f32 $0xffff, v3;
	v3 =	vld [tilespmem:s23+$0x8800];
	s2 =	sadd.s32 s0, s2  }
0x41e: {  	v1, _, _ =	vpop (xrf2);
	v5 =	vadd.f32 v6, v5;
	v6 =	vmul.f32 v13, v43;
	(xrf2) =	vadd.scan.msk.f32 $0xffff, v4;
	v4 =	vld [tilespmem:s2+$0x8880]  }
0x41f: {  	v18 =	vmul.f32 v2, v23;
	v8 =	vadd.f32 v8, v9;
	v13 =	vmul.f32 v16, v49;
	v16 =	vld [tilespmem:s2+$0x8890]  }
0x420: {  	v12 =	vld [tilespmem:s23+$0x8810];
	v5 =	vadd.f32 v6, v5;
	v6 =	vmul.f32 v17, v26  }
0x421: {  	v8 =	vadd.f32 v18, v8;
	v17 =	vld [tilespmem:s2+$0x88A0]  }
0x422: {  	v9 =	vld [tilespmem:s23+$0x8820];
	v5 =	vadd.f32 v6, v5  }
0x423: {  	v2, _, _ =	vpop (xrf2);
	v11 =	vmul.f32 v11, v50;
	(xrf2) =	vadd.scan.msk.f32 $0xffff, v8;
	v8 =	vmul.f32 v3, v44  }
0x424: {  	v3, _, _ =	vpop (xrf2);
	(xrf2) =	vadd.scan.msk.f32 $0xffff, v5;
	v4 =	vmul.f32 v4, v42;
	v5 =	vmul.f32 v16, v45  }
0x425: {  	v10 =	vld [tilespmem:s23+$0x8830];
	v12 =	vmul.f32 v12, v46;
	v11 =	vadd.f32 v11, v13;
	s24 =	spop (v2sf)  }
0x426: {  	v13 =	vmul.f32 v15, v39;
	s19 =	sand.u32 $0x1, s24;
	v4 =	vadd.f32 v5, v4;
	v5 =	vmul.f32 v17, v30  }
0x427: {  	v9 =	vmul.f32 v9, v34;
	v8 =	vadd.f32 v12, v8;
	s19 =	sshll.u32 s19, $0x6;
	v12 =	vld [tilespmem:s2+$0x88B0]  }
0x428: {  	v6 =	vadd.f32 v13, v11;
	v11 =	vmul.f32 v14, v25;
	s19 =	sadd.s32 s0, s19;
	v4 =	vadd.f32 v5, v4;
	v5 =	vld [tilespmem:$0x1FD00]  }
0x429: {  	v15 =	vld [tilespmem:s19+$0x8A00]  }
0x42a: {  	v6 =	vadd.f32 v11, v6;
	v8 =	vadd.f32 v9, v8;
	v9 =	vmul.f32 v10, v27  }
0x42b: {  	v13 =	vld [tilespmem:s19+$0x8A10]  }
0x42c: {  	v7 =	vld [tilespmem:s16+$0x8B80];
	v14, _, _ =	vpop (xrf2);
	(xrf2) =	vadd.scan.msk.f32 $0xffff, v6;
	v6 =	vadd.f32 v9, v8  }
0x42d: {  	v10 =	vld [tilespmem:s16+$0x8B90];
	v5 =	vmul.f32 v12, v5  }
0x42e: {  	v8 =	vmul.f32 v15, v28;
	v15, _, _ =	vpop (xrf2);
	(xrf2) =	vadd.scan.msk.f32 $0xffff, v6;
	v6 =	vld [tilespmem:$0x1FCE0]  }
0x42f: {  	v4 =	vadd.f32 v5, v4;
	v5 =	vld [tilespmem:$0x1FCD0]  }
0x430: {  	v9 =	vmul.f32 v13, v29  }
0x431: {  	v11 =	vld [tilespmem:s19+$0x8A20]  }
0x432: {  	v8 =	vadd.f32 v9, v8;
	v9 =	vld [tilespmem:$0x1FCF0];
	_ =	sdelay $0x1  }
0x433: {  	v6 =	vmul.f32 v10, v6;
	v5 =	vmul.f32 v7, v5  }
0x434: {  	v13 =	vld [tilespmem:s16+$0x8BA0]  }
0x435: {  	v5 =	vadd.f32 v6, v5;
	v6 =	vld [tilespmem:$0x1FCB0]  }
0x436: {  	v9 =	vmul.f32 v11, v9  }
0x437: {  	v16 =	vld [tilespmem:s19+$0x8A30]  }
0x438: {  	v8 =	vadd.f32 v9, v8;
	v9 =	vld [tilespmem:$0x1FCC0];
	_ =	sdelay $0x1  }
0x439: {  	v6 =	vmul.f32 v13, v6  }
0x43a: {  	v11 =	vld [tilespmem:s16+$0x8BB0]  }
0x43b: {  	v5 =	vadd.f32 v6, v5;
	v6 =	vld [tilespmem:$0x1FC80]  }
0x43c: {  	v9 =	vmul.f32 v16, v9  }
0x43d: {  	(v2sf) =	vpush v41, $0xF;
	v12 =	vld [tilespmem:s15+$0x8D10]  }
0x43e: {  	v10, _, _ =	vpop (xrf2);
	(xrf2) =	vadd.scan.msk.f32 $0xffff, v4;
	v4 =	vadd.f32 v9, v8;
	v8 =	vld [tilespmem:$0x1FC90]  }
0x43f: {  	v9 =	vld [tilespmem:$0x1FCA0]  }
0x440: {  	v6 =	vmul.f32 v11, v6  }
0x441: {  	v16 =	vld [tilespmem:s14+$0x8E90]  }
0x442: {  	v17, _, _ =	vpop (xrf2);
	(xrf2) =	vadd.scan.msk.f32 $0xffff, v4;
	v4 =	vadd.f32 v6, v5;
	v5 =	vld [tilespmem:$0x1FC40]  }
0x443: {  	v6 =	vld [tilespmem:$0x1FC50]  }
0x444: {  	v8 =	vmul.f32 v55, v8;
	v9 =	vmul.f32 v12, v9  }
0x445: {  	v7 =	vld [tilespmem:s15+$0x8D20]  }
0x446: {  	v8 =	vadd.f32 v9, v8;
	v9 =	vld [tilespmem:$0x1FC70];
	_ =	sdelay $0x1  }
0x447: {  	v5 =	vmul.f32 v32, v5;
	v6 =	vmul.f32 v16, v6  }
0x448: {  	v12 =	vld [tilespmem:s14+$0x8EA0]  }
0x449: {  	v5 =	vadd.f32 v6, v5;
	v6 =	vld [tilespmem:$0x1FC20]  }
0x44a: {  	v7 =	vmul.f32 v7, v9  }
0x44b: {  	s25 =	spop (v2sf);
	v13 =	vld [tilespmem:s15+$0x8D30]  }
0x44c: {  	s2 =	sand.u32 $0x1, s25;
	v7 =	vadd.f32 v7, v8;
	v8 =	vld [tilespmem:$0x1FC30]  }
0x44d: {  	s2 =	sshll.u32 s2, $0x6  }
0x44e: {  	s15 =	sadd.s32 s0, s2;
	v6 =	vmul.f32 v12, v6  }
0x44f: {  	v11 =	vld [tilespmem:s15+$0x8F80]  }
0x450: {  	v5 =	vadd.f32 v6, v5;
	v6 =	vld [tilespmem:$0x1FBF0]  }
0x451: {  	v8 =	vmul.f32 v13, v8  }
0x452: {  	v9 =	vld [tilespmem:s15+$0x8F90]  }
0x453: {  	v18, _, _ =	vpop (xrf2);
	(xrf2) =	vadd.scan.msk.f32 $0xffff, v4;
	v4 =	vadd.f32 v8, v7;
	v7 =	vld [tilespmem:$0x1FBE0]  }
0x454: {  	v8 =	vld [tilespmem:$0x1FD10]  }
0x455: {  	v6 =	vmul.f32 v11, v6;
	v11 =	vld [tilespmem:$0x1FC00]  }
0x456: {  	v16 =	vld [tilespmem:s29+$0xFA0]  }
0x457: {  	v13 =	vld [tilespmem:s15+$0x8FA0]  }
0x458: {  	v12 =	vld [tilespmem:s29+$0xFB0]  }
0x459: {  	v20 =	vmul.f32 v8, v7;
	v8 =	vld [tilespmem:s15+$0x8FB0]  }
0x45a: {  	v9 =	vmul.f32 v9, v11  }
0x45b: {  	v19, _, _ =	vpop (xrf2);
	(xrf2) =	vadd.scan.msk.f32 $0xffff, v4  }
0x45c: {  	v7, _, _ =	vpop (xrf2);
	v4 =	vadd.f32 v20, v5;
	v5 =	vadd.f32 v9, v6;
	v6 =	vmul.f32 v13, v16  }
0x45d: {  	v7 =	vbroadcast v7, $0xF;
	v9 =	vbroadcast v19, $0xF  }
0x45e: {  	(xrf2) =	vadd.scan.msk.f32 $0xffff, v4;
	v11 =	vbroadcast v18, $0xF;
	v5 =	vadd.f32 v6, v5;
	v6 =	vmul.f32 v8, v12  }
0x45f: {  	v4 =	vsel vm0, v9, v7;
	v7 =	vbroadcast v17, $0xF;
	v8, _, _ =	vpop (xrf2)  }
0x460: {  	v4 =	vsel vm1, v4, v11;
	v9 =	vbroadcast v8, $0xF;
	v5 =	vadd.f32 v6, v5  }
0x461: {  	v4 =	vsel vm2, v4, v7;
	v6 =	vbroadcast v10, $0xF  }
0x462: {  	v8, _, _ =	vpop (xrf2);
	v7 =	vbroadcast v15, $0xF;
	v4 =	vsel vm3, v4, v9;
	(xrf2) =	vadd.scan.msk.f32 $0xffff, v5  }
0x463: {  	v8 =	vbroadcast v8, $0xF;
	v4 =	vsel vm4, v4, v6  }
0x464: {  	v6 =	vbroadcast v14, $0xF;
	v4 =	vsel vm5, v4, v7  }
0x465: {  	v3 =	vbroadcast v3, $0xF;
	v4 =	vsel vm6, v4, v8;
	v5, _, _ =	vpop (xrf2)  }
0x466: {  	v6 =	vsel vm7, v4, v6;
	v5 =	vbroadcast v5, $0xF  }
0x467: {  	v2 =	vbroadcast v2, $0xF;
	v3 =	vsel vm8, v6, v3  }
0x468: {  	v1 =	vbroadcast v1, $0xF;
	v3 =	vsel vm9, v3, v5;
	v4, _, _ =	vpop (xrf2)  }
0x469: {  	v2 =	vsel vm10, v3, v2;
	v3 =	vbroadcast v4, $0xF  }
0x46a: {  	v0 =	vbroadcast v0, $0xF;
	v4 =	vsel vm11, v2, v1  }
0x46b: {  	v2 =	vsel vm12, v4, v3  }
0x46c: {  	v0 =	vsel vm13, v2, v0;
	v1, _, _ =	vpop (xrf2)  }
0x46d: {  	s28 =	sadd.s32 $0x10, s28;
	v0 =	vsel vm14, v0, v1  }
0x46e: {  	s30 =	sadd.s32 $0x10, s30;
	[tilespmem:s28+$0x0] =	vst v0  }
0x46f: {  	v2 =	vld [tilespmem:s30+$0x0];
	_ =	sdelay $0x4  }
0x470: {  	(v2sf) =	vpush v2, $0xE  }
0x471: {  	(v2sf) =	vpush v2, $0xD;
	_ =	sdelay $0x4  }
0x472: {  	(v2sf) =	vpush v2, $0xF;
	_ =	sdelay $0x8  }
0x473: {  	(v2sf) =	vpush v2, $0xC;
	s16 =	spop (v2sf)  }
0x474: {  	(v2sf) =	vpush v2, $0xB;
	s19 =	spop (v2sf)  }
0x475: {  	s14 =	sand.u32 $0x1, s19  }
0x476: {  	s0 =	sshra.s32 s1, $0x2;
	s14 =	sshll.u32 s14, $0x6  }
0x477: {  	s14 =	sadd.s32 s0, s14  }
0x478: {  	v0 =	vld [tilespmem:s14+$0xEB0]  }
0x479: {  	s23 =	spop (v2sf)  }
0x47a: {  	s15 =	sand.u32 $0x1, s23  }
0x47b: {  	s15 =	sshll.u32 s15, $0x6  }
0x47c: {  	s29 =	sadd.s32 s0, s15  }
0x47d: {  	[tilespmem:$0x1FBE0] =	vst v0;
	v0 =	vld [tilespmem:s29+$0xF80]  }
0x47e: {  	(v2sf) =	vpush v2, $0xA;
	_ =	sdelay $0x3  }
0x47f: {  	(v2sf) =	vpush v2, $0x9;
	s24 =	spop (v2sf);
	[tilespmem:$0x1FBF0] =	vst v0;
	v0 =	vld [tilespmem:s29+$0xF90]  }
0x480: {  	s2 =	sand.u32 $0x1, s16;
	s16 =	sand.u32 $0x1, s24;
	s19 =	spop (v2sf)  }
0x481: {  	s25 =	sshll.u32 s16, $0x6;
	s16 =	sand.u32 $0x1, s19  }
0x482: {  	s16 =	sshll.u32 s16, $0x6  }
0x483: {  	(v2sf) =	vpush v2, $0x8;
	s15 =	sadd.s32 s0, s25;
	s25 =	sadd.s32 s0, s16  }
0x484: {  	[tilespmem:$0x1FC00] =	vst v0;
	v0 =	vld [tilespmem:s25+$0xDB0]  }
0x485: {  	s31 =	sadd.s32 $0x10, s31;
	s2 =	sshll.u32 s2, $0x6  }
0x486: {  	v41 =	vld [tilespmem:s31+$0x0];
	s2 =	sadd.s32 s0, s2  }
0x487: {  	v24 =	vld [tilespmem:s2+$0xF30]  }
0x488: {  	v37 =	vld [tilespmem:s2+$0xF20]  }
0x489: {  	[tilespmem:$0x1FC10] =	vst v0;
	v0 =	vld [tilespmem:s14+$0xEA0]  }
0x48a: {  	v1 =	vld [tilespmem:s2+$0xF10];
	s23 =	spop (v2sf)  }
0x48b: {  	v3 =	vld [tilespmem:s14+$0xE80];
	s19 =	sand.u32 $0x1, s23  }
0x48c: {  	(v2sf) =	vpush v2, $0x7;
	v21 =	vld [tilespmem:s15+$0xE30];
	s24 =	sshll.u32 s19, $0x6  }
0x48d: {  	(v2sf) =	vpush v2, $0x6;
	v33 =	vld [tilespmem:s15+$0xE20];
	s23 =	sadd.s32 s0, s24  }
0x48e: {  	s19 =	spop (v2sf);
	(v2sf) =	vpush v2, $0x5;
	[tilespmem:$0x1FC20] =	vst v0;
	v0 =	vld [tilespmem:s23+$0xD30]  }
0x48f: {  	v51 =	vld [tilespmem:s15+$0xE00]  }
0x490: {  	v53 =	vld [tilespmem:s15+$0xE10]  }
0x491: {  	[tilespmem:$0x1FC40] =	vst v3;
	v3 =	vld [tilespmem:s14+$0xE90]  }
0x492: {  	v31 =	vld [tilespmem:s25+$0xDA0];
	s24 =	spop (v2sf)  }
0x493: {  	[tilespmem:$0x1FC30] =	vst v0;
	v0 =	vld [tilespmem:s2+$0xF00];
	s2 =	sand.u32 $0x1, s24  }
0x494: {  	s16 =	sand.u32 $0x1, s19;
	v47 =	vld [tilespmem:s25+$0xD80];
	s2 =	sshll.u32 s2, $0x6  }
0x495: {  	v48 =	vld [tilespmem:s25+$0xD90];
	s16 =	sshll.u32 s16, $0x6;
	s24 =	sadd.s32 s0, s2  }
0x496: {  	s19 =	sadd.s32 s0, s16;
	[tilespmem:$0x1FC50] =	vst v3;
	v3 =	vld [tilespmem:s24+$0xC30]  }
0x497: {  	v20 =	vld [tilespmem:s19+$0xCB0]  }
0x498: {  	v38 =	vld [tilespmem:s19+$0xCA0];
	(v2sf) =	vpush v2, $0x4  }
0x499: {  	v56 =	vld [tilespmem:s19+$0xC80]  }
0x49a: {  	v57 =	vld [tilespmem:s19+$0xC90]  }
0x49b: {  	s14 =	spop (v2sf);
	(v2sf) =	vpush v2, $0x3;
	[tilespmem:$0x1FC60] =	vst v3;
	v3 =	vld [tilespmem:s23+$0xD20]  }
0x49c: {  	s15 =	spop (v2sf);
	(v2sf) =	vpush v2, $0x2;
	s2 =	sand.u32 $0x1, s14;
	v35 =	vld [tilespmem:s24+$0xC20]  }
0x49d: {  	s14 =	spop (v2sf);
	(v2sf) =	vpush v2, $0x0;
	s2 =	sshll.u32 s2, $0x6;
	v52 =	vld [tilespmem:s24+$0xC00]  }
0x49e: {  	(v2sf) =	vpush v2, $0x1;
	v54 =	vld [tilespmem:s24+$0xC10];
	s16 =	sadd.s32 s0, s2;
	s2 =	sand.u32 $0x1, s15  }
0x49f: {  	s2 =	sshll.u32 s2, $0x6;
	v2 =	vld [tilespmem:s16+$0xBA0]  }
0x4a0: {  	s15 =	sadd.s32 s0, s2;
	[tilespmem:$0x1FC70] =	vst v3;
	v3 =	vld [tilespmem:s16+$0xBB0]  }
0x4a1: {  	v22 =	vld [tilespmem:s15+$0xB30]  }
0x4a2: {  	v40 =	vld [tilespmem:s15+$0xB20]  }
0x4a3: {  	s2 =	sand.u32 $0x1, s14;
	v58 =	vld [tilespmem:s15+$0xB00]  }
0x4a4: {  	s2 =	sshll.u32 s2, $0x6;
	v63 =	vld [tilespmem:s15+$0xB10]  }
0x4a5: {  	s14 =	sadd.s32 s0, s2;
	[tilespmem:$0x1FC80] =	vst v3;
	v3 =	vld [tilespmem:s23+$0xD00]  }
0x4a6: {  	v23 =	vld [tilespmem:s14+$0xAB0]  }
0x4a7: {  	s25 =	spop (v2sf);
	v36 =	vld [tilespmem:s14+$0xAA0]  }
0x4a8: {  	s2 =	sand.u32 $0x1, s25;
	v59 =	vld [tilespmem:s14+$0xA80]  }
0x4a9: {  	s2 =	sshll.u32 s2, $0x6;
	v61 =	vld [tilespmem:s14+$0xA90]  }
0x4aa: {  	s19 =	spop (v2sf);
	[tilespmem:$0x1FC90] =	vst v3;
	v3 =	vld [tilespmem:s23+$0xD10];
	s23 =	sadd.s32 s0, s2  }
0x4ab: {  	s25 =	spop (v2sf);
	[tilespmem:$0x1FCB0] =	vst v2;
	s2 =	sand.u32 $0x1, s19;
	v2 =	vld [tilespmem:s23+$0xA30]  }
0x4ac: {  	s24 =	spop (v2sf);
	s19 =	sand.u32 $0x1, s25;
	s2 =	sshll.u32 s2, $0x6;
	v28 =	vld [tilespmem:s23+$0xA00]  }
0x4ad: {  	s25 =	spop (v2sf);
	(v2sf) =	vpush v41, $0xE;
	s19 =	sshll.u32 s19, $0x6;
	v29 =	vld [tilespmem:s23+$0xA10];
	s2 =	sadd.s32 s0, s2  }
0x4ae: {  	s19 =	sadd.s32 s0, s19;
	v26 =	vld [tilespmem:s2+$0x9B0]  }
0x4af: {  	v25 =	vld [tilespmem:s19+$0x930]  }
0x4b0: {  	[tilespmem:$0x1FCC0] =	vst v2;
	v2 =	vld [tilespmem:s16+$0xB80]  }
0x4b1: {  	(v2sf) =	vpush v41, $0xD;
	v43 =	vld [tilespmem:s2+$0x9A0]  }
0x4b2: {  	v39 =	vld [tilespmem:s19+$0x920]  }
0x4b3: {  	(v2sf) =	vpush v41, $0xC;
	v60 =	vld [tilespmem:s2+$0x980]  }
0x4b4: {  	(v2sf) =	vpush v41, $0xB;
	v62 =	vld [tilespmem:s2+$0x990]  }
0x4b5: {  	[tilespmem:$0x1FCD0] =	vst v2;
	v2 =	vld [tilespmem:s16+$0xB90];
	s16 =	sand.u32 $0x1, s24  }
0x4b6: {  	v49 =	vld [tilespmem:s19+$0x900];
	s16 =	sshll.u32 s16, $0x6  }
0x4b7: {  	v50 =	vld [tilespmem:s19+$0x910];
	s24 =	sand.u32 $0x1, s25;
	s16 =	sadd.s32 s0, s16  }
0x4b8: {  	s24 =	sshll.u32 s24, $0x6;
	v27 =	vld [tilespmem:s16+$0x830]  }
0x4b9: {  	s25 =	sadd.s32 s0, s24;
	v34 =	vld [tilespmem:s16+$0x820]  }
0x4ba: {  	v30 =	vld [tilespmem:s25+$0x8A0]  }
0x4bb: {  	(v2sf) =	vpush v41, $0x9;
	v44 =	vld [tilespmem:s16+$0x800]  }
0x4bc: {  	v46 =	vld [tilespmem:s16+$0x810];
	s14 =	spop (v2sf)  }
0x4bd: {  	v42 =	vld [tilespmem:s25+$0x880];
	s2 =	sand.u32 $0x1, s14  }
0x4be: {  	(v2sf) =	vpush v41, $0x8;
	v45 =	vld [tilespmem:s25+$0x890];
	s2 =	sshll.u32 s2, $0x6  }
0x4bf: {  	[tilespmem:$0x1FCE0] =	vst v2;
	v2 =	vld [tilespmem:s23+$0xA20];
	s2 =	sadd.s32 s0, s2  }
0x4c0: {  	s16 =	spop (v2sf);
	(v2sf) =	vpush v41, $0x6;
	v8 =	vld [tilespmem:s2+$0x8F30]  }
0x4c1: {  	s14 =	sand.u32 $0x1, s16;
	v13 =	vld [tilespmem:s2+$0x8F20]  }
0x4c2: {  	s19 =	spop (v2sf);
	(v2sf) =	vpush v41, $0xA;
	s14 =	sshll.u32 s14, $0x6;
	v18 =	vld [tilespmem:s2+$0x8F00]  }
0x4c3: {  	s23 =	sand.u32 $0x1, s19;
	s24 =	spop (v2sf);
	(v2sf) =	vpush v41, $0x5;
	s14 =	sadd.s32 s0, s14;
	v19 =	vld [tilespmem:s2+$0x8F10]  }
0x4c4: {  	s15 =	sshll.u32 s23, $0x6;
	v32 =	vld [tilespmem:s14+$0x8E80]  }
0x4c5: {  	s15 =	sadd.s32 s0, s15;
	[tilespmem:$0x1FCF0] =	vst v2;
	v2 =	vld [tilespmem:s25+$0x8B0]  }
0x4c6: {  	v7 =	vld [tilespmem:s15+$0x8E30]  }
0x4c7: {  	s16 =	sand.u32 $0x1, s24;
	v12 =	vld [tilespmem:s15+$0x8E20]  }
0x4c8: {  	s16 =	sshll.u32 s16, $0x6;
	v16 =	vld [tilespmem:s15+$0x8E00]  }
0x4c9: {  	s19 =	sadd.s32 s0, s16;
	v17 =	vld [tilespmem:s15+$0x8E10]  }
0x4ca: {  	s25 =	spop (v2sf);
	v5 =	vld [tilespmem:s19+$0x8DB0]  }
0x4cb: {  	s16 =	sand.u32 $0x1, s25;
	v9 =	vld [tilespmem:s19+$0x8DA0]  }
0x4cc: {  	v14 =	vld [tilespmem:s19+$0x8D80];
	s16 =	sshll.u32 s16, $0x6  }
0x4cd: {  	v15 =	vld [tilespmem:s19+$0x8D90];
	s24 =	sadd.s32 s0, s16;
	s16 =	spop (v2sf)  }
0x4ce: {  	s2 =	sand.u32 $0x1, s16;
	v6 =	vld [tilespmem:s24+$0x8CB0]  }
0x4cf: {  	v10 =	vld [tilespmem:s24+$0x8CA0];
	s2 =	sshll.u32 s2, $0x6;
	s23 =	spop (v2sf)  }
0x4d0: {  	v18 =	vmul.f32 v18, v0;
	v0 =	vld [tilespmem:s24+$0x8C80];
	s16 =	sadd.s32 s0, s2;
	s2 =	sand.u32 $0x1, s23  }
0x4d1: {  	p0 =	sne.s32 s1, $0x1E000;
	[tilespmem:$0x1FD00] =	vst v2;
	v2 =	vld [tilespmem:s14+$0x8EB0];
	s25 =	spop (v2sf);
	s2 =	sshll.u32 s2, $0x6  }
.Ltmp2:
0x4d2: {  	[tilespmem:$0x1FCA0] =	vst v3;
	v3 =	vld [tilespmem:s16+$0x8C30];
	s25 =	sand.u32 $0x1, s25;
	s19 =	spop (v2sf);
	(pc) =	sbr.rel @p0 .LBB2_6-.Ltmp2, $4  }
0x4d3: {  	(v2sf) =	vpush v41, $0x3;
	v11 =	vld [tilespmem:s16+$0x8C20];
	s23 =	sadd.s32 s0, s2;
	s15 =	sand.u32 $0x1, s19;
	s2 =	sshll.u32 s25, $0x6  }
0x4d4: {  	(v2sf) =	vpush v41, $0x7;
	v4 =	vld [tilespmem:s23+$0x8B30];
	s25 =	sshll.u32 s15, $0x6;
	s15 =	sadd.s32 s0, s2  }
0x4d5: {  	(v2sf) =	vpush v41, $0x2;
	s19 =	sadd.s32 s0, s25;
	v55 =	vld [tilespmem:s15+$0x8D00]  }
0x4d6: {  	s1 =	sadd.s32 $0x2000, s1;
	v1 =	vmul.f32 v19, v1;
	[tilespmem:$0x1FD10] =	vst v2;
	(v2sf) =	vpush v41, $0x0;
	v2 =	vld [tilespmem:s19+$0x8AB0]  }
0x4d7: {  	v19 =	vld [tilespmem:s24+$0x8C90];
	_ =	sdelay $0x4  }
0x4d8: {  	[tilespmem:$0x1F960] =	vst v19;
	v19 =	vld [tilespmem:s23+$0x8B20];
	_ =	sdelay $0x3  }
0x4d9: {  	v12 =	vmul.f32 v12, v33;
	v33 =	vld [tilespmem:$0x1F960]  }
0x4da: {  	v13 =	vmul.f32 v13, v37;
	v1 =	vadd.f32 v1, v18;
	[tilespmem:$0x1F9A0] =	vst v19;
	v19 =	vld [tilespmem:s16+$0x8C00]  }
0x4db: {  	v16 =	vmul.f32 v16, v51;
	v17 =	vmul.f32 v17, v53;
	v53 =	vld [tilespmem:$0x1FC10]  }
0x4dc: {  	v8 =	vmul.f32 v8, v24;
	v18 =	vld [tilespmem:s23+$0x8B10];
	v1 =	vadd.f32 v13, v1  }
0x4dd: {  	v16 =	vadd.f32 v17, v16;
	v17 =	vld [tilespmem:s19+$0x8A80];
	s1 =	spop (v2sf)  }
0x4de: {  	v1 =	vadd.f32 v8, v1;
	v8 =	vmul.f32 v33, v57;
	v33 =	vld [tilespmem:$0x1FC60];
	s1 =	sand.u32 $0x1, s1  }
0x4df: {  	s25 =	spop (v2sf);
	s1 =	sshll.u32 s1, $0x6;
	[tilespmem:$0x1F970] =	vst v19;
	v19 =	vld [tilespmem:s16+$0x8C10]  }
0x4e0: {  	v14 =	vmul.f32 v14, v47;
	v47 =	vmul.f32 v10, v38;
	v38 =	vld [tilespmem:$0x1F9A0];
	s2 =	sadd.s32 s0, s1;
	s1 =	sand.u32 $0x1, s25  }
0x4e1: {  	s30 =	spop (v2sf);
	s1 =	sshll.u32 s1, $0x6;
	v10 =	vld [tilespmem:s2+$0x8980]  }
0x4e2: {  	v15 =	vmul.f32 v15, v48;
	s16 =	sand.u32 $0x1, s30;
	s1 =	sadd.s32 s0, s1;
	v48 =	vld [tilespmem:$0x1F970]  }
0x4e3: {  	s16 =	sshll.u32 s16, $0x6;
	v37 =	vld [tilespmem:s1+$0x8B80]  }
0x4e4: {  	s16 =	sadd.s32 s0, s16;
	[tilespmem:$0x1F980] =	vst v19;
	v19 =	vld [tilespmem:s2+$0x89B0]  }
0x4e5: {  	v0 =	vmul.f32 v0, v56;
	v13 =	vld [tilespmem:s16+$0x8930]  }
0x4e6: {  	v9 =	vmul.f32 v9, v31;
	v14 =	vadd.f32 v15, v14;
	v56 =	vld [tilespmem:s16+$0x8900]  }
0x4e7: {  	v7 =	vmul.f32 v7, v21;
	v12 =	vadd.f32 v12, v16;
	v0 =	vadd.f32 v8, v0;
	v24 =	vld [tilespmem:s16+$0x8910]  }
0x4e8: {  	v9 =	vadd.f32 v9, v14;
	v5 =	vmul.f32 v5, v53;
	v51 =	vld [tilespmem:$0x1F980]  }
0x4e9: {  	v6 =	vmul.f32 v6, v20;
	v7 =	vadd.f32 v7, v12;
	v0 =	vadd.f32 v47, v0;
	[tilespmem:$0x1F9C0] =	vst v19;
	v19 =	vld [tilespmem:s19+$0x8AA0]  }
0x4ea: {  	v11 =	vmul.f32 v11, v35;
	v5 =	vadd.f32 v5, v9;
	(xrf2) =	vadd.scan.msk.f32 $0xffff, v1;
	(v2sf) =	vpush v41, $0x1;
	v35 =	vld [tilespmem:s16+$0x8920]  }
0x4eb: {  	(xrf2) =	vadd.scan.msk.f32 $0xffff, v7;
	v0 =	vadd.f32 v6, v0;
	v12 =	vmul.f32 v48, v52;
	v52 =	vld [tilespmem:s2+$0x8990]  }
0x4ec: {  	v63 =	vmul.f32 v18, v63;
	(xrf2) =	vadd.scan.msk.f32 $0xffff, v5;
	v18 =	vmul.f32 v24, v50;
	v24 =	vld [tilespmem:s1+$0x8BA0]  }
0x4ed: {  	(xrf2) =	vadd.scan.msk.f32 $0xffff, v0;
	v0 =	vmul.f32 v13, v25;
	v25 =	vld [tilespmem:s15+$0x8D10];
	v16 =	vmul.f32 v51, v54  }
0x4ee: {  	[tilespmem:$0x1F9B0] =	vst v19;
	v19 =	vld [tilespmem:s23+$0x8B00]  }
0x4ef: {  	v14 =	vmul.f32 v56, v49;
	v49 =	vld [tilespmem:$0x1FC20];
	v12 =	vadd.f32 v16, v12  }
0x4f0: {  	v54 =	vld [tilespmem:s2+$0x89A0]  }
0x4f1: {  	(v2sf) =	vpush v41, $0x4;
	v31 =	vadd.f32 v11, v12;
	v12 =	vmul.f32 v38, v40;
	v38 =	vld [tilespmem:$0x1FC80]  }
0x4f2: {  	s31 =	spop (v2sf);
	v40 =	vld [tilespmem:$0x1FC70]  }
0x4f3: {  	v3 =	vmul.f32 v3, v33;
	s23 =	sand.u32 $0x1, s31;
	[tilespmem:$0x1F990] =	vst v19;
	v19 =	vld [tilespmem:s19+$0x8A90]  }
0x4f4: {  	v48 =	vmul.f32 v52, v62;
	s23 =	sshll.u32 s23, $0x6;
	v52 =	vld [tilespmem:$0x1F9B0]  }
0x4f5: {  	s23 =	sadd.s32 s0, s23;
	v3 =	vadd.f32 v3, v31;
	v31 =	vld [tilespmem:s14+$0x8E90]  }
0x4f6: {  	v15 =	vld [tilespmem:s23+$0x8830]  }
0x4f7: {  	(v2sf) =	vpush v41, $0xF;
	v41 =	vld [tilespmem:s23+$0x8800]  }
0x4f8: {  	v17 =	vmul.f32 v17, v59;
	v47 =	vld [tilespmem:s23+$0x8810];
	v19 =	vmul.f32 v19, v61  }
0x4f9: {  	s19 =	spop (v2sf);
	v57 =	vld [tilespmem:$0x1F990]  }
0x4fa: {  	v51 =	vld [tilespmem:s23+$0x8820];
	s2 =	sand.u32 $0x1, s19;
	v17 =	vadd.f32 v19, v17;
	v19 =	vmul.f32 v52, v36  }
0x4fb: {  	v2 =	vmul.f32 v2, v23;
	(xrf2) =	vadd.scan.msk.f32 $0xffff, v3;
	s2 =	sshll.u32 s2, $0x6;
	v3 =	vmul.f32 v15, v27;
	v27 =	vld [tilespmem:$0x1FCF0]  }
0x4fc: {  	v10 =	vmul.f32 v10, v60;
	s2 =	sadd.s32 s0, s2;
	v60 =	vmul.f32 v41, v44;
	v44 =	vld [tilespmem:$0x1FC50];
	v17 =	vadd.f32 v19, v17  }
0x4fd: {  	v11 =	vmul.f32 v35, v39;
	v8 =	vmul.f32 v54, v43;
	v53 =	vld [tilespmem:s2+$0x8880]  }
0x4fe: {  	v54 =	vld [tilespmem:s2+$0x8890];
	v9 =	vmul.f32 v57, v58;
	v1 =	vadd.f32 v2, v17;
	v2 =	vadd.f32 v18, v14  }
0x4ff: {  	v57 =	vld [tilespmem:$0x1F9C0]  }
0x500: {  	s24 =	spop (v2sf);
	v58 =	vld [tilespmem:s2+$0x88A0];
	v9 =	vadd.f32 v63, v9;
	v2 =	vadd.f32 v11, v2  }
0x501: {  	v4 =	vmul.f32 v4, v22;
	v10 =	vadd.f32 v48, v10;
	s16 =	sand.u32 $0x1, s24;
	v61 =	vld [tilespmem:s2+$0x88B0]  }
0x502: {  	s16 =	sshll.u32 s16, $0x6;
	v6 =	vmul.f32 v47, v46;
	v9 =	vadd.f32 v12, v9;
	v0 =	vadd.f32 v0, v2;
	v2 =	vld [tilespmem:$0x1FD00]  }
0x503: {  	v47 =	vld [tilespmem:$0x1FC30];
	s16 =	sadd.s32 s0, s16;
	v62 =	vmul.f32 v53, v42;
	v63 =	vmul.f32 v54, v45  }
0x504: {  	v8 =	vadd.f32 v8, v10;
	v56 =	vld [tilespmem:s16+$0x8A00];
	v4 =	vadd.f32 v4, v9;
	v9 =	vmul.f32 v57, v26  }
0x505: {  	v59 =	vld [tilespmem:s16+$0x8A10];
	v5 =	vadd.f32 v63, v62;
	v10 =	vmul.f32 v58, v30  }
0x506: {  	v16 =	vld [tilespmem:s16+$0x8A20];
	v8 =	vadd.f32 v9, v8;
	(xrf2) =	vadd.scan.msk.f32 $0xffff, v4  }
0x507: {  	v20 =	vld [tilespmem:s16+$0x8A30];
	(xrf2) =	vadd.scan.msk.f32 $0xffff, v1;
	v1 =	vadd.f32 v10, v5;
	v2 =	vmul.f32 v61, v2  }
0x508: {  	v18 =	vld [tilespmem:s1+$0x8B90];
	(xrf2) =	vadd.scan.msk.f32 $0xffff, v8  }
0x509: {  	(xrf2) =	vadd.scan.msk.f32 $0xffff, v0;
	v0 =	vadd.f32 v2, v1;
	v1 =	vld [tilespmem:$0x1FCD0]  }
0x50a: {  	v2 =	vld [tilespmem:$0x1FCE0]  }
0x50b: {  	v36 =	vld [tilespmem:$0x1FCA0]  }
0x50c: {  	v52 =	vld [tilespmem:$0x1FBE0]  }
0x50d: {  	v42 =	vld [tilespmem:$0x1FC40]  }
0x50e: {  	v45 =	vld [tilespmem:s29+$0xFA0];
	v22 =	vmul.f32 v56, v28;
	v17 =	vmul.f32 v51, v34  }
0x50f: {  	v6 =	vadd.f32 v6, v60;
	v28 =	vld [tilespmem:s1+$0x8BB0];
	v1 =	vmul.f32 v37, v1;
	v2 =	vmul.f32 v18, v2  }
0x510: {  	v30 =	vld [tilespmem:$0x1FCC0]  }
0x511: {  	s25 =	spop (v2sf);
	v23 =	vmul.f32 v59, v29;
	v21 =	vadd.f32 v17, v6;
	v1 =	vadd.f32 v2, v1;
	v2 =	vld [tilespmem:$0x1FCB0]  }
0x512: {  	s1 =	sand.u32 $0x1, s25;
	v34 =	vld [tilespmem:$0x1FC90]  }
0x513: {  	v29 =	vld [tilespmem:s15+$0x8D20];
	v26 =	vadd.f32 v23, v22;
	s1 =	sshll.u32 s1, $0x6;
	v6 =	vmul.f32 v16, v27;
	v3 =	vadd.f32 v3, v21  }
0x514: {  	v56 =	vld [tilespmem:$0x1FC00];
	s30 =	sadd.s32 s0, s1  }
0x515: {  	v39 =	vld [tilespmem:s30+$0x8F80];
	v4 =	vmul.f32 v20, v30;
	(xrf2) =	vadd.scan.msk.f32 $0xffff, v3;
	v3 =	vadd.f32 v6, v26  }
0x516: {  	v33, _, _ =	vpop (xrf2);
	(xrf2) =	vadd.scan.msk.f32 $0xffff, v0;
	v0 =	vld [tilespmem:s15+$0x8D30];
	v2 =	vmul.f32 v24, v2  }
0x517: {  	v5 =	vmul.f32 v25, v36;
	v3 =	vadd.f32 v4, v3;
	v4 =	vmul.f32 v55, v34;
	v37 =	vld [tilespmem:s14+$0x8EA0]  }
0x518: {  	v7 =	vmul.f32 v28, v38;
	v55 =	vld [tilespmem:$0x1FBF0];
	v1 =	vadd.f32 v2, v1  }
0x519: {  	v35, _, _ =	vpop (xrf2);
	v4 =	vadd.f32 v5, v4;
	v5 =	vmul.f32 v29, v40;
	(xrf2) =	vadd.scan.msk.f32 $0xffff, v3;
	v3 =	vld [tilespmem:s30+$0x8F90]  }
0x51a: {  	v53 =	vld [tilespmem:$0x1FD10];
	v6 =	vmul.f32 v31, v44;
	v2, _, _ =	vpop (xrf2);
	v1 =	vadd.f32 v7, v1;
	v7 =	vmul.f32 v32, v42  }
0x51b: {  	v48 =	vld [tilespmem:s30+$0x8FA0];
	v4 =	vadd.f32 v5, v4;
	v0 =	vmul.f32 v0, v47;
	v41, _, _ =	vpop (xrf2)  }
0x51c: {  	v54 =	vld [tilespmem:s30+$0x8FB0];
	v43, _, _ =	vpop (xrf2);
	v6 =	vadd.f32 v6, v7;
	v7 =	vmul.f32 v37, v49  }
0x51d: {  	v0 =	vadd.f32 v0, v4;
	(xrf2) =	vadd.scan.msk.f32 $0xffff, v1;
	v1 =	vld [tilespmem:s29+$0xFB0];
	v46, _, _ =	vpop (xrf2)  }
0x51e: {  	v3 =	vmul.f32 v3, v56;
	v50, _, _ =	vpop (xrf2);
	v6 =	vadd.f32 v7, v6;
	v7 =	vmul.f32 v39, v55  }
0x51f: {  	v51, _, _ =	vpop (xrf2)  }
0x520: {  	v58 =	vmul.f32 v48, v45;
	v57, _, _ =	vpop (xrf2);
	v3 =	vadd.f32 v3, v7  }
0x521: {  	(xrf2) =	vadd.scan.msk.f32 $0xffff, v0;
	v0, _, _ =	vpop (xrf2)  }
0x522: {  	v16 =	vmul.f32 v53, v52;
	v1 =	vmul.f32 v54, v1;
	v59, _, _ =	vpop (xrf2);
	v3 =	vadd.f32 v58, v3  }
0x523: {  	v0 =	vbroadcast v0, $0xF;
	v14 =	vbroadcast v59, $0xF  }
0x524: {  	v6 =	vadd.f32 v16, v6;
	v60 =	vbroadcast v57, $0xF;
	v1 =	vadd.f32 v1, v3  }
0x525: {  	v4 =	vbroadcast v51, $0xF;
	v61, _, _ =	vpop (xrf2);
	v0 =	vsel vm0, v0, v14  }
0x526: {  	(xrf2) =	vadd.scan.msk.f32 $0xffff, v6;
	v3 =	vbroadcast v61, $0xF;
	v0 =	vsel vm1, v0, v60  }
0x527: {  	v62 =	vbroadcast v50, $0xF;
	v0 =	vsel vm2, v0, v4  }
0x528: {  	(xrf2) =	vadd.scan.msk.f32 $0xffff, v1;
	v0 =	vsel vm3, v0, v3;
	v3 =	vbroadcast v46, $0xF;
	v1, _, _ =	vpop (xrf2)  }
0x529: {  	v0 =	vsel vm4, v0, v62;
	v1 =	vbroadcast v1, $0xF  }
0x52a: {  	v0 =	vsel vm5, v0, v3;
	v3 =	vbroadcast v43, $0xF  }
0x52b: {  	v63, _, _ =	vpop (xrf2);
	v0 =	vsel vm6, v0, v1  }
0x52c: {  	v0 =	vsel vm7, v0, v3;
	v3 =	vbroadcast v63, $0xF  }
0x52d: {  	v1 =	vbroadcast v41, $0xF;
	_ =	sdelay $0x1  }
0x52e: {  	v0 =	vsel vm8, v0, v1;
	v1 =	vbroadcast v2, $0xF  }
0x52f: {  	v0 =	vsel vm9, v0, v3;
	v3, _, _ =	vpop (xrf2)  }
0x530: {  	v2 =	vbroadcast v35, $0xF;
	v0 =	vsel vm10, v0, v1;
	v1 =	vbroadcast v3, $0xF;
	_ =	sdelay $0x1  }
0x531: {  	v0 =	vsel vm11, v0, v2;
	v2 =	vbroadcast v33, $0xF  }
0x532: {  	v0 =	vsel vm12, v0, v1  }
0x533: {  	v0 =	vsel vm13, v0, v2;
	v1, _, _ =	vpop (xrf2)  }
0x534: {  	s31 =	sadd.s32 $0x10, s28;
	v0 =	vsel vm14, v0, v1  }
0x535: {  	[tilespmem:s31+$0x0] =	vst v0  }
0x536: {  	_ =	swait.ge [sflag:s13], $0x200  }
0x537: {  	[sflag:s13] =	ssyncset.done $0x0  }
0x538: {  	[sflag:s13] =	ssyncadd.s32 $0xFFFFFE00  }
0x539: {  	_ =	swait.ge [sflag:s13], $0x200  }
0x53a: {  	[sflag:s13] =	ssyncset.done $0x0  }
0x53b: {  	s0 =	simm.s32 $0x0;
	[sflag:s13] =	ssyncadd.s32 $0xFFFFFE00  }
0x53c: {  	s1 =	simm.s32 $0x40;
	v0 =	vld [tilespmem:s0+$0x10A00]  }
.LBB2_8:
0x53d: {  	p0 =	sne.s32 s1, $0x7C0;
	v1 =	vld [tilespmem:s0+$0x10800];
	_ =	sdelay $0x1  }
0x53e: {  	v2 =	vld [tilespmem:s0+$0x10C00];
	_ =	sdelay $0x2  }
0x53f: {  	v0 =	vadd.f32 v0, v1;
	_ =	sdelay $0x1  }
0x540: {  	v0 =	vadd.f32 v2, v0;
	_ =	sdelay $0x1  }
0x541: {  	v0 =	vsub.f32 $0.0e+00, v0;
	_ =	sdelay $0x1  }
0x542: {  	v0 =	vmul.f32 $1.442695020e+00, v0;
	_ =	sdelay $0x1  }
0x543: {  	(erf) = vpow2.f32 v0;
	_ =	sdelay $0x8  }
0x544: {  	v0 =	vpop (erf)  }
0x545: {  	v0 =	vadd.f32 $1.000000000e+00, v0;
	_ =	sdelay $0x1  }
0x546: {  	(erf) = vrcp.f32 v0;
	_ =	sdelay $0x5  }
.Ltmp3:
0x547: {  	(pc) =	sbr.rel @p0 .LBB2_8-.Ltmp3, $3  }
0x548: {  	_ =	sdelay $0x1  }
0x549: {  	s2 =	sshra.s32 s1, $0x2;
	v1 =	vpop (erf)  }
0x54a: {  	s1 =	sadd.s32 $0x40, s1;
	v0 =	vld [tilespmem:s2+$0x10A00];
	[tilespmem:s0+$0x10800] =	vst v1;
	s0 =	smov.u32 s2  }
0x54b: {  	v1 =	vld [tilespmem:s0+$0x10800];
	_ =	sdelay $0x1  }
0x54c: {  	v2 =	vld [tilespmem:s0+$0x10C00];
	_ =	sdelay $0x2  }
0x54d: {  	v0 =	vadd.f32 v0, v1;
	_ =	sdelay $0x1  }
0x54e: {  	v0 =	vadd.f32 v2, v0;
	_ =	sdelay $0x1  }
0x54f: {  	v0 =	vsub.f32 $0.0e+00, v0;
	_ =	sdelay $0x1  }
0x550: {  	v0 =	vmul.f32 $1.442695020e+00, v0;
	_ =	sdelay $0x1  }
0x551: {  	(erf) = vpow2.f32 v0;
	_ =	sdelay $0x8  }
0x552: {  	v0 =	vpop (erf)  }
0x553: {  	v0 =	vadd.f32 $1.000000000e+00, v0;
	_ =	sdelay $0x1  }
0x554: {  	(erf) = vrcp.f32 v0;
	_ =	sdelay $0x7  }
0x555: {  	s26 =	sadd.s32 $0x1, s26  }
0x556: {  	p0 =	sne.s32 s26, s10;
	v0 =	vpop (erf)  }
.Ltmp4:
0x557: {  	s31 =	simm.s32 $0x10800;
	[tilespmem:s0+$0x10800] =	vst v0;
	(pc) =	sbr.rel @p0 .LBB2_1-.Ltmp4, $4  }
0x558: {  	[hbm4b:s9+s11] =	stream.strided.scatter [tilespmem:s31], [sflag:$0x1], $0x200, s12, s11, $0x38;
	[tilespmem:$0x10E00] =	vst v63  }
0x559: {  	_ =	swait.ge [sflag:s13], $0x200  }
0x55a: {  	[sflag:s13] =	ssyncset.done $0x0  }
0x55b: {  	[sflag:s13] =	ssyncadd.s32 $0xFFFFFE00  }
0x55c: {  	_ =	sfence.sel $0x180000  }
0x55d: {  	[bflag:$0x0] =	sbarrier.arrive $0xFFFF  }
0x55e: {  	_ =	strace $0x9000004A  }
0x55f: {  	s0 =	stileid.u32;
	[bflag:$0x2] =	sbarrier.arrive $0xFFFF  }
0x560: {  	p0 =	sne.s32 s0, $0x0;
	s0 =	rddreg [dreg:$0x2]  }
0x561: {  	s0 =	sadd.s32 @!p0 $0x100000, s0  }
0x562: {  	[sflag:s0] =	ssyncadd.tile.s32 @!p0 $0x1;
	_ =	shalt  }
.Lfunc_end2:
_tile_overlayer_lowered:
.L_overlay_start_2:
0x563: {  	(tag) =	ssettag $0x2  }
0x564: {  	s0 =	rddreg [dreg:$0x0];
	s2 =	stileid.u32  }
0x565: {  	s1 =	rddreg [dreg:$0x1];
	p0 =	sne.s32 s2, $0x0  }
0x566: {  	s3 =	rddreg [dreg:$0x2];
	[bflag:$0x3] =	sbarrier.arrive $0xFFFF;
	s2 =	simm.s32 @!p0 $0x1C04  }
0x567: {  	[timem:s3], [sflag:s2] =	dma.local @!p0 [hbm:s0], s1  }
0x568: {  	s0 =	simm.s32 @!p0 $0x4  }
0x569: {  	_ =	swait.ge @!p0 [sflag:s0], s1  }
0x56a: {  	s1 =	ssub.s32 @!p0 $0x0, s1;
	[sflag:s0] =	ssyncset.done @!p0 $0x0  }
0x56b: {  	[sflag:s0] =	ssyncadd.s32 @!p0 s1  }
0x56c: {  	[bflag:$0x3] =	sbarrier.arrive $0xFFFF  }
0x56d: {  	_ =	shalt  }

</sc_bundles>
